<compile_context>
chip_gen: v7x
topology: tpu7x:2x2x1
jax: 0.10.2.dev20260603
libtpu: 0.0.44.dev20260713+nightly
codegen_flags: <defaults>
</compile_context>

<pallas_src>
import jax
import jax.numpy as jnp
from jax import lax
from jax.experimental import pallas as pl
from jax.experimental.pallas import tpu as pltpu
from jax.experimental.pallas import tpu_sc as plsc

TOKENS = 16384
EXPERTS = 64
K = 8
LANES = 16

NUM_CORES = 2
NUM_SUBCORES = 16
NUM_WORKERS = NUM_CORES * NUM_SUBCORES
TPT = TOKENS // NUM_WORKERS
GROUPS = TPT // LANES

_SORT8 = (
    (0, 1), (2, 3), (4, 5), (6, 7),
    (0, 2), (1, 3), (4, 6), (5, 7),
    (1, 2), (5, 6),
    (0, 4), (1, 5), (2, 6), (3, 7),
    (2, 4), (3, 5),
    (1, 2), (3, 4), (5, 6),
)
_BITONIC8 = (
    (0, 4), (1, 5), (2, 6), (3, 7),
    (0, 2), (1, 3), (4, 6), (5, 7),
    (0, 1), (2, 3), (4, 5), (6, 7),
)


def _ce(keys, ids, i, j):
    c = keys[j] > keys[i]
    ki = jnp.maximum(keys[i], keys[j])
    kj = jnp.minimum(keys[i], keys[j])
    ii, ij = jnp.where(c, ids[j], ids[i]), jnp.where(c, ids[i], ids[j])
    keys[i], keys[j] = ki, kj
    ids[i], ids[j] = ii, ij


def _sort8(keys, ids):
    for i, j in _SORT8:
        _ce(keys, ids, i, j)


def _body(xt_hbm, w_hbm, i_hbm, x_vmem, w_vmem, i_vmem, osem):
    wid = lax.axis_index("s") * NUM_CORES + lax.axis_index("c")
    base = wid * TPT
    pltpu.sync_copy(xt_hbm.at[:, pl.ds(base, TPT)], x_vmem)

    @plsc.parallel_loop(0, GROUPS, step=1, unroll=2)
    def group_body(g):
        col = g * LANES

        def load8(g8):
            keys = [x_vmem[8 * g8 + e, pl.ds(col, LANES)] for e in range(8)]
            ids = [jnp.full((LANES,), 8 * g8 + e, jnp.int32) for e in range(8)]
            _sort8(keys, ids)
            return keys, ids

        rk, ri = load8(0)
        for g8 in range(1, EXPERTS // 8):
            sk, si = load8(g8)
            tk, ti = [], []
            for i in range(8):
                c = sk[7 - i] > rk[i]
                tk.append(jnp.where(c, sk[7 - i], rk[i]))
                ti.append(jnp.where(c, si[7 - i], ri[i]))
            for i, j in _BITONIC8:
                _ce(tk, ti, i, j)
            rk, ri = tk, ti

        z = [jnp.ones((LANES,), jnp.float32)]
        z += [jnp.exp(rk[j] - rk[0]) for j in range(1, 8)]
        s = (z[0] + z[1]) + (z[2] + z[3]) + ((z[4] + z[5]) + (z[6] + z[7]))
        r = 1.0 / s
        for j in range(8):
            w_vmem[j, pl.ds(col, LANES)] = z[j] * r
            i_vmem[j, pl.ds(col, LANES)] = ri[j]

    cpw = pltpu.make_async_copy(w_vmem, w_hbm.at[:, pl.ds(base, TPT)], osem)
    cpi = pltpu.make_async_copy(i_vmem, i_hbm.at[:, pl.ds(base, TPT)], osem)
    cpw.start()
    cpi.start()
    cpw.wait()
    cpi.wait()


@jax.jit
def kernel(router_logits):
    mesh = plsc.VectorSubcoreMesh(core_axis_name="c", subcore_axis_name="s")
    wt, it = pl.kernel(
        _body,
        out_type=[
            jax.ShapeDtypeStruct((K, TOKENS), jnp.float32),
            jax.ShapeDtypeStruct((K, TOKENS), jnp.int32),
        ],
        mesh=mesh,
        compiler_params=pltpu.CompilerParams(
            needs_layout_passes=False,
            disable_bounds_checks=True,
            disable_semaphore_checks=True,
        ),
        scratch_types=[
            pltpu.VMEM((EXPERTS, TPT), jnp.float32),
            pltpu.VMEM((K, TPT), jnp.float32),
            pltpu.VMEM((K, TPT), jnp.int32),
            pltpu.SemaphoreType.DMA,
        ],
    )(router_logits.T)
    return wt.T, it.T

# --- scband reference (transcript-rebuilt; emitter-appended) ---
"""Pipeline reference for scband-top-krouter-79783312491226 (READ-ONLY COPY).

The authoritative reference and input builder live on the scoring server;
editing this copy changes nothing except your own understanding.
"""

import jax, jax.numpy as jnp
import numpy as np

TOP_K = 8

def setup_inputs(seed: int = 0) -> dict:
    key = jax.random.key(seed)
    router_logits = jax.random.normal(key, (16384, 64), dtype=jnp.float32)
    return {"router_logits": router_logits}

def reference(router_logits):
    # scoring_func == 'softmax'
    scores = jax.nn.softmax(router_logits, axis=-1)
    topk_vals, topk_idx = jax.lax.top_k(scores, TOP_K)
    # renormalize == True: weights sum to 1 over selected experts
    topk_weights = topk_vals / jnp.sum(topk_vals, axis=-1, keepdims=True)
    return (topk_weights, topk_idx)

if __name__ == "__main__":
    import jax
    _d = setup_inputs()
    print(jax.jit(kernel)(*tuple(_d.values())))

</pallas_src>

<mosaic_0001>
#map = affine_map<(d0, d1) -> (0, 0)>
module attributes {stable_mosaic.version = 14 : i64} {
  func.func @_body(%arg0: i32, %arg1: i32, %arg2: memref<64x16384xf32, #tpu.memory_space<hbm>>, %arg3: memref<8x16384xf32, #tpu.memory_space<hbm>>, %arg4: memref<8x16384xi32, #tpu.memory_space<hbm>>, %arg5: memref<64x512xf32, #tpu.memory_space<vmem>>, %arg6: memref<8x512xf32, #tpu.memory_space<vmem>>, %arg7: memref<8x512xi32, #tpu.memory_space<vmem>>, %arg8: memref<!tpu.dma_semaphore, #tpu.memory_space<semaphore_mem>>) attributes {dimension_semantics = [#tpu.dimension_semantics<core_parallel>, #tpu.dimension_semantics<subcore_parallel>], iteration_bounds = array<i64: 2, 16>, scalar_prefetch = 0 : i64, scratch_operands = 4 : i64, tpu.core_type = #tpu.core_type<sc_vector_subcore>, window_params = [{transform_indices = #map}, {transform_indices = #map}, {transform_indices = #map}]} {
    %mul3A = arith.constant 2 : i32
    %mul3A_0 = arith.muli %arg1, %mul3A : i32
    %add3A = arith.addi %mul3A_0, %arg0 : i32
    %mul3A_1 = arith.constant 512 : i32
    %mul3A_2 = arith.muli %add3A, %mul3A_1 : i32
    "tpu.region"() ({
      %run_scoped3A = tpu.sem_alloc : memref<!tpu.dma_semaphore, #tpu.memory_space<semaphore_mem>>
      %dma_start3A_19 = arith.constant 0 : i32
      %dma_start3A_20 = tpu.memref_slice %arg2[%dma_start3A_19, %mul3A_2] : memref<64x16384xf32, #tpu.memory_space<hbm>> -> memref<64x512xf32, #tpu.memory_space<hbm>>
      %dma_start3A_21 = arith.constant 0 : i32
      %dma_start3A_22 = tpu.memref_slice %arg2[%dma_start3A_21, %mul3A_2] : memref<64x16384xf32, #tpu.memory_space<hbm>> -> memref<64x512xf32, #tpu.memory_space<hbm>>
      tpu.enqueue_dma source(%dma_start3A_22 : memref<64x512xf32, #tpu.memory_space<hbm>>) target(%arg5 : memref<64x512xf32, #tpu.memory_space<vmem>>) target_semaphore(%run_scoped3A : memref<!tpu.dma_semaphore, #tpu.memory_space<semaphore_mem>>)
      %dma_wait3A_23 = arith.constant 0 : i32
      %dma_wait3A_24 = tpu.memref_slice %arg2[%dma_wait3A_23, %mul3A_2] : memref<64x16384xf32, #tpu.memory_space<hbm>> -> memref<64x512xf32, #tpu.memory_space<hbm>>
      %dma_wait3A_25 = arith.constant 0 : i32
      %dma_wait3A_26 = tpu.memref_slice %arg2[%dma_wait3A_25, %mul3A_2] : memref<64x16384xf32, #tpu.memory_space<hbm>> -> memref<64x512xf32, #tpu.memory_space<hbm>>
      tpu.wait_dma2 semaphore(%run_scoped3A : memref<!tpu.dma_semaphore, #tpu.memory_space<semaphore_mem>>) src(%dma_wait3A_26 : memref<64x512xf32, #tpu.memory_space<hbm>>) dst(%arg5 : memref<64x512xf32, #tpu.memory_space<vmem>>)
      tpu.yield
    }) : () -> ()
    %parallel_loop3A = arith.constant 0 : i32
    %parallel_loop3A_3 = arith.constant 32 : i32
    %parallel_loop3A_4 = arith.constant 1 : i32
    scf.for %parallel_loop3A_19 = %parallel_loop3A to %parallel_loop3A_3 step %parallel_loop3A_4  : i32 {
      %parallel_loop3A_20 = arith.constant 16 : i32
      %parallel_loop3A_21 = arith.muli %parallel_loop3A_19, %parallel_loop3A_20 : i32
      %parallel_loop3A_22 = arith.constant 0 : i32
      %parallel_loop3A_23 = arith.index_cast %parallel_loop3A_22 : i32 to index
      %parallel_loop3A_24 = arith.index_cast %parallel_loop3A_21 : i32 to index
      %parallel_loop3A_25 = tpu.vector_load %arg5[%parallel_loop3A_23, %parallel_loop3A_24] {strides = array<i32>} : memref<64x512xf32, #tpu.memory_space<vmem>>, vector<16xf32>,
      %parallel_loop3A_26 = arith.constant 1 : i32
      %parallel_loop3A_27 = arith.index_cast %parallel_loop3A_26 : i32 to index
      %parallel_loop3A_28 = arith.index_cast %parallel_loop3A_21 : i32 to index
      %parallel_loop3A_29 = tpu.vector_load %arg5[%parallel_loop3A_27, %parallel_loop3A_28] {strides = array<i32>} : memref<64x512xf32, #tpu.memory_space<vmem>>, vector<16xf32>,
      %parallel_loop3A_30 = arith.constant 2 : i32
      %parallel_loop3A_31 = arith.index_cast %parallel_loop3A_30 : i32 to index
      %parallel_loop3A_32 = arith.index_cast %parallel_loop3A_21 : i32 to index
      %parallel_loop3A_33 = tpu.vector_load %arg5[%parallel_loop3A_31, %parallel_loop3A_32] {strides = array<i32>} : memref<64x512xf32, #tpu.memory_space<vmem>>, vector<16xf32>,
      %parallel_loop3A_34 = arith.constant 3 : i32
      %parallel_loop3A_35 = arith.index_cast %parallel_loop3A_34 : i32 to index
      %parallel_loop3A_36 = arith.index_cast %parallel_loop3A_21 : i32 to index
      %parallel_loop3A_37 = tpu.vector_load %arg5[%parallel_loop3A_35, %parallel_loop3A_36] {strides = array<i32>} : memref<64x512xf32, #tpu.memory_space<vmem>>, vector<16xf32>,
      %parallel_loop3A_38 = arith.constant 4 : i32
      %parallel_loop3A_39 = arith.index_cast %parallel_loop3A_38 : i32 to index
      %parallel_loop3A_40 = arith.index_cast %parallel_loop3A_21 : i32 to index
      %parallel_loop3A_41 = tpu.vector_load %arg5[%parallel_loop3A_39, %parallel_loop3A_40] {strides = array<i32>} : memref<64x512xf32, #tpu.memory_space<vmem>>, vector<16xf32>,
      %parallel_loop3A_42 = arith.constant 5 : i32
      %parallel_loop3A_43 = arith.index_cast %parallel_loop3A_42 : i32 to index
      %parallel_loop3A_44 = arith.index_cast %parallel_loop3A_21 : i32 to index
      %parallel_loop3A_45 = tpu.vector_load %arg5[%parallel_loop3A_43, %parallel_loop3A_44] {strides = array<i32>} : memref<64x512xf32, #tpu.memory_space<vmem>>, vector<16xf32>,
      %parallel_loop3A_46 = arith.constant 6 : i32
      %parallel_loop3A_47 = arith.index_cast %parallel_loop3A_46 : i32 to index
      %parallel_loop3A_48 = arith.index_cast %parallel_loop3A_21 : i32 to index
      %parallel_loop3A_49 = tpu.vector_load %arg5[%parallel_loop3A_47, %parallel_loop3A_48] {strides = array<i32>} : memref<64x512xf32, #tpu.memory_space<vmem>>, vector<16xf32>,
      %parallel_loop3A_50 = arith.constant 7 : i32
      %parallel_loop3A_51 = arith.index_cast %parallel_loop3A_50 : i32 to index
      %parallel_loop3A_52 = arith.index_cast %parallel_loop3A_21 : i32 to index
      %parallel_loop3A_53 = tpu.vector_load %arg5[%parallel_loop3A_51, %parallel_loop3A_52] {strides = array<i32>} : memref<64x512xf32, #tpu.memory_space<vmem>>, vector<16xf32>,
      %parallel_loop3A_54 = arith.constant 0 : i32
      %parallel_loop3A_55 = vector.broadcast %parallel_loop3A_54 : i32 to vector<16xi32>
      %parallel_loop3A_56 = arith.constant 1 : i32
      %parallel_loop3A_57 = vector.broadcast %parallel_loop3A_56 : i32 to vector<16xi32>
      %parallel_loop3A_58 = arith.constant 2 : i32
      %parallel_loop3A_59 = vector.broadcast %parallel_loop3A_58 : i32 to vector<16xi32>
      %parallel_loop3A_60 = arith.constant 3 : i32
      %parallel_loop3A_61 = vector.broadcast %parallel_loop3A_60 : i32 to vector<16xi32>
      %parallel_loop3A_62 = arith.constant 4 : i32
      %parallel_loop3A_63 = vector.broadcast %parallel_loop3A_62 : i32 to vector<16xi32>
      %parallel_loop3A_64 = arith.constant 5 : i32
      %parallel_loop3A_65 = vector.broadcast %parallel_loop3A_64 : i32 to vector<16xi32>
      %parallel_loop3A_66 = arith.constant 6 : i32
      %parallel_loop3A_67 = vector.broadcast %parallel_loop3A_66 : i32 to vector<16xi32>
      %parallel_loop3A_68 = arith.constant 7 : i32
      %parallel_loop3A_69 = vector.broadcast %parallel_loop3A_68 : i32 to vector<16xi32>
      %parallel_loop3A_70 = arith.cmpf ogt, %parallel_loop3A_29, %parallel_loop3A_25 : vector<16xf32>
      %parallel_loop3A_71 = arith.maximumf %parallel_loop3A_25, %parallel_loop3A_29 : vector<16xf32>
      %parallel_loop3A_72 = arith.minimumf %parallel_loop3A_25, %parallel_loop3A_29 : vector<16xf32>
      %parallel_loop3A_73 = arith.select %parallel_loop3A_70, %parallel_loop3A_57, %parallel_loop3A_55 : vector<16xi1>, vector<16xi32>
      %parallel_loop3A_74 = arith.select %parallel_loop3A_70, %parallel_loop3A_55, %parallel_loop3A_57 : vector<16xi1>, vector<16xi32>
      %parallel_loop3A_75 = arith.cmpf ogt, %parallel_loop3A_37, %parallel_loop3A_33 : vector<16xf32>
      %parallel_loop3A_76 = arith.maximumf %parallel_loop3A_33, %parallel_loop3A_37 : vector<16xf32>
      %parallel_loop3A_77 = arith.minimumf %parallel_loop3A_33, %parallel_loop3A_37 : vector<16xf32>
      %parallel_loop3A_78 = arith.select %parallel_loop3A_75, %parallel_loop3A_61, %parallel_loop3A_59 : vector<16xi1>, vector<16xi32>
      %parallel_loop3A_79 = arith.select %parallel_loop3A_75, %parallel_loop3A_59, %parallel_loop3A_61 : vector<16xi1>, vector<16xi32>
      %parallel_loop3A_80 = arith.cmpf ogt, %parallel_loop3A_45, %parallel_loop3A_41 : vector<16xf32>
      %parallel_loop3A_81 = arith.maximumf %parallel_loop3A_41, %parallel_loop3A_45 : vector<16xf32>
      %parallel_loop3A_82 = arith.minimumf %parallel_loop3A_41, %parallel_loop3A_45 : vector<16xf32>
      %parallel_loop3A_83 = arith.select %parallel_loop3A_80, %parallel_loop3A_65, %parallel_loop3A_63 : vector<16xi1>, vector<16xi32>
      %parallel_loop3A_84 = arith.select %parallel_loop3A_80, %parallel_loop3A_63, %parallel_loop3A_65 : vector<16xi1>, vector<16xi32>
      %parallel_loop3A_85 = arith.cmpf ogt, %parallel_loop3A_53, %parallel_loop3A_49 : vector<16xf32>
      %parallel_loop3A_86 = arith.maximumf %parallel_loop3A_49, %parallel_loop3A_53 : vector<16xf32>
      %parallel_loop3A_87 = arith.minimumf %parallel_loop3A_49, %parallel_loop3A_53 : vector<16xf32>
      %parallel_loop3A_88 = arith.select %parallel_loop3A_85, %parallel_loop3A_69, %parallel_loop3A_67 : vector<16xi1>, vector<16xi32>
      %parallel_loop3A_89 = arith.select %parallel_loop3A_85, %parallel_loop3A_67, %parallel_loop3A_69 : vector<16xi1>, vector<16xi32>
      %parallel_loop3A_90 = arith.cmpf ogt, %parallel_loop3A_76, %parallel_loop3A_71 : vector<16xf32>
      %parallel_loop3A_91 = arith.maximumf %parallel_loop3A_71, %parallel_loop3A_76 : vector<16xf32>
      %parallel_loop3A_92 = arith.minimumf %parallel_loop3A_71, %parallel_loop3A_76 : vector<16xf32>
      %parallel_loop3A_93 = arith.select %parallel_loop3A_90, %parallel_loop3A_78, %parallel_loop3A_73 : vector<16xi1>, vector<16xi32>
      %parallel_loop3A_94 = arith.select %parallel_loop3A_90, %parallel_loop3A_73, %parallel_loop3A_78 : vector<16xi1>, vector<16xi32>
      %parallel_loop3A_95 = arith.cmpf ogt, %parallel_loop3A_77, %parallel_loop3A_72 : vector<16xf32>
      %parallel_loop3A_96 = arith.maximumf %parallel_loop3A_72, %parallel_loop3A_77 : vector<16xf32>
      %parallel_loop3A_97 = arith.minimumf %parallel_loop3A_72, %parallel_loop3A_77 : vector<16xf32>
      %parallel_loop3A_98 = arith.select %parallel_loop3A_95, %parallel_loop3A_79, %parallel_loop3A_74 : vector<16xi1>, vector<16xi32>
      %parallel_loop3A_99 = arith.select %parallel_loop3A_95, %parallel_loop3A_74, %parallel_loop3A_79 : vector<16xi1>, vector<16xi32>
      %parallel_loop3A_100 = arith.cmpf ogt, %parallel_loop3A_86, %parallel_loop3A_81 : vector<16xf32>
      %parallel_loop3A_101 = arith.maximumf %parallel_loop3A_81, %parallel_loop3A_86 : vector<16xf32>
      %parallel_loop3A_102 = arith.minimumf %parallel_loop3A_81, %parallel_loop3A_86 : vector<16xf32>
      %parallel_loop3A_103 = arith.select %parallel_loop3A_100, %parallel_loop3A_88, %parallel_loop3A_83 : vector<16xi1>, vector<16xi32>
      %parallel_loop3A_104 = arith.select %parallel_loop3A_100, %parallel_loop3A_83, %parallel_loop3A_88 : vector<16xi1>, vector<16xi32>
      %parallel_loop3A_105 = arith.cmpf ogt, %parallel_loop3A_87, %parallel_loop3A_82 : vector<16xf32>
      %parallel_loop3A_106 = arith.maximumf %parallel_loop3A_82, %parallel_loop3A_87 : vector<16xf32>
      %parallel_loop3A_107 = arith.minimumf %parallel_loop3A_82, %parallel_loop3A_87 : vector<16xf32>
      %parallel_loop3A_108 = arith.select %parallel_loop3A_105, %parallel_loop3A_89, %parallel_loop3A_84 : vector<16xi1>, vector<16xi32>
      %parallel_loop3A_109 = arith.select %parallel_loop3A_105, %parallel_loop3A_84, %parallel_loop3A_89 : vector<16xi1>, vector<16xi32>
      %parallel_loop3A_110 = arith.cmpf ogt, %parallel_loop3A_92, %parallel_loop3A_96 : vector<16xf32>
      %parallel_loop3A_111 = arith.maximumf %parallel_loop3A_96, %parallel_loop3A_92 : vector<16xf32>
      %parallel_loop3A_112 = arith.minimumf %parallel_loop3A_96, %parallel_loop3A_92 : vector<16xf32>
      %parallel_loop3A_113 = arith.select %parallel_loop3A_110, %parallel_loop3A_94, %parallel_loop3A_98 : vector<16xi1>, vector<16xi32>
      %parallel_loop3A_114 = arith.select %parallel_loop3A_110, %parallel_loop3A_98, %parallel_loop3A_94 : vector<16xi1>, vector<16xi32>
      %parallel_loop3A_115 = arith.cmpf ogt, %parallel_loop3A_102, %parallel_loop3A_106 : vector<16xf32>
      %parallel_loop3A_116 = arith.maximumf %parallel_loop3A_106, %parallel_loop3A_102 : vector<16xf32>
      %parallel_loop3A_117 = arith.minimumf %parallel_loop3A_106, %parallel_loop3A_102 : vector<16xf32>
      %parallel_loop3A_118 = arith.select %parallel_loop3A_115, %parallel_loop3A_104, %parallel_loop3A_108 : vector<16xi1>, vector<16xi32>
      %parallel_loop3A_119 = arith.select %parallel_loop3A_115, %parallel_loop3A_108, %parallel_loop3A_104 : vector<16xi1>, vector<16xi32>
      %parallel_loop3A_120 = arith.cmpf ogt, %parallel_loop3A_101, %parallel_loop3A_91 : vector<16xf32>
      %parallel_loop3A_121 = arith.maximumf %parallel_loop3A_91, %parallel_loop3A_101 : vector<16xf32>
      %parallel_loop3A_122 = arith.minimumf %parallel_loop3A_91, %parallel_loop3A_101 : vector<16xf32>
      %parallel_loop3A_123 = arith.select %parallel_loop3A_120, %parallel_loop3A_103, %parallel_loop3A_93 : vector<16xi1>, vector<16xi32>
      %parallel_loop3A_124 = arith.select %parallel_loop3A_120, %parallel_loop3A_93, %parallel_loop3A_103 : vector<16xi1>, vector<16xi32>
      %parallel_loop3A_125 = arith.cmpf ogt, %parallel_loop3A_116, %parallel_loop3A_111 : vector<16xf32>
      %parallel_loop3A_126 = arith.maximumf %parallel_loop3A_111, %parallel_loop3A_116 : vector<16xf32>
      %parallel_loop3A_127 = arith.minimumf %parallel_loop3A_111, %parallel_loop3A_116 : vector<16xf32>
      %parallel_loop3A_128 = arith.select %parallel_loop3A_125, %parallel_loop3A_118, %parallel_loop3A_113 : vector<16xi1>, vector<16xi32>
      %parallel_loop3A_129 = arith.select %parallel_loop3A_125, %parallel_loop3A_113, %parallel_loop3A_118 : vector<16xi1>, vector<16xi32>
      %parallel_loop3A_130 = arith.cmpf ogt, %parallel_loop3A_117, %parallel_loop3A_112 : vector<16xf32>
      %parallel_loop3A_131 = arith.maximumf %parallel_loop3A_112, %parallel_loop3A_117 : vector<16xf32>
      %parallel_loop3A_132 = arith.minimumf %parallel_loop3A_112, %parallel_loop3A_117 : vector<16xf32>
      %parallel_loop3A_133 = arith.select %parallel_loop3A_130, %parallel_loop3A_119, %parallel_loop3A_114 : vector<16xi1>, vector<16xi32>
      %parallel_loop3A_134 = arith.select %parallel_loop3A_130, %parallel_loop3A_114, %parallel_loop3A_119 : vector<16xi1>, vector<16xi32>
      %parallel_loop3A_135 = arith.cmpf ogt, %parallel_loop3A_107, %parallel_loop3A_97 : vector<16xf32>
      %parallel_loop3A_136 = arith.maximumf %parallel_loop3A_97, %parallel_loop3A_107 : vector<16xf32>
      %parallel_loop3A_137 = arith.minimumf %parallel_loop3A_97, %parallel_loop3A_107 : vector<16xf32>
      %parallel_loop3A_138 = arith.select %parallel_loop3A_135, %parallel_loop3A_109, %parallel_loop3A_99 : vector<16xi1>, vector<16xi32>
      %parallel_loop3A_139 = arith.select %parallel_loop3A_135, %parallel_loop3A_99, %parallel_loop3A_109 : vector<16xi1>, vector<16xi32>
      %parallel_loop3A_140 = arith.cmpf ogt, %parallel_loop3A_122, %parallel_loop3A_131 : vector<16xf32>
      %parallel_loop3A_141 = arith.maximumf %parallel_loop3A_131, %parallel_loop3A_122 : vector<16xf32>
      %parallel_loop3A_142 = arith.minimumf %parallel_loop3A_131, %parallel_loop3A_122 : vector<16xf32>
      %parallel_loop3A_143 = arith.select %parallel_loop3A_140, %parallel_loop3A_124, %parallel_loop3A_133 : vector<16xi1>, vector<16xi32>
      %parallel_loop3A_144 = arith.select %parallel_loop3A_140, %parallel_loop3A_133, %parallel_loop3A_124 : vector<16xi1>, vector<16xi32>
      %parallel_loop3A_145 = arith.cmpf ogt, %parallel_loop3A_127, %parallel_loop3A_136 : vector<16xf32>
      %parallel_loop3A_146 = arith.maximumf %parallel_loop3A_136, %parallel_loop3A_127 : vector<16xf32>
      %parallel_loop3A_147 = arith.minimumf %parallel_loop3A_136, %parallel_loop3A_127 : vector<16xf32>
      %parallel_loop3A_148 = arith.select %parallel_loop3A_145, %parallel_loop3A_129, %parallel_loop3A_138 : vector<16xi1>, vector<16xi32>
      %parallel_loop3A_149 = arith.select %parallel_loop3A_145, %parallel_loop3A_138, %parallel_loop3A_129 : vector<16xi1>, vector<16xi32>
      %parallel_loop3A_150 = arith.cmpf ogt, %parallel_loop3A_141, %parallel_loop3A_126 : vector<16xf32>
      %parallel_loop3A_151 = arith.maximumf %parallel_loop3A_126, %parallel_loop3A_141 : vector<16xf32>
      %parallel_loop3A_152 = arith.minimumf %parallel_loop3A_126, %parallel_loop3A_141 : vector<16xf32>
      %parallel_loop3A_153 = arith.select %parallel_loop3A_150, %parallel_loop3A_143, %parallel_loop3A_128 : vector<16xi1>, vector<16xi32>
      %parallel_loop3A_154 = arith.select %parallel_loop3A_150, %parallel_loop3A_128, %parallel_loop3A_143 : vector<16xi1>, vector<16xi32>
      %parallel_loop3A_155 = arith.cmpf ogt, %parallel_loop3A_142, %parallel_loop3A_146 : vector<16xf32>
      %parallel_loop3A_156 = arith.maximumf %parallel_loop3A_146, %parallel_loop3A_142 : vector<16xf32>
      %parallel_loop3A_157 = arith.minimumf %parallel_loop3A_146, %parallel_loop3A_142 : vector<16xf32>
      %parallel_loop3A_158 = arith.select %parallel_loop3A_155, %parallel_loop3A_144, %parallel_loop3A_148 : vector<16xi1>, vector<16xi32>
      %parallel_loop3A_159 = arith.select %parallel_loop3A_155, %parallel_loop3A_148, %parallel_loop3A_144 : vector<16xi1>, vector<16xi32>
      %parallel_loop3A_160 = arith.cmpf ogt, %parallel_loop3A_132, %parallel_loop3A_147 : vector<16xf32>
      %parallel_loop3A_161 = arith.maximumf %parallel_loop3A_147, %parallel_loop3A_132 : vector<16xf32>
      %parallel_loop3A_162 = arith.minimumf %parallel_loop3A_147, %parallel_loop3A_132 : vector<16xf32>
      %parallel_loop3A_163 = arith.select %parallel_loop3A_160, %parallel_loop3A_134, %parallel_loop3A_149 : vector<16xi1>, vector<16xi32>
      %parallel_loop3A_164 = arith.select %parallel_loop3A_160, %parallel_loop3A_149, %parallel_loop3A_134 : vector<16xi1>, vector<16xi32>
      %parallel_loop3A_165 = arith.constant 8 : i32
      %parallel_loop3A_166 = arith.index_cast %parallel_loop3A_165 : i32 to index
      %parallel_loop3A_167 = arith.index_cast %parallel_loop3A_21 : i32 to index
      %parallel_loop3A_168 = tpu.vector_load %arg5[%parallel_loop3A_166, %parallel_loop3A_167] {strides = array<i32>} : memref<64x512xf32, #tpu.memory_space<vmem>>, vector<16xf32>,
      %parallel_loop3A_169 = arith.constant 9 : i32
      %parallel_loop3A_170 = arith.index_cast %parallel_loop3A_169 : i32 to index
      %parallel_loop3A_171 = arith.index_cast %parallel_loop3A_21 : i32 to index
      %parallel_loop3A_172 = tpu.vector_load %arg5[%parallel_loop3A_170, %parallel_loop3A_171] {strides = array<i32>} : memref<64x512xf32, #tpu.memory_space<vmem>>, vector<16xf32>,
      %parallel_loop3A_173 = arith.constant 10 : i32
      %parallel_loop3A_174 = arith.index_cast %parallel_loop3A_173 : i32 to index
      %parallel_loop3A_175 = arith.index_cast %parallel_loop3A_21 : i32 to index
      %parallel_loop3A_176 = tpu.vector_load %arg5[%parallel_loop3A_174, %parallel_loop3A_175] {strides = array<i32>} : memref<64x512xf32, #tpu.memory_space<vmem>>, vector<16xf32>,
      %parallel_loop3A_177 = arith.constant 11 : i32
      %parallel_loop3A_178 = arith.index_cast %parallel_loop3A_177 : i32 to index
      %parallel_loop3A_179 = arith.index_cast %parallel_loop3A_21 : i32 to index
      %parallel_loop3A_180 = tpu.vector_load %arg5[%parallel_loop3A_178, %parallel_loop3A_179] {strides = array<i32>} : memref<64x512xf32, #tpu.memory_space<vmem>>, vector<16xf32>,
      %parallel_loop3A_181 = arith.constant 12 : i32
      %parallel_loop3A_182 = arith.index_cast %parallel_loop3A_181 : i32 to index
      %parallel_loop3A_183 = arith.index_cast %parallel_loop3A_21 : i32 to index
      %parallel_loop3A_184 = tpu.vector_load %arg5[%parallel_loop3A_182, %parallel_loop3A_183] {strides = array<i32>} : memref<64x512xf32, #tpu.memory_space<vmem>>, vector<16xf32>,
      %parallel_loop3A_185 = arith.constant 13 : i32
      %parallel_loop3A_186 = arith.index_cast %parallel_loop3A_185 : i32 to index
      %parallel_loop3A_187 = arith.index_cast %parallel_loop3A_21 : i32 to index
      %parallel_loop3A_188 = tpu.vector_load %arg5[%parallel_loop3A_186, %parallel_loop3A_187] {strides = array<i32>} : memref<64x512xf32, #tpu.memory_space<vmem>>, vector<16xf32>,
      %parallel_loop3A_189 = arith.constant 14 : i32
      %parallel_loop3A_190 = arith.index_cast %parallel_loop3A_189 : i32 to index
      %parallel_loop3A_191 = arith.index_cast %parallel_loop3A_21 : i32 to index
      %parallel_loop3A_192 = tpu.vector_load %arg5[%parallel_loop3A_190, %parallel_loop3A_191] {strides = array<i32>} : memref<64x512xf32, #tpu.memory_space<vmem>>, vector<16xf32>,
      %parallel_loop3A_193 = arith.constant 15 : i32
      %parallel_loop3A_194 = arith.index_cast %parallel_loop3A_193 : i32 to index
      %parallel_loop3A_195 = arith.index_cast %parallel_loop3A_21 : i32 to index
      %parallel_loop3A_196 = tpu.vector_load %arg5[%parallel_loop3A_194, %parallel_loop3A_195] {strides = array<i32>} : memref<64x512xf32, #tpu.memory_space<vmem>>, vector<16xf32>,
      %parallel_loop3A_197 = arith.constant 8 : i32
      %parallel_loop3A_198 = vector.broadcast %parallel_loop3A_197 : i32 to vector<16xi32>
      %parallel_loop3A_199 = arith.constant 9 : i32
      %parallel_loop3A_200 = vector.broadcast %parallel_loop3A_199 : i32 to vector<16xi32>
      %parallel_loop3A_201 = arith.constant 10 : i32
      %parallel_loop3A_202 = vector.broadcast %parallel_loop3A_201 : i32 to vector<16xi32>
      %parallel_loop3A_203 = arith.constant 11 : i32
      %parallel_loop3A_204 = vector.broadcast %parallel_loop3A_203 : i32 to vector<16xi32>
      %parallel_loop3A_205 = arith.constant 12 : i32
      %parallel_loop3A_206 = vector.broadcast %parallel_loop3A_205 : i32 to vector<16xi32>
      %parallel_loop3A_207 = arith.constant 13 : i32
      %parallel_loop3A_208 = vector.broadcast %parallel_loop3A_207 : i32 to vector<16xi32>
      %parallel_loop3A_209 = arith.constant 14 : i32
      %parallel_loop3A_210 = vector.broadcast %parallel_loop3A_209 : i32 to vector<16xi32>
      %parallel_loop3A_211 = arith.constant 15 : i32
      %parallel_loop3A_212 = vector.broadcast %parallel_loop3A_211 : i32 to vector<16xi32>
      %parallel_loop3A_213 = arith.cmpf ogt, %parallel_loop3A_172, %parallel_loop3A_168 : vector<16xf32>
      %parallel_loop3A_214 = arith.maximumf %parallel_loop3A_168, %parallel_loop3A_172 : vector<16xf32>
      %parallel_loop3A_215 = arith.minimumf %parallel_loop3A_168, %parallel_loop3A_172 : vector<16xf32>
      %parallel_loop3A_216 = arith.select %parallel_loop3A_213, %parallel_loop3A_200, %parallel_loop3A_198 : vector<16xi1>, vector<16xi32>
      %parallel_loop3A_217 = arith.select %parallel_loop3A_213, %parallel_loop3A_198, %parallel_loop3A_200 : vector<16xi1>, vector<16xi32>
      %parallel_loop3A_218 = arith.cmpf ogt, %parallel_loop3A_180, %parallel_loop3A_176 : vector<16xf32>
      %parallel_loop3A_219 = arith.maximumf %parallel_loop3A_176, %parallel_loop3A_180 : vector<16xf32>
      %parallel_loop3A_220 = arith.minimumf %parallel_loop3A_176, %parallel_loop3A_180 : vector<16xf32>
      %parallel_loop3A_221 = arith.select %parallel_loop3A_218, %parallel_loop3A_204, %parallel_loop3A_202 : vector<16xi1>, vector<16xi32>
      %parallel_loop3A_222 = arith.select %parallel_loop3A_218, %parallel_loop3A_202, %parallel_loop3A_204 : vector<16xi1>, vector<16xi32>
      %parallel_loop3A_223 = arith.cmpf ogt, %parallel_loop3A_188, %parallel_loop3A_184 : vector<16xf32>
      %parallel_loop3A_224 = arith.maximumf %parallel_loop3A_184, %parallel_loop3A_188 : vector<16xf32>
      %parallel_loop3A_225 = arith.minimumf %parallel_loop3A_184, %parallel_loop3A_188 : vector<16xf32>
      %parallel_loop3A_226 = arith.select %parallel_loop3A_223, %parallel_loop3A_208, %parallel_loop3A_206 : vector<16xi1>, vector<16xi32>
      %parallel_loop3A_227 = arith.select %parallel_loop3A_223, %parallel_loop3A_206, %parallel_loop3A_208 : vector<16xi1>, vector<16xi32>
      %parallel_loop3A_228 = arith.cmpf ogt, %parallel_loop3A_196, %parallel_loop3A_192 : vector<16xf32>
      %parallel_loop3A_229 = arith.maximumf %parallel_loop3A_192, %parallel_loop3A_196 : vector<16xf32>
      %parallel_loop3A_230 = arith.minimumf %parallel_loop3A_192, %parallel_loop3A_196 : vector<16xf32>
      %parallel_loop3A_231 = arith.select %parallel_loop3A_228, %parallel_loop3A_212, %parallel_loop3A_210 : vector<16xi1>, vector<16xi32>
      %parallel_loop3A_232 = arith.select %parallel_loop3A_228, %parallel_loop3A_210, %parallel_loop3A_212 : vector<16xi1>, vector<16xi32>
      %parallel_loop3A_233 = arith.cmpf ogt, %parallel_loop3A_219, %parallel_loop3A_214 : vector<16xf32>
      %parallel_loop3A_234 = arith.maximumf %parallel_loop3A_214, %parallel_loop3A_219 : vector<16xf32>
      %parallel_loop3A_235 = arith.minimumf %parallel_loop3A_214, %parallel_loop3A_219 : vector<16xf32>
      %parallel_loop3A_236 = arith.select %parallel_loop3A_233, %parallel_loop3A_221, %parallel_loop3A_216 : vector<16xi1>, vector<16xi32>
      %parallel_loop3A_237 = arith.select %parallel_loop3A_233, %parallel_loop3A_216, %parallel_loop3A_221 : vector<16xi1>, vector<16xi32>
      %parallel_loop3A_238 = arith.cmpf ogt, %parallel_loop3A_220, %parallel_loop3A_215 : vector<16xf32>
      %parallel_loop3A_239 = arith.maximumf %parallel_loop3A_215, %parallel_loop3A_220 : vector<16xf32>
      %parallel_loop3A_240 = arith.minimumf %parallel_loop3A_215, %parallel_loop3A_220 : vector<16xf32>
      %parallel_loop3A_241 = arith.select %parallel_loop3A_238, %parallel_loop3A_222, %parallel_loop3A_217 : vector<16xi1>, vector<16xi32>
      %parallel_loop3A_242 = arith.select %parallel_loop3A_238, %parallel_loop3A_217, %parallel_loop3A_222 : vector<16xi1>, vector<16xi32>
      %parallel_loop3A_243 = arith.cmpf ogt, %parallel_loop3A_229, %parallel_loop3A_224 : vector<16xf32>
      %parallel_loop3A_244 = arith.maximumf %parallel_loop3A_224, %parallel_loop3A_229 : vector<16xf32>
      %parallel_loop3A_245 = arith.minimumf %parallel_loop3A_224, %parallel_loop3A_229 : vector<16xf32>
      %parallel_loop3A_246 = arith.select %parallel_loop3A_243, %parallel_loop3A_231, %parallel_loop3A_226 : vector<16xi1>, vector<16xi32>
      %parallel_loop3A_247 = arith.select %parallel_loop3A_243, %parallel_loop3A_226, %parallel_loop3A_231 : vector<16xi1>, vector<16xi32>
      %parallel_loop3A_248 = arith.cmpf ogt, %parallel_loop3A_230, %parallel_loop3A_225 : vector<16xf32>
      %parallel_loop3A_249 = arith.maximumf %parallel_loop3A_225, %parallel_loop3A_230 : vector<16xf32>
      %parallel_loop3A_250 = arith.minimumf %parallel_loop3A_225, %parallel_loop3A_230 : vector<16xf32>
      %parallel_loop3A_251 = arith.select %parallel_loop3A_248, %parallel_loop3A_232, %parallel_loop3A_227 : vector<16xi1>, vector<16xi32>
      %parallel_loop3A_252 = arith.select %parallel_loop3A_248, %parallel_loop3A_227, %parallel_loop3A_232 : vector<16xi1>, vector<16xi32>
      %parallel_loop3A_253 = arith.cmpf ogt, %parallel_loop3A_235, %parallel_loop3A_239 : vector<16xf32>
      %parallel_loop3A_254 = arith.maximumf %parallel_loop3A_239, %parallel_loop3A_235 : vector<16xf32>
      %parallel_loop3A_255 = arith.minimumf %parallel_loop3A_239, %parallel_loop3A_235 : vector<16xf32>
      %parallel_loop3A_256 = arith.select %parallel_loop3A_253, %parallel_loop3A_237, %parallel_loop3A_241 : vector<16xi1>, vector<16xi32>
      %parallel_loop3A_257 = arith.select %parallel_loop3A_253, %parallel_loop3A_241, %parallel_loop3A_237 : vector<16xi1>, vector<16xi32>
      %parallel_loop3A_258 = arith.cmpf ogt, %parallel_loop3A_245, %parallel_loop3A_249 : vector<16xf32>
      %parallel_loop3A_259 = arith.maximumf %parallel_loop3A_249, %parallel_loop3A_245 : vector<16xf32>
      %parallel_loop3A_260 = arith.minimumf %parallel_loop3A_249, %parallel_loop3A_245 : vector<16xf32>
      %parallel_loop3A_261 = arith.select %parallel_loop3A_258, %parallel_loop3A_247, %parallel_loop3A_251 : vector<16xi1>, vector<16xi32>
      %parallel_loop3A_262 = arith.select %parallel_loop3A_258, %parallel_loop3A_251, %parallel_loop3A_247 : vector<16xi1>, vector<16xi32>
      %parallel_loop3A_263 = arith.cmpf ogt, %parallel_loop3A_244, %parallel_loop3A_234 : vector<16xf32>
      %parallel_loop3A_264 = arith.maximumf %parallel_loop3A_234, %parallel_loop3A_244 : vector<16xf32>
      %parallel_loop3A_265 = arith.minimumf %parallel_loop3A_234, %parallel_loop3A_244 : vector<16xf32>
      %parallel_loop3A_266 = arith.select %parallel_loop3A_263, %parallel_loop3A_246, %parallel_loop3A_236 : vector<16xi1>, vector<16xi32>
      %parallel_loop3A_267 = arith.select %parallel_loop3A_263, %parallel_loop3A_236, %parallel_loop3A_246 : vector<16xi1>, vector<16xi32>
      %parallel_loop3A_268 = arith.cmpf ogt, %parallel_loop3A_259, %parallel_loop3A_254 : vector<16xf32>
      %parallel_loop3A_269 = arith.maximumf %parallel_loop3A_254, %parallel_loop3A_259 : vector<16xf32>
      %parallel_loop3A_270 = arith.minimumf %parallel_loop3A_254, %parallel_loop3A_259 : vector<16xf32>
      %parallel_loop3A_271 = arith.select %parallel_loop3A_268, %parallel_loop3A_261, %parallel_loop3A_256 : vector<16xi1>, vector<16xi32>
      %parallel_loop3A_272 = arith.select %parallel_loop3A_268, %parallel_loop3A_256, %parallel_loop3A_261 : vector<16xi1>, vector<16xi32>
      %parallel_loop3A_273 = arith.cmpf ogt, %parallel_loop3A_260, %parallel_loop3A_255 : vector<16xf32>
      %parallel_loop3A_274 = arith.maximumf %parallel_loop3A_255, %parallel_loop3A_260 : vector<16xf32>
      %parallel_loop3A_275 = arith.minimumf %parallel_loop3A_255, %parallel_loop3A_260 : vector<16xf32>
      %parallel_loop3A_276 = arith.select %parallel_loop3A_273, %parallel_loop3A_262, %parallel_loop3A_257 : vector<16xi1>, vector<16xi32>
      %parallel_loop3A_277 = arith.select %parallel_loop3A_273, %parallel_loop3A_257, %parallel_loop3A_262 : vector<16xi1>, vector<16xi32>
      %parallel_loop3A_278 = arith.cmpf ogt, %parallel_loop3A_250, %parallel_loop3A_240 : vector<16xf32>
      %parallel_loop3A_279 = arith.maximumf %parallel_loop3A_240, %parallel_loop3A_250 : vector<16xf32>
      %parallel_loop3A_280 = arith.minimumf %parallel_loop3A_240, %parallel_loop3A_250 : vector<16xf32>
      %parallel_loop3A_281 = arith.select %parallel_loop3A_278, %parallel_loop3A_252, %parallel_loop3A_242 : vector<16xi1>, vector<16xi32>
      %parallel_loop3A_282 = arith.select %parallel_loop3A_278, %parallel_loop3A_242, %parallel_loop3A_252 : vector<16xi1>, vector<16xi32>
      %parallel_loop3A_283 = arith.cmpf ogt, %parallel_loop3A_265, %parallel_loop3A_274 : vector<16xf32>
      %parallel_loop3A_284 = arith.maximumf %parallel_loop3A_274, %parallel_loop3A_265 : vector<16xf32>
      %parallel_loop3A_285 = arith.minimumf %parallel_loop3A_274, %parallel_loop3A_265 : vector<16xf32>
      %parallel_loop3A_286 = arith.select %parallel_loop3A_283, %parallel_loop3A_267, %parallel_loop3A_276 : vector<16xi1>, vector<16xi32>
      %parallel_loop3A_287 = arith.select %parallel_loop3A_283, %parallel_loop3A_276, %parallel_loop3A_267 : vector<16xi1>, vector<16xi32>
      %parallel_loop3A_288 = arith.cmpf ogt, %parallel_loop3A_270, %parallel_loop3A_279 : vector<16xf32>
      %parallel_loop3A_289 = arith.maximumf %parallel_loop3A_279, %parallel_loop3A_270 : vector<16xf32>
      %parallel_loop3A_290 = arith.minimumf %parallel_loop3A_279, %parallel_loop3A_270 : vector<16xf32>
      %parallel_loop3A_291 = arith.select %parallel_loop3A_288, %parallel_loop3A_272, %parallel_loop3A_281 : vector<16xi1>, vector<16xi32>
      %parallel_loop3A_292 = arith.select %parallel_loop3A_288, %parallel_loop3A_281, %parallel_loop3A_272 : vector<16xi1>, vector<16xi32>
      %parallel_loop3A_293 = arith.cmpf ogt, %parallel_loop3A_284, %parallel_loop3A_269 : vector<16xf32>
      %parallel_loop3A_294 = arith.maximumf %parallel_loop3A_269, %parallel_loop3A_284 : vector<16xf32>
      %parallel_loop3A_295 = arith.minimumf %parallel_loop3A_269, %parallel_loop3A_284 : vector<16xf32>
      %parallel_loop3A_296 = arith.select %parallel_loop3A_293, %parallel_loop3A_286, %parallel_loop3A_271 : vector<16xi1>, vector<16xi32>
      %parallel_loop3A_297 = arith.select %parallel_loop3A_293, %parallel_loop3A_271, %parallel_loop3A_286 : vector<16xi1>, vector<16xi32>
      %parallel_loop3A_298 = arith.cmpf ogt, %parallel_loop3A_285, %parallel_loop3A_289 : vector<16xf32>
      %parallel_loop3A_299 = arith.maximumf %parallel_loop3A_289, %parallel_loop3A_285 : vector<16xf32>
      %parallel_loop3A_300 = arith.minimumf %parallel_loop3A_289, %parallel_loop3A_285 : vector<16xf32>
      %parallel_loop3A_301 = arith.select %parallel_loop3A_298, %parallel_loop3A_287, %parallel_loop3A_291 : vector<16xi1>, vector<16xi32>
      %parallel_loop3A_302 = arith.select %parallel_loop3A_298, %parallel_loop3A_291, %parallel_loop3A_287 : vector<16xi1>, vector<16xi32>
      %parallel_loop3A_303 = arith.cmpf ogt, %parallel_loop3A_275, %parallel_loop3A_290 : vector<16xf32>
      %parallel_loop3A_304 = arith.maximumf %parallel_loop3A_290, %parallel_loop3A_275 : vector<16xf32>
      %parallel_loop3A_305 = arith.minimumf %parallel_loop3A_290, %parallel_loop3A_275 : vector<16xf32>
      %parallel_loop3A_306 = arith.select %parallel_loop3A_303, %parallel_loop3A_277, %parallel_loop3A_292 : vector<16xi1>, vector<16xi32>
      %parallel_loop3A_307 = arith.select %parallel_loop3A_303, %parallel_loop3A_292, %parallel_loop3A_277 : vector<16xi1>, vector<16xi32>
      %parallel_loop3A_308 = arith.cmpf ogt, %parallel_loop3A_280, %parallel_loop3A_121 : vector<16xf32>
      %parallel_loop3A_309 = arith.select %parallel_loop3A_308, %parallel_loop3A_280, %parallel_loop3A_121 : vector<16xi1>, vector<16xf32>
      %parallel_loop3A_310 = arith.select %parallel_loop3A_308, %parallel_loop3A_282, %parallel_loop3A_123 : vector<16xi1>, vector<16xi32>
      %parallel_loop3A_311 = arith.cmpf ogt, %parallel_loop3A_305, %parallel_loop3A_151 : vector<16xf32>
      %parallel_loop3A_312 = arith.select %parallel_loop3A_311, %parallel_loop3A_305, %parallel_loop3A_151 : vector<16xi1>, vector<16xf32>
      %parallel_loop3A_313 = arith.select %parallel_loop3A_311, %parallel_loop3A_307, %parallel_loop3A_153 : vector<16xi1>, vector<16xi32>
      %parallel_loop3A_314 = arith.cmpf ogt, %parallel_loop3A_304, %parallel_loop3A_152 : vector<16xf32>
      %parallel_loop3A_315 = arith.select %parallel_loop3A_314, %parallel_loop3A_304, %parallel_loop3A_152 : vector<16xi1>, vector<16xf32>
      %parallel_loop3A_316 = arith.select %parallel_loop3A_314, %parallel_loop3A_306, %parallel_loop3A_154 : vector<16xi1>, vector<16xi32>
      %parallel_loop3A_317 = arith.cmpf ogt, %parallel_loop3A_300, %parallel_loop3A_156 : vector<16xf32>
      %parallel_loop3A_318 = arith.select %parallel_loop3A_317, %parallel_loop3A_300, %parallel_loop3A_156 : vector<16xi1>, vector<16xf32>
      %parallel_loop3A_319 = arith.select %parallel_loop3A_317, %parallel_loop3A_302, %parallel_loop3A_158 : vector<16xi1>, vector<16xi32>
      %parallel_loop3A_320 = arith.cmpf ogt, %parallel_loop3A_299, %parallel_loop3A_157 : vector<16xf32>
      %parallel_loop3A_321 = arith.select %parallel_loop3A_320, %parallel_loop3A_299, %parallel_loop3A_157 : vector<16xi1>, vector<16xf32>
      %parallel_loop3A_322 = arith.select %parallel_loop3A_320, %parallel_loop3A_301, %parallel_loop3A_159 : vector<16xi1>, vector<16xi32>
      %parallel_loop3A_323 = arith.cmpf ogt, %parallel_loop3A_295, %parallel_loop3A_161 : vector<16xf32>
      %parallel_loop3A_324 = arith.select %parallel_loop3A_323, %parallel_loop3A_295, %parallel_loop3A_161 : vector<16xi1>, vector<16xf32>
      %parallel_loop3A_325 = arith.select %parallel_loop3A_323, %parallel_loop3A_297, %parallel_loop3A_163 : vector<16xi1>, vector<16xi32>
      %parallel_loop3A_326 = arith.cmpf ogt, %parallel_loop3A_294, %parallel_loop3A_162 : vector<16xf32>
      %parallel_loop3A_327 = arith.select %parallel_loop3A_326, %parallel_loop3A_294, %parallel_loop3A_162 : vector<16xi1>, vector<16xf32>
      %parallel_loop3A_328 = arith.select %parallel_loop3A_326, %parallel_loop3A_296, %parallel_loop3A_164 : vector<16xi1>, vector<16xi32>
      %parallel_loop3A_329 = arith.cmpf ogt, %parallel_loop3A_264, %parallel_loop3A_137 : vector<16xf32>
      %parallel_loop3A_330 = arith.select %parallel_loop3A_329, %parallel_loop3A_264, %parallel_loop3A_137 : vector<16xi1>, vector<16xf32>
      %parallel_loop3A_331 = arith.select %parallel_loop3A_329, %parallel_loop3A_266, %parallel_loop3A_139 : vector<16xi1>, vector<16xi32>
      %parallel_loop3A_332 = arith.cmpf ogt, %parallel_loop3A_321, %parallel_loop3A_309 : vector<16xf32>
      %parallel_loop3A_333 = arith.maximumf %parallel_loop3A_309, %parallel_loop3A_321 : vector<16xf32>
      %parallel_loop3A_334 = arith.minimumf %parallel_loop3A_309, %parallel_loop3A_321 : vector<16xf32>
      %parallel_loop3A_335 = arith.select %parallel_loop3A_332, %parallel_loop3A_322, %parallel_loop3A_310 : vector<16xi1>, vector<16xi32>
      %parallel_loop3A_336 = arith.select %parallel_loop3A_332, %parallel_loop3A_310, %parallel_loop3A_322 : vector<16xi1>, vector<16xi32>
      %parallel_loop3A_337 = arith.cmpf ogt, %parallel_loop3A_324, %parallel_loop3A_312 : vector<16xf32>
      %parallel_loop3A_338 = arith.maximumf %parallel_loop3A_312, %parallel_loop3A_324 : vector<16xf32>
      %parallel_loop3A_339 = arith.minimumf %parallel_loop3A_312, %parallel_loop3A_324 : vector<16xf32>
      %parallel_loop3A_340 = arith.select %parallel_loop3A_337, %parallel_loop3A_325, %parallel_loop3A_313 : vector<16xi1>, vector<16xi32>
      %parallel_loop3A_341 = arith.select %parallel_loop3A_337, %parallel_loop3A_313, %parallel_loop3A_325 : vector<16xi1>, vector<16xi32>
      %parallel_loop3A_342 = arith.cmpf ogt, %parallel_loop3A_327, %parallel_loop3A_315 : vector<16xf32>
      %parallel_loop3A_343 = arith.maximumf %parallel_loop3A_315, %parallel_loop3A_327 : vector<16xf32>
      %parallel_loop3A_344 = arith.minimumf %parallel_loop3A_315, %parallel_loop3A_327 : vector<16xf32>
      %parallel_loop3A_345 = arith.select %parallel_loop3A_342, %parallel_loop3A_328, %parallel_loop3A_316 : vector<16xi1>, vector<16xi32>
      %parallel_loop3A_346 = arith.select %parallel_loop3A_342, %parallel_loop3A_316, %parallel_loop3A_328 : vector<16xi1>, vector<16xi32>
      %parallel_loop3A_347 = arith.cmpf ogt, %parallel_loop3A_330, %parallel_loop3A_318 : vector<16xf32>
      %parallel_loop3A_348 = arith.maximumf %parallel_loop3A_318, %parallel_loop3A_330 : vector<16xf32>
      %parallel_loop3A_349 = arith.minimumf %parallel_loop3A_318, %parallel_loop3A_330 : vector<16xf32>
      %parallel_loop3A_350 = arith.select %parallel_loop3A_347, %parallel_loop3A_331, %parallel_loop3A_319 : vector<16xi1>, vector<16xi32>
      %parallel_loop3A_351 = arith.select %parallel_loop3A_347, %parallel_loop3A_319, %parallel_loop3A_331 : vector<16xi1>, vector<16xi32>
      %parallel_loop3A_352 = arith.cmpf ogt, %parallel_loop3A_343, %parallel_loop3A_333 : vector<16xf32>
      %parallel_loop3A_353 = arith.maximumf %parallel_loop3A_333, %parallel_loop3A_343 : vector<16xf32>
      %parallel_loop3A_354 = arith.minimumf %parallel_loop3A_333, %parallel_loop3A_343 : vector<16xf32>
      %parallel_loop3A_355 = arith.select %parallel_loop3A_352, %parallel_loop3A_345, %parallel_loop3A_335 : vector<16xi1>, vector<16xi32>
      %parallel_loop3A_356 = arith.select %parallel_loop3A_352, %parallel_loop3A_335, %parallel_loop3A_345 : vector<16xi1>, vector<16xi32>
      %parallel_loop3A_357 = arith.cmpf ogt, %parallel_loop3A_348, %parallel_loop3A_338 : vector<16xf32>
      %parallel_loop3A_358 = arith.maximumf %parallel_loop3A_338, %parallel_loop3A_348 : vector<16xf32>
      %parallel_loop3A_359 = arith.minimumf %parallel_loop3A_338, %parallel_loop3A_348 : vector<16xf32>
      %parallel_loop3A_360 = arith.select %parallel_loop3A_357, %parallel_loop3A_350, %parallel_loop3A_340 : vector<16xi1>, vector<16xi32>
      %parallel_loop3A_361 = arith.select %parallel_loop3A_357, %parallel_loop3A_340, %parallel_loop3A_350 : vector<16xi1>, vector<16xi32>
      %parallel_loop3A_362 = arith.cmpf ogt, %parallel_loop3A_344, %parallel_loop3A_334 : vector<16xf32>
      %parallel_loop3A_363 = arith.maximumf %parallel_loop3A_334, %parallel_loop3A_344 : vector<16xf32>
      %parallel_loop3A_364 = arith.minimumf %parallel_loop3A_334, %parallel_loop3A_344 : vector<16xf32>
      %parallel_loop3A_365 = arith.select %parallel_loop3A_362, %parallel_loop3A_346, %parallel_loop3A_336 : vector<16xi1>, vector<16xi32>
      %parallel_loop3A_366 = arith.select %parallel_loop3A_362, %parallel_loop3A_336, %parallel_loop3A_346 : vector<16xi1>, vector<16xi32>
      %parallel_loop3A_367 = arith.cmpf ogt, %parallel_loop3A_349, %parallel_loop3A_339 : vector<16xf32>
      %parallel_loop3A_368 = arith.maximumf %parallel_loop3A_339, %parallel_loop3A_349 : vector<16xf32>
      %parallel_loop3A_369 = arith.minimumf %parallel_loop3A_339, %parallel_loop3A_349 : vector<16xf32>
      %parallel_loop3A_370 = arith.select %parallel_loop3A_367, %parallel_loop3A_351, %parallel_loop3A_341 : vector<16xi1>, vector<16xi32>
      %parallel_loop3A_371 = arith.select %parallel_loop3A_367, %parallel_loop3A_341, %parallel_loop3A_351 : vector<16xi1>, vector<16xi32>
      %parallel_loop3A_372 = arith.cmpf ogt, %parallel_loop3A_358, %parallel_loop3A_353 : vector<16xf32>
      %parallel_loop3A_373 = arith.maximumf %parallel_loop3A_353, %parallel_loop3A_358 : vector<16xf32>
      %parallel_loop3A_374 = arith.minimumf %parallel_loop3A_353, %parallel_loop3A_358 : vector<16xf32>
      %parallel_loop3A_375 = arith.select %parallel_loop3A_372, %parallel_loop3A_360, %parallel_loop3A_355 : vector<16xi1>, vector<16xi32>
      %parallel_loop3A_376 = arith.select %parallel_loop3A_372, %parallel_loop3A_355, %parallel_loop3A_360 : vector<16xi1>, vector<16xi32>
      %parallel_loop3A_377 = arith.cmpf ogt, %parallel_loop3A_359, %parallel_loop3A_354 : vector<16xf32>
      %parallel_loop3A_378 = arith.maximumf %parallel_loop3A_354, %parallel_loop3A_359 : vector<16xf32>
      %parallel_loop3A_379 = arith.minimumf %parallel_loop3A_354, %parallel_loop3A_359 : vector<16xf32>
      %parallel_loop3A_380 = arith.select %parallel_loop3A_377, %parallel_loop3A_361, %parallel_loop3A_356 : vector<16xi1>, vector<16xi32>
      %parallel_loop3A_381 = arith.select %parallel_loop3A_377, %parallel_loop3A_356, %parallel_loop3A_361 : vector<16xi1>, vector<16xi32>
      %parallel_loop3A_382 = arith.cmpf ogt, %parallel_loop3A_368, %parallel_loop3A_363 : vector<16xf32>
      %parallel_loop3A_383 = arith.maximumf %parallel_loop3A_363, %parallel_loop3A_368 : vector<16xf32>
      %parallel_loop3A_384 = arith.minimumf %parallel_loop3A_363, %parallel_loop3A_368 : vector<16xf32>
      %parallel_loop3A_385 = arith.select %parallel_loop3A_382, %parallel_loop3A_370, %parallel_loop3A_365 : vector<16xi1>, vector<16xi32>
      %parallel_loop3A_386 = arith.select %parallel_loop3A_382, %parallel_loop3A_365, %parallel_loop3A_370 : vector<16xi1>, vector<16xi32>
      %parallel_loop3A_387 = arith.cmpf ogt, %parallel_loop3A_369, %parallel_loop3A_364 : vector<16xf32>
      %parallel_loop3A_388 = arith.maximumf %parallel_loop3A_364, %parallel_loop3A_369 : vector<16xf32>
      %parallel_loop3A_389 = arith.minimumf %parallel_loop3A_364, %parallel_loop3A_369 : vector<16xf32>
      %parallel_loop3A_390 = arith.select %parallel_loop3A_387, %parallel_loop3A_371, %parallel_loop3A_366 : vector<16xi1>, vector<16xi32>
      %parallel_loop3A_391 = arith.select %parallel_loop3A_387, %parallel_loop3A_366, %parallel_loop3A_371 : vector<16xi1>, vector<16xi32>
      %parallel_loop3A_392 = arith.constant 16 : i32
      %parallel_loop3A_393 = arith.index_cast %parallel_loop3A_392 : i32 to index
      %parallel_loop3A_394 = arith.index_cast %parallel_loop3A_21 : i32 to index
      %parallel_loop3A_395 = tpu.vector_load %arg5[%parallel_loop3A_393, %parallel_loop3A_394] {strides = array<i32>} : memref<64x512xf32, #tpu.memory_space<vmem>>, vector<16xf32>,
      %parallel_loop3A_396 = arith.constant 17 : i32
      %parallel_loop3A_397 = arith.index_cast %parallel_loop3A_396 : i32 to index
      %parallel_loop3A_398 = arith.index_cast %parallel_loop3A_21 : i32 to index
      %parallel_loop3A_399 = tpu.vector_load %arg5[%parallel_loop3A_397, %parallel_loop3A_398] {strides = array<i32>} : memref<64x512xf32, #tpu.memory_space<vmem>>, vector<16xf32>,
      %parallel_loop3A_400 = arith.constant 18 : i32
      %parallel_loop3A_401 = arith.index_cast %parallel_loop3A_400 : i32 to index
      %parallel_loop3A_402 = arith.index_cast %parallel_loop3A_21 : i32 to index
      %parallel_loop3A_403 = tpu.vector_load %arg5[%parallel_loop3A_401, %parallel_loop3A_402] {strides = array<i32>} : memref<64x512xf32, #tpu.memory_space<vmem>>, vector<16xf32>,
      %parallel_loop3A_404 = arith.constant 19 : i32
      %parallel_loop3A_405 = arith.index_cast %parallel_loop3A_404 : i32 to index
      %parallel_loop3A_406 = arith.index_cast %parallel_loop3A_21 : i32 to index
      %parallel_loop3A_407 = tpu.vector_load %arg5[%parallel_loop3A_405, %parallel_loop3A_406] {strides = array<i32>} : memref<64x512xf32, #tpu.memory_space<vmem>>, vector<16xf32>,
      %parallel_loop3A_408 = arith.constant 20 : i32
      %parallel_loop3A_409 = arith.index_cast %parallel_loop3A_408 : i32 to index
      %parallel_loop3A_410 = arith.index_cast %parallel_loop3A_21 : i32 to index
      %parallel_loop3A_411 = tpu.vector_load %arg5[%parallel_loop3A_409, %parallel_loop3A_410] {strides = array<i32>} : memref<64x512xf32, #tpu.memory_space<vmem>>, vector<16xf32>,
      %parallel_loop3A_412 = arith.constant 21 : i32
      %parallel_loop3A_413 = arith.index_cast %parallel_loop3A_412 : i32 to index
      %parallel_loop3A_414 = arith.index_cast %parallel_loop3A_21 : i32 to index
      %parallel_loop3A_415 = tpu.vector_load %arg5[%parallel_loop3A_413, %parallel_loop3A_414] {strides = array<i32>} : memref<64x512xf32, #tpu.memory_space<vmem>>, vector<16xf32>,
      %parallel_loop3A_416 = arith.constant 22 : i32
      %parallel_loop3A_417 = arith.index_cast %parallel_loop3A_416 : i32 to index
      %parallel_loop3A_418 = arith.index_cast %parallel_loop3A_21 : i32 to index
      %parallel_loop3A_419 = tpu.vector_load %arg5[%parallel_loop3A_417, %parallel_loop3A_418] {strides = array<i32>} : memref<64x512xf32, #tpu.memory_space<vmem>>, vector<16xf32>,
      %parallel_loop3A_420 = arith.constant 23 : i32
      %parallel_loop3A_421 = arith.index_cast %parallel_loop3A_420 : i32 to index
      %parallel_loop3A_422 = arith.index_cast %parallel_loop3A_21 : i32 to index
      %parallel_loop3A_423 = tpu.vector_load %arg5[%parallel_loop3A_421, %parallel_loop3A_422] {strides = array<i32>} : memref<64x512xf32, #tpu.memory_space<vmem>>, vector<16xf32>,
      %parallel_loop3A_424 = arith.constant 16 : i32
      %parallel_loop3A_425 = vector.broadcast %parallel_loop3A_424 : i32 to vector<16xi32>
      %parallel_loop3A_426 = arith.constant 17 : i32
      %parallel_loop3A_427 = vector.broadcast %parallel_loop3A_426 : i32 to vector<16xi32>
      %parallel_loop3A_428 = arith.constant 18 : i32
      %parallel_loop3A_429 = vector.broadcast %parallel_loop3A_428 : i32 to vector<16xi32>
      %parallel_loop3A_430 = arith.constant 19 : i32
      %parallel_loop3A_431 = vector.broadcast %parallel_loop3A_430 : i32 to vector<16xi32>
      %parallel_loop3A_432 = arith.constant 20 : i32
      %parallel_loop3A_433 = vector.broadcast %parallel_loop3A_432 : i32 to vector<16xi32>
      %parallel_loop3A_434 = arith.constant 21 : i32
      %parallel_loop3A_435 = vector.broadcast %parallel_loop3A_434 : i32 to vector<16xi32>
      %parallel_loop3A_436 = arith.constant 22 : i32
      %parallel_loop3A_437 = vector.broadcast %parallel_loop3A_436 : i32 to vector<16xi32>
      %parallel_loop3A_438 = arith.constant 23 : i32
      %parallel_loop3A_439 = vector.broadcast %parallel_loop3A_438 : i32 to vector<16xi32>
      %parallel_loop3A_440 = arith.cmpf ogt, %parallel_loop3A_399, %parallel_loop3A_395 : vector<16xf32>
      %parallel_loop3A_441 = arith.maximumf %parallel_loop3A_395, %parallel_loop3A_399 : vector<16xf32>
      %parallel_loop3A_442 = arith.minimumf %parallel_loop3A_395, %parallel_loop3A_399 : vector<16xf32>
      %parallel_loop3A_443 = arith.select %parallel_loop3A_440, %parallel_loop3A_427, %parallel_loop3A_425 : vector<16xi1>, vector<16xi32>
      %parallel_loop3A_444 = arith.select %parallel_loop3A_440, %parallel_loop3A_425, %parallel_loop3A_427 : vector<16xi1>, vector<16xi32>
      %parallel_loop3A_445 = arith.cmpf ogt, %parallel_loop3A_407, %parallel_loop3A_403 : vector<16xf32>
      %parallel_loop3A_446 = arith.maximumf %parallel_loop3A_403, %parallel_loop3A_407 : vector<16xf32>
      %parallel_loop3A_447 = arith.minimumf %parallel_loop3A_403, %parallel_loop3A_407 : vector<16xf32>
      %parallel_loop3A_448 = arith.select %parallel_loop3A_445, %parallel_loop3A_431, %parallel_loop3A_429 : vector<16xi1>, vector<16xi32>
      %parallel_loop3A_449 = arith.select %parallel_loop3A_445, %parallel_loop3A_429, %parallel_loop3A_431 : vector<16xi1>, vector<16xi32>
      %parallel_loop3A_450 = arith.cmpf ogt, %parallel_loop3A_415, %parallel_loop3A_411 : vector<16xf32>
      %parallel_loop3A_451 = arith.maximumf %parallel_loop3A_411, %parallel_loop3A_415 : vector<16xf32>
      %parallel_loop3A_452 = arith.minimumf %parallel_loop3A_411, %parallel_loop3A_415 : vector<16xf32>
      %parallel_loop3A_453 = arith.select %parallel_loop3A_450, %parallel_loop3A_435, %parallel_loop3A_433 : vector<16xi1>, vector<16xi32>
      %parallel_loop3A_454 = arith.select %parallel_loop3A_450, %parallel_loop3A_433, %parallel_loop3A_435 : vector<16xi1>, vector<16xi32>
      %parallel_loop3A_455 = arith.cmpf ogt, %parallel_loop3A_423, %parallel_loop3A_419 : vector<16xf32>
      %parallel_loop3A_456 = arith.maximumf %parallel_loop3A_419, %parallel_loop3A_423 : vector<16xf32>
      %parallel_loop3A_457 = arith.minimumf %parallel_loop3A_419, %parallel_loop3A_423 : vector<16xf32>
      %parallel_loop3A_458 = arith.select %parallel_loop3A_455, %parallel_loop3A_439, %parallel_loop3A_437 : vector<16xi1>, vector<16xi32>
      %parallel_loop3A_459 = arith.select %parallel_loop3A_455, %parallel_loop3A_437, %parallel_loop3A_439 : vector<16xi1>, vector<16xi32>
      %parallel_loop3A_460 = arith.cmpf ogt, %parallel_loop3A_446, %parallel_loop3A_441 : vector<16xf32>
      %parallel_loop3A_461 = arith.maximumf %parallel_loop3A_441, %parallel_loop3A_446 : vector<16xf32>
      %parallel_loop3A_462 = arith.minimumf %parallel_loop3A_441, %parallel_loop3A_446 : vector<16xf32>
      %parallel_loop3A_463 = arith.select %parallel_loop3A_460, %parallel_loop3A_448, %parallel_loop3A_443 : vector<16xi1>, vector<16xi32>
      %parallel_loop3A_464 = arith.select %parallel_loop3A_460, %parallel_loop3A_443, %parallel_loop3A_448 : vector<16xi1>, vector<16xi32>
      %parallel_loop3A_465 = arith.cmpf ogt, %parallel_loop3A_447, %parallel_loop3A_442 : vector<16xf32>
      %parallel_loop3A_466 = arith.maximumf %parallel_loop3A_442, %parallel_loop3A_447 : vector<16xf32>
      %parallel_loop3A_467 = arith.minimumf %parallel_loop3A_442, %parallel_loop3A_447 : vector<16xf32>
      %parallel_loop3A_468 = arith.select %parallel_loop3A_465, %parallel_loop3A_449, %parallel_loop3A_444 : vector<16xi1>, vector<16xi32>
      %parallel_loop3A_469 = arith.select %parallel_loop3A_465, %parallel_loop3A_444, %parallel_loop3A_449 : vector<16xi1>, vector<16xi32>
      %parallel_loop3A_470 = arith.cmpf ogt, %parallel_loop3A_456, %parallel_loop3A_451 : vector<16xf32>
      %parallel_loop3A_471 = arith.maximumf %parallel_loop3A_451, %parallel_loop3A_456 : vector<16xf32>
      %parallel_loop3A_472 = arith.minimumf %parallel_loop3A_451, %parallel_loop3A_456 : vector<16xf32>
      %parallel_loop3A_473 = arith.select %parallel_loop3A_470, %parallel_loop3A_458, %parallel_loop3A_453 : vector<16xi1>, vector<16xi32>
      %parallel_loop3A_474 = arith.select %parallel_loop3A_470, %parallel_loop3A_453, %parallel_loop3A_458 : vector<16xi1>, vector<16xi32>
      %parallel_loop3A_475 = arith.cmpf ogt, %parallel_loop3A_457, %parallel_loop3A_452 : vector<16xf32>
      %parallel_loop3A_476 = arith.maximumf %parallel_loop3A_452, %parallel_loop3A_457 : vector<16xf32>
      %parallel_loop3A_477 = arith.minimumf %parallel_loop3A_452, %parallel_loop3A_457 : vector<16xf32>
      %parallel_loop3A_478 = arith.select %parallel_loop3A_475, %parallel_loop3A_459, %parallel_loop3A_454 : vector<16xi1>, vector<16xi32>
      %parallel_loop3A_479 = arith.select %parallel_loop3A_475, %parallel_loop3A_454, %parallel_loop3A_459 : vector<16xi1>, vector<16xi32>
      %parallel_loop3A_480 = arith.cmpf ogt, %parallel_loop3A_462, %parallel_loop3A_466 : vector<16xf32>
      %parallel_loop3A_481 = arith.maximumf %parallel_loop3A_466, %parallel_loop3A_462 : vector<16xf32>
      %parallel_loop3A_482 = arith.minimumf %parallel_loop3A_466, %parallel_loop3A_462 : vector<16xf32>
      %parallel_loop3A_483 = arith.select %parallel_loop3A_480, %parallel_loop3A_464, %parallel_loop3A_468 : vector<16xi1>, vector<16xi32>
      %parallel_loop3A_484 = arith.select %parallel_loop3A_480, %parallel_loop3A_468, %parallel_loop3A_464 : vector<16xi1>, vector<16xi32>
      %parallel_loop3A_485 = arith.cmpf ogt, %parallel_loop3A_472, %parallel_loop3A_476 : vector<16xf32>
      %parallel_loop3A_486 = arith.maximumf %parallel_loop3A_476, %parallel_loop3A_472 : vector<16xf32>
      %parallel_loop3A_487 = arith.minimumf %parallel_loop3A_476, %parallel_loop3A_472 : vector<16xf32>
      %parallel_loop3A_488 = arith.select %parallel_loop3A_485, %parallel_loop3A_474, %parallel_loop3A_478 : vector<16xi1>, vector<16xi32>
      %parallel_loop3A_489 = arith.select %parallel_loop3A_485, %parallel_loop3A_478, %parallel_loop3A_474 : vector<16xi1>, vector<16xi32>
      %parallel_loop3A_490 = arith.cmpf ogt, %parallel_loop3A_471, %parallel_loop3A_461 : vector<16xf32>
      %parallel_loop3A_491 = arith.maximumf %parallel_loop3A_461, %parallel_loop3A_471 : vector<16xf32>
      %parallel_loop3A_492 = arith.minimumf %parallel_loop3A_461, %parallel_loop3A_471 : vector<16xf32>
      %parallel_loop3A_493 = arith.select %parallel_loop3A_490, %parallel_loop3A_473, %parallel_loop3A_463 : vector<16xi1>, vector<16xi32>
      %parallel_loop3A_494 = arith.select %parallel_loop3A_490, %parallel_loop3A_463, %parallel_loop3A_473 : vector<16xi1>, vector<16xi32>
      %parallel_loop3A_495 = arith.cmpf ogt, %parallel_loop3A_486, %parallel_loop3A_481 : vector<16xf32>
      %parallel_loop3A_496 = arith.maximumf %parallel_loop3A_481, %parallel_loop3A_486 : vector<16xf32>
      %parallel_loop3A_497 = arith.minimumf %parallel_loop3A_481, %parallel_loop3A_486 : vector<16xf32>
      %parallel_loop3A_498 = arith.select %parallel_loop3A_495, %parallel_loop3A_488, %parallel_loop3A_483 : vector<16xi1>, vector<16xi32>
      %parallel_loop3A_499 = arith.select %parallel_loop3A_495, %parallel_loop3A_483, %parallel_loop3A_488 : vector<16xi1>, vector<16xi32>
      %parallel_loop3A_500 = arith.cmpf ogt, %parallel_loop3A_487, %parallel_loop3A_482 : vector<16xf32>
      %parallel_loop3A_501 = arith.maximumf %parallel_loop3A_482, %parallel_loop3A_487 : vector<16xf32>
      %parallel_loop3A_502 = arith.minimumf %parallel_loop3A_482, %parallel_loop3A_487 : vector<16xf32>
      %parallel_loop3A_503 = arith.select %parallel_loop3A_500, %parallel_loop3A_489, %parallel_loop3A_484 : vector<16xi1>, vector<16xi32>
      %parallel_loop3A_504 = arith.select %parallel_loop3A_500, %parallel_loop3A_484, %parallel_loop3A_489 : vector<16xi1>, vector<16xi32>
      %parallel_loop3A_505 = arith.cmpf ogt, %parallel_loop3A_477, %parallel_loop3A_467 : vector<16xf32>
      %parallel_loop3A_506 = arith.maximumf %parallel_loop3A_467, %parallel_loop3A_477 : vector<16xf32>
      %parallel_loop3A_507 = arith.minimumf %parallel_loop3A_467, %parallel_loop3A_477 : vector<16xf32>
      %parallel_loop3A_508 = arith.select %parallel_loop3A_505, %parallel_loop3A_479, %parallel_loop3A_469 : vector<16xi1>, vector<16xi32>
      %parallel_loop3A_509 = arith.select %parallel_loop3A_505, %parallel_loop3A_469, %parallel_loop3A_479 : vector<16xi1>, vector<16xi32>
      %parallel_loop3A_510 = arith.cmpf ogt, %parallel_loop3A_492, %parallel_loop3A_501 : vector<16xf32>
      %parallel_loop3A_511 = arith.maximumf %parallel_loop3A_501, %parallel_loop3A_492 : vector<16xf32>
      %parallel_loop3A_512 = arith.minimumf %parallel_loop3A_501, %parallel_loop3A_492 : vector<16xf32>
      %parallel_loop3A_513 = arith.select %parallel_loop3A_510, %parallel_loop3A_494, %parallel_loop3A_503 : vector<16xi1>, vector<16xi32>
      %parallel_loop3A_514 = arith.select %parallel_loop3A_510, %parallel_loop3A_503, %parallel_loop3A_494 : vector<16xi1>, vector<16xi32>
      %parallel_loop3A_515 = arith.cmpf ogt, %parallel_loop3A_497, %parallel_loop3A_506 : vector<16xf32>
      %parallel_loop3A_516 = arith.maximumf %parallel_loop3A_506, %parallel_loop3A_497 : vector<16xf32>
      %parallel_loop3A_517 = arith.minimumf %parallel_loop3A_506, %parallel_loop3A_497 : vector<16xf32>
      %parallel_loop3A_518 = arith.select %parallel_loop3A_515, %parallel_loop3A_499, %parallel_loop3A_508 : vector<16xi1>, vector<16xi32>
      %parallel_loop3A_519 = arith.select %parallel_loop3A_515, %parallel_loop3A_508, %parallel_loop3A_499 : vector<16xi1>, vector<16xi32>
      %parallel_loop3A_520 = arith.cmpf ogt, %parallel_loop3A_511, %parallel_loop3A_496 : vector<16xf32>
      %parallel_loop3A_521 = arith.maximumf %parallel_loop3A_496, %parallel_loop3A_511 : vector<16xf32>
      %parallel_loop3A_522 = arith.minimumf %parallel_loop3A_496, %parallel_loop3A_511 : vector<16xf32>
      %parallel_loop3A_523 = arith.select %parallel_loop3A_520, %parallel_loop3A_513, %parallel_loop3A_498 : vector<16xi1>, vector<16xi32>
      %parallel_loop3A_524 = arith.select %parallel_loop3A_520, %parallel_loop3A_498, %parallel_loop3A_513 : vector<16xi1>, vector<16xi32>
      %parallel_loop3A_525 = arith.cmpf ogt, %parallel_loop3A_512, %parallel_loop3A_516 : vector<16xf32>
      %parallel_loop3A_526 = arith.maximumf %parallel_loop3A_516, %parallel_loop3A_512 : vector<16xf32>
      %parallel_loop3A_527 = arith.minimumf %parallel_loop3A_516, %parallel_loop3A_512 : vector<16xf32>
      %parallel_loop3A_528 = arith.select %parallel_loop3A_525, %parallel_loop3A_514, %parallel_loop3A_518 : vector<16xi1>, vector<16xi32>
      %parallel_loop3A_529 = arith.select %parallel_loop3A_525, %parallel_loop3A_518, %parallel_loop3A_514 : vector<16xi1>, vector<16xi32>
      %parallel_loop3A_530 = arith.cmpf ogt, %parallel_loop3A_502, %parallel_loop3A_517 : vector<16xf32>
      %parallel_loop3A_531 = arith.maximumf %parallel_loop3A_517, %parallel_loop3A_502 : vector<16xf32>
      %parallel_loop3A_532 = arith.minimumf %parallel_loop3A_517, %parallel_loop3A_502 : vector<16xf32>
      %parallel_loop3A_533 = arith.select %parallel_loop3A_530, %parallel_loop3A_504, %parallel_loop3A_519 : vector<16xi1>, vector<16xi32>
      %parallel_loop3A_534 = arith.select %parallel_loop3A_530, %parallel_loop3A_519, %parallel_loop3A_504 : vector<16xi1>, vector<16xi32>
      %parallel_loop3A_535 = arith.cmpf ogt, %parallel_loop3A_507, %parallel_loop3A_373 : vector<16xf32>
      %parallel_loop3A_536 = arith.select %parallel_loop3A_535, %parallel_loop3A_507, %parallel_loop3A_373 : vector<16xi1>, vector<16xf32>
      %parallel_loop3A_537 = arith.select %parallel_loop3A_535, %parallel_loop3A_509, %parallel_loop3A_375 : vector<16xi1>, vector<16xi32>
      %parallel_loop3A_538 = arith.cmpf ogt, %parallel_loop3A_532, %parallel_loop3A_374 : vector<16xf32>
      %parallel_loop3A_539 = arith.select %parallel_loop3A_538, %parallel_loop3A_532, %parallel_loop3A_374 : vector<16xi1>, vector<16xf32>
      %parallel_loop3A_540 = arith.select %parallel_loop3A_538, %parallel_loop3A_534, %parallel_loop3A_376 : vector<16xi1>, vector<16xi32>
      %parallel_loop3A_541 = arith.cmpf ogt, %parallel_loop3A_531, %parallel_loop3A_378 : vector<16xf32>
      %parallel_loop3A_542 = arith.select %parallel_loop3A_541, %parallel_loop3A_531, %parallel_loop3A_378 : vector<16xi1>, vector<16xf32>
      %parallel_loop3A_543 = arith.select %parallel_loop3A_541, %parallel_loop3A_533, %parallel_loop3A_380 : vector<16xi1>, vector<16xi32>
      %parallel_loop3A_544 = arith.cmpf ogt, %parallel_loop3A_527, %parallel_loop3A_379 : vector<16xf32>
      %parallel_loop3A_545 = arith.select %parallel_loop3A_544, %parallel_loop3A_527, %parallel_loop3A_379 : vector<16xi1>, vector<16xf32>
      %parallel_loop3A_546 = arith.select %parallel_loop3A_544, %parallel_loop3A_529, %parallel_loop3A_381 : vector<16xi1>, vector<16xi32>
      %parallel_loop3A_547 = arith.cmpf ogt, %parallel_loop3A_526, %parallel_loop3A_383 : vector<16xf32>
      %parallel_loop3A_548 = arith.select %parallel_loop3A_547, %parallel_loop3A_526, %parallel_loop3A_383 : vector<16xi1>, vector<16xf32>
      %parallel_loop3A_549 = arith.select %parallel_loop3A_547, %parallel_loop3A_528, %parallel_loop3A_385 : vector<16xi1>, vector<16xi32>
      %parallel_loop3A_550 = arith.cmpf ogt, %parallel_loop3A_522, %parallel_loop3A_384 : vector<16xf32>
      %parallel_loop3A_551 = arith.select %parallel_loop3A_550, %parallel_loop3A_522, %parallel_loop3A_384 : vector<16xi1>, vector<16xf32>
      %parallel_loop3A_552 = arith.select %parallel_loop3A_550, %parallel_loop3A_524, %parallel_loop3A_386 : vector<16xi1>, vector<16xi32>
      %parallel_loop3A_553 = arith.cmpf ogt, %parallel_loop3A_521, %parallel_loop3A_388 : vector<16xf32>
      %parallel_loop3A_554 = arith.select %parallel_loop3A_553, %parallel_loop3A_521, %parallel_loop3A_388 : vector<16xi1>, vector<16xf32>
      %parallel_loop3A_555 = arith.select %parallel_loop3A_553, %parallel_loop3A_523, %parallel_loop3A_390 : vector<16xi1>, vector<16xi32>
      %parallel_loop3A_556 = arith.cmpf ogt, %parallel_loop3A_491, %parallel_loop3A_389 : vector<16xf32>
      %parallel_loop3A_557 = arith.select %parallel_loop3A_556, %parallel_loop3A_491, %parallel_loop3A_389 : vector<16xi1>, vector<16xf32>
      %parallel_loop3A_558 = arith.select %parallel_loop3A_556, %parallel_loop3A_493, %parallel_loop3A_391 : vector<16xi1>, vector<16xi32>
      %parallel_loop3A_559 = arith.cmpf ogt, %parallel_loop3A_548, %parallel_loop3A_536 : vector<16xf32>
      %parallel_loop3A_560 = arith.maximumf %parallel_loop3A_536, %parallel_loop3A_548 : vector<16xf32>
      %parallel_loop3A_561 = arith.minimumf %parallel_loop3A_536, %parallel_loop3A_548 : vector<16xf32>
      %parallel_loop3A_562 = arith.select %parallel_loop3A_559, %parallel_loop3A_549, %parallel_loop3A_537 : vector<16xi1>, vector<16xi32>
      %parallel_loop3A_563 = arith.select %parallel_loop3A_559, %parallel_loop3A_537, %parallel_loop3A_549 : vector<16xi1>, vector<16xi32>
      %parallel_loop3A_564 = arith.cmpf ogt, %parallel_loop3A_551, %parallel_loop3A_539 : vector<16xf32>
      %parallel_loop3A_565 = arith.maximumf %parallel_loop3A_539, %parallel_loop3A_551 : vector<16xf32>
      %parallel_loop3A_566 = arith.minimumf %parallel_loop3A_539, %parallel_loop3A_551 : vector<16xf32>
      %parallel_loop3A_567 = arith.select %parallel_loop3A_564, %parallel_loop3A_552, %parallel_loop3A_540 : vector<16xi1>, vector<16xi32>
      %parallel_loop3A_568 = arith.select %parallel_loop3A_564, %parallel_loop3A_540, %parallel_loop3A_552 : vector<16xi1>, vector<16xi32>
      %parallel_loop3A_569 = arith.cmpf ogt, %parallel_loop3A_554, %parallel_loop3A_542 : vector<16xf32>
      %parallel_loop3A_570 = arith.maximumf %parallel_loop3A_542, %parallel_loop3A_554 : vector<16xf32>
      %parallel_loop3A_571 = arith.minimumf %parallel_loop3A_542, %parallel_loop3A_554 : vector<16xf32>
      %parallel_loop3A_572 = arith.select %parallel_loop3A_569, %parallel_loop3A_555, %parallel_loop3A_543 : vector<16xi1>, vector<16xi32>
      %parallel_loop3A_573 = arith.select %parallel_loop3A_569, %parallel_loop3A_543, %parallel_loop3A_555 : vector<16xi1>, vector<16xi32>
      %parallel_loop3A_574 = arith.cmpf ogt, %parallel_loop3A_557, %parallel_loop3A_545 : vector<16xf32>
      %parallel_loop3A_575 = arith.maximumf %parallel_loop3A_545, %parallel_loop3A_557 : vector<16xf32>
      %parallel_loop3A_576 = arith.minimumf %parallel_loop3A_545, %parallel_loop3A_557 : vector<16xf32>
      %parallel_loop3A_577 = arith.select %parallel_loop3A_574, %parallel_loop3A_558, %parallel_loop3A_546 : vector<16xi1>, vector<16xi32>
      %parallel_loop3A_578 = arith.select %parallel_loop3A_574, %parallel_loop3A_546, %parallel_loop3A_558 : vector<16xi1>, vector<16xi32>
      %parallel_loop3A_579 = arith.cmpf ogt, %parallel_loop3A_570, %parallel_loop3A_560 : vector<16xf32>
      %parallel_loop3A_580 = arith.maximumf %parallel_loop3A_560, %parallel_loop3A_570 : vector<16xf32>
      %parallel_loop3A_581 = arith.minimumf %parallel_loop3A_560, %parallel_loop3A_570 : vector<16xf32>
      %parallel_loop3A_582 = arith.select %parallel_loop3A_579, %parallel_loop3A_572, %parallel_loop3A_562 : vector<16xi1>, vector<16xi32>
      %parallel_loop3A_583 = arith.select %parallel_loop3A_579, %parallel_loop3A_562, %parallel_loop3A_572 : vector<16xi1>, vector<16xi32>
      %parallel_loop3A_584 = arith.cmpf ogt, %parallel_loop3A_575, %parallel_loop3A_565 : vector<16xf32>
      %parallel_loop3A_585 = arith.maximumf %parallel_loop3A_565, %parallel_loop3A_575 : vector<16xf32>
      %parallel_loop3A_586 = arith.minimumf %parallel_loop3A_565, %parallel_loop3A_575 : vector<16xf32>
      %parallel_loop3A_587 = arith.select %parallel_loop3A_584, %parallel_loop3A_577, %parallel_loop3A_567 : vector<16xi1>, vector<16xi32>
      %parallel_loop3A_588 = arith.select %parallel_loop3A_584, %parallel_loop3A_567, %parallel_loop3A_577 : vector<16xi1>, vector<16xi32>
      %parallel_loop3A_589 = arith.cmpf ogt, %parallel_loop3A_571, %parallel_loop3A_561 : vector<16xf32>
      %parallel_loop3A_590 = arith.maximumf %parallel_loop3A_561, %parallel_loop3A_571 : vector<16xf32>
      %parallel_loop3A_591 = arith.minimumf %parallel_loop3A_561, %parallel_loop3A_571 : vector<16xf32>
      %parallel_loop3A_592 = arith.select %parallel_loop3A_589, %parallel_loop3A_573, %parallel_loop3A_563 : vector<16xi1>, vector<16xi32>
      %parallel_loop3A_593 = arith.select %parallel_loop3A_589, %parallel_loop3A_563, %parallel_loop3A_573 : vector<16xi1>, vector<16xi32>
      %parallel_loop3A_594 = arith.cmpf ogt, %parallel_loop3A_576, %parallel_loop3A_566 : vector<16xf32>
      %parallel_loop3A_595 = arith.maximumf %parallel_loop3A_566, %parallel_loop3A_576 : vector<16xf32>
      %parallel_loop3A_596 = arith.minimumf %parallel_loop3A_566, %parallel_loop3A_576 : vector<16xf32>
      %parallel_loop3A_597 = arith.select %parallel_loop3A_594, %parallel_loop3A_578, %parallel_loop3A_568 : vector<16xi1>, vector<16xi32>
      %parallel_loop3A_598 = arith.select %parallel_loop3A_594, %parallel_loop3A_568, %parallel_loop3A_578 : vector<16xi1>, vector<16xi32>
      %parallel_loop3A_599 = arith.cmpf ogt, %parallel_loop3A_585, %parallel_loop3A_580 : vector<16xf32>
      %parallel_loop3A_600 = arith.maximumf %parallel_loop3A_580, %parallel_loop3A_585 : vector<16xf32>
      %parallel_loop3A_601 = arith.minimumf %parallel_loop3A_580, %parallel_loop3A_585 : vector<16xf32>
      %parallel_loop3A_602 = arith.select %parallel_loop3A_599, %parallel_loop3A_587, %parallel_loop3A_582 : vector<16xi1>, vector<16xi32>
      %parallel_loop3A_603 = arith.select %parallel_loop3A_599, %parallel_loop3A_582, %parallel_loop3A_587 : vector<16xi1>, vector<16xi32>
      %parallel_loop3A_604 = arith.cmpf ogt, %parallel_loop3A_586, %parallel_loop3A_581 : vector<16xf32>
      %parallel_loop3A_605 = arith.maximumf %parallel_loop3A_581, %parallel_loop3A_586 : vector<16xf32>
      %parallel_loop3A_606 = arith.minimumf %parallel_loop3A_581, %parallel_loop3A_586 : vector<16xf32>
      %parallel_loop3A_607 = arith.select %parallel_loop3A_604, %parallel_loop3A_588, %parallel_loop3A_583 : vector<16xi1>, vector<16xi32>
      %parallel_loop3A_608 = arith.select %parallel_loop3A_604, %parallel_loop3A_583, %parallel_loop3A_588 : vector<16xi1>, vector<16xi32>
      %parallel_loop3A_609 = arith.cmpf ogt, %parallel_loop3A_595, %parallel_loop3A_590 : vector<16xf32>
      %parallel_loop3A_610 = arith.maximumf %parallel_loop3A_590, %parallel_loop3A_595 : vector<16xf32>
      %parallel_loop3A_611 = arith.minimumf %parallel_loop3A_590, %parallel_loop3A_595 : vector<16xf32>
      %parallel_loop3A_612 = arith.select %parallel_loop3A_609, %parallel_loop3A_597, %parallel_loop3A_592 : vector<16xi1>, vector<16xi32>
      %parallel_loop3A_613 = arith.select %parallel_loop3A_609, %parallel_loop3A_592, %parallel_loop3A_597 : vector<16xi1>, vector<16xi32>
      %parallel_loop3A_614 = arith.cmpf ogt, %parallel_loop3A_596, %parallel_loop3A_591 : vector<16xf32>
      %parallel_loop3A_615 = arith.maximumf %parallel_loop3A_591, %parallel_loop3A_596 : vector<16xf32>
      %parallel_loop3A_616 = arith.minimumf %parallel_loop3A_591, %parallel_loop3A_596 : vector<16xf32>
      %parallel_loop3A_617 = arith.select %parallel_loop3A_614, %parallel_loop3A_598, %parallel_loop3A_593 : vector<16xi1>, vector<16xi32>
      %parallel_loop3A_618 = arith.select %parallel_loop3A_614, %parallel_loop3A_593, %parallel_loop3A_598 : vector<16xi1>, vector<16xi32>
      %parallel_loop3A_619 = arith.constant 24 : i32
      %parallel_loop3A_620 = arith.index_cast %parallel_loop3A_619 : i32 to index
      %parallel_loop3A_621 = arith.index_cast %parallel_loop3A_21 : i32 to index
      %parallel_loop3A_622 = tpu.vector_load %arg5[%parallel_loop3A_620, %parallel_loop3A_621] {strides = array<i32>} : memref<64x512xf32, #tpu.memory_space<vmem>>, vector<16xf32>,
      %parallel_loop3A_623 = arith.constant 25 : i32
      %parallel_loop3A_624 = arith.index_cast %parallel_loop3A_623 : i32 to index
      %parallel_loop3A_625 = arith.index_cast %parallel_loop3A_21 : i32 to index
      %parallel_loop3A_626 = tpu.vector_load %arg5[%parallel_loop3A_624, %parallel_loop3A_625] {strides = array<i32>} : memref<64x512xf32, #tpu.memory_space<vmem>>, vector<16xf32>,
      %parallel_loop3A_627 = arith.constant 26 : i32
      %parallel_loop3A_628 = arith.index_cast %parallel_loop3A_627 : i32 to index
      %parallel_loop3A_629 = arith.index_cast %parallel_loop3A_21 : i32 to index
      %parallel_loop3A_630 = tpu.vector_load %arg5[%parallel_loop3A_628, %parallel_loop3A_629] {strides = array<i32>} : memref<64x512xf32, #tpu.memory_space<vmem>>, vector<16xf32>,
      %parallel_loop3A_631 = arith.constant 27 : i32
      %parallel_loop3A_632 = arith.index_cast %parallel_loop3A_631 : i32 to index
      %parallel_loop3A_633 = arith.index_cast %parallel_loop3A_21 : i32 to index
      %parallel_loop3A_634 = tpu.vector_load %arg5[%parallel_loop3A_632, %parallel_loop3A_633] {strides = array<i32>} : memref<64x512xf32, #tpu.memory_space<vmem>>, vector<16xf32>,
      %parallel_loop3A_635 = arith.constant 28 : i32
      %parallel_loop3A_636 = arith.index_cast %parallel_loop3A_635 : i32 to index
      %parallel_loop3A_637 = arith.index_cast %parallel_loop3A_21 : i32 to index
      %parallel_loop3A_638 = tpu.vector_load %arg5[%parallel_loop3A_636, %parallel_loop3A_637] {strides = array<i32>} : memref<64x512xf32, #tpu.memory_space<vmem>>, vector<16xf32>,
      %parallel_loop3A_639 = arith.constant 29 : i32
      %parallel_loop3A_640 = arith.index_cast %parallel_loop3A_639 : i32 to index
      %parallel_loop3A_641 = arith.index_cast %parallel_loop3A_21 : i32 to index
      %parallel_loop3A_642 = tpu.vector_load %arg5[%parallel_loop3A_640, %parallel_loop3A_641] {strides = array<i32>} : memref<64x512xf32, #tpu.memory_space<vmem>>, vector<16xf32>,
      %parallel_loop3A_643 = arith.constant 30 : i32
      %parallel_loop3A_644 = arith.index_cast %parallel_loop3A_643 : i32 to index
      %parallel_loop3A_645 = arith.index_cast %parallel_loop3A_21 : i32 to index
      %parallel_loop3A_646 = tpu.vector_load %arg5[%parallel_loop3A_644, %parallel_loop3A_645] {strides = array<i32>} : memref<64x512xf32, #tpu.memory_space<vmem>>, vector<16xf32>,
      %parallel_loop3A_647 = arith.constant 31 : i32
      %parallel_loop3A_648 = arith.index_cast %parallel_loop3A_647 : i32 to index
      %parallel_loop3A_649 = arith.index_cast %parallel_loop3A_21 : i32 to index
      %parallel_loop3A_650 = tpu.vector_load %arg5[%parallel_loop3A_648, %parallel_loop3A_649] {strides = array<i32>} : memref<64x512xf32, #tpu.memory_space<vmem>>, vector<16xf32>,
      %parallel_loop3A_651 = arith.constant 24 : i32
      %parallel_loop3A_652 = vector.broadcast %parallel_loop3A_651 : i32 to vector<16xi32>
      %parallel_loop3A_653 = arith.constant 25 : i32
      %parallel_loop3A_654 = vector.broadcast %parallel_loop3A_653 : i32 to vector<16xi32>
      %parallel_loop3A_655 = arith.constant 26 : i32
      %parallel_loop3A_656 = vector.broadcast %parallel_loop3A_655 : i32 to vector<16xi32>
      %parallel_loop3A_657 = arith.constant 27 : i32
      %parallel_loop3A_658 = vector.broadcast %parallel_loop3A_657 : i32 to vector<16xi32>
      %parallel_loop3A_659 = arith.constant 28 : i32
      %parallel_loop3A_660 = vector.broadcast %parallel_loop3A_659 : i32 to vector<16xi32>
      %parallel_loop3A_661 = arith.constant 29 : i32
      %parallel_loop3A_662 = vector.broadcast %parallel_loop3A_661 : i32 to vector<16xi32>
      %parallel_loop3A_663 = arith.constant 30 : i32
      %parallel_loop3A_664 = vector.broadcast %parallel_loop3A_663 : i32 to vector<16xi32>
      %parallel_loop3A_665 = arith.constant 31 : i32
      %parallel_loop3A_666 = vector.broadcast %parallel_loop3A_665 : i32 to vector<16xi32>
      %parallel_loop3A_667 = arith.cmpf ogt, %parallel_loop3A_626, %parallel_loop3A_622 : vector<16xf32>
      %parallel_loop3A_668 = arith.maximumf %parallel_loop3A_622, %parallel_loop3A_626 : vector<16xf32>
      %parallel_loop3A_669 = arith.minimumf %parallel_loop3A_622, %parallel_loop3A_626 : vector<16xf32>
      %parallel_loop3A_670 = arith.select %parallel_loop3A_667, %parallel_loop3A_654, %parallel_loop3A_652 : vector<16xi1>, vector<16xi32>
      %parallel_loop3A_671 = arith.select %parallel_loop3A_667, %parallel_loop3A_652, %parallel_loop3A_654 : vector<16xi1>, vector<16xi32>
      %parallel_loop3A_672 = arith.cmpf ogt, %parallel_loop3A_634, %parallel_loop3A_630 : vector<16xf32>
      %parallel_loop3A_673 = arith.maximumf %parallel_loop3A_630, %parallel_loop3A_634 : vector<16xf32>
      %parallel_loop3A_674 = arith.minimumf %parallel_loop3A_630, %parallel_loop3A_634 : vector<16xf32>
      %parallel_loop3A_675 = arith.select %parallel_loop3A_672, %parallel_loop3A_658, %parallel_loop3A_656 : vector<16xi1>, vector<16xi32>
      %parallel_loop3A_676 = arith.select %parallel_loop3A_672, %parallel_loop3A_656, %parallel_loop3A_658 : vector<16xi1>, vector<16xi32>
      %parallel_loop3A_677 = arith.cmpf ogt, %parallel_loop3A_642, %parallel_loop3A_638 : vector<16xf32>
      %parallel_loop3A_678 = arith.maximumf %parallel_loop3A_638, %parallel_loop3A_642 : vector<16xf32>
      %parallel_loop3A_679 = arith.minimumf %parallel_loop3A_638, %parallel_loop3A_642 : vector<16xf32>
      %parallel_loop3A_680 = arith.select %parallel_loop3A_677, %parallel_loop3A_662, %parallel_loop3A_660 : vector<16xi1>, vector<16xi32>
      %parallel_loop3A_681 = arith.select %parallel_loop3A_677, %parallel_loop3A_660, %parallel_loop3A_662 : vector<16xi1>, vector<16xi32>
      %parallel_loop3A_682 = arith.cmpf ogt, %parallel_loop3A_650, %parallel_loop3A_646 : vector<16xf32>
      %parallel_loop3A_683 = arith.maximumf %parallel_loop3A_646, %parallel_loop3A_650 : vector<16xf32>
      %parallel_loop3A_684 = arith.minimumf %parallel_loop3A_646, %parallel_loop3A_650 : vector<16xf32>
      %parallel_loop3A_685 = arith.select %parallel_loop3A_682, %parallel_loop3A_666, %parallel_loop3A_664 : vector<16xi1>, vector<16xi32>
      %parallel_loop3A_686 = arith.select %parallel_loop3A_682, %parallel_loop3A_664, %parallel_loop3A_666 : vector<16xi1>, vector<16xi32>
      %parallel_loop3A_687 = arith.cmpf ogt, %parallel_loop3A_673, %parallel_loop3A_668 : vector<16xf32>
      %parallel_loop3A_688 = arith.maximumf %parallel_loop3A_668, %parallel_loop3A_673 : vector<16xf32>
      %parallel_loop3A_689 = arith.minimumf %parallel_loop3A_668, %parallel_loop3A_673 : vector<16xf32>
      %parallel_loop3A_690 = arith.select %parallel_loop3A_687, %parallel_loop3A_675, %parallel_loop3A_670 : vector<16xi1>, vector<16xi32>
      %parallel_loop3A_691 = arith.select %parallel_loop3A_687, %parallel_loop3A_670, %parallel_loop3A_675 : vector<16xi1>, vector<16xi32>
      %parallel_loop3A_692 = arith.cmpf ogt, %parallel_loop3A_674, %parallel_loop3A_669 : vector<16xf32>
      %parallel_loop3A_693 = arith.maximumf %parallel_loop3A_669, %parallel_loop3A_674 : vector<16xf32>
      %parallel_loop3A_694 = arith.minimumf %parallel_loop3A_669, %parallel_loop3A_674 : vector<16xf32>
      %parallel_loop3A_695 = arith.select %parallel_loop3A_692, %parallel_loop3A_676, %parallel_loop3A_671 : vector<16xi1>, vector<16xi32>
      %parallel_loop3A_696 = arith.select %parallel_loop3A_692, %parallel_loop3A_671, %parallel_loop3A_676 : vector<16xi1>, vector<16xi32>
      %parallel_loop3A_697 = arith.cmpf ogt, %parallel_loop3A_683, %parallel_loop3A_678 : vector<16xf32>
      %parallel_loop3A_698 = arith.maximumf %parallel_loop3A_678, %parallel_loop3A_683 : vector<16xf32>
      %parallel_loop3A_699 = arith.minimumf %parallel_loop3A_678, %parallel_loop3A_683 : vector<16xf32>
      %parallel_loop3A_700 = arith.select %parallel_loop3A_697, %parallel_loop3A_685, %parallel_loop3A_680 : vector<16xi1>, vector<16xi32>
      %parallel_loop3A_701 = arith.select %parallel_loop3A_697, %parallel_loop3A_680, %parallel_loop3A_685 : vector<16xi1>, vector<16xi32>
      %parallel_loop3A_702 = arith.cmpf ogt, %parallel_loop3A_684, %parallel_loop3A_679 : vector<16xf32>
      %parallel_loop3A_703 = arith.maximumf %parallel_loop3A_679, %parallel_loop3A_684 : vector<16xf32>
      %parallel_loop3A_704 = arith.minimumf %parallel_loop3A_679, %parallel_loop3A_684 : vector<16xf32>
      %parallel_loop3A_705 = arith.select %parallel_loop3A_702, %parallel_loop3A_686, %parallel_loop3A_681 : vector<16xi1>, vector<16xi32>
      %parallel_loop3A_706 = arith.select %parallel_loop3A_702, %parallel_loop3A_681, %parallel_loop3A_686 : vector<16xi1>, vector<16xi32>
      %parallel_loop3A_707 = arith.cmpf ogt, %parallel_loop3A_689, %parallel_loop3A_693 : vector<16xf32>
      %parallel_loop3A_708 = arith.maximumf %parallel_loop3A_693, %parallel_loop3A_689 : vector<16xf32>
      %parallel_loop3A_709 = arith.minimumf %parallel_loop3A_693, %parallel_loop3A_689 : vector<16xf32>
      %parallel_loop3A_710 = arith.select %parallel_loop3A_707, %parallel_loop3A_691, %parallel_loop3A_695 : vector<16xi1>, vector<16xi32>
      %parallel_loop3A_711 = arith.select %parallel_loop3A_707, %parallel_loop3A_695, %parallel_loop3A_691 : vector<16xi1>, vector<16xi32>
      %parallel_loop3A_712 = arith.cmpf ogt, %parallel_loop3A_699, %parallel_loop3A_703 : vector<16xf32>
      %parallel_loop3A_713 = arith.maximumf %parallel_loop3A_703, %parallel_loop3A_699 : vector<16xf32>
      %parallel_loop3A_714 = arith.minimumf %parallel_loop3A_703, %parallel_loop3A_699 : vector<16xf32>
      %parallel_loop3A_715 = arith.select %parallel_loop3A_712, %parallel_loop3A_701, %parallel_loop3A_705 : vector<16xi1>, vector<16xi32>
      %parallel_loop3A_716 = arith.select %parallel_loop3A_712, %parallel_loop3A_705, %parallel_loop3A_701 : vector<16xi1>, vector<16xi32>
      %parallel_loop3A_717 = arith.cmpf ogt, %parallel_loop3A_698, %parallel_loop3A_688 : vector<16xf32>
      %parallel_loop3A_718 = arith.maximumf %parallel_loop3A_688, %parallel_loop3A_698 : vector<16xf32>
      %parallel_loop3A_719 = arith.minimumf %parallel_loop3A_688, %parallel_loop3A_698 : vector<16xf32>
      %parallel_loop3A_720 = arith.select %parallel_loop3A_717, %parallel_loop3A_700, %parallel_loop3A_690 : vector<16xi1>, vector<16xi32>
      %parallel_loop3A_721 = arith.select %parallel_loop3A_717, %parallel_loop3A_690, %parallel_loop3A_700 : vector<16xi1>, vector<16xi32>
      %parallel_loop3A_722 = arith.cmpf ogt, %parallel_loop3A_713, %parallel_loop3A_708 : vector<16xf32>
      %parallel_loop3A_723 = arith.maximumf %parallel_loop3A_708, %parallel_loop3A_713 : vector<16xf32>
      %parallel_loop3A_724 = arith.minimumf %parallel_loop3A_708, %parallel_loop3A_713 : vector<16xf32>
      %parallel_loop3A_725 = arith.select %parallel_loop3A_722, %parallel_loop3A_715, %parallel_loop3A_710 : vector<16xi1>, vector<16xi32>
      %parallel_loop3A_726 = arith.select %parallel_loop3A_722, %parallel_loop3A_710, %parallel_loop3A_715 : vector<16xi1>, vector<16xi32>
      %parallel_loop3A_727 = arith.cmpf ogt, %parallel_loop3A_714, %parallel_loop3A_709 : vector<16xf32>
      %parallel_loop3A_728 = arith.maximumf %parallel_loop3A_709, %parallel_loop3A_714 : vector<16xf32>
      %parallel_loop3A_729 = arith.minimumf %parallel_loop3A_709, %parallel_loop3A_714 : vector<16xf32>
      %parallel_loop3A_730 = arith.select %parallel_loop3A_727, %parallel_loop3A_716, %parallel_loop3A_711 : vector<16xi1>, vector<16xi32>
      %parallel_loop3A_731 = arith.select %parallel_loop3A_727, %parallel_loop3A_711, %parallel_loop3A_716 : vector<16xi1>, vector<16xi32>
      %parallel_loop3A_732 = arith.cmpf ogt, %parallel_loop3A_704, %parallel_loop3A_694 : vector<16xf32>
      %parallel_loop3A_733 = arith.maximumf %parallel_loop3A_694, %parallel_loop3A_704 : vector<16xf32>
      %parallel_loop3A_734 = arith.minimumf %parallel_loop3A_694, %parallel_loop3A_704 : vector<16xf32>
      %parallel_loop3A_735 = arith.select %parallel_loop3A_732, %parallel_loop3A_706, %parallel_loop3A_696 : vector<16xi1>, vector<16xi32>
      %parallel_loop3A_736 = arith.select %parallel_loop3A_732, %parallel_loop3A_696, %parallel_loop3A_706 : vector<16xi1>, vector<16xi32>
      %parallel_loop3A_737 = arith.cmpf ogt, %parallel_loop3A_719, %parallel_loop3A_728 : vector<16xf32>
      %parallel_loop3A_738 = arith.maximumf %parallel_loop3A_728, %parallel_loop3A_719 : vector<16xf32>
      %parallel_loop3A_739 = arith.minimumf %parallel_loop3A_728, %parallel_loop3A_719 : vector<16xf32>
      %parallel_loop3A_740 = arith.select %parallel_loop3A_737, %parallel_loop3A_721, %parallel_loop3A_730 : vector<16xi1>, vector<16xi32>
      %parallel_loop3A_741 = arith.select %parallel_loop3A_737, %parallel_loop3A_730, %parallel_loop3A_721 : vector<16xi1>, vector<16xi32>
      %parallel_loop3A_742 = arith.cmpf ogt, %parallel_loop3A_724, %parallel_loop3A_733 : vector<16xf32>
      %parallel_loop3A_743 = arith.maximumf %parallel_loop3A_733, %parallel_loop3A_724 : vector<16xf32>
      %parallel_loop3A_744 = arith.minimumf %parallel_loop3A_733, %parallel_loop3A_724 : vector<16xf32>
      %parallel_loop3A_745 = arith.select %parallel_loop3A_742, %parallel_loop3A_726, %parallel_loop3A_735 : vector<16xi1>, vector<16xi32>
      %parallel_loop3A_746 = arith.select %parallel_loop3A_742, %parallel_loop3A_735, %parallel_loop3A_726 : vector<16xi1>, vector<16xi32>
      %parallel_loop3A_747 = arith.cmpf ogt, %parallel_loop3A_738, %parallel_loop3A_723 : vector<16xf32>
      %parallel_loop3A_748 = arith.maximumf %parallel_loop3A_723, %parallel_loop3A_738 : vector<16xf32>
      %parallel_loop3A_749 = arith.minimumf %parallel_loop3A_723, %parallel_loop3A_738 : vector<16xf32>
      %parallel_loop3A_750 = arith.select %parallel_loop3A_747, %parallel_loop3A_740, %parallel_loop3A_725 : vector<16xi1>, vector<16xi32>
      %parallel_loop3A_751 = arith.select %parallel_loop3A_747, %parallel_loop3A_725, %parallel_loop3A_740 : vector<16xi1>, vector<16xi32>
      %parallel_loop3A_752 = arith.cmpf ogt, %parallel_loop3A_739, %parallel_loop3A_743 : vector<16xf32>
      %parallel_loop3A_753 = arith.maximumf %parallel_loop3A_743, %parallel_loop3A_739 : vector<16xf32>
      %parallel_loop3A_754 = arith.minimumf %parallel_loop3A_743, %parallel_loop3A_739 : vector<16xf32>
      %parallel_loop3A_755 = arith.select %parallel_loop3A_752, %parallel_loop3A_741, %parallel_loop3A_745 : vector<16xi1>, vector<16xi32>
      %parallel_loop3A_756 = arith.select %parallel_loop3A_752, %parallel_loop3A_745, %parallel_loop3A_741 : vector<16xi1>, vector<16xi32>
      %parallel_loop3A_757 = arith.cmpf ogt, %parallel_loop3A_729, %parallel_loop3A_744 : vector<16xf32>
      %parallel_loop3A_758 = arith.maximumf %parallel_loop3A_744, %parallel_loop3A_729 : vector<16xf32>
      %parallel_loop3A_759 = arith.minimumf %parallel_loop3A_744, %parallel_loop3A_729 : vector<16xf32>
      %parallel_loop3A_760 = arith.select %parallel_loop3A_757, %parallel_loop3A_731, %parallel_loop3A_746 : vector<16xi1>, vector<16xi32>
      %parallel_loop3A_761 = arith.select %parallel_loop3A_757, %parallel_loop3A_746, %parallel_loop3A_731 : vector<16xi1>, vector<16xi32>
      %parallel_loop3A_762 = arith.cmpf ogt, %parallel_loop3A_734, %parallel_loop3A_600 : vector<16xf32>
      %parallel_loop3A_763 = arith.select %parallel_loop3A_762, %parallel_loop3A_734, %parallel_loop3A_600 : vector<16xi1>, vector<16xf32>
      %parallel_loop3A_764 = arith.select %parallel_loop3A_762, %parallel_loop3A_736, %parallel_loop3A_602 : vector<16xi1>, vector<16xi32>
      %parallel_loop3A_765 = arith.cmpf ogt, %parallel_loop3A_759, %parallel_loop3A_601 : vector<16xf32>
      %parallel_loop3A_766 = arith.select %parallel_loop3A_765, %parallel_loop3A_759, %parallel_loop3A_601 : vector<16xi1>, vector<16xf32>
      %parallel_loop3A_767 = arith.select %parallel_loop3A_765, %parallel_loop3A_761, %parallel_loop3A_603 : vector<16xi1>, vector<16xi32>
      %parallel_loop3A_768 = arith.cmpf ogt, %parallel_loop3A_758, %parallel_loop3A_605 : vector<16xf32>
      %parallel_loop3A_769 = arith.select %parallel_loop3A_768, %parallel_loop3A_758, %parallel_loop3A_605 : vector<16xi1>, vector<16xf32>
      %parallel_loop3A_770 = arith.select %parallel_loop3A_768, %parallel_loop3A_760, %parallel_loop3A_607 : vector<16xi1>, vector<16xi32>
      %parallel_loop3A_771 = arith.cmpf ogt, %parallel_loop3A_754, %parallel_loop3A_606 : vector<16xf32>
      %parallel_loop3A_772 = arith.select %parallel_loop3A_771, %parallel_loop3A_754, %parallel_loop3A_606 : vector<16xi1>, vector<16xf32>
      %parallel_loop3A_773 = arith.select %parallel_loop3A_771, %parallel_loop3A_756, %parallel_loop3A_608 : vector<16xi1>, vector<16xi32>
      %parallel_loop3A_774 = arith.cmpf ogt, %parallel_loop3A_753, %parallel_loop3A_610 : vector<16xf32>
      %parallel_loop3A_775 = arith.select %parallel_loop3A_774, %parallel_loop3A_753, %parallel_loop3A_610 : vector<16xi1>, vector<16xf32>
      %parallel_loop3A_776 = arith.select %parallel_loop3A_774, %parallel_loop3A_755, %parallel_loop3A_612 : vector<16xi1>, vector<16xi32>
      %parallel_loop3A_777 = arith.cmpf ogt, %parallel_loop3A_749, %parallel_loop3A_611 : vector<16xf32>
      %parallel_loop3A_778 = arith.select %parallel_loop3A_777, %parallel_loop3A_749, %parallel_loop3A_611 : vector<16xi1>, vector<16xf32>
      %parallel_loop3A_779 = arith.select %parallel_loop3A_777, %parallel_loop3A_751, %parallel_loop3A_613 : vector<16xi1>, vector<16xi32>
      %parallel_loop3A_780 = arith.cmpf ogt, %parallel_loop3A_748, %parallel_loop3A_615 : vector<16xf32>
      %parallel_loop3A_781 = arith.select %parallel_loop3A_780, %parallel_loop3A_748, %parallel_loop3A_615 : vector<16xi1>, vector<16xf32>
      %parallel_loop3A_782 = arith.select %parallel_loop3A_780, %parallel_loop3A_750, %parallel_loop3A_617 : vector<16xi1>, vector<16xi32>
      %parallel_loop3A_783 = arith.cmpf ogt, %parallel_loop3A_718, %parallel_loop3A_616 : vector<16xf32>
      %parallel_loop3A_784 = arith.select %parallel_loop3A_783, %parallel_loop3A_718, %parallel_loop3A_616 : vector<16xi1>, vector<16xf32>
      %parallel_loop3A_785 = arith.select %parallel_loop3A_783, %parallel_loop3A_720, %parallel_loop3A_618 : vector<16xi1>, vector<16xi32>
      %parallel_loop3A_786 = arith.cmpf ogt, %parallel_loop3A_775, %parallel_loop3A_763 : vector<16xf32>
      %parallel_loop3A_787 = arith.maximumf %parallel_loop3A_763, %parallel_loop3A_775 : vector<16xf32>
      %parallel_loop3A_788 = arith.minimumf %parallel_loop3A_763, %parallel_loop3A_775 : vector<16xf32>
      %parallel_loop3A_789 = arith.select %parallel_loop3A_786, %parallel_loop3A_776, %parallel_loop3A_764 : vector<16xi1>, vector<16xi32>
      %parallel_loop3A_790 = arith.select %parallel_loop3A_786, %parallel_loop3A_764, %parallel_loop3A_776 : vector<16xi1>, vector<16xi32>
      %parallel_loop3A_791 = arith.cmpf ogt, %parallel_loop3A_778, %parallel_loop3A_766 : vector<16xf32>
      %parallel_loop3A_792 = arith.maximumf %parallel_loop3A_766, %parallel_loop3A_778 : vector<16xf32>
      %parallel_loop3A_793 = arith.minimumf %parallel_loop3A_766, %parallel_loop3A_778 : vector<16xf32>
      %parallel_loop3A_794 = arith.select %parallel_loop3A_791, %parallel_loop3A_779, %parallel_loop3A_767 : vector<16xi1>, vector<16xi32>
      %parallel_loop3A_795 = arith.select %parallel_loop3A_791, %parallel_loop3A_767, %parallel_loop3A_779 : vector<16xi1>, vector<16xi32>
      %parallel_loop3A_796 = arith.cmpf ogt, %parallel_loop3A_781, %parallel_loop3A_769 : vector<16xf32>
      %parallel_loop3A_797 = arith.maximumf %parallel_loop3A_769, %parallel_loop3A_781 : vector<16xf32>
      %parallel_loop3A_798 = arith.minimumf %parallel_loop3A_769, %parallel_loop3A_781 : vector<16xf32>
      %parallel_loop3A_799 = arith.select %parallel_loop3A_796, %parallel_loop3A_782, %parallel_loop3A_770 : vector<16xi1>, vector<16xi32>
      %parallel_loop3A_800 = arith.select %parallel_loop3A_796, %parallel_loop3A_770, %parallel_loop3A_782 : vector<16xi1>, vector<16xi32>
      %parallel_loop3A_801 = arith.cmpf ogt, %parallel_loop3A_784, %parallel_loop3A_772 : vector<16xf32>
      %parallel_loop3A_802 = arith.maximumf %parallel_loop3A_772, %parallel_loop3A_784 : vector<16xf32>
      %parallel_loop3A_803 = arith.minimumf %parallel_loop3A_772, %parallel_loop3A_784 : vector<16xf32>
      %parallel_loop3A_804 = arith.select %parallel_loop3A_801, %parallel_loop3A_785, %parallel_loop3A_773 : vector<16xi1>, vector<16xi32>
      %parallel_loop3A_805 = arith.select %parallel_loop3A_801, %parallel_loop3A_773, %parallel_loop3A_785 : vector<16xi1>, vector<16xi32>
      %parallel_loop3A_806 = arith.cmpf ogt, %parallel_loop3A_797, %parallel_loop3A_787 : vector<16xf32>
      %parallel_loop3A_807 = arith.maximumf %parallel_loop3A_787, %parallel_loop3A_797 : vector<16xf32>
      %parallel_loop3A_808 = arith.minimumf %parallel_loop3A_787, %parallel_loop3A_797 : vector<16xf32>
      %parallel_loop3A_809 = arith.select %parallel_loop3A_806, %parallel_loop3A_799, %parallel_loop3A_789 : vector<16xi1>, vector<16xi32>
      %parallel_loop3A_810 = arith.select %parallel_loop3A_806, %parallel_loop3A_789, %parallel_loop3A_799 : vector<16xi1>, vector<16xi32>
      %parallel_loop3A_811 = arith.cmpf ogt, %parallel_loop3A_802, %parallel_loop3A_792 : vector<16xf32>
      %parallel_loop3A_812 = arith.maximumf %parallel_loop3A_792, %parallel_loop3A_802 : vector<16xf32>
      %parallel_loop3A_813 = arith.minimumf %parallel_loop3A_792, %parallel_loop3A_802 : vector<16xf32>
      %parallel_loop3A_814 = arith.select %parallel_loop3A_811, %parallel_loop3A_804, %parallel_loop3A_794 : vector<16xi1>, vector<16xi32>
      %parallel_loop3A_815 = arith.select %parallel_loop3A_811, %parallel_loop3A_794, %parallel_loop3A_804 : vector<16xi1>, vector<16xi32>
      %parallel_loop3A_816 = arith.cmpf ogt, %parallel_loop3A_798, %parallel_loop3A_788 : vector<16xf32>
      %parallel_loop3A_817 = arith.maximumf %parallel_loop3A_788, %parallel_loop3A_798 : vector<16xf32>
      %parallel_loop3A_818 = arith.minimumf %parallel_loop3A_788, %parallel_loop3A_798 : vector<16xf32>
      %parallel_loop3A_819 = arith.select %parallel_loop3A_816, %parallel_loop3A_800, %parallel_loop3A_790 : vector<16xi1>, vector<16xi32>
      %parallel_loop3A_820 = arith.select %parallel_loop3A_816, %parallel_loop3A_790, %parallel_loop3A_800 : vector<16xi1>, vector<16xi32>
      %parallel_loop3A_821 = arith.cmpf ogt, %parallel_loop3A_803, %parallel_loop3A_793 : vector<16xf32>
      %parallel_loop3A_822 = arith.maximumf %parallel_loop3A_793, %parallel_loop3A_803 : vector<16xf32>
      %parallel_loop3A_823 = arith.minimumf %parallel_loop3A_793, %parallel_loop3A_803 : vector<16xf32>
      %parallel_loop3A_824 = arith.select %parallel_loop3A_821, %parallel_loop3A_805, %parallel_loop3A_795 : vector<16xi1>, vector<16xi32>
      %parallel_loop3A_825 = arith.select %parallel_loop3A_821, %parallel_loop3A_795, %parallel_loop3A_805 : vector<16xi1>, vector<16xi32>
      %parallel_loop3A_826 = arith.cmpf ogt, %parallel_loop3A_812, %parallel_loop3A_807 : vector<16xf32>
      %parallel_loop3A_827 = arith.maximumf %parallel_loop3A_807, %parallel_loop3A_812 : vector<16xf32>
      %parallel_loop3A_828 = arith.minimumf %parallel_loop3A_807, %parallel_loop3A_812 : vector<16xf32>
      %parallel_loop3A_829 = arith.select %parallel_loop3A_826, %parallel_loop3A_814, %parallel_loop3A_809 : vector<16xi1>, vector<16xi32>
      %parallel_loop3A_830 = arith.select %parallel_loop3A_826, %parallel_loop3A_809, %parallel_loop3A_814 : vector<16xi1>, vector<16xi32>
      %parallel_loop3A_831 = arith.cmpf ogt, %parallel_loop3A_813, %parallel_loop3A_808 : vector<16xf32>
      %parallel_loop3A_832 = arith.maximumf %parallel_loop3A_808, %parallel_loop3A_813 : vector<16xf32>
      %parallel_loop3A_833 = arith.minimumf %parallel_loop3A_808, %parallel_loop3A_813 : vector<16xf32>
      %parallel_loop3A_834 = arith.select %parallel_loop3A_831, %parallel_loop3A_815, %parallel_loop3A_810 : vector<16xi1>, vector<16xi32>
      %parallel_loop3A_835 = arith.select %parallel_loop3A_831, %parallel_loop3A_810, %parallel_loop3A_815 : vector<16xi1>, vector<16xi32>
      %parallel_loop3A_836 = arith.cmpf ogt, %parallel_loop3A_822, %parallel_loop3A_817 : vector<16xf32>
      %parallel_loop3A_837 = arith.maximumf %parallel_loop3A_817, %parallel_loop3A_822 : vector<16xf32>
      %parallel_loop3A_838 = arith.minimumf %parallel_loop3A_817, %parallel_loop3A_822 : vector<16xf32>
      %parallel_loop3A_839 = arith.select %parallel_loop3A_836, %parallel_loop3A_824, %parallel_loop3A_819 : vector<16xi1>, vector<16xi32>
      %parallel_loop3A_840 = arith.select %parallel_loop3A_836, %parallel_loop3A_819, %parallel_loop3A_824 : vector<16xi1>, vector<16xi32>
      %parallel_loop3A_841 = arith.cmpf ogt, %parallel_loop3A_823, %parallel_loop3A_818 : vector<16xf32>
      %parallel_loop3A_842 = arith.maximumf %parallel_loop3A_818, %parallel_loop3A_823 : vector<16xf32>
      %parallel_loop3A_843 = arith.minimumf %parallel_loop3A_818, %parallel_loop3A_823 : vector<16xf32>
      %parallel_loop3A_844 = arith.select %parallel_loop3A_841, %parallel_loop3A_825, %parallel_loop3A_820 : vector<16xi1>, vector<16xi32>
      %parallel_loop3A_845 = arith.select %parallel_loop3A_841, %parallel_loop3A_820, %parallel_loop3A_825 : vector<16xi1>, vector<16xi32>
      %parallel_loop3A_846 = arith.constant 32 : i32
      %parallel_loop3A_847 = arith.index_cast %parallel_loop3A_846 : i32 to index
      %parallel_loop3A_848 = arith.index_cast %parallel_loop3A_21 : i32 to index
      %parallel_loop3A_849 = tpu.vector_load %arg5[%parallel_loop3A_847, %parallel_loop3A_848] {strides = array<i32>} : memref<64x512xf32, #tpu.memory_space<vmem>>, vector<16xf32>,
      %parallel_loop3A_850 = arith.constant 33 : i32
      %parallel_loop3A_851 = arith.index_cast %parallel_loop3A_850 : i32 to index
      %parallel_loop3A_852 = arith.index_cast %parallel_loop3A_21 : i32 to index
      %parallel_loop3A_853 = tpu.vector_load %arg5[%parallel_loop3A_851, %parallel_loop3A_852] {strides = array<i32>} : memref<64x512xf32, #tpu.memory_space<vmem>>, vector<16xf32>,
      %parallel_loop3A_854 = arith.constant 34 : i32
      %parallel_loop3A_855 = arith.index_cast %parallel_loop3A_854 : i32 to index
      %parallel_loop3A_856 = arith.index_cast %parallel_loop3A_21 : i32 to index
      %parallel_loop3A_857 = tpu.vector_load %arg5[%parallel_loop3A_855, %parallel_loop3A_856] {strides = array<i32>} : memref<64x512xf32, #tpu.memory_space<vmem>>, vector<16xf32>,
      %parallel_loop3A_858 = arith.constant 35 : i32
      %parallel_loop3A_859 = arith.index_cast %parallel_loop3A_858 : i32 to index
      %parallel_loop3A_860 = arith.index_cast %parallel_loop3A_21 : i32 to index
      %parallel_loop3A_861 = tpu.vector_load %arg5[%parallel_loop3A_859, %parallel_loop3A_860] {strides = array<i32>} : memref<64x512xf32, #tpu.memory_space<vmem>>, vector<16xf32>,
      %parallel_loop3A_862 = arith.constant 36 : i32
      %parallel_loop3A_863 = arith.index_cast %parallel_loop3A_862 : i32 to index
      %parallel_loop3A_864 = arith.index_cast %parallel_loop3A_21 : i32 to index
      %parallel_loop3A_865 = tpu.vector_load %arg5[%parallel_loop3A_863, %parallel_loop3A_864] {strides = array<i32>} : memref<64x512xf32, #tpu.memory_space<vmem>>, vector<16xf32>,
      %parallel_loop3A_866 = arith.constant 37 : i32
      %parallel_loop3A_867 = arith.index_cast %parallel_loop3A_866 : i32 to index
      %parallel_loop3A_868 = arith.index_cast %parallel_loop3A_21 : i32 to index
      %parallel_loop3A_869 = tpu.vector_load %arg5[%parallel_loop3A_867, %parallel_loop3A_868] {strides = array<i32>} : memref<64x512xf32, #tpu.memory_space<vmem>>, vector<16xf32>,
      %parallel_loop3A_870 = arith.constant 38 : i32
      %parallel_loop3A_871 = arith.index_cast %parallel_loop3A_870 : i32 to index
      %parallel_loop3A_872 = arith.index_cast %parallel_loop3A_21 : i32 to index
      %parallel_loop3A_873 = tpu.vector_load %arg5[%parallel_loop3A_871, %parallel_loop3A_872] {strides = array<i32>} : memref<64x512xf32, #tpu.memory_space<vmem>>, vector<16xf32>,
      %parallel_loop3A_874 = arith.constant 39 : i32
      %parallel_loop3A_875 = arith.index_cast %parallel_loop3A_874 : i32 to index
      %parallel_loop3A_876 = arith.index_cast %parallel_loop3A_21 : i32 to index
      %parallel_loop3A_877 = tpu.vector_load %arg5[%parallel_loop3A_875, %parallel_loop3A_876] {strides = array<i32>} : memref<64x512xf32, #tpu.memory_space<vmem>>, vector<16xf32>,
      %parallel_loop3A_878 = arith.constant 32 : i32
      %parallel_loop3A_879 = vector.broadcast %parallel_loop3A_878 : i32 to vector<16xi32>
      %parallel_loop3A_880 = arith.constant 33 : i32
      %parallel_loop3A_881 = vector.broadcast %parallel_loop3A_880 : i32 to vector<16xi32>
      %parallel_loop3A_882 = arith.constant 34 : i32
      %parallel_loop3A_883 = vector.broadcast %parallel_loop3A_882 : i32 to vector<16xi32>
      %parallel_loop3A_884 = arith.constant 35 : i32
      %parallel_loop3A_885 = vector.broadcast %parallel_loop3A_884 : i32 to vector<16xi32>
      %parallel_loop3A_886 = arith.constant 36 : i32
      %parallel_loop3A_887 = vector.broadcast %parallel_loop3A_886 : i32 to vector<16xi32>
      %parallel_loop3A_888 = arith.constant 37 : i32
      %parallel_loop3A_889 = vector.broadcast %parallel_loop3A_888 : i32 to vector<16xi32>
      %parallel_loop3A_890 = arith.constant 38 : i32
      %parallel_loop3A_891 = vector.broadcast %parallel_loop3A_890 : i32 to vector<16xi32>
      %parallel_loop3A_892 = arith.constant 39 : i32
      %parallel_loop3A_893 = vector.broadcast %parallel_loop3A_892 : i32 to vector<16xi32>
      %parallel_loop3A_894 = arith.cmpf ogt, %parallel_loop3A_853, %parallel_loop3A_849 : vector<16xf32>
      %parallel_loop3A_895 = arith.maximumf %parallel_loop3A_849, %parallel_loop3A_853 : vector<16xf32>
      %parallel_loop3A_896 = arith.minimumf %parallel_loop3A_849, %parallel_loop3A_853 : vector<16xf32>
      %parallel_loop3A_897 = arith.select %parallel_loop3A_894, %parallel_loop3A_881, %parallel_loop3A_879 : vector<16xi1>, vector<16xi32>
      %parallel_loop3A_898 = arith.select %parallel_loop3A_894, %parallel_loop3A_879, %parallel_loop3A_881 : vector<16xi1>, vector<16xi32>
      %parallel_loop3A_899 = arith.cmpf ogt, %parallel_loop3A_861, %parallel_loop3A_857 : vector<16xf32>
      %parallel_loop3A_900 = arith.maximumf %parallel_loop3A_857, %parallel_loop3A_861 : vector<16xf32>
      %parallel_loop3A_901 = arith.minimumf %parallel_loop3A_857, %parallel_loop3A_861 : vector<16xf32>
      %parallel_loop3A_902 = arith.select %parallel_loop3A_899, %parallel_loop3A_885, %parallel_loop3A_883 : vector<16xi1>, vector<16xi32>
      %parallel_loop3A_903 = arith.select %parallel_loop3A_899, %parallel_loop3A_883, %parallel_loop3A_885 : vector<16xi1>, vector<16xi32>
      %parallel_loop3A_904 = arith.cmpf ogt, %parallel_loop3A_869, %parallel_loop3A_865 : vector<16xf32>
      %parallel_loop3A_905 = arith.maximumf %parallel_loop3A_865, %parallel_loop3A_869 : vector<16xf32>
      %parallel_loop3A_906 = arith.minimumf %parallel_loop3A_865, %parallel_loop3A_869 : vector<16xf32>
      %parallel_loop3A_907 = arith.select %parallel_loop3A_904, %parallel_loop3A_889, %parallel_loop3A_887 : vector<16xi1>, vector<16xi32>
      %parallel_loop3A_908 = arith.select %parallel_loop3A_904, %parallel_loop3A_887, %parallel_loop3A_889 : vector<16xi1>, vector<16xi32>
      %parallel_loop3A_909 = arith.cmpf ogt, %parallel_loop3A_877, %parallel_loop3A_873 : vector<16xf32>
      %parallel_loop3A_910 = arith.maximumf %parallel_loop3A_873, %parallel_loop3A_877 : vector<16xf32>
      %parallel_loop3A_911 = arith.minimumf %parallel_loop3A_873, %parallel_loop3A_877 : vector<16xf32>
      %parallel_loop3A_912 = arith.select %parallel_loop3A_909, %parallel_loop3A_893, %parallel_loop3A_891 : vector<16xi1>, vector<16xi32>
      %parallel_loop3A_913 = arith.select %parallel_loop3A_909, %parallel_loop3A_891, %parallel_loop3A_893 : vector<16xi1>, vector<16xi32>
      %parallel_loop3A_914 = arith.cmpf ogt, %parallel_loop3A_900, %parallel_loop3A_895 : vector<16xf32>
      %parallel_loop3A_915 = arith.maximumf %parallel_loop3A_895, %parallel_loop3A_900 : vector<16xf32>
      %parallel_loop3A_916 = arith.minimumf %parallel_loop3A_895, %parallel_loop3A_900 : vector<16xf32>
      %parallel_loop3A_917 = arith.select %parallel_loop3A_914, %parallel_loop3A_902, %parallel_loop3A_897 : vector<16xi1>, vector<16xi32>
      %parallel_loop3A_918 = arith.select %parallel_loop3A_914, %parallel_loop3A_897, %parallel_loop3A_902 : vector<16xi1>, vector<16xi32>
      %parallel_loop3A_919 = arith.cmpf ogt, %parallel_loop3A_901, %parallel_loop3A_896 : vector<16xf32>
      %parallel_loop3A_920 = arith.maximumf %parallel_loop3A_896, %parallel_loop3A_901 : vector<16xf32>
      %parallel_loop3A_921 = arith.minimumf %parallel_loop3A_896, %parallel_loop3A_901 : vector<16xf32>
      %parallel_loop3A_922 = arith.select %parallel_loop3A_919, %parallel_loop3A_903, %parallel_loop3A_898 : vector<16xi1>, vector<16xi32>
      %parallel_loop3A_923 = arith.select %parallel_loop3A_919, %parallel_loop3A_898, %parallel_loop3A_903 : vector<16xi1>, vector<16xi32>
      %parallel_loop3A_924 = arith.cmpf ogt, %parallel_loop3A_910, %parallel_loop3A_905 : vector<16xf32>
      %parallel_loop3A_925 = arith.maximumf %parallel_loop3A_905, %parallel_loop3A_910 : vector<16xf32>
      %parallel_loop3A_926 = arith.minimumf %parallel_loop3A_905, %parallel_loop3A_910 : vector<16xf32>
      %parallel_loop3A_927 = arith.select %parallel_loop3A_924, %parallel_loop3A_912, %parallel_loop3A_907 : vector<16xi1>, vector<16xi32>
      %parallel_loop3A_928 = arith.select %parallel_loop3A_924, %parallel_loop3A_907, %parallel_loop3A_912 : vector<16xi1>, vector<16xi32>
      %parallel_loop3A_929 = arith.cmpf ogt, %parallel_loop3A_911, %parallel_loop3A_906 : vector<16xf32>
      %parallel_loop3A_930 = arith.maximumf %parallel_loop3A_906, %parallel_loop3A_911 : vector<16xf32>
      %parallel_loop3A_931 = arith.minimumf %parallel_loop3A_906, %parallel_loop3A_911 : vector<16xf32>
      %parallel_loop3A_932 = arith.select %parallel_loop3A_929, %parallel_loop3A_913, %parallel_loop3A_908 : vector<16xi1>, vector<16xi32>
      %parallel_loop3A_933 = arith.select %parallel_loop3A_929, %parallel_loop3A_908, %parallel_loop3A_913 : vector<16xi1>, vector<16xi32>
      %parallel_loop3A_934 = arith.cmpf ogt, %parallel_loop3A_916, %parallel_loop3A_920 : vector<16xf32>
      %parallel_loop3A_935 = arith.maximumf %parallel_loop3A_920, %parallel_loop3A_916 : vector<16xf32>
      %parallel_loop3A_936 = arith.minimumf %parallel_loop3A_920, %parallel_loop3A_916 : vector<16xf32>
      %parallel_loop3A_937 = arith.select %parallel_loop3A_934, %parallel_loop3A_918, %parallel_loop3A_922 : vector<16xi1>, vector<16xi32>
      %parallel_loop3A_938 = arith.select %parallel_loop3A_934, %parallel_loop3A_922, %parallel_loop3A_918 : vector<16xi1>, vector<16xi32>
      %parallel_loop3A_939 = arith.cmpf ogt, %parallel_loop3A_926, %parallel_loop3A_930 : vector<16xf32>
      %parallel_loop3A_940 = arith.maximumf %parallel_loop3A_930, %parallel_loop3A_926 : vector<16xf32>
      %parallel_loop3A_941 = arith.minimumf %parallel_loop3A_930, %parallel_loop3A_926 : vector<16xf32>
      %parallel_loop3A_942 = arith.select %parallel_loop3A_939, %parallel_loop3A_928, %parallel_loop3A_932 : vector<16xi1>, vector<16xi32>
      %parallel_loop3A_943 = arith.select %parallel_loop3A_939, %parallel_loop3A_932, %parallel_loop3A_928 : vector<16xi1>, vector<16xi32>
      %parallel_loop3A_944 = arith.cmpf ogt, %parallel_loop3A_925, %parallel_loop3A_915 : vector<16xf32>
      %parallel_loop3A_945 = arith.maximumf %parallel_loop3A_915, %parallel_loop3A_925 : vector<16xf32>
      %parallel_loop3A_946 = arith.minimumf %parallel_loop3A_915, %parallel_loop3A_925 : vector<16xf32>
      %parallel_loop3A_947 = arith.select %parallel_loop3A_944, %parallel_loop3A_927, %parallel_loop3A_917 : vector<16xi1>, vector<16xi32>
      %parallel_loop3A_948 = arith.select %parallel_loop3A_944, %parallel_loop3A_917, %parallel_loop3A_927 : vector<16xi1>, vector<16xi32>
      %parallel_loop3A_949 = arith.cmpf ogt, %parallel_loop3A_940, %parallel_loop3A_935 : vector<16xf32>
      %parallel_loop3A_950 = arith.maximumf %parallel_loop3A_935, %parallel_loop3A_940 : vector<16xf32>
      %parallel_loop3A_951 = arith.minimumf %parallel_loop3A_935, %parallel_loop3A_940 : vector<16xf32>
      %parallel_loop3A_952 = arith.select %parallel_loop3A_949, %parallel_loop3A_942, %parallel_loop3A_937 : vector<16xi1>, vector<16xi32>
      %parallel_loop3A_953 = arith.select %parallel_loop3A_949, %parallel_loop3A_937, %parallel_loop3A_942 : vector<16xi1>, vector<16xi32>
      %parallel_loop3A_954 = arith.cmpf ogt, %parallel_loop3A_941, %parallel_loop3A_936 : vector<16xf32>
      %parallel_loop3A_955 = arith.maximumf %parallel_loop3A_936, %parallel_loop3A_941 : vector<16xf32>
      %parallel_loop3A_956 = arith.minimumf %parallel_loop3A_936, %parallel_loop3A_941 : vector<16xf32>
      %parallel_loop3A_957 = arith.select %parallel_loop3A_954, %parallel_loop3A_943, %parallel_loop3A_938 : vector<16xi1>, vector<16xi32>
      %parallel_loop3A_958 = arith.select %parallel_loop3A_954, %parallel_loop3A_938, %parallel_loop3A_943 : vector<16xi1>, vector<16xi32>
      %parallel_loop3A_959 = arith.cmpf ogt, %parallel_loop3A_931, %parallel_loop3A_921 : vector<16xf32>
      %parallel_loop3A_960 = arith.maximumf %parallel_loop3A_921, %parallel_loop3A_931 : vector<16xf32>
      %parallel_loop3A_961 = arith.minimumf %parallel_loop3A_921, %parallel_loop3A_931 : vector<16xf32>
      %parallel_loop3A_962 = arith.select %parallel_loop3A_959, %parallel_loop3A_933, %parallel_loop3A_923 : vector<16xi1>, vector<16xi32>
      %parallel_loop3A_963 = arith.select %parallel_loop3A_959, %parallel_loop3A_923, %parallel_loop3A_933 : vector<16xi1>, vector<16xi32>
      %parallel_loop3A_964 = arith.cmpf ogt, %parallel_loop3A_946, %parallel_loop3A_955 : vector<16xf32>
      %parallel_loop3A_965 = arith.maximumf %parallel_loop3A_955, %parallel_loop3A_946 : vector<16xf32>
      %parallel_loop3A_966 = arith.minimumf %parallel_loop3A_955, %parallel_loop3A_946 : vector<16xf32>
      %parallel_loop3A_967 = arith.select %parallel_loop3A_964, %parallel_loop3A_948, %parallel_loop3A_957 : vector<16xi1>, vector<16xi32>
      %parallel_loop3A_968 = arith.select %parallel_loop3A_964, %parallel_loop3A_957, %parallel_loop3A_948 : vector<16xi1>, vector<16xi32>
      %parallel_loop3A_969 = arith.cmpf ogt, %parallel_loop3A_951, %parallel_loop3A_960 : vector<16xf32>
      %parallel_loop3A_970 = arith.maximumf %parallel_loop3A_960, %parallel_loop3A_951 : vector<16xf32>
      %parallel_loop3A_971 = arith.minimumf %parallel_loop3A_960, %parallel_loop3A_951 : vector<16xf32>
      %parallel_loop3A_972 = arith.select %parallel_loop3A_969, %parallel_loop3A_953, %parallel_loop3A_962 : vector<16xi1>, vector<16xi32>
      %parallel_loop3A_973 = arith.select %parallel_loop3A_969, %parallel_loop3A_962, %parallel_loop3A_953 : vector<16xi1>, vector<16xi32>
      %parallel_loop3A_974 = arith.cmpf ogt, %parallel_loop3A_965, %parallel_loop3A_950 : vector<16xf32>
      %parallel_loop3A_975 = arith.maximumf %parallel_loop3A_950, %parallel_loop3A_965 : vector<16xf32>
      %parallel_loop3A_976 = arith.minimumf %parallel_loop3A_950, %parallel_loop3A_965 : vector<16xf32>
      %parallel_loop3A_977 = arith.select %parallel_loop3A_974, %parallel_loop3A_967, %parallel_loop3A_952 : vector<16xi1>, vector<16xi32>
      %parallel_loop3A_978 = arith.select %parallel_loop3A_974, %parallel_loop3A_952, %parallel_loop3A_967 : vector<16xi1>, vector<16xi32>
      %parallel_loop3A_979 = arith.cmpf ogt, %parallel_loop3A_966, %parallel_loop3A_970 : vector<16xf32>
      %parallel_loop3A_980 = arith.maximumf %parallel_loop3A_970, %parallel_loop3A_966 : vector<16xf32>
      %parallel_loop3A_981 = arith.minimumf %parallel_loop3A_970, %parallel_loop3A_966 : vector<16xf32>
      %parallel_loop3A_982 = arith.select %parallel_loop3A_979, %parallel_loop3A_968, %parallel_loop3A_972 : vector<16xi1>, vector<16xi32>
      %parallel_loop3A_983 = arith.select %parallel_loop3A_979, %parallel_loop3A_972, %parallel_loop3A_968 : vector<16xi1>, vector<16xi32>
      %parallel_loop3A_984 = arith.cmpf ogt, %parallel_loop3A_956, %parallel_loop3A_971 : vector<16xf32>
      %parallel_loop3A_985 = arith.maximumf %parallel_loop3A_971, %parallel_loop3A_956 : vector<16xf32>
      %parallel_loop3A_986 = arith.minimumf %parallel_loop3A_971, %parallel_loop3A_956 : vector<16xf32>
      %parallel_loop3A_987 = arith.select %parallel_loop3A_984, %parallel_loop3A_958, %parallel_loop3A_973 : vector<16xi1>, vector<16xi32>
      %parallel_loop3A_988 = arith.select %parallel_loop3A_984, %parallel_loop3A_973, %parallel_loop3A_958 : vector<16xi1>, vector<16xi32>
      %parallel_loop3A_989 = arith.cmpf ogt, %parallel_loop3A_961, %parallel_loop3A_827 : vector<16xf32>
      %parallel_loop3A_990 = arith.select %parallel_loop3A_989, %parallel_loop3A_961, %parallel_loop3A_827 : vector<16xi1>, vector<16xf32>
      %parallel_loop3A_991 = arith.select %parallel_loop3A_989, %parallel_loop3A_963, %parallel_loop3A_829 : vector<16xi1>, vector<16xi32>
      %parallel_loop3A_992 = arith.cmpf ogt, %parallel_loop3A_986, %parallel_loop3A_828 : vector<16xf32>
      %parallel_loop3A_993 = arith.select %parallel_loop3A_992, %parallel_loop3A_986, %parallel_loop3A_828 : vector<16xi1>, vector<16xf32>
      %parallel_loop3A_994 = arith.select %parallel_loop3A_992, %parallel_loop3A_988, %parallel_loop3A_830 : vector<16xi1>, vector<16xi32>
      %parallel_loop3A_995 = arith.cmpf ogt, %parallel_loop3A_985, %parallel_loop3A_832 : vector<16xf32>
      %parallel_loop3A_996 = arith.select %parallel_loop3A_995, %parallel_loop3A_985, %parallel_loop3A_832 : vector<16xi1>, vector<16xf32>
      %parallel_loop3A_997 = arith.select %parallel_loop3A_995, %parallel_loop3A_987, %parallel_loop3A_834 : vector<16xi1>, vector<16xi32>
      %parallel_loop3A_998 = arith.cmpf ogt, %parallel_loop3A_981, %parallel_loop3A_833 : vector<16xf32>
      %parallel_loop3A_999 = arith.select %parallel_loop3A_998, %parallel_loop3A_981, %parallel_loop3A_833 : vector<16xi1>, vector<16xf32>
      %parallel_loop3A_1000 = arith.select %parallel_loop3A_998, %parallel_loop3A_983, %parallel_loop3A_835 : vector<16xi1>, vector<16xi32>
      %parallel_loop3A_1001 = arith.cmpf ogt, %parallel_loop3A_980, %parallel_loop3A_837 : vector<16xf32>
      %parallel_loop3A_1002 = arith.select %parallel_loop3A_1001, %parallel_loop3A_980, %parallel_loop3A_837 : vector<16xi1>, vector<16xf32>
      %parallel_loop3A_1003 = arith.select %parallel_loop3A_1001, %parallel_loop3A_982, %parallel_loop3A_839 : vector<16xi1>, vector<16xi32>
      %parallel_loop3A_1004 = arith.cmpf ogt, %parallel_loop3A_976, %parallel_loop3A_838 : vector<16xf32>
      %parallel_loop3A_1005 = arith.select %parallel_loop3A_1004, %parallel_loop3A_976, %parallel_loop3A_838 : vector<16xi1>, vector<16xf32>
      %parallel_loop3A_1006 = arith.select %parallel_loop3A_1004, %parallel_loop3A_978, %parallel_loop3A_840 : vector<16xi1>, vector<16xi32>
      %parallel_loop3A_1007 = arith.cmpf ogt, %parallel_loop3A_975, %parallel_loop3A_842 : vector<16xf32>
      %parallel_loop3A_1008 = arith.select %parallel_loop3A_1007, %parallel_loop3A_975, %parallel_loop3A_842 : vector<16xi1>, vector<16xf32>
      %parallel_loop3A_1009 = arith.select %parallel_loop3A_1007, %parallel_loop3A_977, %parallel_loop3A_844 : vector<16xi1>, vector<16xi32>
      %parallel_loop3A_1010 = arith.cmpf ogt, %parallel_loop3A_945, %parallel_loop3A_843 : vector<16xf32>
      %parallel_loop3A_1011 = arith.select %parallel_loop3A_1010, %parallel_loop3A_945, %parallel_loop3A_843 : vector<16xi1>, vector<16xf32>
      %parallel_loop3A_1012 = arith.select %parallel_loop3A_1010, %parallel_loop3A_947, %parallel_loop3A_845 : vector<16xi1>, vector<16xi32>
      %parallel_loop3A_1013 = arith.cmpf ogt, %parallel_loop3A_1002, %parallel_loop3A_990 : vector<16xf32>
      %parallel_loop3A_1014 = arith.maximumf %parallel_loop3A_990, %parallel_loop3A_1002 : vector<16xf32>
      %parallel_loop3A_1015 = arith.minimumf %parallel_loop3A_990, %parallel_loop3A_1002 : vector<16xf32>
      %parallel_loop3A_1016 = arith.select %parallel_loop3A_1013, %parallel_loop3A_1003, %parallel_loop3A_991 : vector<16xi1>, vector<16xi32>
      %parallel_loop3A_1017 = arith.select %parallel_loop3A_1013, %parallel_loop3A_991, %parallel_loop3A_1003 : vector<16xi1>, vector<16xi32>
      %parallel_loop3A_1018 = arith.cmpf ogt, %parallel_loop3A_1005, %parallel_loop3A_993 : vector<16xf32>
      %parallel_loop3A_1019 = arith.maximumf %parallel_loop3A_993, %parallel_loop3A_1005 : vector<16xf32>
      %parallel_loop3A_1020 = arith.minimumf %parallel_loop3A_993, %parallel_loop3A_1005 : vector<16xf32>
      %parallel_loop3A_1021 = arith.select %parallel_loop3A_1018, %parallel_loop3A_1006, %parallel_loop3A_994 : vector<16xi1>, vector<16xi32>
      %parallel_loop3A_1022 = arith.select %parallel_loop3A_1018, %parallel_loop3A_994, %parallel_loop3A_1006 : vector<16xi1>, vector<16xi32>
      %parallel_loop3A_1023 = arith.cmpf ogt, %parallel_loop3A_1008, %parallel_loop3A_996 : vector<16xf32>
      %parallel_loop3A_1024 = arith.maximumf %parallel_loop3A_996, %parallel_loop3A_1008 : vector<16xf32>
      %parallel_loop3A_1025 = arith.minimumf %parallel_loop3A_996, %parallel_loop3A_1008 : vector<16xf32>
      %parallel_loop3A_1026 = arith.select %parallel_loop3A_1023, %parallel_loop3A_1009, %parallel_loop3A_997 : vector<16xi1>, vector<16xi32>
      %parallel_loop3A_1027 = arith.select %parallel_loop3A_1023, %parallel_loop3A_997, %parallel_loop3A_1009 : vector<16xi1>, vector<16xi32>
      %parallel_loop3A_1028 = arith.cmpf ogt, %parallel_loop3A_1011, %parallel_loop3A_999 : vector<16xf32>
      %parallel_loop3A_1029 = arith.maximumf %parallel_loop3A_999, %parallel_loop3A_1011 : vector<16xf32>
      %parallel_loop3A_1030 = arith.minimumf %parallel_loop3A_999, %parallel_loop3A_1011 : vector<16xf32>
      %parallel_loop3A_1031 = arith.select %parallel_loop3A_1028, %parallel_loop3A_1012, %parallel_loop3A_1000 : vector<16xi1>, vector<16xi32>
      %parallel_loop3A_1032 = arith.select %parallel_loop3A_1028, %parallel_loop3A_1000, %parallel_loop3A_1012 : vector<16xi1>, vector<16xi32>
      %parallel_loop3A_1033 = arith.cmpf ogt, %parallel_loop3A_1024, %parallel_loop3A_1014 : vector<16xf32>
      %parallel_loop3A_1034 = arith.maximumf %parallel_loop3A_1014, %parallel_loop3A_1024 : vector<16xf32>
      %parallel_loop3A_1035 = arith.minimumf %parallel_loop3A_1014, %parallel_loop3A_1024 : vector<16xf32>
      %parallel_loop3A_1036 = arith.select %parallel_loop3A_1033, %parallel_loop3A_1026, %parallel_loop3A_1016 : vector<16xi1>, vector<16xi32>
      %parallel_loop3A_1037 = arith.select %parallel_loop3A_1033, %parallel_loop3A_1016, %parallel_loop3A_1026 : vector<16xi1>, vector<16xi32>
      %parallel_loop3A_1038 = arith.cmpf ogt, %parallel_loop3A_1029, %parallel_loop3A_1019 : vector<16xf32>
      %parallel_loop3A_1039 = arith.maximumf %parallel_loop3A_1019, %parallel_loop3A_1029 : vector<16xf32>
      %parallel_loop3A_1040 = arith.minimumf %parallel_loop3A_1019, %parallel_loop3A_1029 : vector<16xf32>
      %parallel_loop3A_1041 = arith.select %parallel_loop3A_1038, %parallel_loop3A_1031, %parallel_loop3A_1021 : vector<16xi1>, vector<16xi32>
      %parallel_loop3A_1042 = arith.select %parallel_loop3A_1038, %parallel_loop3A_1021, %parallel_loop3A_1031 : vector<16xi1>, vector<16xi32>
      %parallel_loop3A_1043 = arith.cmpf ogt, %parallel_loop3A_1025, %parallel_loop3A_1015 : vector<16xf32>
      %parallel_loop3A_1044 = arith.maximumf %parallel_loop3A_1015, %parallel_loop3A_1025 : vector<16xf32>
      %parallel_loop3A_1045 = arith.minimumf %parallel_loop3A_1015, %parallel_loop3A_1025 : vector<16xf32>
      %parallel_loop3A_1046 = arith.select %parallel_loop3A_1043, %parallel_loop3A_1027, %parallel_loop3A_1017 : vector<16xi1>, vector<16xi32>
      %parallel_loop3A_1047 = arith.select %parallel_loop3A_1043, %parallel_loop3A_1017, %parallel_loop3A_1027 : vector<16xi1>, vector<16xi32>
      %parallel_loop3A_1048 = arith.cmpf ogt, %parallel_loop3A_1030, %parallel_loop3A_1020 : vector<16xf32>
      %parallel_loop3A_1049 = arith.maximumf %parallel_loop3A_1020, %parallel_loop3A_1030 : vector<16xf32>
      %parallel_loop3A_1050 = arith.minimumf %parallel_loop3A_1020, %parallel_loop3A_1030 : vector<16xf32>
      %parallel_loop3A_1051 = arith.select %parallel_loop3A_1048, %parallel_loop3A_1032, %parallel_loop3A_1022 : vector<16xi1>, vector<16xi32>
      %parallel_loop3A_1052 = arith.select %parallel_loop3A_1048, %parallel_loop3A_1022, %parallel_loop3A_1032 : vector<16xi1>, vector<16xi32>
      %parallel_loop3A_1053 = arith.cmpf ogt, %parallel_loop3A_1039, %parallel_loop3A_1034 : vector<16xf32>
      %parallel_loop3A_1054 = arith.maximumf %parallel_loop3A_1034, %parallel_loop3A_1039 : vector<16xf32>
      %parallel_loop3A_1055 = arith.minimumf %parallel_loop3A_1034, %parallel_loop3A_1039 : vector<16xf32>
      %parallel_loop3A_1056 = arith.select %parallel_loop3A_1053, %parallel_loop3A_1041, %parallel_loop3A_1036 : vector<16xi1>, vector<16xi32>
      %parallel_loop3A_1057 = arith.select %parallel_loop3A_1053, %parallel_loop3A_1036, %parallel_loop3A_1041 : vector<16xi1>, vector<16xi32>
      %parallel_loop3A_1058 = arith.cmpf ogt, %parallel_loop3A_1040, %parallel_loop3A_1035 : vector<16xf32>
      %parallel_loop3A_1059 = arith.maximumf %parallel_loop3A_1035, %parallel_loop3A_1040 : vector<16xf32>
      %parallel_loop3A_1060 = arith.minimumf %parallel_loop3A_1035, %parallel_loop3A_1040 : vector<16xf32>
      %parallel_loop3A_1061 = arith.select %parallel_loop3A_1058, %parallel_loop3A_1042, %parallel_loop3A_1037 : vector<16xi1>, vector<16xi32>
      %parallel_loop3A_1062 = arith.select %parallel_loop3A_1058, %parallel_loop3A_1037, %parallel_loop3A_1042 : vector<16xi1>, vector<16xi32>
      %parallel_loop3A_1063 = arith.cmpf ogt, %parallel_loop3A_1049, %parallel_loop3A_1044 : vector<16xf32>
      %parallel_loop3A_1064 = arith.maximumf %parallel_loop3A_1044, %parallel_loop3A_1049 : vector<16xf32>
      %parallel_loop3A_1065 = arith.minimumf %parallel_loop3A_1044, %parallel_loop3A_1049 : vector<16xf32>
      %parallel_loop3A_1066 = arith.select %parallel_loop3A_1063, %parallel_loop3A_1051, %parallel_loop3A_1046 : vector<16xi1>, vector<16xi32>
      %parallel_loop3A_1067 = arith.select %parallel_loop3A_1063, %parallel_loop3A_1046, %parallel_loop3A_1051 : vector<16xi1>, vector<16xi32>
      %parallel_loop3A_1068 = arith.cmpf ogt, %parallel_loop3A_1050, %parallel_loop3A_1045 : vector<16xf32>
      %parallel_loop3A_1069 = arith.maximumf %parallel_loop3A_1045, %parallel_loop3A_1050 : vector<16xf32>
      %parallel_loop3A_1070 = arith.minimumf %parallel_loop3A_1045, %parallel_loop3A_1050 : vector<16xf32>
      %parallel_loop3A_1071 = arith.select %parallel_loop3A_1068, %parallel_loop3A_1052, %parallel_loop3A_1047 : vector<16xi1>, vector<16xi32>
      %parallel_loop3A_1072 = arith.select %parallel_loop3A_1068, %parallel_loop3A_1047, %parallel_loop3A_1052 : vector<16xi1>, vector<16xi32>
      %parallel_loop3A_1073 = arith.constant 40 : i32
      %parallel_loop3A_1074 = arith.index_cast %parallel_loop3A_1073 : i32 to index
      %parallel_loop3A_1075 = arith.index_cast %parallel_loop3A_21 : i32 to index
      %parallel_loop3A_1076 = tpu.vector_load %arg5[%parallel_loop3A_1074, %parallel_loop3A_1075] {strides = array<i32>} : memref<64x512xf32, #tpu.memory_space<vmem>>, vector<16xf32>,
      %parallel_loop3A_1077 = arith.constant 41 : i32
      %parallel_loop3A_1078 = arith.index_cast %parallel_loop3A_1077 : i32 to index
      %parallel_loop3A_1079 = arith.index_cast %parallel_loop3A_21 : i32 to index
      %parallel_loop3A_1080 = tpu.vector_load %arg5[%parallel_loop3A_1078, %parallel_loop3A_1079] {strides = array<i32>} : memref<64x512xf32, #tpu.memory_space<vmem>>, vector<16xf32>,
      %parallel_loop3A_1081 = arith.constant 42 : i32
      %parallel_loop3A_1082 = arith.index_cast %parallel_loop3A_1081 : i32 to index
      %parallel_loop3A_1083 = arith.index_cast %parallel_loop3A_21 : i32 to index
      %parallel_loop3A_1084 = tpu.vector_load %arg5[%parallel_loop3A_1082, %parallel_loop3A_1083] {strides = array<i32>} : memref<64x512xf32, #tpu.memory_space<vmem>>, vector<16xf32>,
      %parallel_loop3A_1085 = arith.constant 43 : i32
      %parallel_loop3A_1086 = arith.index_cast %parallel_loop3A_1085 : i32 to index
      %parallel_loop3A_1087 = arith.index_cast %parallel_loop3A_21 : i32 to index
      %parallel_loop3A_1088 = tpu.vector_load %arg5[%parallel_loop3A_1086, %parallel_loop3A_1087] {strides = array<i32>} : memref<64x512xf32, #tpu.memory_space<vmem>>, vector<16xf32>,
      %parallel_loop3A_1089 = arith.constant 44 : i32
      %parallel_loop3A_1090 = arith.index_cast %parallel_loop3A_1089 : i32 to index
      %parallel_loop3A_1091 = arith.index_cast %parallel_loop3A_21 : i32 to index
      %parallel_loop3A_1092 = tpu.vector_load %arg5[%parallel_loop3A_1090, %parallel_loop3A_1091] {strides = array<i32>} : memref<64x512xf32, #tpu.memory_space<vmem>>, vector<16xf32>,
      %parallel_loop3A_1093 = arith.constant 45 : i32
      %parallel_loop3A_1094 = arith.index_cast %parallel_loop3A_1093 : i32 to index
      %parallel_loop3A_1095 = arith.index_cast %parallel_loop3A_21 : i32 to index
      %parallel_loop3A_1096 = tpu.vector_load %arg5[%parallel_loop3A_1094, %parallel_loop3A_1095] {strides = array<i32>} : memref<64x512xf32, #tpu.memory_space<vmem>>, vector<16xf32>,
      %parallel_loop3A_1097 = arith.constant 46 : i32
      %parallel_loop3A_1098 = arith.index_cast %parallel_loop3A_1097 : i32 to index
      %parallel_loop3A_1099 = arith.index_cast %parallel_loop3A_21 : i32 to index
      %parallel_loop3A_1100 = tpu.vector_load %arg5[%parallel_loop3A_1098, %parallel_loop3A_1099] {strides = array<i32>} : memref<64x512xf32, #tpu.memory_space<vmem>>, vector<16xf32>,
      %parallel_loop3A_1101 = arith.constant 47 : i32
      %parallel_loop3A_1102 = arith.index_cast %parallel_loop3A_1101 : i32 to index
      %parallel_loop3A_1103 = arith.index_cast %parallel_loop3A_21 : i32 to index
      %parallel_loop3A_1104 = tpu.vector_load %arg5[%parallel_loop3A_1102, %parallel_loop3A_1103] {strides = array<i32>} : memref<64x512xf32, #tpu.memory_space<vmem>>, vector<16xf32>,
      %parallel_loop3A_1105 = arith.constant 40 : i32
      %parallel_loop3A_1106 = vector.broadcast %parallel_loop3A_1105 : i32 to vector<16xi32>
      %parallel_loop3A_1107 = arith.constant 41 : i32
      %parallel_loop3A_1108 = vector.broadcast %parallel_loop3A_1107 : i32 to vector<16xi32>
      %parallel_loop3A_1109 = arith.constant 42 : i32
      %parallel_loop3A_1110 = vector.broadcast %parallel_loop3A_1109 : i32 to vector<16xi32>
      %parallel_loop3A_1111 = arith.constant 43 : i32
      %parallel_loop3A_1112 = vector.broadcast %parallel_loop3A_1111 : i32 to vector<16xi32>
      %parallel_loop3A_1113 = arith.constant 44 : i32
      %parallel_loop3A_1114 = vector.broadcast %parallel_loop3A_1113 : i32 to vector<16xi32>
      %parallel_loop3A_1115 = arith.constant 45 : i32
      %parallel_loop3A_1116 = vector.broadcast %parallel_loop3A_1115 : i32 to vector<16xi32>
      %parallel_loop3A_1117 = arith.constant 46 : i32
      %parallel_loop3A_1118 = vector.broadcast %parallel_loop3A_1117 : i32 to vector<16xi32>
      %parallel_loop3A_1119 = arith.constant 47 : i32
      %parallel_loop3A_1120 = vector.broadcast %parallel_loop3A_1119 : i32 to vector<16xi32>
      %parallel_loop3A_1121 = arith.cmpf ogt, %parallel_loop3A_1080, %parallel_loop3A_1076 : vector<16xf32>
      %parallel_loop3A_1122 = arith.maximumf %parallel_loop3A_1076, %parallel_loop3A_1080 : vector<16xf32>
      %parallel_loop3A_1123 = arith.minimumf %parallel_loop3A_1076, %parallel_loop3A_1080 : vector<16xf32>
      %parallel_loop3A_1124 = arith.select %parallel_loop3A_1121, %parallel_loop3A_1108, %parallel_loop3A_1106 : vector<16xi1>, vector<16xi32>
      %parallel_loop3A_1125 = arith.select %parallel_loop3A_1121, %parallel_loop3A_1106, %parallel_loop3A_1108 : vector<16xi1>, vector<16xi32>
      %parallel_loop3A_1126 = arith.cmpf ogt, %parallel_loop3A_1088, %parallel_loop3A_1084 : vector<16xf32>
      %parallel_loop3A_1127 = arith.maximumf %parallel_loop3A_1084, %parallel_loop3A_1088 : vector<16xf32>
      %parallel_loop3A_1128 = arith.minimumf %parallel_loop3A_1084, %parallel_loop3A_1088 : vector<16xf32>
      %parallel_loop3A_1129 = arith.select %parallel_loop3A_1126, %parallel_loop3A_1112, %parallel_loop3A_1110 : vector<16xi1>, vector<16xi32>
      %parallel_loop3A_1130 = arith.select %parallel_loop3A_1126, %parallel_loop3A_1110, %parallel_loop3A_1112 : vector<16xi1>, vector<16xi32>
      %parallel_loop3A_1131 = arith.cmpf ogt, %parallel_loop3A_1096, %parallel_loop3A_1092 : vector<16xf32>
      %parallel_loop3A_1132 = arith.maximumf %parallel_loop3A_1092, %parallel_loop3A_1096 : vector<16xf32>
      %parallel_loop3A_1133 = arith.minimumf %parallel_loop3A_1092, %parallel_loop3A_1096 : vector<16xf32>
      %parallel_loop3A_1134 = arith.select %parallel_loop3A_1131, %parallel_loop3A_1116, %parallel_loop3A_1114 : vector<16xi1>, vector<16xi32>
      %parallel_loop3A_1135 = arith.select %parallel_loop3A_1131, %parallel_loop3A_1114, %parallel_loop3A_1116 : vector<16xi1>, vector<16xi32>
      %parallel_loop3A_1136 = arith.cmpf ogt, %parallel_loop3A_1104, %parallel_loop3A_1100 : vector<16xf32>
      %parallel_loop3A_1137 = arith.maximumf %parallel_loop3A_1100, %parallel_loop3A_1104 : vector<16xf32>
      %parallel_loop3A_1138 = arith.minimumf %parallel_loop3A_1100, %parallel_loop3A_1104 : vector<16xf32>
      %parallel_loop3A_1139 = arith.select %parallel_loop3A_1136, %parallel_loop3A_1120, %parallel_loop3A_1118 : vector<16xi1>, vector<16xi32>
      %parallel_loop3A_1140 = arith.select %parallel_loop3A_1136, %parallel_loop3A_1118, %parallel_loop3A_1120 : vector<16xi1>, vector<16xi32>
      %parallel_loop3A_1141 = arith.cmpf ogt, %parallel_loop3A_1127, %parallel_loop3A_1122 : vector<16xf32>
      %parallel_loop3A_1142 = arith.maximumf %parallel_loop3A_1122, %parallel_loop3A_1127 : vector<16xf32>
      %parallel_loop3A_1143 = arith.minimumf %parallel_loop3A_1122, %parallel_loop3A_1127 : vector<16xf32>
      %parallel_loop3A_1144 = arith.select %parallel_loop3A_1141, %parallel_loop3A_1129, %parallel_loop3A_1124 : vector<16xi1>, vector<16xi32>
      %parallel_loop3A_1145 = arith.select %parallel_loop3A_1141, %parallel_loop3A_1124, %parallel_loop3A_1129 : vector<16xi1>, vector<16xi32>
      %parallel_loop3A_1146 = arith.cmpf ogt, %parallel_loop3A_1128, %parallel_loop3A_1123 : vector<16xf32>
      %parallel_loop3A_1147 = arith.maximumf %parallel_loop3A_1123, %parallel_loop3A_1128 : vector<16xf32>
      %parallel_loop3A_1148 = arith.minimumf %parallel_loop3A_1123, %parallel_loop3A_1128 : vector<16xf32>
      %parallel_loop3A_1149 = arith.select %parallel_loop3A_1146, %parallel_loop3A_1130, %parallel_loop3A_1125 : vector<16xi1>, vector<16xi32>
      %parallel_loop3A_1150 = arith.select %parallel_loop3A_1146, %parallel_loop3A_1125, %parallel_loop3A_1130 : vector<16xi1>, vector<16xi32>
      %parallel_loop3A_1151 = arith.cmpf ogt, %parallel_loop3A_1137, %parallel_loop3A_1132 : vector<16xf32>
      %parallel_loop3A_1152 = arith.maximumf %parallel_loop3A_1132, %parallel_loop3A_1137 : vector<16xf32>
      %parallel_loop3A_1153 = arith.minimumf %parallel_loop3A_1132, %parallel_loop3A_1137 : vector<16xf32>
      %parallel_loop3A_1154 = arith.select %parallel_loop3A_1151, %parallel_loop3A_1139, %parallel_loop3A_1134 : vector<16xi1>, vector<16xi32>
      %parallel_loop3A_1155 = arith.select %parallel_loop3A_1151, %parallel_loop3A_1134, %parallel_loop3A_1139 : vector<16xi1>, vector<16xi32>
      %parallel_loop3A_1156 = arith.cmpf ogt, %parallel_loop3A_1138, %parallel_loop3A_1133 : vector<16xf32>
      %parallel_loop3A_1157 = arith.maximumf %parallel_loop3A_1133, %parallel_loop3A_1138 : vector<16xf32>
      %parallel_loop3A_1158 = arith.minimumf %parallel_loop3A_1133, %parallel_loop3A_1138 : vector<16xf32>
      %parallel_loop3A_1159 = arith.select %parallel_loop3A_1156, %parallel_loop3A_1140, %parallel_loop3A_1135 : vector<16xi1>, vector<16xi32>
      %parallel_loop3A_1160 = arith.select %parallel_loop3A_1156, %parallel_loop3A_1135, %parallel_loop3A_1140 : vector<16xi1>, vector<16xi32>
      %parallel_loop3A_1161 = arith.cmpf ogt, %parallel_loop3A_1143, %parallel_loop3A_1147 : vector<16xf32>
      %parallel_loop3A_1162 = arith.maximumf %parallel_loop3A_1147, %parallel_loop3A_1143 : vector<16xf32>
      %parallel_loop3A_1163 = arith.minimumf %parallel_loop3A_1147, %parallel_loop3A_1143 : vector<16xf32>
      %parallel_loop3A_1164 = arith.select %parallel_loop3A_1161, %parallel_loop3A_1145, %parallel_loop3A_1149 : vector<16xi1>, vector<16xi32>
      %parallel_loop3A_1165 = arith.select %parallel_loop3A_1161, %parallel_loop3A_1149, %parallel_loop3A_1145 : vector<16xi1>, vector<16xi32>
      %parallel_loop3A_1166 = arith.cmpf ogt, %parallel_loop3A_1153, %parallel_loop3A_1157 : vector<16xf32>
      %parallel_loop3A_1167 = arith.maximumf %parallel_loop3A_1157, %parallel_loop3A_1153 : vector<16xf32>
      %parallel_loop3A_1168 = arith.minimumf %parallel_loop3A_1157, %parallel_loop3A_1153 : vector<16xf32>
      %parallel_loop3A_1169 = arith.select %parallel_loop3A_1166, %parallel_loop3A_1155, %parallel_loop3A_1159 : vector<16xi1>, vector<16xi32>
      %parallel_loop3A_1170 = arith.select %parallel_loop3A_1166, %parallel_loop3A_1159, %parallel_loop3A_1155 : vector<16xi1>, vector<16xi32>
      %parallel_loop3A_1171 = arith.cmpf ogt, %parallel_loop3A_1152, %parallel_loop3A_1142 : vector<16xf32>
      %parallel_loop3A_1172 = arith.maximumf %parallel_loop3A_1142, %parallel_loop3A_1152 : vector<16xf32>
      %parallel_loop3A_1173 = arith.minimumf %parallel_loop3A_1142, %parallel_loop3A_1152 : vector<16xf32>
      %parallel_loop3A_1174 = arith.select %parallel_loop3A_1171, %parallel_loop3A_1154, %parallel_loop3A_1144 : vector<16xi1>, vector<16xi32>
      %parallel_loop3A_1175 = arith.select %parallel_loop3A_1171, %parallel_loop3A_1144, %parallel_loop3A_1154 : vector<16xi1>, vector<16xi32>
      %parallel_loop3A_1176 = arith.cmpf ogt, %parallel_loop3A_1167, %parallel_loop3A_1162 : vector<16xf32>
      %parallel_loop3A_1177 = arith.maximumf %parallel_loop3A_1162, %parallel_loop3A_1167 : vector<16xf32>
      %parallel_loop3A_1178 = arith.minimumf %parallel_loop3A_1162, %parallel_loop3A_1167 : vector<16xf32>
      %parallel_loop3A_1179 = arith.select %parallel_loop3A_1176, %parallel_loop3A_1169, %parallel_loop3A_1164 : vector<16xi1>, vector<16xi32>
      %parallel_loop3A_1180 = arith.select %parallel_loop3A_1176, %parallel_loop3A_1164, %parallel_loop3A_1169 : vector<16xi1>, vector<16xi32>
      %parallel_loop3A_1181 = arith.cmpf ogt, %parallel_loop3A_1168, %parallel_loop3A_1163 : vector<16xf32>
      %parallel_loop3A_1182 = arith.maximumf %parallel_loop3A_1163, %parallel_loop3A_1168 : vector<16xf32>
      %parallel_loop3A_1183 = arith.minimumf %parallel_loop3A_1163, %parallel_loop3A_1168 : vector<16xf32>
      %parallel_loop3A_1184 = arith.select %parallel_loop3A_1181, %parallel_loop3A_1170, %parallel_loop3A_1165 : vector<16xi1>, vector<16xi32>
      %parallel_loop3A_1185 = arith.select %parallel_loop3A_1181, %parallel_loop3A_1165, %parallel_loop3A_1170 : vector<16xi1>, vector<16xi32>
      %parallel_loop3A_1186 = arith.cmpf ogt, %parallel_loop3A_1158, %parallel_loop3A_1148 : vector<16xf32>
      %parallel_loop3A_1187 = arith.maximumf %parallel_loop3A_1148, %parallel_loop3A_1158 : vector<16xf32>
      %parallel_loop3A_1188 = arith.minimumf %parallel_loop3A_1148, %parallel_loop3A_1158 : vector<16xf32>
      %parallel_loop3A_1189 = arith.select %parallel_loop3A_1186, %parallel_loop3A_1160, %parallel_loop3A_1150 : vector<16xi1>, vector<16xi32>
      %parallel_loop3A_1190 = arith.select %parallel_loop3A_1186, %parallel_loop3A_1150, %parallel_loop3A_1160 : vector<16xi1>, vector<16xi32>
      %parallel_loop3A_1191 = arith.cmpf ogt, %parallel_loop3A_1173, %parallel_loop3A_1182 : vector<16xf32>
      %parallel_loop3A_1192 = arith.maximumf %parallel_loop3A_1182, %parallel_loop3A_1173 : vector<16xf32>
      %parallel_loop3A_1193 = arith.minimumf %parallel_loop3A_1182, %parallel_loop3A_1173 : vector<16xf32>
      %parallel_loop3A_1194 = arith.select %parallel_loop3A_1191, %parallel_loop3A_1175, %parallel_loop3A_1184 : vector<16xi1>, vector<16xi32>
      %parallel_loop3A_1195 = arith.select %parallel_loop3A_1191, %parallel_loop3A_1184, %parallel_loop3A_1175 : vector<16xi1>, vector<16xi32>
      %parallel_loop3A_1196 = arith.cmpf ogt, %parallel_loop3A_1178, %parallel_loop3A_1187 : vector<16xf32>
      %parallel_loop3A_1197 = arith.maximumf %parallel_loop3A_1187, %parallel_loop3A_1178 : vector<16xf32>
      %parallel_loop3A_1198 = arith.minimumf %parallel_loop3A_1187, %parallel_loop3A_1178 : vector<16xf32>
      %parallel_loop3A_1199 = arith.select %parallel_loop3A_1196, %parallel_loop3A_1180, %parallel_loop3A_1189 : vector<16xi1>, vector<16xi32>
      %parallel_loop3A_1200 = arith.select %parallel_loop3A_1196, %parallel_loop3A_1189, %parallel_loop3A_1180 : vector<16xi1>, vector<16xi32>
      %parallel_loop3A_1201 = arith.cmpf ogt, %parallel_loop3A_1192, %parallel_loop3A_1177 : vector<16xf32>
      %parallel_loop3A_1202 = arith.maximumf %parallel_loop3A_1177, %parallel_loop3A_1192 : vector<16xf32>
      %parallel_loop3A_1203 = arith.minimumf %parallel_loop3A_1177, %parallel_loop3A_1192 : vector<16xf32>
      %parallel_loop3A_1204 = arith.select %parallel_loop3A_1201, %parallel_loop3A_1194, %parallel_loop3A_1179 : vector<16xi1>, vector<16xi32>
      %parallel_loop3A_1205 = arith.select %parallel_loop3A_1201, %parallel_loop3A_1179, %parallel_loop3A_1194 : vector<16xi1>, vector<16xi32>
      %parallel_loop3A_1206 = arith.cmpf ogt, %parallel_loop3A_1193, %parallel_loop3A_1197 : vector<16xf32>
      %parallel_loop3A_1207 = arith.maximumf %parallel_loop3A_1197, %parallel_loop3A_1193 : vector<16xf32>
      %parallel_loop3A_1208 = arith.minimumf %parallel_loop3A_1197, %parallel_loop3A_1193 : vector<16xf32>
      %parallel_loop3A_1209 = arith.select %parallel_loop3A_1206, %parallel_loop3A_1195, %parallel_loop3A_1199 : vector<16xi1>, vector<16xi32>
      %parallel_loop3A_1210 = arith.select %parallel_loop3A_1206, %parallel_loop3A_1199, %parallel_loop3A_1195 : vector<16xi1>, vector<16xi32>
      %parallel_loop3A_1211 = arith.cmpf ogt, %parallel_loop3A_1183, %parallel_loop3A_1198 : vector<16xf32>
      %parallel_loop3A_1212 = arith.maximumf %parallel_loop3A_1198, %parallel_loop3A_1183 : vector<16xf32>
      %parallel_loop3A_1213 = arith.minimumf %parallel_loop3A_1198, %parallel_loop3A_1183 : vector<16xf32>
      %parallel_loop3A_1214 = arith.select %parallel_loop3A_1211, %parallel_loop3A_1185, %parallel_loop3A_1200 : vector<16xi1>, vector<16xi32>
      %parallel_loop3A_1215 = arith.select %parallel_loop3A_1211, %parallel_loop3A_1200, %parallel_loop3A_1185 : vector<16xi1>, vector<16xi32>
      %parallel_loop3A_1216 = arith.cmpf ogt, %parallel_loop3A_1188, %parallel_loop3A_1054 : vector<16xf32>
      %parallel_loop3A_1217 = arith.select %parallel_loop3A_1216, %parallel_loop3A_1188, %parallel_loop3A_1054 : vector<16xi1>, vector<16xf32>
      %parallel_loop3A_1218 = arith.select %parallel_loop3A_1216, %parallel_loop3A_1190, %parallel_loop3A_1056 : vector<16xi1>, vector<16xi32>
      %parallel_loop3A_1219 = arith.cmpf ogt, %parallel_loop3A_1213, %parallel_loop3A_1055 : vector<16xf32>
      %parallel_loop3A_1220 = arith.select %parallel_loop3A_1219, %parallel_loop3A_1213, %parallel_loop3A_1055 : vector<16xi1>, vector<16xf32>
      %parallel_loop3A_1221 = arith.select %parallel_loop3A_1219, %parallel_loop3A_1215, %parallel_loop3A_1057 : vector<16xi1>, vector<16xi32>
      %parallel_loop3A_1222 = arith.cmpf ogt, %parallel_loop3A_1212, %parallel_loop3A_1059 : vector<16xf32>
      %parallel_loop3A_1223 = arith.select %parallel_loop3A_1222, %parallel_loop3A_1212, %parallel_loop3A_1059 : vector<16xi1>, vector<16xf32>
      %parallel_loop3A_1224 = arith.select %parallel_loop3A_1222, %parallel_loop3A_1214, %parallel_loop3A_1061 : vector<16xi1>, vector<16xi32>
      %parallel_loop3A_1225 = arith.cmpf ogt, %parallel_loop3A_1208, %parallel_loop3A_1060 : vector<16xf32>
      %parallel_loop3A_1226 = arith.select %parallel_loop3A_1225, %parallel_loop3A_1208, %parallel_loop3A_1060 : vector<16xi1>, vector<16xf32>
      %parallel_loop3A_1227 = arith.select %parallel_loop3A_1225, %parallel_loop3A_1210, %parallel_loop3A_1062 : vector<16xi1>, vector<16xi32>
      %parallel_loop3A_1228 = arith.cmpf ogt, %parallel_loop3A_1207, %parallel_loop3A_1064 : vector<16xf32>
      %parallel_loop3A_1229 = arith.select %parallel_loop3A_1228, %parallel_loop3A_1207, %parallel_loop3A_1064 : vector<16xi1>, vector<16xf32>
      %parallel_loop3A_1230 = arith.select %parallel_loop3A_1228, %parallel_loop3A_1209, %parallel_loop3A_1066 : vector<16xi1>, vector<16xi32>
      %parallel_loop3A_1231 = arith.cmpf ogt, %parallel_loop3A_1203, %parallel_loop3A_1065 : vector<16xf32>
      %parallel_loop3A_1232 = arith.select %parallel_loop3A_1231, %parallel_loop3A_1203, %parallel_loop3A_1065 : vector<16xi1>, vector<16xf32>
      %parallel_loop3A_1233 = arith.select %parallel_loop3A_1231, %parallel_loop3A_1205, %parallel_loop3A_1067 : vector<16xi1>, vector<16xi32>
      %parallel_loop3A_1234 = arith.cmpf ogt, %parallel_loop3A_1202, %parallel_loop3A_1069 : vector<16xf32>
      %parallel_loop3A_1235 = arith.select %parallel_loop3A_1234, %parallel_loop3A_1202, %parallel_loop3A_1069 : vector<16xi1>, vector<16xf32>
      %parallel_loop3A_1236 = arith.select %parallel_loop3A_1234, %parallel_loop3A_1204, %parallel_loop3A_1071 : vector<16xi1>, vector<16xi32>
      %parallel_loop3A_1237 = arith.cmpf ogt, %parallel_loop3A_1172, %parallel_loop3A_1070 : vector<16xf32>
      %parallel_loop3A_1238 = arith.select %parallel_loop3A_1237, %parallel_loop3A_1172, %parallel_loop3A_1070 : vector<16xi1>, vector<16xf32>
      %parallel_loop3A_1239 = arith.select %parallel_loop3A_1237, %parallel_loop3A_1174, %parallel_loop3A_1072 : vector<16xi1>, vector<16xi32>
      %parallel_loop3A_1240 = arith.cmpf ogt, %parallel_loop3A_1229, %parallel_loop3A_1217 : vector<16xf32>
      %parallel_loop3A_1241 = arith.maximumf %parallel_loop3A_1217, %parallel_loop3A_1229 : vector<16xf32>
      %parallel_loop3A_1242 = arith.minimumf %parallel_loop3A_1217, %parallel_loop3A_1229 : vector<16xf32>
      %parallel_loop3A_1243 = arith.select %parallel_loop3A_1240, %parallel_loop3A_1230, %parallel_loop3A_1218 : vector<16xi1>, vector<16xi32>
      %parallel_loop3A_1244 = arith.select %parallel_loop3A_1240, %parallel_loop3A_1218, %parallel_loop3A_1230 : vector<16xi1>, vector<16xi32>
      %parallel_loop3A_1245 = arith.cmpf ogt, %parallel_loop3A_1232, %parallel_loop3A_1220 : vector<16xf32>
      %parallel_loop3A_1246 = arith.maximumf %parallel_loop3A_1220, %parallel_loop3A_1232 : vector<16xf32>
      %parallel_loop3A_1247 = arith.minimumf %parallel_loop3A_1220, %parallel_loop3A_1232 : vector<16xf32>
      %parallel_loop3A_1248 = arith.select %parallel_loop3A_1245, %parallel_loop3A_1233, %parallel_loop3A_1221 : vector<16xi1>, vector<16xi32>
      %parallel_loop3A_1249 = arith.select %parallel_loop3A_1245, %parallel_loop3A_1221, %parallel_loop3A_1233 : vector<16xi1>, vector<16xi32>
      %parallel_loop3A_1250 = arith.cmpf ogt, %parallel_loop3A_1235, %parallel_loop3A_1223 : vector<16xf32>
      %parallel_loop3A_1251 = arith.maximumf %parallel_loop3A_1223, %parallel_loop3A_1235 : vector<16xf32>
      %parallel_loop3A_1252 = arith.minimumf %parallel_loop3A_1223, %parallel_loop3A_1235 : vector<16xf32>
      %parallel_loop3A_1253 = arith.select %parallel_loop3A_1250, %parallel_loop3A_1236, %parallel_loop3A_1224 : vector<16xi1>, vector<16xi32>
      %parallel_loop3A_1254 = arith.select %parallel_loop3A_1250, %parallel_loop3A_1224, %parallel_loop3A_1236 : vector<16xi1>, vector<16xi32>
      %parallel_loop3A_1255 = arith.cmpf ogt, %parallel_loop3A_1238, %parallel_loop3A_1226 : vector<16xf32>
      %parallel_loop3A_1256 = arith.maximumf %parallel_loop3A_1226, %parallel_loop3A_1238 : vector<16xf32>
      %parallel_loop3A_1257 = arith.minimumf %parallel_loop3A_1226, %parallel_loop3A_1238 : vector<16xf32>
      %parallel_loop3A_1258 = arith.select %parallel_loop3A_1255, %parallel_loop3A_1239, %parallel_loop3A_1227 : vector<16xi1>, vector<16xi32>
      %parallel_loop3A_1259 = arith.select %parallel_loop3A_1255, %parallel_loop3A_1227, %parallel_loop3A_1239 : vector<16xi1>, vector<16xi32>
      %parallel_loop3A_1260 = arith.cmpf ogt, %parallel_loop3A_1251, %parallel_loop3A_1241 : vector<16xf32>
      %parallel_loop3A_1261 = arith.maximumf %parallel_loop3A_1241, %parallel_loop3A_1251 : vector<16xf32>
      %parallel_loop3A_1262 = arith.minimumf %parallel_loop3A_1241, %parallel_loop3A_1251 : vector<16xf32>
      %parallel_loop3A_1263 = arith.select %parallel_loop3A_1260, %parallel_loop3A_1253, %parallel_loop3A_1243 : vector<16xi1>, vector<16xi32>
      %parallel_loop3A_1264 = arith.select %parallel_loop3A_1260, %parallel_loop3A_1243, %parallel_loop3A_1253 : vector<16xi1>, vector<16xi32>
      %parallel_loop3A_1265 = arith.cmpf ogt, %parallel_loop3A_1256, %parallel_loop3A_1246 : vector<16xf32>
      %parallel_loop3A_1266 = arith.maximumf %parallel_loop3A_1246, %parallel_loop3A_1256 : vector<16xf32>
      %parallel_loop3A_1267 = arith.minimumf %parallel_loop3A_1246, %parallel_loop3A_1256 : vector<16xf32>
      %parallel_loop3A_1268 = arith.select %parallel_loop3A_1265, %parallel_loop3A_1258, %parallel_loop3A_1248 : vector<16xi1>, vector<16xi32>
      %parallel_loop3A_1269 = arith.select %parallel_loop3A_1265, %parallel_loop3A_1248, %parallel_loop3A_1258 : vector<16xi1>, vector<16xi32>
      %parallel_loop3A_1270 = arith.cmpf ogt, %parallel_loop3A_1252, %parallel_loop3A_1242 : vector<16xf32>
      %parallel_loop3A_1271 = arith.maximumf %parallel_loop3A_1242, %parallel_loop3A_1252 : vector<16xf32>
      %parallel_loop3A_1272 = arith.minimumf %parallel_loop3A_1242, %parallel_loop3A_1252 : vector<16xf32>
      %parallel_loop3A_1273 = arith.select %parallel_loop3A_1270, %parallel_loop3A_1254, %parallel_loop3A_1244 : vector<16xi1>, vector<16xi32>
      %parallel_loop3A_1274 = arith.select %parallel_loop3A_1270, %parallel_loop3A_1244, %parallel_loop3A_1254 : vector<16xi1>, vector<16xi32>
      %parallel_loop3A_1275 = arith.cmpf ogt, %parallel_loop3A_1257, %parallel_loop3A_1247 : vector<16xf32>
      %parallel_loop3A_1276 = arith.maximumf %parallel_loop3A_1247, %parallel_loop3A_1257 : vector<16xf32>
      %parallel_loop3A_1277 = arith.minimumf %parallel_loop3A_1247, %parallel_loop3A_1257 : vector<16xf32>
      %parallel_loop3A_1278 = arith.select %parallel_loop3A_1275, %parallel_loop3A_1259, %parallel_loop3A_1249 : vector<16xi1>, vector<16xi32>
      %parallel_loop3A_1279 = arith.select %parallel_loop3A_1275, %parallel_loop3A_1249, %parallel_loop3A_1259 : vector<16xi1>, vector<16xi32>
      %parallel_loop3A_1280 = arith.cmpf ogt, %parallel_loop3A_1266, %parallel_loop3A_1261 : vector<16xf32>
      %parallel_loop3A_1281 = arith.maximumf %parallel_loop3A_1261, %parallel_loop3A_1266 : vector<16xf32>
      %parallel_loop3A_1282 = arith.minimumf %parallel_loop3A_1261, %parallel_loop3A_1266 : vector<16xf32>
      %parallel_loop3A_1283 = arith.select %parallel_loop3A_1280, %parallel_loop3A_1268, %parallel_loop3A_1263 : vector<16xi1>, vector<16xi32>
      %parallel_loop3A_1284 = arith.select %parallel_loop3A_1280, %parallel_loop3A_1263, %parallel_loop3A_1268 : vector<16xi1>, vector<16xi32>
      %parallel_loop3A_1285 = arith.cmpf ogt, %parallel_loop3A_1267, %parallel_loop3A_1262 : vector<16xf32>
      %parallel_loop3A_1286 = arith.maximumf %parallel_loop3A_1262, %parallel_loop3A_1267 : vector<16xf32>
      %parallel_loop3A_1287 = arith.minimumf %parallel_loop3A_1262, %parallel_loop3A_1267 : vector<16xf32>
      %parallel_loop3A_1288 = arith.select %parallel_loop3A_1285, %parallel_loop3A_1269, %parallel_loop3A_1264 : vector<16xi1>, vector<16xi32>
      %parallel_loop3A_1289 = arith.select %parallel_loop3A_1285, %parallel_loop3A_1264, %parallel_loop3A_1269 : vector<16xi1>, vector<16xi32>
      %parallel_loop3A_1290 = arith.cmpf ogt, %parallel_loop3A_1276, %parallel_loop3A_1271 : vector<16xf32>
      %parallel_loop3A_1291 = arith.maximumf %parallel_loop3A_1271, %parallel_loop3A_1276 : vector<16xf32>
      %parallel_loop3A_1292 = arith.minimumf %parallel_loop3A_1271, %parallel_loop3A_1276 : vector<16xf32>
      %parallel_loop3A_1293 = arith.select %parallel_loop3A_1290, %parallel_loop3A_1278, %parallel_loop3A_1273 : vector<16xi1>, vector<16xi32>
      %parallel_loop3A_1294 = arith.select %parallel_loop3A_1290, %parallel_loop3A_1273, %parallel_loop3A_1278 : vector<16xi1>, vector<16xi32>
      %parallel_loop3A_1295 = arith.cmpf ogt, %parallel_loop3A_1277, %parallel_loop3A_1272 : vector<16xf32>
      %parallel_loop3A_1296 = arith.maximumf %parallel_loop3A_1272, %parallel_loop3A_1277 : vector<16xf32>
      %parallel_loop3A_1297 = arith.minimumf %parallel_loop3A_1272, %parallel_loop3A_1277 : vector<16xf32>
      %parallel_loop3A_1298 = arith.select %parallel_loop3A_1295, %parallel_loop3A_1279, %parallel_loop3A_1274 : vector<16xi1>, vector<16xi32>
      %parallel_loop3A_1299 = arith.select %parallel_loop3A_1295, %parallel_loop3A_1274, %parallel_loop3A_1279 : vector<16xi1>, vector<16xi32>
      %parallel_loop3A_1300 = arith.constant 48 : i32
      %parallel_loop3A_1301 = arith.index_cast %parallel_loop3A_1300 : i32 to index
      %parallel_loop3A_1302 = arith.index_cast %parallel_loop3A_21 : i32 to index
      %parallel_loop3A_1303 = tpu.vector_load %arg5[%parallel_loop3A_1301, %parallel_loop3A_1302] {strides = array<i32>} : memref<64x512xf32, #tpu.memory_space<vmem>>, vector<16xf32>,
      %parallel_loop3A_1304 = arith.constant 49 : i32
      %parallel_loop3A_1305 = arith.index_cast %parallel_loop3A_1304 : i32 to index
      %parallel_loop3A_1306 = arith.index_cast %parallel_loop3A_21 : i32 to index
      %parallel_loop3A_1307 = tpu.vector_load %arg5[%parallel_loop3A_1305, %parallel_loop3A_1306] {strides = array<i32>} : memref<64x512xf32, #tpu.memory_space<vmem>>, vector<16xf32>,
      %parallel_loop3A_1308 = arith.constant 50 : i32
      %parallel_loop3A_1309 = arith.index_cast %parallel_loop3A_1308 : i32 to index
      %parallel_loop3A_1310 = arith.index_cast %parallel_loop3A_21 : i32 to index
      %parallel_loop3A_1311 = tpu.vector_load %arg5[%parallel_loop3A_1309, %parallel_loop3A_1310] {strides = array<i32>} : memref<64x512xf32, #tpu.memory_space<vmem>>, vector<16xf32>,
      %parallel_loop3A_1312 = arith.constant 51 : i32
      %parallel_loop3A_1313 = arith.index_cast %parallel_loop3A_1312 : i32 to index
      %parallel_loop3A_1314 = arith.index_cast %parallel_loop3A_21 : i32 to index
      %parallel_loop3A_1315 = tpu.vector_load %arg5[%parallel_loop3A_1313, %parallel_loop3A_1314] {strides = array<i32>} : memref<64x512xf32, #tpu.memory_space<vmem>>, vector<16xf32>,
      %parallel_loop3A_1316 = arith.constant 52 : i32
      %parallel_loop3A_1317 = arith.index_cast %parallel_loop3A_1316 : i32 to index
      %parallel_loop3A_1318 = arith.index_cast %parallel_loop3A_21 : i32 to index
      %parallel_loop3A_1319 = tpu.vector_load %arg5[%parallel_loop3A_1317, %parallel_loop3A_1318] {strides = array<i32>} : memref<64x512xf32, #tpu.memory_space<vmem>>, vector<16xf32>,
      %parallel_loop3A_1320 = arith.constant 53 : i32
      %parallel_loop3A_1321 = arith.index_cast %parallel_loop3A_1320 : i32 to index
      %parallel_loop3A_1322 = arith.index_cast %parallel_loop3A_21 : i32 to index
      %parallel_loop3A_1323 = tpu.vector_load %arg5[%parallel_loop3A_1321, %parallel_loop3A_1322] {strides = array<i32>} : memref<64x512xf32, #tpu.memory_space<vmem>>, vector<16xf32>,
      %parallel_loop3A_1324 = arith.constant 54 : i32
      %parallel_loop3A_1325 = arith.index_cast %parallel_loop3A_1324 : i32 to index
      %parallel_loop3A_1326 = arith.index_cast %parallel_loop3A_21 : i32 to index
      %parallel_loop3A_1327 = tpu.vector_load %arg5[%parallel_loop3A_1325, %parallel_loop3A_1326] {strides = array<i32>} : memref<64x512xf32, #tpu.memory_space<vmem>>, vector<16xf32>,
      %parallel_loop3A_1328 = arith.constant 55 : i32
      %parallel_loop3A_1329 = arith.index_cast %parallel_loop3A_1328 : i32 to index
      %parallel_loop3A_1330 = arith.index_cast %parallel_loop3A_21 : i32 to index
      %parallel_loop3A_1331 = tpu.vector_load %arg5[%parallel_loop3A_1329, %parallel_loop3A_1330] {strides = array<i32>} : memref<64x512xf32, #tpu.memory_space<vmem>>, vector<16xf32>,
      %parallel_loop3A_1332 = arith.constant 48 : i32
      %parallel_loop3A_1333 = vector.broadcast %parallel_loop3A_1332 : i32 to vector<16xi32>
      %parallel_loop3A_1334 = arith.constant 49 : i32
      %parallel_loop3A_1335 = vector.broadcast %parallel_loop3A_1334 : i32 to vector<16xi32>
      %parallel_loop3A_1336 = arith.constant 50 : i32
      %parallel_loop3A_1337 = vector.broadcast %parallel_loop3A_1336 : i32 to vector<16xi32>
      %parallel_loop3A_1338 = arith.constant 51 : i32
      %parallel_loop3A_1339 = vector.broadcast %parallel_loop3A_1338 : i32 to vector<16xi32>
      %parallel_loop3A_1340 = arith.constant 52 : i32
      %parallel_loop3A_1341 = vector.broadcast %parallel_loop3A_1340 : i32 to vector<16xi32>
      %parallel_loop3A_1342 = arith.constant 53 : i32
      %parallel_loop3A_1343 = vector.broadcast %parallel_loop3A_1342 : i32 to vector<16xi32>
      %parallel_loop3A_1344 = arith.constant 54 : i32
      %parallel_loop3A_1345 = vector.broadcast %parallel_loop3A_1344 : i32 to vector<16xi32>
      %parallel_loop3A_1346 = arith.constant 55 : i32
      %parallel_loop3A_1347 = vector.broadcast %parallel_loop3A_1346 : i32 to vector<16xi32>
      %parallel_loop3A_1348 = arith.cmpf ogt, %parallel_loop3A_1307, %parallel_loop3A_1303 : vector<16xf32>
      %parallel_loop3A_1349 = arith.maximumf %parallel_loop3A_1303, %parallel_loop3A_1307 : vector<16xf32>
      %parallel_loop3A_1350 = arith.minimumf %parallel_loop3A_1303, %parallel_loop3A_1307 : vector<16xf32>
      %parallel_loop3A_1351 = arith.select %parallel_loop3A_1348, %parallel_loop3A_1335, %parallel_loop3A_1333 : vector<16xi1>, vector<16xi32>
      %parallel_loop3A_1352 = arith.select %parallel_loop3A_1348, %parallel_loop3A_1333, %parallel_loop3A_1335 : vector<16xi1>, vector<16xi32>
      %parallel_loop3A_1353 = arith.cmpf ogt, %parallel_loop3A_1315, %parallel_loop3A_1311 : vector<16xf32>
      %parallel_loop3A_1354 = arith.maximumf %parallel_loop3A_1311, %parallel_loop3A_1315 : vector<16xf32>
      %parallel_loop3A_1355 = arith.minimumf %parallel_loop3A_1311, %parallel_loop3A_1315 : vector<16xf32>
      %parallel_loop3A_1356 = arith.select %parallel_loop3A_1353, %parallel_loop3A_1339, %parallel_loop3A_1337 : vector<16xi1>, vector<16xi32>
      %parallel_loop3A_1357 = arith.select %parallel_loop3A_1353, %parallel_loop3A_1337, %parallel_loop3A_1339 : vector<16xi1>, vector<16xi32>
      %parallel_loop3A_1358 = arith.cmpf ogt, %parallel_loop3A_1323, %parallel_loop3A_1319 : vector<16xf32>
      %parallel_loop3A_1359 = arith.maximumf %parallel_loop3A_1319, %parallel_loop3A_1323 : vector<16xf32>
      %parallel_loop3A_1360 = arith.minimumf %parallel_loop3A_1319, %parallel_loop3A_1323 : vector<16xf32>
      %parallel_loop3A_1361 = arith.select %parallel_loop3A_1358, %parallel_loop3A_1343, %parallel_loop3A_1341 : vector<16xi1>, vector<16xi32>
      %parallel_loop3A_1362 = arith.select %parallel_loop3A_1358, %parallel_loop3A_1341, %parallel_loop3A_1343 : vector<16xi1>, vector<16xi32>
      %parallel_loop3A_1363 = arith.cmpf ogt, %parallel_loop3A_1331, %parallel_loop3A_1327 : vector<16xf32>
      %parallel_loop3A_1364 = arith.maximumf %parallel_loop3A_1327, %parallel_loop3A_1331 : vector<16xf32>
      %parallel_loop3A_1365 = arith.minimumf %parallel_loop3A_1327, %parallel_loop3A_1331 : vector<16xf32>
      %parallel_loop3A_1366 = arith.select %parallel_loop3A_1363, %parallel_loop3A_1347, %parallel_loop3A_1345 : vector<16xi1>, vector<16xi32>
      %parallel_loop3A_1367 = arith.select %parallel_loop3A_1363, %parallel_loop3A_1345, %parallel_loop3A_1347 : vector<16xi1>, vector<16xi32>
      %parallel_loop3A_1368 = arith.cmpf ogt, %parallel_loop3A_1354, %parallel_loop3A_1349 : vector<16xf32>
      %parallel_loop3A_1369 = arith.maximumf %parallel_loop3A_1349, %parallel_loop3A_1354 : vector<16xf32>
      %parallel_loop3A_1370 = arith.minimumf %parallel_loop3A_1349, %parallel_loop3A_1354 : vector<16xf32>
      %parallel_loop3A_1371 = arith.select %parallel_loop3A_1368, %parallel_loop3A_1356, %parallel_loop3A_1351 : vector<16xi1>, vector<16xi32>
      %parallel_loop3A_1372 = arith.select %parallel_loop3A_1368, %parallel_loop3A_1351, %parallel_loop3A_1356 : vector<16xi1>, vector<16xi32>
      %parallel_loop3A_1373 = arith.cmpf ogt, %parallel_loop3A_1355, %parallel_loop3A_1350 : vector<16xf32>
      %parallel_loop3A_1374 = arith.maximumf %parallel_loop3A_1350, %parallel_loop3A_1355 : vector<16xf32>
      %parallel_loop3A_1375 = arith.minimumf %parallel_loop3A_1350, %parallel_loop3A_1355 : vector<16xf32>
      %parallel_loop3A_1376 = arith.select %parallel_loop3A_1373, %parallel_loop3A_1357, %parallel_loop3A_1352 : vector<16xi1>, vector<16xi32>
      %parallel_loop3A_1377 = arith.select %parallel_loop3A_1373, %parallel_loop3A_1352, %parallel_loop3A_1357 : vector<16xi1>, vector<16xi32>
      %parallel_loop3A_1378 = arith.cmpf ogt, %parallel_loop3A_1364, %parallel_loop3A_1359 : vector<16xf32>
      %parallel_loop3A_1379 = arith.maximumf %parallel_loop3A_1359, %parallel_loop3A_1364 : vector<16xf32>
      %parallel_loop3A_1380 = arith.minimumf %parallel_loop3A_1359, %parallel_loop3A_1364 : vector<16xf32>
      %parallel_loop3A_1381 = arith.select %parallel_loop3A_1378, %parallel_loop3A_1366, %parallel_loop3A_1361 : vector<16xi1>, vector<16xi32>
      %parallel_loop3A_1382 = arith.select %parallel_loop3A_1378, %parallel_loop3A_1361, %parallel_loop3A_1366 : vector<16xi1>, vector<16xi32>
      %parallel_loop3A_1383 = arith.cmpf ogt, %parallel_loop3A_1365, %parallel_loop3A_1360 : vector<16xf32>
      %parallel_loop3A_1384 = arith.maximumf %parallel_loop3A_1360, %parallel_loop3A_1365 : vector<16xf32>
      %parallel_loop3A_1385 = arith.minimumf %parallel_loop3A_1360, %parallel_loop3A_1365 : vector<16xf32>
      %parallel_loop3A_1386 = arith.select %parallel_loop3A_1383, %parallel_loop3A_1367, %parallel_loop3A_1362 : vector<16xi1>, vector<16xi32>
      %parallel_loop3A_1387 = arith.select %parallel_loop3A_1383, %parallel_loop3A_1362, %parallel_loop3A_1367 : vector<16xi1>, vector<16xi32>
      %parallel_loop3A_1388 = arith.cmpf ogt, %parallel_loop3A_1370, %parallel_loop3A_1374 : vector<16xf32>
      %parallel_loop3A_1389 = arith.maximumf %parallel_loop3A_1374, %parallel_loop3A_1370 : vector<16xf32>
      %parallel_loop3A_1390 = arith.minimumf %parallel_loop3A_1374, %parallel_loop3A_1370 : vector<16xf32>
      %parallel_loop3A_1391 = arith.select %parallel_loop3A_1388, %parallel_loop3A_1372, %parallel_loop3A_1376 : vector<16xi1>, vector<16xi32>
      %parallel_loop3A_1392 = arith.select %parallel_loop3A_1388, %parallel_loop3A_1376, %parallel_loop3A_1372 : vector<16xi1>, vector<16xi32>
      %parallel_loop3A_1393 = arith.cmpf ogt, %parallel_loop3A_1380, %parallel_loop3A_1384 : vector<16xf32>
      %parallel_loop3A_1394 = arith.maximumf %parallel_loop3A_1384, %parallel_loop3A_1380 : vector<16xf32>
      %parallel_loop3A_1395 = arith.minimumf %parallel_loop3A_1384, %parallel_loop3A_1380 : vector<16xf32>
      %parallel_loop3A_1396 = arith.select %parallel_loop3A_1393, %parallel_loop3A_1382, %parallel_loop3A_1386 : vector<16xi1>, vector<16xi32>
      %parallel_loop3A_1397 = arith.select %parallel_loop3A_1393, %parallel_loop3A_1386, %parallel_loop3A_1382 : vector<16xi1>, vector<16xi32>
      %parallel_loop3A_1398 = arith.cmpf ogt, %parallel_loop3A_1379, %parallel_loop3A_1369 : vector<16xf32>
      %parallel_loop3A_1399 = arith.maximumf %parallel_loop3A_1369, %parallel_loop3A_1379 : vector<16xf32>
      %parallel_loop3A_1400 = arith.minimumf %parallel_loop3A_1369, %parallel_loop3A_1379 : vector<16xf32>
      %parallel_loop3A_1401 = arith.select %parallel_loop3A_1398, %parallel_loop3A_1381, %parallel_loop3A_1371 : vector<16xi1>, vector<16xi32>
      %parallel_loop3A_1402 = arith.select %parallel_loop3A_1398, %parallel_loop3A_1371, %parallel_loop3A_1381 : vector<16xi1>, vector<16xi32>
      %parallel_loop3A_1403 = arith.cmpf ogt, %parallel_loop3A_1394, %parallel_loop3A_1389 : vector<16xf32>
      %parallel_loop3A_1404 = arith.maximumf %parallel_loop3A_1389, %parallel_loop3A_1394 : vector<16xf32>
      %parallel_loop3A_1405 = arith.minimumf %parallel_loop3A_1389, %parallel_loop3A_1394 : vector<16xf32>
      %parallel_loop3A_1406 = arith.select %parallel_loop3A_1403, %parallel_loop3A_1396, %parallel_loop3A_1391 : vector<16xi1>, vector<16xi32>
      %parallel_loop3A_1407 = arith.select %parallel_loop3A_1403, %parallel_loop3A_1391, %parallel_loop3A_1396 : vector<16xi1>, vector<16xi32>
      %parallel_loop3A_1408 = arith.cmpf ogt, %parallel_loop3A_1395, %parallel_loop3A_1390 : vector<16xf32>
      %parallel_loop3A_1409 = arith.maximumf %parallel_loop3A_1390, %parallel_loop3A_1395 : vector<16xf32>
      %parallel_loop3A_1410 = arith.minimumf %parallel_loop3A_1390, %parallel_loop3A_1395 : vector<16xf32>
      %parallel_loop3A_1411 = arith.select %parallel_loop3A_1408, %parallel_loop3A_1397, %parallel_loop3A_1392 : vector<16xi1>, vector<16xi32>
      %parallel_loop3A_1412 = arith.select %parallel_loop3A_1408, %parallel_loop3A_1392, %parallel_loop3A_1397 : vector<16xi1>, vector<16xi32>
      %parallel_loop3A_1413 = arith.cmpf ogt, %parallel_loop3A_1385, %parallel_loop3A_1375 : vector<16xf32>
      %parallel_loop3A_1414 = arith.maximumf %parallel_loop3A_1375, %parallel_loop3A_1385 : vector<16xf32>
      %parallel_loop3A_1415 = arith.minimumf %parallel_loop3A_1375, %parallel_loop3A_1385 : vector<16xf32>
      %parallel_loop3A_1416 = arith.select %parallel_loop3A_1413, %parallel_loop3A_1387, %parallel_loop3A_1377 : vector<16xi1>, vector<16xi32>
      %parallel_loop3A_1417 = arith.select %parallel_loop3A_1413, %parallel_loop3A_1377, %parallel_loop3A_1387 : vector<16xi1>, vector<16xi32>
      %parallel_loop3A_1418 = arith.cmpf ogt, %parallel_loop3A_1400, %parallel_loop3A_1409 : vector<16xf32>
      %parallel_loop3A_1419 = arith.maximumf %parallel_loop3A_1409, %parallel_loop3A_1400 : vector<16xf32>
      %parallel_loop3A_1420 = arith.minimumf %parallel_loop3A_1409, %parallel_loop3A_1400 : vector<16xf32>
      %parallel_loop3A_1421 = arith.select %parallel_loop3A_1418, %parallel_loop3A_1402, %parallel_loop3A_1411 : vector<16xi1>, vector<16xi32>
      %parallel_loop3A_1422 = arith.select %parallel_loop3A_1418, %parallel_loop3A_1411, %parallel_loop3A_1402 : vector<16xi1>, vector<16xi32>
      %parallel_loop3A_1423 = arith.cmpf ogt, %parallel_loop3A_1405, %parallel_loop3A_1414 : vector<16xf32>
      %parallel_loop3A_1424 = arith.maximumf %parallel_loop3A_1414, %parallel_loop3A_1405 : vector<16xf32>
      %parallel_loop3A_1425 = arith.minimumf %parallel_loop3A_1414, %parallel_loop3A_1405 : vector<16xf32>
      %parallel_loop3A_1426 = arith.select %parallel_loop3A_1423, %parallel_loop3A_1407, %parallel_loop3A_1416 : vector<16xi1>, vector<16xi32>
      %parallel_loop3A_1427 = arith.select %parallel_loop3A_1423, %parallel_loop3A_1416, %parallel_loop3A_1407 : vector<16xi1>, vector<16xi32>
      %parallel_loop3A_1428 = arith.cmpf ogt, %parallel_loop3A_1419, %parallel_loop3A_1404 : vector<16xf32>
      %parallel_loop3A_1429 = arith.maximumf %parallel_loop3A_1404, %parallel_loop3A_1419 : vector<16xf32>
      %parallel_loop3A_1430 = arith.minimumf %parallel_loop3A_1404, %parallel_loop3A_1419 : vector<16xf32>
      %parallel_loop3A_1431 = arith.select %parallel_loop3A_1428, %parallel_loop3A_1421, %parallel_loop3A_1406 : vector<16xi1>, vector<16xi32>
      %parallel_loop3A_1432 = arith.select %parallel_loop3A_1428, %parallel_loop3A_1406, %parallel_loop3A_1421 : vector<16xi1>, vector<16xi32>
      %parallel_loop3A_1433 = arith.cmpf ogt, %parallel_loop3A_1420, %parallel_loop3A_1424 : vector<16xf32>
      %parallel_loop3A_1434 = arith.maximumf %parallel_loop3A_1424, %parallel_loop3A_1420 : vector<16xf32>
      %parallel_loop3A_1435 = arith.minimumf %parallel_loop3A_1424, %parallel_loop3A_1420 : vector<16xf32>
      %parallel_loop3A_1436 = arith.select %parallel_loop3A_1433, %parallel_loop3A_1422, %parallel_loop3A_1426 : vector<16xi1>, vector<16xi32>
      %parallel_loop3A_1437 = arith.select %parallel_loop3A_1433, %parallel_loop3A_1426, %parallel_loop3A_1422 : vector<16xi1>, vector<16xi32>
      %parallel_loop3A_1438 = arith.cmpf ogt, %parallel_loop3A_1410, %parallel_loop3A_1425 : vector<16xf32>
      %parallel_loop3A_1439 = arith.maximumf %parallel_loop3A_1425, %parallel_loop3A_1410 : vector<16xf32>
      %parallel_loop3A_1440 = arith.minimumf %parallel_loop3A_1425, %parallel_loop3A_1410 : vector<16xf32>
      %parallel_loop3A_1441 = arith.select %parallel_loop3A_1438, %parallel_loop3A_1412, %parallel_loop3A_1427 : vector<16xi1>, vector<16xi32>
      %parallel_loop3A_1442 = arith.select %parallel_loop3A_1438, %parallel_loop3A_1427, %parallel_loop3A_1412 : vector<16xi1>, vector<16xi32>
      %parallel_loop3A_1443 = arith.cmpf ogt, %parallel_loop3A_1415, %parallel_loop3A_1281 : vector<16xf32>
      %parallel_loop3A_1444 = arith.select %parallel_loop3A_1443, %parallel_loop3A_1415, %parallel_loop3A_1281 : vector<16xi1>, vector<16xf32>
      %parallel_loop3A_1445 = arith.select %parallel_loop3A_1443, %parallel_loop3A_1417, %parallel_loop3A_1283 : vector<16xi1>, vector<16xi32>
      %parallel_loop3A_1446 = arith.cmpf ogt, %parallel_loop3A_1440, %parallel_loop3A_1282 : vector<16xf32>
      %parallel_loop3A_1447 = arith.select %parallel_loop3A_1446, %parallel_loop3A_1440, %parallel_loop3A_1282 : vector<16xi1>, vector<16xf32>
      %parallel_loop3A_1448 = arith.select %parallel_loop3A_1446, %parallel_loop3A_1442, %parallel_loop3A_1284 : vector<16xi1>, vector<16xi32>
      %parallel_loop3A_1449 = arith.cmpf ogt, %parallel_loop3A_1439, %parallel_loop3A_1286 : vector<16xf32>
      %parallel_loop3A_1450 = arith.select %parallel_loop3A_1449, %parallel_loop3A_1439, %parallel_loop3A_1286 : vector<16xi1>, vector<16xf32>
      %parallel_loop3A_1451 = arith.select %parallel_loop3A_1449, %parallel_loop3A_1441, %parallel_loop3A_1288 : vector<16xi1>, vector<16xi32>
      %parallel_loop3A_1452 = arith.cmpf ogt, %parallel_loop3A_1435, %parallel_loop3A_1287 : vector<16xf32>
      %parallel_loop3A_1453 = arith.select %parallel_loop3A_1452, %parallel_loop3A_1435, %parallel_loop3A_1287 : vector<16xi1>, vector<16xf32>
      %parallel_loop3A_1454 = arith.select %parallel_loop3A_1452, %parallel_loop3A_1437, %parallel_loop3A_1289 : vector<16xi1>, vector<16xi32>
      %parallel_loop3A_1455 = arith.cmpf ogt, %parallel_loop3A_1434, %parallel_loop3A_1291 : vector<16xf32>
      %parallel_loop3A_1456 = arith.select %parallel_loop3A_1455, %parallel_loop3A_1434, %parallel_loop3A_1291 : vector<16xi1>, vector<16xf32>
      %parallel_loop3A_1457 = arith.select %parallel_loop3A_1455, %parallel_loop3A_1436, %parallel_loop3A_1293 : vector<16xi1>, vector<16xi32>
      %parallel_loop3A_1458 = arith.cmpf ogt, %parallel_loop3A_1430, %parallel_loop3A_1292 : vector<16xf32>
      %parallel_loop3A_1459 = arith.select %parallel_loop3A_1458, %parallel_loop3A_1430, %parallel_loop3A_1292 : vector<16xi1>, vector<16xf32>
      %parallel_loop3A_1460 = arith.select %parallel_loop3A_1458, %parallel_loop3A_1432, %parallel_loop3A_1294 : vector<16xi1>, vector<16xi32>
      %parallel_loop3A_1461 = arith.cmpf ogt, %parallel_loop3A_1429, %parallel_loop3A_1296 : vector<16xf32>
      %parallel_loop3A_1462 = arith.select %parallel_loop3A_1461, %parallel_loop3A_1429, %parallel_loop3A_1296 : vector<16xi1>, vector<16xf32>
      %parallel_loop3A_1463 = arith.select %parallel_loop3A_1461, %parallel_loop3A_1431, %parallel_loop3A_1298 : vector<16xi1>, vector<16xi32>
      %parallel_loop3A_1464 = arith.cmpf ogt, %parallel_loop3A_1399, %parallel_loop3A_1297 : vector<16xf32>
      %parallel_loop3A_1465 = arith.select %parallel_loop3A_1464, %parallel_loop3A_1399, %parallel_loop3A_1297 : vector<16xi1>, vector<16xf32>
      %parallel_loop3A_1466 = arith.select %parallel_loop3A_1464, %parallel_loop3A_1401, %parallel_loop3A_1299 : vector<16xi1>, vector<16xi32>
      %parallel_loop3A_1467 = arith.cmpf ogt, %parallel_loop3A_1456, %parallel_loop3A_1444 : vector<16xf32>
      %parallel_loop3A_1468 = arith.maximumf %parallel_loop3A_1444, %parallel_loop3A_1456 : vector<16xf32>
      %parallel_loop3A_1469 = arith.minimumf %parallel_loop3A_1444, %parallel_loop3A_1456 : vector<16xf32>
      %parallel_loop3A_1470 = arith.select %parallel_loop3A_1467, %parallel_loop3A_1457, %parallel_loop3A_1445 : vector<16xi1>, vector<16xi32>
      %parallel_loop3A_1471 = arith.select %parallel_loop3A_1467, %parallel_loop3A_1445, %parallel_loop3A_1457 : vector<16xi1>, vector<16xi32>
      %parallel_loop3A_1472 = arith.cmpf ogt, %parallel_loop3A_1459, %parallel_loop3A_1447 : vector<16xf32>
      %parallel_loop3A_1473 = arith.maximumf %parallel_loop3A_1447, %parallel_loop3A_1459 : vector<16xf32>
      %parallel_loop3A_1474 = arith.minimumf %parallel_loop3A_1447, %parallel_loop3A_1459 : vector<16xf32>
      %parallel_loop3A_1475 = arith.select %parallel_loop3A_1472, %parallel_loop3A_1460, %parallel_loop3A_1448 : vector<16xi1>, vector<16xi32>
      %parallel_loop3A_1476 = arith.select %parallel_loop3A_1472, %parallel_loop3A_1448, %parallel_loop3A_1460 : vector<16xi1>, vector<16xi32>
      %parallel_loop3A_1477 = arith.cmpf ogt, %parallel_loop3A_1462, %parallel_loop3A_1450 : vector<16xf32>
      %parallel_loop3A_1478 = arith.maximumf %parallel_loop3A_1450, %parallel_loop3A_1462 : vector<16xf32>
      %parallel_loop3A_1479 = arith.minimumf %parallel_loop3A_1450, %parallel_loop3A_1462 : vector<16xf32>
      %parallel_loop3A_1480 = arith.select %parallel_loop3A_1477, %parallel_loop3A_1463, %parallel_loop3A_1451 : vector<16xi1>, vector<16xi32>
      %parallel_loop3A_1481 = arith.select %parallel_loop3A_1477, %parallel_loop3A_1451, %parallel_loop3A_1463 : vector<16xi1>, vector<16xi32>
      %parallel_loop3A_1482 = arith.cmpf ogt, %parallel_loop3A_1465, %parallel_loop3A_1453 : vector<16xf32>
      %parallel_loop3A_1483 = arith.maximumf %parallel_loop3A_1453, %parallel_loop3A_1465 : vector<16xf32>
      %parallel_loop3A_1484 = arith.minimumf %parallel_loop3A_1453, %parallel_loop3A_1465 : vector<16xf32>
      %parallel_loop3A_1485 = arith.select %parallel_loop3A_1482, %parallel_loop3A_1466, %parallel_loop3A_1454 : vector<16xi1>, vector<16xi32>
      %parallel_loop3A_1486 = arith.select %parallel_loop3A_1482, %parallel_loop3A_1454, %parallel_loop3A_1466 : vector<16xi1>, vector<16xi32>
      %parallel_loop3A_1487 = arith.cmpf ogt, %parallel_loop3A_1478, %parallel_loop3A_1468 : vector<16xf32>
      %parallel_loop3A_1488 = arith.maximumf %parallel_loop3A_1468, %parallel_loop3A_1478 : vector<16xf32>
      %parallel_loop3A_1489 = arith.minimumf %parallel_loop3A_1468, %parallel_loop3A_1478 : vector<16xf32>
      %parallel_loop3A_1490 = arith.select %parallel_loop3A_1487, %parallel_loop3A_1480, %parallel_loop3A_1470 : vector<16xi1>, vector<16xi32>
      %parallel_loop3A_1491 = arith.select %parallel_loop3A_1487, %parallel_loop3A_1470, %parallel_loop3A_1480 : vector<16xi1>, vector<16xi32>
      %parallel_loop3A_1492 = arith.cmpf ogt, %parallel_loop3A_1483, %parallel_loop3A_1473 : vector<16xf32>
      %parallel_loop3A_1493 = arith.maximumf %parallel_loop3A_1473, %parallel_loop3A_1483 : vector<16xf32>
      %parallel_loop3A_1494 = arith.minimumf %parallel_loop3A_1473, %parallel_loop3A_1483 : vector<16xf32>
      %parallel_loop3A_1495 = arith.select %parallel_loop3A_1492, %parallel_loop3A_1485, %parallel_loop3A_1475 : vector<16xi1>, vector<16xi32>
      %parallel_loop3A_1496 = arith.select %parallel_loop3A_1492, %parallel_loop3A_1475, %parallel_loop3A_1485 : vector<16xi1>, vector<16xi32>
      %parallel_loop3A_1497 = arith.cmpf ogt, %parallel_loop3A_1479, %parallel_loop3A_1469 : vector<16xf32>
      %parallel_loop3A_1498 = arith.maximumf %parallel_loop3A_1469, %parallel_loop3A_1479 : vector<16xf32>
      %parallel_loop3A_1499 = arith.minimumf %parallel_loop3A_1469, %parallel_loop3A_1479 : vector<16xf32>
      %parallel_loop3A_1500 = arith.select %parallel_loop3A_1497, %parallel_loop3A_1481, %parallel_loop3A_1471 : vector<16xi1>, vector<16xi32>
      %parallel_loop3A_1501 = arith.select %parallel_loop3A_1497, %parallel_loop3A_1471, %parallel_loop3A_1481 : vector<16xi1>, vector<16xi32>
      %parallel_loop3A_1502 = arith.cmpf ogt, %parallel_loop3A_1484, %parallel_loop3A_1474 : vector<16xf32>
      %parallel_loop3A_1503 = arith.maximumf %parallel_loop3A_1474, %parallel_loop3A_1484 : vector<16xf32>
      %parallel_loop3A_1504 = arith.minimumf %parallel_loop3A_1474, %parallel_loop3A_1484 : vector<16xf32>
      %parallel_loop3A_1505 = arith.select %parallel_loop3A_1502, %parallel_loop3A_1486, %parallel_loop3A_1476 : vector<16xi1>, vector<16xi32>
      %parallel_loop3A_1506 = arith.select %parallel_loop3A_1502, %parallel_loop3A_1476, %parallel_loop3A_1486 : vector<16xi1>, vector<16xi32>
      %parallel_loop3A_1507 = arith.cmpf ogt, %parallel_loop3A_1493, %parallel_loop3A_1488 : vector<16xf32>
      %parallel_loop3A_1508 = arith.maximumf %parallel_loop3A_1488, %parallel_loop3A_1493 : vector<16xf32>
      %parallel_loop3A_1509 = arith.minimumf %parallel_loop3A_1488, %parallel_loop3A_1493 : vector<16xf32>
      %parallel_loop3A_1510 = arith.select %parallel_loop3A_1507, %parallel_loop3A_1495, %parallel_loop3A_1490 : vector<16xi1>, vector<16xi32>
      %parallel_loop3A_1511 = arith.select %parallel_loop3A_1507, %parallel_loop3A_1490, %parallel_loop3A_1495 : vector<16xi1>, vector<16xi32>
      %parallel_loop3A_1512 = arith.cmpf ogt, %parallel_loop3A_1494, %parallel_loop3A_1489 : vector<16xf32>
      %parallel_loop3A_1513 = arith.maximumf %parallel_loop3A_1489, %parallel_loop3A_1494 : vector<16xf32>
      %parallel_loop3A_1514 = arith.minimumf %parallel_loop3A_1489, %parallel_loop3A_1494 : vector<16xf32>
      %parallel_loop3A_1515 = arith.select %parallel_loop3A_1512, %parallel_loop3A_1496, %parallel_loop3A_1491 : vector<16xi1>, vector<16xi32>
      %parallel_loop3A_1516 = arith.select %parallel_loop3A_1512, %parallel_loop3A_1491, %parallel_loop3A_1496 : vector<16xi1>, vector<16xi32>
      %parallel_loop3A_1517 = arith.cmpf ogt, %parallel_loop3A_1503, %parallel_loop3A_1498 : vector<16xf32>
      %parallel_loop3A_1518 = arith.maximumf %parallel_loop3A_1498, %parallel_loop3A_1503 : vector<16xf32>
      %parallel_loop3A_1519 = arith.minimumf %parallel_loop3A_1498, %parallel_loop3A_1503 : vector<16xf32>
      %parallel_loop3A_1520 = arith.select %parallel_loop3A_1517, %parallel_loop3A_1505, %parallel_loop3A_1500 : vector<16xi1>, vector<16xi32>
      %parallel_loop3A_1521 = arith.select %parallel_loop3A_1517, %parallel_loop3A_1500, %parallel_loop3A_1505 : vector<16xi1>, vector<16xi32>
      %parallel_loop3A_1522 = arith.cmpf ogt, %parallel_loop3A_1504, %parallel_loop3A_1499 : vector<16xf32>
      %parallel_loop3A_1523 = arith.maximumf %parallel_loop3A_1499, %parallel_loop3A_1504 : vector<16xf32>
      %parallel_loop3A_1524 = arith.minimumf %parallel_loop3A_1499, %parallel_loop3A_1504 : vector<16xf32>
      %parallel_loop3A_1525 = arith.select %parallel_loop3A_1522, %parallel_loop3A_1506, %parallel_loop3A_1501 : vector<16xi1>, vector<16xi32>
      %parallel_loop3A_1526 = arith.select %parallel_loop3A_1522, %parallel_loop3A_1501, %parallel_loop3A_1506 : vector<16xi1>, vector<16xi32>
      %parallel_loop3A_1527 = arith.constant 56 : i32
      %parallel_loop3A_1528 = arith.index_cast %parallel_loop3A_1527 : i32 to index
      %parallel_loop3A_1529 = arith.index_cast %parallel_loop3A_21 : i32 to index
      %parallel_loop3A_1530 = tpu.vector_load %arg5[%parallel_loop3A_1528, %parallel_loop3A_1529] {strides = array<i32>} : memref<64x512xf32, #tpu.memory_space<vmem>>, vector<16xf32>,
      %parallel_loop3A_1531 = arith.constant 57 : i32
      %parallel_loop3A_1532 = arith.index_cast %parallel_loop3A_1531 : i32 to index
      %parallel_loop3A_1533 = arith.index_cast %parallel_loop3A_21 : i32 to index
      %parallel_loop3A_1534 = tpu.vector_load %arg5[%parallel_loop3A_1532, %parallel_loop3A_1533] {strides = array<i32>} : memref<64x512xf32, #tpu.memory_space<vmem>>, vector<16xf32>,
      %parallel_loop3A_1535 = arith.constant 58 : i32
      %parallel_loop3A_1536 = arith.index_cast %parallel_loop3A_1535 : i32 to index
      %parallel_loop3A_1537 = arith.index_cast %parallel_loop3A_21 : i32 to index
      %parallel_loop3A_1538 = tpu.vector_load %arg5[%parallel_loop3A_1536, %parallel_loop3A_1537] {strides = array<i32>} : memref<64x512xf32, #tpu.memory_space<vmem>>, vector<16xf32>,
      %parallel_loop3A_1539 = arith.constant 59 : i32
      %parallel_loop3A_1540 = arith.index_cast %parallel_loop3A_1539 : i32 to index
      %parallel_loop3A_1541 = arith.index_cast %parallel_loop3A_21 : i32 to index
      %parallel_loop3A_1542 = tpu.vector_load %arg5[%parallel_loop3A_1540, %parallel_loop3A_1541] {strides = array<i32>} : memref<64x512xf32, #tpu.memory_space<vmem>>, vector<16xf32>,
      %parallel_loop3A_1543 = arith.constant 60 : i32
      %parallel_loop3A_1544 = arith.index_cast %parallel_loop3A_1543 : i32 to index
      %parallel_loop3A_1545 = arith.index_cast %parallel_loop3A_21 : i32 to index
      %parallel_loop3A_1546 = tpu.vector_load %arg5[%parallel_loop3A_1544, %parallel_loop3A_1545] {strides = array<i32>} : memref<64x512xf32, #tpu.memory_space<vmem>>, vector<16xf32>,
      %parallel_loop3A_1547 = arith.constant 61 : i32
      %parallel_loop3A_1548 = arith.index_cast %parallel_loop3A_1547 : i32 to index
      %parallel_loop3A_1549 = arith.index_cast %parallel_loop3A_21 : i32 to index
      %parallel_loop3A_1550 = tpu.vector_load %arg5[%parallel_loop3A_1548, %parallel_loop3A_1549] {strides = array<i32>} : memref<64x512xf32, #tpu.memory_space<vmem>>, vector<16xf32>,
      %parallel_loop3A_1551 = arith.constant 62 : i32
      %parallel_loop3A_1552 = arith.index_cast %parallel_loop3A_1551 : i32 to index
      %parallel_loop3A_1553 = arith.index_cast %parallel_loop3A_21 : i32 to index
      %parallel_loop3A_1554 = tpu.vector_load %arg5[%parallel_loop3A_1552, %parallel_loop3A_1553] {strides = array<i32>} : memref<64x512xf32, #tpu.memory_space<vmem>>, vector<16xf32>,
      %parallel_loop3A_1555 = arith.constant 63 : i32
      %parallel_loop3A_1556 = arith.index_cast %parallel_loop3A_1555 : i32 to index
      %parallel_loop3A_1557 = arith.index_cast %parallel_loop3A_21 : i32 to index
      %parallel_loop3A_1558 = tpu.vector_load %arg5[%parallel_loop3A_1556, %parallel_loop3A_1557] {strides = array<i32>} : memref<64x512xf32, #tpu.memory_space<vmem>>, vector<16xf32>,
      %parallel_loop3A_1559 = arith.constant 56 : i32
      %parallel_loop3A_1560 = vector.broadcast %parallel_loop3A_1559 : i32 to vector<16xi32>
      %parallel_loop3A_1561 = arith.constant 57 : i32
      %parallel_loop3A_1562 = vector.broadcast %parallel_loop3A_1561 : i32 to vector<16xi32>
      %parallel_loop3A_1563 = arith.constant 58 : i32
      %parallel_loop3A_1564 = vector.broadcast %parallel_loop3A_1563 : i32 to vector<16xi32>
      %parallel_loop3A_1565 = arith.constant 59 : i32
      %parallel_loop3A_1566 = vector.broadcast %parallel_loop3A_1565 : i32 to vector<16xi32>
      %parallel_loop3A_1567 = arith.constant 60 : i32
      %parallel_loop3A_1568 = vector.broadcast %parallel_loop3A_1567 : i32 to vector<16xi32>
      %parallel_loop3A_1569 = arith.constant 61 : i32
      %parallel_loop3A_1570 = vector.broadcast %parallel_loop3A_1569 : i32 to vector<16xi32>
      %parallel_loop3A_1571 = arith.constant 62 : i32
      %parallel_loop3A_1572 = vector.broadcast %parallel_loop3A_1571 : i32 to vector<16xi32>
      %parallel_loop3A_1573 = arith.constant 63 : i32
      %parallel_loop3A_1574 = vector.broadcast %parallel_loop3A_1573 : i32 to vector<16xi32>
      %parallel_loop3A_1575 = arith.cmpf ogt, %parallel_loop3A_1534, %parallel_loop3A_1530 : vector<16xf32>
      %parallel_loop3A_1576 = arith.maximumf %parallel_loop3A_1530, %parallel_loop3A_1534 : vector<16xf32>
      %parallel_loop3A_1577 = arith.minimumf %parallel_loop3A_1530, %parallel_loop3A_1534 : vector<16xf32>
      %parallel_loop3A_1578 = arith.select %parallel_loop3A_1575, %parallel_loop3A_1562, %parallel_loop3A_1560 : vector<16xi1>, vector<16xi32>
      %parallel_loop3A_1579 = arith.select %parallel_loop3A_1575, %parallel_loop3A_1560, %parallel_loop3A_1562 : vector<16xi1>, vector<16xi32>
      %parallel_loop3A_1580 = arith.cmpf ogt, %parallel_loop3A_1542, %parallel_loop3A_1538 : vector<16xf32>
      %parallel_loop3A_1581 = arith.maximumf %parallel_loop3A_1538, %parallel_loop3A_1542 : vector<16xf32>
      %parallel_loop3A_1582 = arith.minimumf %parallel_loop3A_1538, %parallel_loop3A_1542 : vector<16xf32>
      %parallel_loop3A_1583 = arith.select %parallel_loop3A_1580, %parallel_loop3A_1566, %parallel_loop3A_1564 : vector<16xi1>, vector<16xi32>
      %parallel_loop3A_1584 = arith.select %parallel_loop3A_1580, %parallel_loop3A_1564, %parallel_loop3A_1566 : vector<16xi1>, vector<16xi32>
      %parallel_loop3A_1585 = arith.cmpf ogt, %parallel_loop3A_1550, %parallel_loop3A_1546 : vector<16xf32>
      %parallel_loop3A_1586 = arith.maximumf %parallel_loop3A_1546, %parallel_loop3A_1550 : vector<16xf32>
      %parallel_loop3A_1587 = arith.minimumf %parallel_loop3A_1546, %parallel_loop3A_1550 : vector<16xf32>
      %parallel_loop3A_1588 = arith.select %parallel_loop3A_1585, %parallel_loop3A_1570, %parallel_loop3A_1568 : vector<16xi1>, vector<16xi32>
      %parallel_loop3A_1589 = arith.select %parallel_loop3A_1585, %parallel_loop3A_1568, %parallel_loop3A_1570 : vector<16xi1>, vector<16xi32>
      %parallel_loop3A_1590 = arith.cmpf ogt, %parallel_loop3A_1558, %parallel_loop3A_1554 : vector<16xf32>
      %parallel_loop3A_1591 = arith.maximumf %parallel_loop3A_1554, %parallel_loop3A_1558 : vector<16xf32>
      %parallel_loop3A_1592 = arith.minimumf %parallel_loop3A_1554, %parallel_loop3A_1558 : vector<16xf32>
      %parallel_loop3A_1593 = arith.select %parallel_loop3A_1590, %parallel_loop3A_1574, %parallel_loop3A_1572 : vector<16xi1>, vector<16xi32>
      %parallel_loop3A_1594 = arith.select %parallel_loop3A_1590, %parallel_loop3A_1572, %parallel_loop3A_1574 : vector<16xi1>, vector<16xi32>
      %parallel_loop3A_1595 = arith.cmpf ogt, %parallel_loop3A_1581, %parallel_loop3A_1576 : vector<16xf32>
      %parallel_loop3A_1596 = arith.maximumf %parallel_loop3A_1576, %parallel_loop3A_1581 : vector<16xf32>
      %parallel_loop3A_1597 = arith.minimumf %parallel_loop3A_1576, %parallel_loop3A_1581 : vector<16xf32>
      %parallel_loop3A_1598 = arith.select %parallel_loop3A_1595, %parallel_loop3A_1583, %parallel_loop3A_1578 : vector<16xi1>, vector<16xi32>
      %parallel_loop3A_1599 = arith.select %parallel_loop3A_1595, %parallel_loop3A_1578, %parallel_loop3A_1583 : vector<16xi1>, vector<16xi32>
      %parallel_loop3A_1600 = arith.cmpf ogt, %parallel_loop3A_1582, %parallel_loop3A_1577 : vector<16xf32>
      %parallel_loop3A_1601 = arith.maximumf %parallel_loop3A_1577, %parallel_loop3A_1582 : vector<16xf32>
      %parallel_loop3A_1602 = arith.minimumf %parallel_loop3A_1577, %parallel_loop3A_1582 : vector<16xf32>
      %parallel_loop3A_1603 = arith.select %parallel_loop3A_1600, %parallel_loop3A_1584, %parallel_loop3A_1579 : vector<16xi1>, vector<16xi32>
      %parallel_loop3A_1604 = arith.select %parallel_loop3A_1600, %parallel_loop3A_1579, %parallel_loop3A_1584 : vector<16xi1>, vector<16xi32>
      %parallel_loop3A_1605 = arith.cmpf ogt, %parallel_loop3A_1591, %parallel_loop3A_1586 : vector<16xf32>
      %parallel_loop3A_1606 = arith.maximumf %parallel_loop3A_1586, %parallel_loop3A_1591 : vector<16xf32>
      %parallel_loop3A_1607 = arith.minimumf %parallel_loop3A_1586, %parallel_loop3A_1591 : vector<16xf32>
      %parallel_loop3A_1608 = arith.select %parallel_loop3A_1605, %parallel_loop3A_1593, %parallel_loop3A_1588 : vector<16xi1>, vector<16xi32>
      %parallel_loop3A_1609 = arith.select %parallel_loop3A_1605, %parallel_loop3A_1588, %parallel_loop3A_1593 : vector<16xi1>, vector<16xi32>
      %parallel_loop3A_1610 = arith.cmpf ogt, %parallel_loop3A_1592, %parallel_loop3A_1587 : vector<16xf32>
      %parallel_loop3A_1611 = arith.maximumf %parallel_loop3A_1587, %parallel_loop3A_1592 : vector<16xf32>
      %parallel_loop3A_1612 = arith.minimumf %parallel_loop3A_1587, %parallel_loop3A_1592 : vector<16xf32>
      %parallel_loop3A_1613 = arith.select %parallel_loop3A_1610, %parallel_loop3A_1594, %parallel_loop3A_1589 : vector<16xi1>, vector<16xi32>
      %parallel_loop3A_1614 = arith.select %parallel_loop3A_1610, %parallel_loop3A_1589, %parallel_loop3A_1594 : vector<16xi1>, vector<16xi32>
      %parallel_loop3A_1615 = arith.cmpf ogt, %parallel_loop3A_1597, %parallel_loop3A_1601 : vector<16xf32>
      %parallel_loop3A_1616 = arith.maximumf %parallel_loop3A_1601, %parallel_loop3A_1597 : vector<16xf32>
      %parallel_loop3A_1617 = arith.minimumf %parallel_loop3A_1601, %parallel_loop3A_1597 : vector<16xf32>
      %parallel_loop3A_1618 = arith.select %parallel_loop3A_1615, %parallel_loop3A_1599, %parallel_loop3A_1603 : vector<16xi1>, vector<16xi32>
      %parallel_loop3A_1619 = arith.select %parallel_loop3A_1615, %parallel_loop3A_1603, %parallel_loop3A_1599 : vector<16xi1>, vector<16xi32>
      %parallel_loop3A_1620 = arith.cmpf ogt, %parallel_loop3A_1607, %parallel_loop3A_1611 : vector<16xf32>
      %parallel_loop3A_1621 = arith.maximumf %parallel_loop3A_1611, %parallel_loop3A_1607 : vector<16xf32>
      %parallel_loop3A_1622 = arith.minimumf %parallel_loop3A_1611, %parallel_loop3A_1607 : vector<16xf32>
      %parallel_loop3A_1623 = arith.select %parallel_loop3A_1620, %parallel_loop3A_1609, %parallel_loop3A_1613 : vector<16xi1>, vector<16xi32>
      %parallel_loop3A_1624 = arith.select %parallel_loop3A_1620, %parallel_loop3A_1613, %parallel_loop3A_1609 : vector<16xi1>, vector<16xi32>
      %parallel_loop3A_1625 = arith.cmpf ogt, %parallel_loop3A_1606, %parallel_loop3A_1596 : vector<16xf32>
      %parallel_loop3A_1626 = arith.maximumf %parallel_loop3A_1596, %parallel_loop3A_1606 : vector<16xf32>
      %parallel_loop3A_1627 = arith.minimumf %parallel_loop3A_1596, %parallel_loop3A_1606 : vector<16xf32>
      %parallel_loop3A_1628 = arith.select %parallel_loop3A_1625, %parallel_loop3A_1608, %parallel_loop3A_1598 : vector<16xi1>, vector<16xi32>
      %parallel_loop3A_1629 = arith.select %parallel_loop3A_1625, %parallel_loop3A_1598, %parallel_loop3A_1608 : vector<16xi1>, vector<16xi32>
      %parallel_loop3A_1630 = arith.cmpf ogt, %parallel_loop3A_1621, %parallel_loop3A_1616 : vector<16xf32>
      %parallel_loop3A_1631 = arith.maximumf %parallel_loop3A_1616, %parallel_loop3A_1621 : vector<16xf32>
      %parallel_loop3A_1632 = arith.minimumf %parallel_loop3A_1616, %parallel_loop3A_1621 : vector<16xf32>
      %parallel_loop3A_1633 = arith.select %parallel_loop3A_1630, %parallel_loop3A_1623, %parallel_loop3A_1618 : vector<16xi1>, vector<16xi32>
      %parallel_loop3A_1634 = arith.select %parallel_loop3A_1630, %parallel_loop3A_1618, %parallel_loop3A_1623 : vector<16xi1>, vector<16xi32>
      %parallel_loop3A_1635 = arith.cmpf ogt, %parallel_loop3A_1622, %parallel_loop3A_1617 : vector<16xf32>
      %parallel_loop3A_1636 = arith.maximumf %parallel_loop3A_1617, %parallel_loop3A_1622 : vector<16xf32>
      %parallel_loop3A_1637 = arith.minimumf %parallel_loop3A_1617, %parallel_loop3A_1622 : vector<16xf32>
      %parallel_loop3A_1638 = arith.select %parallel_loop3A_1635, %parallel_loop3A_1624, %parallel_loop3A_1619 : vector<16xi1>, vector<16xi32>
      %parallel_loop3A_1639 = arith.select %parallel_loop3A_1635, %parallel_loop3A_1619, %parallel_loop3A_1624 : vector<16xi1>, vector<16xi32>
      %parallel_loop3A_1640 = arith.cmpf ogt, %parallel_loop3A_1612, %parallel_loop3A_1602 : vector<16xf32>
      %parallel_loop3A_1641 = arith.maximumf %parallel_loop3A_1602, %parallel_loop3A_1612 : vector<16xf32>
      %parallel_loop3A_1642 = arith.minimumf %parallel_loop3A_1602, %parallel_loop3A_1612 : vector<16xf32>
      %parallel_loop3A_1643 = arith.select %parallel_loop3A_1640, %parallel_loop3A_1614, %parallel_loop3A_1604 : vector<16xi1>, vector<16xi32>
      %parallel_loop3A_1644 = arith.select %parallel_loop3A_1640, %parallel_loop3A_1604, %parallel_loop3A_1614 : vector<16xi1>, vector<16xi32>
      %parallel_loop3A_1645 = arith.cmpf ogt, %parallel_loop3A_1627, %parallel_loop3A_1636 : vector<16xf32>
      %parallel_loop3A_1646 = arith.maximumf %parallel_loop3A_1636, %parallel_loop3A_1627 : vector<16xf32>
      %parallel_loop3A_1647 = arith.minimumf %parallel_loop3A_1636, %parallel_loop3A_1627 : vector<16xf32>
      %parallel_loop3A_1648 = arith.select %parallel_loop3A_1645, %parallel_loop3A_1629, %parallel_loop3A_1638 : vector<16xi1>, vector<16xi32>
      %parallel_loop3A_1649 = arith.select %parallel_loop3A_1645, %parallel_loop3A_1638, %parallel_loop3A_1629 : vector<16xi1>, vector<16xi32>
      %parallel_loop3A_1650 = arith.cmpf ogt, %parallel_loop3A_1632, %parallel_loop3A_1641 : vector<16xf32>
      %parallel_loop3A_1651 = arith.maximumf %parallel_loop3A_1641, %parallel_loop3A_1632 : vector<16xf32>
      %parallel_loop3A_1652 = arith.minimumf %parallel_loop3A_1641, %parallel_loop3A_1632 : vector<16xf32>
      %parallel_loop3A_1653 = arith.select %parallel_loop3A_1650, %parallel_loop3A_1634, %parallel_loop3A_1643 : vector<16xi1>, vector<16xi32>
      %parallel_loop3A_1654 = arith.select %parallel_loop3A_1650, %parallel_loop3A_1643, %parallel_loop3A_1634 : vector<16xi1>, vector<16xi32>
      %parallel_loop3A_1655 = arith.cmpf ogt, %parallel_loop3A_1646, %parallel_loop3A_1631 : vector<16xf32>
      %parallel_loop3A_1656 = arith.maximumf %parallel_loop3A_1631, %parallel_loop3A_1646 : vector<16xf32>
      %parallel_loop3A_1657 = arith.minimumf %parallel_loop3A_1631, %parallel_loop3A_1646 : vector<16xf32>
      %parallel_loop3A_1658 = arith.select %parallel_loop3A_1655, %parallel_loop3A_1648, %parallel_loop3A_1633 : vector<16xi1>, vector<16xi32>
      %parallel_loop3A_1659 = arith.select %parallel_loop3A_1655, %parallel_loop3A_1633, %parallel_loop3A_1648 : vector<16xi1>, vector<16xi32>
      %parallel_loop3A_1660 = arith.cmpf ogt, %parallel_loop3A_1647, %parallel_loop3A_1651 : vector<16xf32>
      %parallel_loop3A_1661 = arith.maximumf %parallel_loop3A_1651, %parallel_loop3A_1647 : vector<16xf32>
      %parallel_loop3A_1662 = arith.minimumf %parallel_loop3A_1651, %parallel_loop3A_1647 : vector<16xf32>
      %parallel_loop3A_1663 = arith.select %parallel_loop3A_1660, %parallel_loop3A_1649, %parallel_loop3A_1653 : vector<16xi1>, vector<16xi32>
      %parallel_loop3A_1664 = arith.select %parallel_loop3A_1660, %parallel_loop3A_1653, %parallel_loop3A_1649 : vector<16xi1>, vector<16xi32>
      %parallel_loop3A_1665 = arith.cmpf ogt, %parallel_loop3A_1637, %parallel_loop3A_1652 : vector<16xf32>
      %parallel_loop3A_1666 = arith.maximumf %parallel_loop3A_1652, %parallel_loop3A_1637 : vector<16xf32>
      %parallel_loop3A_1667 = arith.minimumf %parallel_loop3A_1652, %parallel_loop3A_1637 : vector<16xf32>
      %parallel_loop3A_1668 = arith.select %parallel_loop3A_1665, %parallel_loop3A_1639, %parallel_loop3A_1654 : vector<16xi1>, vector<16xi32>
      %parallel_loop3A_1669 = arith.select %parallel_loop3A_1665, %parallel_loop3A_1654, %parallel_loop3A_1639 : vector<16xi1>, vector<16xi32>
      %parallel_loop3A_1670 = arith.cmpf ogt, %parallel_loop3A_1642, %parallel_loop3A_1508 : vector<16xf32>
      %parallel_loop3A_1671 = arith.select %parallel_loop3A_1670, %parallel_loop3A_1642, %parallel_loop3A_1508 : vector<16xi1>, vector<16xf32>
      %parallel_loop3A_1672 = arith.select %parallel_loop3A_1670, %parallel_loop3A_1644, %parallel_loop3A_1510 : vector<16xi1>, vector<16xi32>
      %parallel_loop3A_1673 = arith.cmpf ogt, %parallel_loop3A_1667, %parallel_loop3A_1509 : vector<16xf32>
      %parallel_loop3A_1674 = arith.select %parallel_loop3A_1673, %parallel_loop3A_1667, %parallel_loop3A_1509 : vector<16xi1>, vector<16xf32>
      %parallel_loop3A_1675 = arith.select %parallel_loop3A_1673, %parallel_loop3A_1669, %parallel_loop3A_1511 : vector<16xi1>, vector<16xi32>
      %parallel_loop3A_1676 = arith.cmpf ogt, %parallel_loop3A_1666, %parallel_loop3A_1513 : vector<16xf32>
      %parallel_loop3A_1677 = arith.select %parallel_loop3A_1676, %parallel_loop3A_1666, %parallel_loop3A_1513 : vector<16xi1>, vector<16xf32>
      %parallel_loop3A_1678 = arith.select %parallel_loop3A_1676, %parallel_loop3A_1668, %parallel_loop3A_1515 : vector<16xi1>, vector<16xi32>
      %parallel_loop3A_1679 = arith.cmpf ogt, %parallel_loop3A_1662, %parallel_loop3A_1514 : vector<16xf32>
      %parallel_loop3A_1680 = arith.select %parallel_loop3A_1679, %parallel_loop3A_1662, %parallel_loop3A_1514 : vector<16xi1>, vector<16xf32>
      %parallel_loop3A_1681 = arith.select %parallel_loop3A_1679, %parallel_loop3A_1664, %parallel_loop3A_1516 : vector<16xi1>, vector<16xi32>
      %parallel_loop3A_1682 = arith.cmpf ogt, %parallel_loop3A_1661, %parallel_loop3A_1518 : vector<16xf32>
      %parallel_loop3A_1683 = arith.select %parallel_loop3A_1682, %parallel_loop3A_1661, %parallel_loop3A_1518 : vector<16xi1>, vector<16xf32>
      %parallel_loop3A_1684 = arith.select %parallel_loop3A_1682, %parallel_loop3A_1663, %parallel_loop3A_1520 : vector<16xi1>, vector<16xi32>
      %parallel_loop3A_1685 = arith.cmpf ogt, %parallel_loop3A_1657, %parallel_loop3A_1519 : vector<16xf32>
      %parallel_loop3A_1686 = arith.select %parallel_loop3A_1685, %parallel_loop3A_1657, %parallel_loop3A_1519 : vector<16xi1>, vector<16xf32>
      %parallel_loop3A_1687 = arith.select %parallel_loop3A_1685, %parallel_loop3A_1659, %parallel_loop3A_1521 : vector<16xi1>, vector<16xi32>
      %parallel_loop3A_1688 = arith.cmpf ogt, %parallel_loop3A_1656, %parallel_loop3A_1523 : vector<16xf32>
      %parallel_loop3A_1689 = arith.select %parallel_loop3A_1688, %parallel_loop3A_1656, %parallel_loop3A_1523 : vector<16xi1>, vector<16xf32>
      %parallel_loop3A_1690 = arith.select %parallel_loop3A_1688, %parallel_loop3A_1658, %parallel_loop3A_1525 : vector<16xi1>, vector<16xi32>
      %parallel_loop3A_1691 = arith.cmpf ogt, %parallel_loop3A_1626, %parallel_loop3A_1524 : vector<16xf32>
      %parallel_loop3A_1692 = arith.select %parallel_loop3A_1691, %parallel_loop3A_1626, %parallel_loop3A_1524 : vector<16xi1>, vector<16xf32>
      %parallel_loop3A_1693 = arith.select %parallel_loop3A_1691, %parallel_loop3A_1628, %parallel_loop3A_1526 : vector<16xi1>, vector<16xi32>
      %parallel_loop3A_1694 = arith.cmpf ogt, %parallel_loop3A_1683, %parallel_loop3A_1671 : vector<16xf32>
      %parallel_loop3A_1695 = arith.maximumf %parallel_loop3A_1671, %parallel_loop3A_1683 : vector<16xf32>
      %parallel_loop3A_1696 = arith.minimumf %parallel_loop3A_1671, %parallel_loop3A_1683 : vector<16xf32>
      %parallel_loop3A_1697 = arith.select %parallel_loop3A_1694, %parallel_loop3A_1684, %parallel_loop3A_1672 : vector<16xi1>, vector<16xi32>
      %parallel_loop3A_1698 = arith.select %parallel_loop3A_1694, %parallel_loop3A_1672, %parallel_loop3A_1684 : vector<16xi1>, vector<16xi32>
      %parallel_loop3A_1699 = arith.cmpf ogt, %parallel_loop3A_1686, %parallel_loop3A_1674 : vector<16xf32>
      %parallel_loop3A_1700 = arith.maximumf %parallel_loop3A_1674, %parallel_loop3A_1686 : vector<16xf32>
      %parallel_loop3A_1701 = arith.minimumf %parallel_loop3A_1674, %parallel_loop3A_1686 : vector<16xf32>
      %parallel_loop3A_1702 = arith.select %parallel_loop3A_1699, %parallel_loop3A_1687, %parallel_loop3A_1675 : vector<16xi1>, vector<16xi32>
      %parallel_loop3A_1703 = arith.select %parallel_loop3A_1699, %parallel_loop3A_1675, %parallel_loop3A_1687 : vector<16xi1>, vector<16xi32>
      %parallel_loop3A_1704 = arith.cmpf ogt, %parallel_loop3A_1689, %parallel_loop3A_1677 : vector<16xf32>
      %parallel_loop3A_1705 = arith.maximumf %parallel_loop3A_1677, %parallel_loop3A_1689 : vector<16xf32>
      %parallel_loop3A_1706 = arith.minimumf %parallel_loop3A_1677, %parallel_loop3A_1689 : vector<16xf32>
      %parallel_loop3A_1707 = arith.select %parallel_loop3A_1704, %parallel_loop3A_1690, %parallel_loop3A_1678 : vector<16xi1>, vector<16xi32>
      %parallel_loop3A_1708 = arith.select %parallel_loop3A_1704, %parallel_loop3A_1678, %parallel_loop3A_1690 : vector<16xi1>, vector<16xi32>
      %parallel_loop3A_1709 = arith.cmpf ogt, %parallel_loop3A_1692, %parallel_loop3A_1680 : vector<16xf32>
      %parallel_loop3A_1710 = arith.maximumf %parallel_loop3A_1680, %parallel_loop3A_1692 : vector<16xf32>
      %parallel_loop3A_1711 = arith.minimumf %parallel_loop3A_1680, %parallel_loop3A_1692 : vector<16xf32>
      %parallel_loop3A_1712 = arith.select %parallel_loop3A_1709, %parallel_loop3A_1693, %parallel_loop3A_1681 : vector<16xi1>, vector<16xi32>
      %parallel_loop3A_1713 = arith.select %parallel_loop3A_1709, %parallel_loop3A_1681, %parallel_loop3A_1693 : vector<16xi1>, vector<16xi32>
      %parallel_loop3A_1714 = arith.cmpf ogt, %parallel_loop3A_1705, %parallel_loop3A_1695 : vector<16xf32>
      %parallel_loop3A_1715 = arith.maximumf %parallel_loop3A_1695, %parallel_loop3A_1705 : vector<16xf32>
      %parallel_loop3A_1716 = arith.minimumf %parallel_loop3A_1695, %parallel_loop3A_1705 : vector<16xf32>
      %parallel_loop3A_1717 = arith.select %parallel_loop3A_1714, %parallel_loop3A_1707, %parallel_loop3A_1697 : vector<16xi1>, vector<16xi32>
      %parallel_loop3A_1718 = arith.select %parallel_loop3A_1714, %parallel_loop3A_1697, %parallel_loop3A_1707 : vector<16xi1>, vector<16xi32>
      %parallel_loop3A_1719 = arith.cmpf ogt, %parallel_loop3A_1710, %parallel_loop3A_1700 : vector<16xf32>
      %parallel_loop3A_1720 = arith.maximumf %parallel_loop3A_1700, %parallel_loop3A_1710 : vector<16xf32>
      %parallel_loop3A_1721 = arith.minimumf %parallel_loop3A_1700, %parallel_loop3A_1710 : vector<16xf32>
      %parallel_loop3A_1722 = arith.select %parallel_loop3A_1719, %parallel_loop3A_1712, %parallel_loop3A_1702 : vector<16xi1>, vector<16xi32>
      %parallel_loop3A_1723 = arith.select %parallel_loop3A_1719, %parallel_loop3A_1702, %parallel_loop3A_1712 : vector<16xi1>, vector<16xi32>
      %parallel_loop3A_1724 = arith.cmpf ogt, %parallel_loop3A_1706, %parallel_loop3A_1696 : vector<16xf32>
      %parallel_loop3A_1725 = arith.maximumf %parallel_loop3A_1696, %parallel_loop3A_1706 : vector<16xf32>
      %parallel_loop3A_1726 = arith.minimumf %parallel_loop3A_1696, %parallel_loop3A_1706 : vector<16xf32>
      %parallel_loop3A_1727 = arith.select %parallel_loop3A_1724, %parallel_loop3A_1708, %parallel_loop3A_1698 : vector<16xi1>, vector<16xi32>
      %parallel_loop3A_1728 = arith.select %parallel_loop3A_1724, %parallel_loop3A_1698, %parallel_loop3A_1708 : vector<16xi1>, vector<16xi32>
      %parallel_loop3A_1729 = arith.cmpf ogt, %parallel_loop3A_1711, %parallel_loop3A_1701 : vector<16xf32>
      %parallel_loop3A_1730 = arith.maximumf %parallel_loop3A_1701, %parallel_loop3A_1711 : vector<16xf32>
      %parallel_loop3A_1731 = arith.minimumf %parallel_loop3A_1701, %parallel_loop3A_1711 : vector<16xf32>
      %parallel_loop3A_1732 = arith.select %parallel_loop3A_1729, %parallel_loop3A_1713, %parallel_loop3A_1703 : vector<16xi1>, vector<16xi32>
      %parallel_loop3A_1733 = arith.select %parallel_loop3A_1729, %parallel_loop3A_1703, %parallel_loop3A_1713 : vector<16xi1>, vector<16xi32>
      %parallel_loop3A_1734 = arith.cmpf ogt, %parallel_loop3A_1720, %parallel_loop3A_1715 : vector<16xf32>
      %parallel_loop3A_1735 = arith.maximumf %parallel_loop3A_1715, %parallel_loop3A_1720 : vector<16xf32>
      %parallel_loop3A_1736 = arith.minimumf %parallel_loop3A_1715, %parallel_loop3A_1720 : vector<16xf32>
      %parallel_loop3A_1737 = arith.select %parallel_loop3A_1734, %parallel_loop3A_1722, %parallel_loop3A_1717 : vector<16xi1>, vector<16xi32>
      %parallel_loop3A_1738 = arith.select %parallel_loop3A_1734, %parallel_loop3A_1717, %parallel_loop3A_1722 : vector<16xi1>, vector<16xi32>
      %parallel_loop3A_1739 = arith.cmpf ogt, %parallel_loop3A_1721, %parallel_loop3A_1716 : vector<16xf32>
      %parallel_loop3A_1740 = arith.maximumf %parallel_loop3A_1716, %parallel_loop3A_1721 : vector<16xf32>
      %parallel_loop3A_1741 = arith.minimumf %parallel_loop3A_1716, %parallel_loop3A_1721 : vector<16xf32>
      %parallel_loop3A_1742 = arith.select %parallel_loop3A_1739, %parallel_loop3A_1723, %parallel_loop3A_1718 : vector<16xi1>, vector<16xi32>
      %parallel_loop3A_1743 = arith.select %parallel_loop3A_1739, %parallel_loop3A_1718, %parallel_loop3A_1723 : vector<16xi1>, vector<16xi32>
      %parallel_loop3A_1744 = arith.cmpf ogt, %parallel_loop3A_1730, %parallel_loop3A_1725 : vector<16xf32>
      %parallel_loop3A_1745 = arith.maximumf %parallel_loop3A_1725, %parallel_loop3A_1730 : vector<16xf32>
      %parallel_loop3A_1746 = arith.minimumf %parallel_loop3A_1725, %parallel_loop3A_1730 : vector<16xf32>
      %parallel_loop3A_1747 = arith.select %parallel_loop3A_1744, %parallel_loop3A_1732, %parallel_loop3A_1727 : vector<16xi1>, vector<16xi32>
      %parallel_loop3A_1748 = arith.select %parallel_loop3A_1744, %parallel_loop3A_1727, %parallel_loop3A_1732 : vector<16xi1>, vector<16xi32>
      %parallel_loop3A_1749 = arith.cmpf ogt, %parallel_loop3A_1731, %parallel_loop3A_1726 : vector<16xf32>
      %parallel_loop3A_1750 = arith.maximumf %parallel_loop3A_1726, %parallel_loop3A_1731 : vector<16xf32>
      %parallel_loop3A_1751 = arith.minimumf %parallel_loop3A_1726, %parallel_loop3A_1731 : vector<16xf32>
      %parallel_loop3A_1752 = arith.select %parallel_loop3A_1749, %parallel_loop3A_1733, %parallel_loop3A_1728 : vector<16xi1>, vector<16xi32>
      %parallel_loop3A_1753 = arith.select %parallel_loop3A_1749, %parallel_loop3A_1728, %parallel_loop3A_1733 : vector<16xi1>, vector<16xi32>
      %parallel_loop3A_1754 = arith.constant 1.000000e+00 : f32
      %parallel_loop3A_1755 = vector.broadcast %parallel_loop3A_1754 : f32 to vector<16xf32>
      %parallel_loop3A_1756 = arith.subf %parallel_loop3A_1736, %parallel_loop3A_1735 : vector<16xf32>
      %parallel_loop3A_1757 = math.exp %parallel_loop3A_1756 : vector<16xf32>
      %parallel_loop3A_1758 = arith.subf %parallel_loop3A_1740, %parallel_loop3A_1735 : vector<16xf32>
      %parallel_loop3A_1759 = math.exp %parallel_loop3A_1758 : vector<16xf32>
      %parallel_loop3A_1760 = arith.subf %parallel_loop3A_1741, %parallel_loop3A_1735 : vector<16xf32>
      %parallel_loop3A_1761 = math.exp %parallel_loop3A_1760 : vector<16xf32>
      %parallel_loop3A_1762 = arith.subf %parallel_loop3A_1745, %parallel_loop3A_1735 : vector<16xf32>
      %parallel_loop3A_1763 = math.exp %parallel_loop3A_1762 : vector<16xf32>
      %parallel_loop3A_1764 = arith.subf %parallel_loop3A_1746, %parallel_loop3A_1735 : vector<16xf32>
      %parallel_loop3A_1765 = math.exp %parallel_loop3A_1764 : vector<16xf32>
      %parallel_loop3A_1766 = arith.subf %parallel_loop3A_1750, %parallel_loop3A_1735 : vector<16xf32>
      %parallel_loop3A_1767 = math.exp %parallel_loop3A_1766 : vector<16xf32>
      %parallel_loop3A_1768 = arith.subf %parallel_loop3A_1751, %parallel_loop3A_1735 : vector<16xf32>
      %parallel_loop3A_1769 = math.exp %parallel_loop3A_1768 : vector<16xf32>
      %parallel_loop3A_1770 = arith.addf %parallel_loop3A_1755, %parallel_loop3A_1757 : vector<16xf32>
      %parallel_loop3A_1771 = arith.addf %parallel_loop3A_1759, %parallel_loop3A_1761 : vector<16xf32>
      %parallel_loop3A_1772 = arith.addf %parallel_loop3A_1770, %parallel_loop3A_1771 : vector<16xf32>
      %parallel_loop3A_1773 = arith.addf %parallel_loop3A_1763, %parallel_loop3A_1765 : vector<16xf32>
      %parallel_loop3A_1774 = arith.addf %parallel_loop3A_1767, %parallel_loop3A_1769 : vector<16xf32>
      %parallel_loop3A_1775 = arith.addf %parallel_loop3A_1773, %parallel_loop3A_1774 : vector<16xf32>
      %parallel_loop3A_1776 = arith.addf %parallel_loop3A_1772, %parallel_loop3A_1775 : vector<16xf32>
      %parallel_loop3A_1777 = arith.constant 1.000000e+00 : f32
      %parallel_loop3A_1778 = vector.broadcast %parallel_loop3A_1777 : f32 to vector<16xf32>
      %parallel_loop3A_1779 = arith.divf %parallel_loop3A_1778, %parallel_loop3A_1776 : vector<16xf32>
      %parallel_loop3A_1780 = arith.mulf %parallel_loop3A_1755, %parallel_loop3A_1779 : vector<16xf32>
      %parallel_loop3A_1781 = arith.constant 0 : i32
      %parallel_loop3A_1782 = arith.index_cast %parallel_loop3A_1781 : i32 to index
      %parallel_loop3A_1783 = arith.index_cast %parallel_loop3A_21 : i32 to index
      %parallel_loop3A_1784 = tpu.vector_load %arg6[%parallel_loop3A_1782, %parallel_loop3A_1783] {strides = array<i32>} : memref<8x512xf32, #tpu.memory_space<vmem>>, vector<16xf32>,
      tpu.vector_store %arg6[%parallel_loop3A_1782, %parallel_loop3A_1783], %parallel_loop3A_1780 {strides = array<i32>} : memref<8x512xf32, #tpu.memory_space<vmem>>, vector<16xf32>,
      %parallel_loop3A_1785 = arith.constant 0 : i32
      %parallel_loop3A_1786 = arith.index_cast %parallel_loop3A_1785 : i32 to index
      %parallel_loop3A_1787 = arith.index_cast %parallel_loop3A_21 : i32 to index
      %parallel_loop3A_1788 = tpu.vector_load %arg7[%parallel_loop3A_1786, %parallel_loop3A_1787] {strides = array<i32>} : memref<8x512xi32, #tpu.memory_space<vmem>>, vector<16xi32>,
      tpu.vector_store %arg7[%parallel_loop3A_1786, %parallel_loop3A_1787], %parallel_loop3A_1737 {strides = array<i32>} : memref<8x512xi32, #tpu.memory_space<vmem>>, vector<16xi32>,
      %parallel_loop3A_1789 = arith.mulf %parallel_loop3A_1757, %parallel_loop3A_1779 : vector<16xf32>
      %parallel_loop3A_1790 = arith.constant 1 : i32
      %parallel_loop3A_1791 = arith.index_cast %parallel_loop3A_1790 : i32 to index
      %parallel_loop3A_1792 = arith.index_cast %parallel_loop3A_21 : i32 to index
      %parallel_loop3A_1793 = tpu.vector_load %arg6[%parallel_loop3A_1791, %parallel_loop3A_1792] {strides = array<i32>} : memref<8x512xf32, #tpu.memory_space<vmem>>, vector<16xf32>,
      tpu.vector_store %arg6[%parallel_loop3A_1791, %parallel_loop3A_1792], %parallel_loop3A_1789 {strides = array<i32>} : memref<8x512xf32, #tpu.memory_space<vmem>>, vector<16xf32>,
      %parallel_loop3A_1794 = arith.constant 1 : i32
      %parallel_loop3A_1795 = arith.index_cast %parallel_loop3A_1794 : i32 to index
      %parallel_loop3A_1796 = arith.index_cast %parallel_loop3A_21 : i32 to index
      %parallel_loop3A_1797 = tpu.vector_load %arg7[%parallel_loop3A_1795, %parallel_loop3A_1796] {strides = array<i32>} : memref<8x512xi32, #tpu.memory_space<vmem>>, vector<16xi32>,
      tpu.vector_store %arg7[%parallel_loop3A_1795, %parallel_loop3A_1796], %parallel_loop3A_1738 {strides = array<i32>} : memref<8x512xi32, #tpu.memory_space<vmem>>, vector<16xi32>,
      %parallel_loop3A_1798 = arith.mulf %parallel_loop3A_1759, %parallel_loop3A_1779 : vector<16xf32>
      %parallel_loop3A_1799 = arith.constant 2 : i32
      %parallel_loop3A_1800 = arith.index_cast %parallel_loop3A_1799 : i32 to index
      %parallel_loop3A_1801 = arith.index_cast %parallel_loop3A_21 : i32 to index
      %parallel_loop3A_1802 = tpu.vector_load %arg6[%parallel_loop3A_1800, %parallel_loop3A_1801] {strides = array<i32>} : memref<8x512xf32, #tpu.memory_space<vmem>>, vector<16xf32>,
      tpu.vector_store %arg6[%parallel_loop3A_1800, %parallel_loop3A_1801], %parallel_loop3A_1798 {strides = array<i32>} : memref<8x512xf32, #tpu.memory_space<vmem>>, vector<16xf32>,
      %parallel_loop3A_1803 = arith.constant 2 : i32
      %parallel_loop3A_1804 = arith.index_cast %parallel_loop3A_1803 : i32 to index
      %parallel_loop3A_1805 = arith.index_cast %parallel_loop3A_21 : i32 to index
      %parallel_loop3A_1806 = tpu.vector_load %arg7[%parallel_loop3A_1804, %parallel_loop3A_1805] {strides = array<i32>} : memref<8x512xi32, #tpu.memory_space<vmem>>, vector<16xi32>,
      tpu.vector_store %arg7[%parallel_loop3A_1804, %parallel_loop3A_1805], %parallel_loop3A_1742 {strides = array<i32>} : memref<8x512xi32, #tpu.memory_space<vmem>>, vector<16xi32>,
      %parallel_loop3A_1807 = arith.mulf %parallel_loop3A_1761, %parallel_loop3A_1779 : vector<16xf32>
      %parallel_loop3A_1808 = arith.constant 3 : i32
      %parallel_loop3A_1809 = arith.index_cast %parallel_loop3A_1808 : i32 to index
      %parallel_loop3A_1810 = arith.index_cast %parallel_loop3A_21 : i32 to index
      %parallel_loop3A_1811 = tpu.vector_load %arg6[%parallel_loop3A_1809, %parallel_loop3A_1810] {strides = array<i32>} : memref<8x512xf32, #tpu.memory_space<vmem>>, vector<16xf32>,
      tpu.vector_store %arg6[%parallel_loop3A_1809, %parallel_loop3A_1810], %parallel_loop3A_1807 {strides = array<i32>} : memref<8x512xf32, #tpu.memory_space<vmem>>, vector<16xf32>,
      %parallel_loop3A_1812 = arith.constant 3 : i32
      %parallel_loop3A_1813 = arith.index_cast %parallel_loop3A_1812 : i32 to index
      %parallel_loop3A_1814 = arith.index_cast %parallel_loop3A_21 : i32 to index
      %parallel_loop3A_1815 = tpu.vector_load %arg7[%parallel_loop3A_1813, %parallel_loop3A_1814] {strides = array<i32>} : memref<8x512xi32, #tpu.memory_space<vmem>>, vector<16xi32>,
      tpu.vector_store %arg7[%parallel_loop3A_1813, %parallel_loop3A_1814], %parallel_loop3A_1743 {strides = array<i32>} : memref<8x512xi32, #tpu.memory_space<vmem>>, vector<16xi32>,
      %parallel_loop3A_1816 = arith.mulf %parallel_loop3A_1763, %parallel_loop3A_1779 : vector<16xf32>
      %parallel_loop3A_1817 = arith.constant 4 : i32
      %parallel_loop3A_1818 = arith.index_cast %parallel_loop3A_1817 : i32 to index
      %parallel_loop3A_1819 = arith.index_cast %parallel_loop3A_21 : i32 to index
      %parallel_loop3A_1820 = tpu.vector_load %arg6[%parallel_loop3A_1818, %parallel_loop3A_1819] {strides = array<i32>} : memref<8x512xf32, #tpu.memory_space<vmem>>, vector<16xf32>,
      tpu.vector_store %arg6[%parallel_loop3A_1818, %parallel_loop3A_1819], %parallel_loop3A_1816 {strides = array<i32>} : memref<8x512xf32, #tpu.memory_space<vmem>>, vector<16xf32>,
      %parallel_loop3A_1821 = arith.constant 4 : i32
      %parallel_loop3A_1822 = arith.index_cast %parallel_loop3A_1821 : i32 to index
      %parallel_loop3A_1823 = arith.index_cast %parallel_loop3A_21 : i32 to index
      %parallel_loop3A_1824 = tpu.vector_load %arg7[%parallel_loop3A_1822, %parallel_loop3A_1823] {strides = array<i32>} : memref<8x512xi32, #tpu.memory_space<vmem>>, vector<16xi32>,
      tpu.vector_store %arg7[%parallel_loop3A_1822, %parallel_loop3A_1823], %parallel_loop3A_1747 {strides = array<i32>} : memref<8x512xi32, #tpu.memory_space<vmem>>, vector<16xi32>,
      %parallel_loop3A_1825 = arith.mulf %parallel_loop3A_1765, %parallel_loop3A_1779 : vector<16xf32>
      %parallel_loop3A_1826 = arith.constant 5 : i32
      %parallel_loop3A_1827 = arith.index_cast %parallel_loop3A_1826 : i32 to index
      %parallel_loop3A_1828 = arith.index_cast %parallel_loop3A_21 : i32 to index
      %parallel_loop3A_1829 = tpu.vector_load %arg6[%parallel_loop3A_1827, %parallel_loop3A_1828] {strides = array<i32>} : memref<8x512xf32, #tpu.memory_space<vmem>>, vector<16xf32>,
      tpu.vector_store %arg6[%parallel_loop3A_1827, %parallel_loop3A_1828], %parallel_loop3A_1825 {strides = array<i32>} : memref<8x512xf32, #tpu.memory_space<vmem>>, vector<16xf32>,
      %parallel_loop3A_1830 = arith.constant 5 : i32
      %parallel_loop3A_1831 = arith.index_cast %parallel_loop3A_1830 : i32 to index
      %parallel_loop3A_1832 = arith.index_cast %parallel_loop3A_21 : i32 to index
      %parallel_loop3A_1833 = tpu.vector_load %arg7[%parallel_loop3A_1831, %parallel_loop3A_1832] {strides = array<i32>} : memref<8x512xi32, #tpu.memory_space<vmem>>, vector<16xi32>,
      tpu.vector_store %arg7[%parallel_loop3A_1831, %parallel_loop3A_1832], %parallel_loop3A_1748 {strides = array<i32>} : memref<8x512xi32, #tpu.memory_space<vmem>>, vector<16xi32>,
      %parallel_loop3A_1834 = arith.mulf %parallel_loop3A_1767, %parallel_loop3A_1779 : vector<16xf32>
      %parallel_loop3A_1835 = arith.constant 6 : i32
      %parallel_loop3A_1836 = arith.index_cast %parallel_loop3A_1835 : i32 to index
      %parallel_loop3A_1837 = arith.index_cast %parallel_loop3A_21 : i32 to index
      %parallel_loop3A_1838 = tpu.vector_load %arg6[%parallel_loop3A_1836, %parallel_loop3A_1837] {strides = array<i32>} : memref<8x512xf32, #tpu.memory_space<vmem>>, vector<16xf32>,
      tpu.vector_store %arg6[%parallel_loop3A_1836, %parallel_loop3A_1837], %parallel_loop3A_1834 {strides = array<i32>} : memref<8x512xf32, #tpu.memory_space<vmem>>, vector<16xf32>,
      %parallel_loop3A_1839 = arith.constant 6 : i32
      %parallel_loop3A_1840 = arith.index_cast %parallel_loop3A_1839 : i32 to index
      %parallel_loop3A_1841 = arith.index_cast %parallel_loop3A_21 : i32 to index
      %parallel_loop3A_1842 = tpu.vector_load %arg7[%parallel_loop3A_1840, %parallel_loop3A_1841] {strides = array<i32>} : memref<8x512xi32, #tpu.memory_space<vmem>>, vector<16xi32>,
      tpu.vector_store %arg7[%parallel_loop3A_1840, %parallel_loop3A_1841], %parallel_loop3A_1752 {strides = array<i32>} : memref<8x512xi32, #tpu.memory_space<vmem>>, vector<16xi32>,
      %parallel_loop3A_1843 = arith.mulf %parallel_loop3A_1769, %parallel_loop3A_1779 : vector<16xf32>
      %parallel_loop3A_1844 = arith.constant 7 : i32
      %parallel_loop3A_1845 = arith.index_cast %parallel_loop3A_1844 : i32 to index
      %parallel_loop3A_1846 = arith.index_cast %parallel_loop3A_21 : i32 to index
      %parallel_loop3A_1847 = tpu.vector_load %arg6[%parallel_loop3A_1845, %parallel_loop3A_1846] {strides = array<i32>} : memref<8x512xf32, #tpu.memory_space<vmem>>, vector<16xf32>,
      tpu.vector_store %arg6[%parallel_loop3A_1845, %parallel_loop3A_1846], %parallel_loop3A_1843 {strides = array<i32>} : memref<8x512xf32, #tpu.memory_space<vmem>>, vector<16xf32>,
      %parallel_loop3A_1848 = arith.constant 7 : i32
      %parallel_loop3A_1849 = arith.index_cast %parallel_loop3A_1848 : i32 to index
      %parallel_loop3A_1850 = arith.index_cast %parallel_loop3A_21 : i32 to index
      %parallel_loop3A_1851 = tpu.vector_load %arg7[%parallel_loop3A_1849, %parallel_loop3A_1850] {strides = array<i32>} : memref<8x512xi32, #tpu.memory_space<vmem>>, vector<16xi32>,
      tpu.vector_store %arg7[%parallel_loop3A_1849, %parallel_loop3A_1850], %parallel_loop3A_1753 {strides = array<i32>} : memref<8x512xi32, #tpu.memory_space<vmem>>, vector<16xi32>,
    } {sc.loop_unroll_factor = 2 : i64, sc.parallel_access}
    %dma_start3A = arith.constant 0 : i32
    %dma_start3A_5 = tpu.memref_slice %arg3[%dma_start3A, %mul3A_2] : memref<8x16384xf32, #tpu.memory_space<hbm>> -> memref<8x512xf32, #tpu.memory_space<hbm>>
    %dma_start3A_6 = arith.constant 0 : i32
    %dma_start3A_7 = tpu.memref_slice %arg3[%dma_start3A_6, %mul3A_2] : memref<8x16384xf32, #tpu.memory_space<hbm>> -> memref<8x512xf32, #tpu.memory_space<hbm>>
    tpu.enqueue_dma source(%arg6 : memref<8x512xf32, #tpu.memory_space<vmem>>) target(%dma_start3A_7 : memref<8x512xf32, #tpu.memory_space<hbm>>) target_semaphore(%arg8 : memref<!tpu.dma_semaphore, #tpu.memory_space<semaphore_mem>>)
    %dma_start3A_8 = arith.constant 0 : i32
    %dma_start3A_9 = tpu.memref_slice %arg4[%dma_start3A_8, %mul3A_2] : memref<8x16384xi32, #tpu.memory_space<hbm>> -> memref<8x512xi32, #tpu.memory_space<hbm>>
    %dma_start3A_10 = arith.constant 0 : i32
    %dma_start3A_11 = tpu.memref_slice %arg4[%dma_start3A_10, %mul3A_2] : memref<8x16384xi32, #tpu.memory_space<hbm>> -> memref<8x512xi32, #tpu.memory_space<hbm>>
    tpu.enqueue_dma source(%arg7 : memref<8x512xi32, #tpu.memory_space<vmem>>) target(%dma_start3A_11 : memref<8x512xi32, #tpu.memory_space<hbm>>) target_semaphore(%arg8 : memref<!tpu.dma_semaphore, #tpu.memory_space<semaphore_mem>>)
    %dma_wait3A = arith.constant 0 : i32
    %dma_wait3A_12 = tpu.memref_slice %arg3[%dma_wait3A, %mul3A_2] : memref<8x16384xf32, #tpu.memory_space<hbm>> -> memref<8x512xf32, #tpu.memory_space<hbm>>
    %dma_wait3A_13 = arith.constant 0 : i32
    %dma_wait3A_14 = tpu.memref_slice %arg3[%dma_wait3A_13, %mul3A_2] : memref<8x16384xf32, #tpu.memory_space<hbm>> -> memref<8x512xf32, #tpu.memory_space<hbm>>
    tpu.wait_dma2 semaphore(%arg8 : memref<!tpu.dma_semaphore, #tpu.memory_space<semaphore_mem>>) src(%arg6 : memref<8x512xf32, #tpu.memory_space<vmem>>) dst(%dma_wait3A_14 : memref<8x512xf32, #tpu.memory_space<hbm>>)
    %dma_wait3A_15 = arith.constant 0 : i32
    %dma_wait3A_16 = tpu.memref_slice %arg4[%dma_wait3A_15, %mul3A_2] : memref<8x16384xi32, #tpu.memory_space<hbm>> -> memref<8x512xi32, #tpu.memory_space<hbm>>
    %dma_wait3A_17 = arith.constant 0 : i32
    %dma_wait3A_18 = tpu.memref_slice %arg4[%dma_wait3A_17, %mul3A_2] : memref<8x16384xi32, #tpu.memory_space<hbm>> -> memref<8x512xi32, #tpu.memory_space<hbm>>
    tpu.wait_dma2 semaphore(%arg8 : memref<!tpu.dma_semaphore, #tpu.memory_space<semaphore_mem>>) src(%arg7 : memref<8x512xi32, #tpu.memory_space<vmem>>) dst(%dma_wait3A_18 : memref<8x512xi32, #tpu.memory_space<hbm>>)
    return
  }
}

</mosaic_0001>

<sc_bundles>
// kernel: kernel.3.cloned.1.call-start
scs
__scs_entry_jumppad:
0x0: {  	(pc) =	sbr.rel $0x88, $3  }
0x1: {  	(tag) =	ssettag $0x0;
	lr =	simm.s32 $0x1  }
0x2: {  	[smem:$0x3FA0] =	sst lr;
	_ =	strace $0xD0000000  }
0x3: {  	_ = 	snop  }
0x4: {  	_ = 	snop  }
0x5: {  	_ = 	snop  }
0x6: {  	_ = 	snop  }
0x7: {  	_ = 	snop  }
__scs_overlays_trampoline_lowered:
0x8: {  	[smem:$0x3FAF] =	sst s0  }
0x9: {  	[smem:$0x3FB0] =	sst s1  }
0xa: {  	[smem:$0x3FB1] =	sst s2  }
0xb: {  	[smem:$0x3FB2] =	sst s3  }
0xc: {  	[smem:$0x3FB3] =	sst s4  }
0xd: {  	[smem:$0x3FB4] =	sst s5  }
0xe: {  	[smem:$0x3FB5] =	sst s6  }
0xf: {  	[smem:$0x3FB6] =	sst s7  }
0x10: {  	[smem:$0x3FB7] =	sst s8  }
0x11: {  	[smem:$0x3FB8] =	sst s9;
	s0 =	simm.s32 @!p0 $0x0  }
0x12: {  	s1 =	sld [smem:$0x3F9E];
	s0 =	simm.s32 @p0 $0x1  }
0x13: {  	[smem:$0x3FB9] =	sst s0;
	s0 =	simm.s32 @!p1 $0x0  }
0x14: {  	s2 =	sld [smem:$0x3F9D];
	s0 =	simm.s32 @p1 $0x1  }
0x15: {  	[smem:$0x3FBA] =	sst s0;
	s0 =	simm.s32 @!p2 $0x0  }
0x16: {  	s3 =	sld [smem:$0x3FDB];
	s0 =	simm.s32 @p2 $0x1  }
0x17: {  	s4 =	simm.s32 $0x1BF5;
	[smem:$0x3FBC] =	sst s0  }
0x18: {  	s0 =	sld [smem:$0x3F9F];
	_ =	swait.ge [sflag:s4], $0x0  }
0x19: {  	s7 =	sld [smem:$0x3FA0]  }
0x1a: {  	s8 =	sadd.s32 $0xFFFFE003, lr  }
0x1b: {  	s9 =	sadd.s32 $0xFFFFFEF7, lr;
	s5 =	simm.s32 $0xFFFFFFFF;
	p2 =	slt.u32 s8, $0xFFFFF086  }
0x1c: {  	p1 =	slt.u32 s9, $0xF7A;
	s5 =	simm.s32 @!p2 $0x0  }
0x1d: {  	s5 =	simm.s32 @p1 $0x1;
	p0 =	seq.s32 s7, s2  }
0x1e: {  	s7 =	smul.u32 @!p0 $0xF7A, s2;
	p2 =	seq.s32 @!p0 s5, $0x0  }
0x1f: {  	s9 =	smul.u32 $0xF7A, s1;
	s8 =	simm.s32 @!p0 $0x1BF5;
	p2 =	por !p2, p0  }
0x20: {  	[sflag:s8] =	ssyncset.s32 @!p0 $0xFFFFF086;
	s6 =	sadd.s32 @!p0 s3, s7;
	s7 =	simm.s32 @!p0 $0x108  }
0x21: {  	s3 =	sadd.s32 s3, s9;
	s6 =	sadd.s32 @!p0 $0x88, s6;
	s7 =	simm.s32 @p2 $0x1082  }
0x22: {  	[simem:s7], [sflag:s8] =	dma.local @!p0 [hbm:s6], $0xF7A  }
0x23: {  	s9 =	sor.u32 $0xD0000000, s2;
	s6 =	simm.s32 $0x108;
	_ =	swait.ge @!p0 [sflag:s8], $0x0  }
0x24: {  	s3 =	sadd.s32 $0x88, s3;
	s6 =	simm.s32 @!p1 $0x1082;
	[sflag:s4] =	ssyncset.s32 $0xFFFFF086  }
0x25: {  	[simem:s6], [sflag:s4] =	dma.local [hbm:s3], $0xF7A  }
0x26: {  	[smem:$0x3FA0] =	sst s1;
	(tag) =	ssettag s2;
	_ =	strace s9  }
0x27: {  	s1 =	sld [smem:$0x3FB0]  }
0x28: {  	s2 =	sld [smem:$0x3FB1]  }
0x29: {  	s4 =	sld [smem:$0x3FB3]  }
0x2a: {  	p0 =	seq.s32 s5, $0x0;
	s5 =	sld [smem:$0x3FB4]  }
0x2b: {  	s6 =	sld [smem:$0x3FB5]  }
0x2c: {  	s7 =	sld [smem:$0x3FB6]  }
0x2d: {  	s3 =	simm.s32 $0x108;
	s8 =	sld [smem:$0x3FB7]  }
0x2e: {  	s3 =	simm.s32 @!p0 $0x1082;
	s9 =	sld [smem:$0x3FB8]  }
0x2f: {  	lr =	sadd.s32 s0, s3;
	s0 =	sld [smem:$0x3FAF]  }
0x30: {  	s3 =	sld [smem:$0x3FB2]  }
0x31: {  	[smem:$0x3FBB] =	sst s10  }
0x32: {  	s10 =	sld [smem:$0x3FB9];
	_ =	sdelay $0x3  }
0x33: {  	p0 =	seq.s32 s10, $0x1;
	s10 =	sld [smem:$0x3FBB];
	_ =	sdelay $0x3  }
0x34: {  	[smem:$0x3FBB] =	sst s10  }
0x35: {  	s10 =	sld [smem:$0x3FBA];
	_ =	sdelay $0x3  }
0x36: {  	p1 =	seq.s32 s10, $0x1;
	s10 =	sld [smem:$0x3FBB];
	_ =	sdelay $0x3  }
0x37: {  	[smem:$0x3FBB] =	sst s10  }
0x38: {  	s10 =	sld [smem:$0x3FBC]  }
0x39: {  	_ = 	snop;
	(pc) =	sbr.ind lr, $3  }
0x3a: {  	_ = 	snop  }
0x3b: {  	_ = 	snop  }
0x3c: {  	p2 =	seq.s32 s10, $0x1;
	s10 =	sld [smem:$0x3FBB]  }
0x3d: {  	_ =	shalt  }
0x3e: {  	_ =	shalt  }
0x3f: {  	_ =	shalt  }
0x40: {  	_ =	shalt  }
0x41: {  	_ =	shalt  }
0x42: {  	_ =	shalt  }
0x43: {  	_ =	shalt  }
0x44: {  	_ =	shalt  }
0x45: {  	_ =	shalt  }
0x46: {  	_ =	shalt  }
0x47: {  	_ =	shalt  }
0x48: {  	_ =	shalt  }
0x49: {  	_ =	shalt  }
0x4a: {  	_ =	shalt  }
0x4b: {  	_ =	shalt  }
0x4c: {  	_ =	shalt  }
0x4d: {  	_ =	shalt  }
0x4e: {  	_ =	shalt  }
0x4f: {  	_ =	shalt  }
0x50: {  	_ =	shalt  }
0x51: {  	_ =	shalt  }
0x52: {  	_ =	shalt  }
0x53: {  	_ =	shalt  }
0x54: {  	_ =	shalt  }
0x55: {  	_ =	shalt  }
0x56: {  	_ =	shalt  }
0x57: {  	_ =	shalt  }
0x58: {  	_ =	shalt  }
0x59: {  	_ =	shalt  }
0x5a: {  	_ =	shalt  }
0x5b: {  	_ =	shalt  }
0x5c: {  	_ =	shalt  }
0x5d: {  	_ =	shalt  }
0x5e: {  	_ =	shalt  }
0x5f: {  	_ =	shalt  }
0x60: {  	_ =	shalt  }
0x61: {  	_ =	shalt  }
0x62: {  	_ =	shalt  }
0x63: {  	_ =	shalt  }
0x64: {  	_ =	shalt  }
0x65: {  	_ =	shalt  }
0x66: {  	_ =	shalt  }
0x67: {  	_ =	shalt  }
0x68: {  	_ =	shalt  }
0x69: {  	_ =	shalt  }
0x6a: {  	_ =	shalt  }
0x6b: {  	_ =	shalt  }
0x6c: {  	_ =	shalt  }
0x6d: {  	_ =	shalt  }
0x6e: {  	_ =	shalt  }
0x6f: {  	_ =	shalt  }
0x70: {  	_ =	shalt  }
0x71: {  	_ =	shalt  }
0x72: {  	_ =	shalt  }
0x73: {  	_ =	shalt  }
0x74: {  	_ =	shalt  }
0x75: {  	_ =	shalt  }
0x76: {  	_ =	shalt  }
0x77: {  	_ =	shalt  }
0x78: {  	_ =	shalt  }
0x79: {  	_ =	shalt  }
0x7a: {  	_ =	shalt  }
0x7b: {  	_ =	shalt  }
0x7c: {  	_ =	shalt  }
0x7d: {  	_ =	shalt  }
0x7e: {  	_ =	shalt  }
0x7f: {  	_ =	shalt  }
0x80: {  	_ =	shalt  }
0x81: {  	_ =	shalt  }
0x82: {  	_ =	shalt  }
0x83: {  	_ =	shalt  }
0x84: {  	_ =	shalt  }
0x85: {  	_ =	shalt  }
0x86: {  	_ =	shalt  }
0x87: {  	_ =	shalt  }
.Lfunc_end0:
.L_simem_size_0:
called_computation_lowered:
.L_overlay_start_0:
0x88: {  	s2 =	sld [smem:$0x3FD9]  }
0x89: {  	s3 =	sld [smem:$0x3FFE];
	_ =	sdelay $0x1  }
0x8a: {  	s1 =	srdreg.scid  }
0x8b: {  	s0 =	sand.u32 $0x1, s1  }
0x8c: {  	s15 =	sshll.u32 s0, $0xA;
	s2 =	sadd.s32 s3, s2  }
0x8d: {  	s2 =	sadd.s32 s2, s15  }
0x8e: {  	[smem:$0x3FC7] =	sst s2  }
0x8f: {  	_ = 	snop  }
0x90: {  	s2 =	sld [smem:$0x3FD0];
	_ =	sdelay $0x2  }
0x91: {  	s4 =	simm.s32 $0xA;
	s5 =	simm.s32 $0x10;
	s16 =	sld [smem:$0x3FC9]  }
0x92: {  	[smem:s5], [sflag:s4] =	dma.local [hbm:s2], $0x1  }
0x93: {  	_ =	swait.eq [sflag:s4], $0x1  }
0x94: {  	[sflag:s4] =	ssyncset.done $0x0  }
0x95: {  	s17 =	sld [smem:$0x10];
	[sflag:s4] =	ssyncadd.s32 $0xFFFFFFFF  }
0x96: {  	s18 =	sld [smem:$0x11];
	(tm) =	ssettm $0x1  }
0x97: {  	s19 =	sld [smem:$0x3FFB];
	_ =	sdelay $0x3  }
0x98: {  	_ =	strace s19  }
0x99: {  	s5 =	sld [smem:$0x3FFC];
	_ =	sdelay $0x3  }
0x9a: {  	_ =	strace s5  }
0x9b: {  	s5 =	sld [smem:$0x3FFD];
	_ =	sdelay $0x3  }
0x9c: {  	_ =	strace s5  }
0x9d: {  	_ =	strace $0x8FFFFFFF  }
0x9e: {  	s20 =	sld [smem:$0x3FDB];
	_ =	sdelay $0x1  }
0x9f: {  	s6 =	simm.s32 $_scs_section_size  }
0xa0: {  	s7 =	simm.s32 $_size__tile_overlayer_lowered;
	s8 =	simm.s32 $_tile_overlayer_lowered  }
0xa1: {  	s23 =	simm.s32 $0x1BFF;
	s22 =	sshll.u32 s8, $0x1;
	s5 =	sadd.s32 s6, s20  }
0xa2: {  	s9 =	simm.s32 $0x0;
	s21 =	sshll.u32 s7, $0x1;
	s7 =	sadd.s32 s22, s5  }
0xa3: {  	[timem:s9], [sflag:s23] =	dma.local [hbm:s7], s21  }
0xa4: {  	_ =	swait.ge [sflag:s23], s21  }
0xa5: {  	s6 =	ssub.s32 $0x0, s21;
	[sflag:s23] =	ssyncset.done $0x0  }
0xa6: {  	[sflag:s23] =	ssyncadd.s32 s6;
	_ =	sdelay $0x1  }
0xa7: {  	s24 =	simm.s32 $0x1B8B  }
0xa8: {  	_ =	swait.ge [sflag:s24], $0x1  }
0xa9: {  	[sflag:s24] =	ssyncset.done $0x0  }
0xaa: {  	s25 =	simm.s32 $0x1B8E;
	[sflag:s24] =	ssyncadd.s32 $0xFFFFFFFF  }
0xab: {  	s26 =	simm.s32 $execute0_lowered;
	[smem:$0x3FD2] =	sst s25  }
0xac: {  	s6 =	sshll.u32 s26, $0x1;
	_ =	strace $0x80000046;
	[dreg:$0x1] =	wrdreg $0xFFFFFFFF  }
0xad: {  	s28 =	simm.s32 $_size_execute0_lowered;
	s5 =	sadd.s32 s5, s6;
	[dreg:$0x0] =	wrdreg $0x0  }
0xae: {  	s6 =	sshll.u32 s28, $0x1;
	[dreg:$0x2] =	wrdreg s5  }
0xaf: {  	[dreg:$0x3] =	wrdreg s6  }
0xb0: {  	[dreg:$0x4] =	wrdreg $0xC0  }
0xb1: {  	_ =	task [dreg:s9], $0x5FFFF  }
0xb2: {  	[dreg:$0x1] =	wrdreg $0xFFFFFFFF  }
0xb3: {  	[dreg:$0x0] =	wrdreg $0x60  }
0xb4: {  	[dreg:$0x2] =	wrdreg s16  }
0xb5: {  	[dreg:$0x3] =	wrdreg s17  }
0xb6: {  	[dreg:$0x4] =	wrdreg s18  }
0xb7: {  	[dreg:$0x5] =	wrdreg $0x9  }
0xb8: {  	_ =	task.clear_ibuf [dreg:s9], $0x6FFFF;
	_ =	strace $0x90000046  }
0xb9: {  	s29 =	simm.s32 $0x9;
	_ =	strace $0x80000048  }
0xba: {  	_ =	swait.ge [sflag:s29], $0x1  }
0xbb: {  	[sflag:s29] =	ssyncadd.s32 $0xFFFFFFFF  }
0xbc: {  	_ =	strace $0x90000048  }
0xbd: {  	_ =	sfence  }
0xbe: {  	s30 =	sld [smem:$0x0];
	_ =	sdelay $0x2  }
0xbf: {  	s31 =	sshll.u32 s1, $0xD;
	s1 =	sshrl.u32 s1, $0x2  }
0xc0: {  	s3 =	sand.u32 $0x4000, s31;
	s1 =	sadd.s32 s1, s30  }
0xc1: {  	s0 =	sor.u32 s3, s0;
	s1 =	sshll.u32 s1, $0x11  }
0xc2: {  	s0 =	sor.u32 s1, s0  }
0xc3: {  	s0 =	sadd.s32 $0x8F2B, s0  }
0xc4: {  	[sflag:s0] =	ssyncadd.remote.s32 $0x1  }
0xc5: {  	_ =	sfence.sel $0xFFFF  }
0xc6: {  	[dreg:$0x0] =	wrdreg $0xFFFFFFFF;
	(pc) =	sbr.abs _section_cstart, $3  }
0xc7: {  	[dreg:$0x1] =	wrdreg $0xFFFFFFFF  }
0xc8: {  	_ =	task.clear_ibuf [dreg:s9], $0x2FFFF;
	_ =	strace $0x9FFFFFFF  }
0xc9: {  	(tm) =	ssettm $0x7FFFFFFF  }
tec
execute0_lowered:
.L_overlay_start_1:
0x0: {  	(tag) =	ssettag $0x1  }
0x1: {  	v0 =	vimm.s32 $0x0  }
0x2: {  	v47 =	vimm.s32 $0x2;
	v48 =	vimm.s32 $0x3;
	v49 =	vimm.s32 $0x4;
	s0 =	rddreg [dreg:$0x0]  }
0x3: {  	v50 =	vimm.s32 $0x5;
	v51 =	vimm.s32 $0x6;
	v52 =	vimm.s32 $0x7;
	s1 =	rddreg [dreg:$0x1];
	s3 =	srdreg.scid  }
0x4: {  	v53 =	vimm.s32 $0x8;
	v54 =	vimm.s32 $0x9;
	v55 =	vimm.s32 $0xA;
	s7 =	simm.s32 $0x0;
	s5 =	stileid.u32;
	s3 =	sand.u32 $0x1, s3  }
0x5: {  	v56 =	vimm.s32 $0xB;
	v57 =	vimm.s32 $0xC;
	v58 =	vimm.s32 $0xD;
	s5 =	sshll.u32 s5, $0xA;
	s4 =	ssub.s32 $0x2, s3;
	s3 =	sshll.u32 s3, $0x9  }
0x6: {  	v59 =	vimm.s32 $0xE;
	v60 =	vimm.s32 $0xF;
	v61 =	vimm.s32 $0x10;
	[smem:$0x7FF] =	sst s7;
	s3 =	sor.u32 s3, s5  }
0x7: {  	v62 =	vimm.s32 $0x11;
	v34 =	vimm.s32 $0x12;
	v35 =	vimm.s32 $0x13;
	s2 =	rddreg [dreg:$0x2];
	_ =	strace $0x80000047;
	s0 =	sadd.s32 s0, s3  }
0x8: {  	v36 =	vimm.s32 $0x14;
	v37 =	vimm.s32 $0x15;
	v38 =	vimm.s32 $0x16;
	s6 =	sshrl.u32 s4, $0x1;
	s29 =	sadd.s32 s1, s3;
	[dreg:$0x4] =	wrdreg s0  }
0x9: {  	v39 =	vimm.s32 $0x17;
	v40 =	vimm.s32 $0x18;
	v41 =	vimm.s32 $0x19;
	s4 =	ssub.s32 s4, s6;
	s30 =	sadd.s32 s2, s3;
	[dreg:$0x5] =	wrdreg s29  }
0xa: {  	v42 =	vimm.s32 $0x1A;
	v43 =	vimm.s32 $0x1B;
	v44 =	vimm.s32 $0x1C;
	[dreg:$0x6] =	wrdreg s30;
	s31 =	smax.u32 s4, $0x1  }
0xb: {  	v45 =	vimm.s32 $0x1D;
	v46 =	vimm.s32 $0x1E;
	v63 =	vimm.s32 $0x1F;
	s2 =	simm.s32 $0x0;
	[dreg:$0x7] =	wrdreg s31  }
.LBB2_1:
0xc: {  	[dreg:$0x8] =	wrdreg s2  }
0xd: {  	s0 =	rddreg [dreg:$0x4]  }
0xe: {  	s1 =	simm.s32 $0x1000;
	s29 =	simm.s32 $0x20000;
	s30 =	simm.s32 $0x2  }
0xf: {  	[tilespmem:s7], [sflag:$0x2] =	stream.strided.gather [hbm4b:s0+s1], $0x8000, s29, s1, $0x38;
	[tilespmem:$0xA000] =	vst v63  }
0x10: {  	_ =	swait.ge [sflag:s30], $0x8000  }
0x11: {  	s31 =	simm.s32 $0xFFFFFFFE;
	s15 =	simm.s32 $0x0;
	[sflag:s30] =	ssyncset.done $0x0  }
0x12: {  	s16 =	simm.s32 $0x0;
	s17 =	simm.s32 $0x0;
	[sflag:s30] =	ssyncadd.s32 $0xFFFF8000  }
.LBB2_2:
0x13: {  	s14 =	sand.u32 $0x60, s15;
	s28 =	sand.u32 $0xC00, s17  }
0x14: {  	s19 =	sor.u32 s14, s28  }
0x15: {  	v1 =	vld [tilespmem:s19+$0x0]  }
0x16: {  	v2 =	vld [tilespmem:s19+$0x80]  }
0x17: {  	v3 =	vld [tilespmem:s19+$0x100]  }
0x18: {  	s0 =	sor.u32 s28, s15;
	v5 =	vld [tilespmem:s19+$0x200]  }
0x19: {  	s1 =	sand.u32 $0x3, s16;
	s2 =	sor.u32 $0x180, s0;
	v6 =	vld [tilespmem:s19+$0x280]  }
0x1a: {  	s8 =	sor.u32 s17, s15;
	s6 =	sshll.u32 s1, $0x5;
	v4 =	vld [tilespmem:s2+$0x0]  }
0x1b: {  	s1 =	sor.u32 $0x380, s8;
	s0 =	sadd.s32 s6, s17  }
0x1c: {  	v8 =	vld [tilespmem:s1+$0x0];
	s7 =	sor.u32 $0x300, s0  }
0x1d: {  	v7 =	vld [tilespmem:s7+$0x0];
	vm0 =	vgt.f32 v2, v1;
	v9 =	vmax.f32 v1, v2;
	v1 =	vmin.f32 v1, v2  }
0x1e: {  	vm14 =	vgt.f32 v6, v5;
	v13 =	vmax.f32 v5, v6;
	v5 =	vmin.f32 v5, v6  }
0x1f: {  	vm1 =	vmneg vm0;
	v2 =	vsel vm0, $0x1, v0;
	vm13 =	vgt.f32 v4, v3  }
0x20: {  	v11 =	vmax.f32 v3, v4;
	v3 =	vmin.f32 v3, v4;
	v21 =	vsel vm14, $0x5, v49  }
0x21: {  	v14 =	vsel vm14, $0x4, v50;
	v10 =	vsel vm1, $0x1, v0;
	v20 =	vsel vm13, $0x3, v47  }
0x22: {  	v12 =	vsel vm13, $0x2, v48;
	vm15 =	vgt.f32 v8, v7;
	v15 =	vmax.f32 v7, v8  }
0x23: {  	v7 =	vmin.f32 v7, v8;
	vm4 =	vgt.f32 v11, v9;
	v17 =	vmax.f32 v9, v11  }
0x24: {  	v9 =	vmin.f32 v9, v11;
	vm5 =	vgt.f32 v3, v1;
	v24 =	vmax.f32 v1, v3  }
0x25: {  	v1 =	vmin.f32 v1, v3;
	v22 =	vsel vm15, $0x7, v51;
	v16 =	vsel vm15, $0x6, v52  }
0x26: {  	v23 =	vsel vm4, v20, v2;
	v2 =	vsel vm4, v2, v20;
	v3 =	vsel vm5, v12, v10  }
0x27: {  	v10 =	vsel vm5, v10, v12;
	vm6 =	vgt.f32 v15, v13;
	v25 =	vmax.f32 v13, v15  }
0x28: {  	v13 =	vmin.f32 v13, v15;
	vm7 =	vgt.f32 v7, v5;
	v27 =	vmax.f32 v5, v7  }
0x29: {  	v5 =	vmin.f32 v5, v7;
	vm8 =	vgt.f32 v9, v24;
	v29 =	vmax.f32 v24, v9  }
0x2a: {  	v9 =	vmin.f32 v24, v9;
	v26 =	vsel vm6, v22, v21;
	v6 =	vsel vm6, v21, v22  }
0x2b: {  	v28 =	vsel vm7, v16, v14;
	v14 =	vsel vm7, v14, v16;
	v18 =	vsel vm8, v2, v3  }
0x2c: {  	v2 =	vsel vm8, v3, v2;
	vm9 =	vgt.f32 v13, v27;
	v19 =	vmax.f32 v27, v13  }
0x2d: {  	v8 =	vmin.f32 v27, v13;
	vm10 =	vgt.f32 v25, v17;
	v3 =	vmax.f32 v17, v25  }
0x2e: {  	v31 =	vmin.f32 v17, v25;
	vm13 =	vgt.f32 v5, v1;
	v24 =	vmax.f32 v1, v5  }
0x2f: {  	v1 =	vmin.f32 v1, v5;
	v30 =	vsel vm9, v6, v28;
	v6 =	vsel vm9, v28, v6  }
0x30: {  	v4 =	vsel vm10, v26, v23;
	v11 =	vsel vm10, v23, v26;
	vm11 =	vgt.f32 v19, v29  }
0x31: {  	v12 =	vmax.f32 v29, v19;
	v32 =	vmin.f32 v29, v19;
	vm12 =	vgt.f32 v8, v9  }
0x32: {  	s18 =	sor.u32 $0x1180, s28;
	v22 =	vmax.f32 v9, v8;
	v8 =	vmin.f32 v9, v8;
	v25 =	vsel vm13, v14, v10  }
0x33: {  	s10 =	sor.u32 $0x1080, s28;
	s20 =	sor.u32 s14, s18;
	v33 =	vsel vm11, v30, v18;
	v13 =	vsel vm11, v18, v30;
	v23 =	vsel vm12, v6, v2  }
0x34: {  	s12 =	sor.u32 $0x1100, s28;
	s11 =	sor.u32 s14, s10;
	v21 =	vld [tilespmem:s20+$0x0];
	v6 =	vsel vm12, v2, v6;
	v2 =	vsel vm13, v10, v14;
	vm14 =	vgt.f32 v31, v22  }
0x35: {  	s21 =	sor.u32 $0x1200, s28;
	s13 =	sor.u32 s14, s12;
	v29 =	vld [tilespmem:s11+$0x0];
	v26 =	vmax.f32 v22, v31;
	v7 =	vmin.f32 v22, v31;
	vm15 =	vgt.f32 v32, v24  }
0x36: {  	s23 =	sor.u32 $0x1280, s28;
	s22 =	sor.u32 s14, s21;
	v28 =	vmax.f32 v24, v32;
	v15 =	vmin.f32 v24, v32;
	v31 =	vld [tilespmem:s13+$0x0];
	v27 =	vsel vm14, v11, v23  }
0x37: {  	s30 =	sor.u32 $0x1000, s28;
	s24 =	sor.u32 s14, s23;
	v22 =	vld [tilespmem:s22+$0x0];
	v9 =	vsel vm14, v23, v11;
	v30 =	vsel vm15, v13, v25;
	v5 =	vsel vm15, v25, v13  }
0x38: {  	s9 =	sor.u32 s14, s30;
	v32 =	vld [tilespmem:s24+$0x0];
	vm4 =	vgt.f32 v26, v12;
	v20 =	vmax.f32 v12, v26;
	v10 =	vmin.f32 v12, v26  }
0x39: {  	v11 =	vld [tilespmem:s9+$0x0];
	vm5 =	vgt.f32 v7, v28;
	v16 =	vmax.f32 v28, v7;
	v7 =	vmin.f32 v28, v7  }
0x3a: {  	s25 =	sor.u32 $0x1300, s28;
	vm6 =	vgt.f32 v8, v15;
	v23 =	vmax.f32 v15, v8;
	v8 =	vmin.f32 v15, v8  }
0x3b: {  	s29 =	sor.u32 $0x1380, s28;
	s26 =	sor.u32 s14, s25;
	v12 =	vsel vm4, v27, v33;
	v14 =	vsel vm4, v33, v27;
	v17 =	vsel vm5, v9, v30  }
0x3c: {  	s3 =	sor.u32 s14, s29;
	v15 =	vld [tilespmem:s26+$0x0];
	v9 =	vsel vm5, v30, v9;
	v24 =	vsel vm6, v6, v5;
	v5 =	vsel vm6, v5, v6  }
0x3d: {  	v33 =	vld [tilespmem:s3+$0x0];
	vm8 =	vgt.f32 v21, v31;
	v27 =	vmax.f32 v31, v21;
	v13 =	vmin.f32 v31, v21  }
0x3e: {  	vm9 =	vgt.f32 v32, v22;
	v19 =	vmin.f32 v22, v32;
	vm7 =	vgt.f32 v29, v11  }
0x3f: {  	v25 =	vmax.f32 v11, v29;
	v11 =	vmin.f32 v11, v29;
	v21 =	vsel vm8, $0xB, v55  }
0x40: {  	v28 =	vsel vm8, $0xA, v56;
	v29 =	vmax.f32 v22, v32;
	v22 =	vsel vm9, $0xD, v57  }
0x41: {  	v30 =	vsel vm9, $0xC, v58;
	v18 =	vsel vm7, $0x9, v53;
	v26 =	vsel vm7, $0x8, v54  }
0x42: {  	vm10 =	vgt.f32 v33, v15;
	v31 =	vmax.f32 v15, v33;
	v6 =	vmin.f32 v15, v33  }
0x43: {  	vm11 =	vgt.f32 v27, v25;
	v33 =	vmax.f32 v25, v27;
	v25 =	vmin.f32 v25, v27  }
0x44: {  	vm12 =	vgt.f32 v13, v11;
	v15 =	vsel vm10, $0xF, v59;
	v32 =	vsel vm10, $0xE, v60  }
0x45: {  	v27 =	vsel vm11, v21, v18;
	v18 =	vsel vm11, v18, v21;
	v21 =	vmax.f32 v11, v13  }
0x46: {  	v11 =	vmin.f32 v11, v13;
	v13 =	vsel vm12, v28, v26;
	v26 =	vsel vm12, v26, v28  }
0x47: {  	vm13 =	vgt.f32 v31, v29;
	v28 =	vmax.f32 v29, v31;
	v29 =	vmin.f32 v29, v31  }
0x48: {  	vm14 =	vgt.f32 v6, v19;
	v31 =	vsel vm13, v15, v22;
	v15 =	vsel vm13, v22, v15  }
0x49: {  	v22 =	vmax.f32 v19, v6;
	v6 =	vmin.f32 v19, v6;
	v19 =	vsel vm14, v32, v30  }
0x4a: {  	v30 =	vsel vm14, v30, v32;
	vm15 =	vgt.f32 v25, v21;
	v32 =	vmax.f32 v21, v25  }
0x4b: {  	v21 =	vmin.f32 v21, v25;
	vm5 =	vgt.f32 v28, v33;
	v25 =	vsel vm15, v18, v13  }
0x4c: {  	v13 =	vsel vm15, v13, v18;
	vm4 =	vgt.f32 v29, v22;
	v18 =	vmax.f32 v22, v29  }
0x4d: {  	v22 =	vmin.f32 v22, v29;
	vm8 =	vgt.f32 v6, v11;
	v29 =	vsel vm4, v15, v19  }
0x4e: {  	v15 =	vsel vm4, v19, v15;
	v19 =	vmax.f32 v33, v28;
	v28 =	vmin.f32 v33, v28  }
0x4f: {  	v33 =	vsel vm5, v31, v27;
	v27 =	vsel vm5, v27, v31;
	vm6 =	vgt.f32 v18, v32  }
0x50: {  	v31 =	vmax.f32 v32, v18;
	v18 =	vmin.f32 v32, v18;
	vm7 =	vgt.f32 v22, v21  }
0x51: {  	v32 =	vsel vm6, v29, v25;
	v25 =	vsel vm6, v25, v29;
	v29 =	vmax.f32 v21, v22  }
0x52: {  	v21 =	vmin.f32 v21, v22;
	v22 =	vsel vm7, v15, v13;
	v13 =	vsel vm7, v13, v15  }
0x53: {  	v15 =	vmax.f32 v11, v6;
	v6 =	vmin.f32 v11, v6;
	v11 =	vsel vm8, v30, v26  }
0x54: {  	v26 =	vsel vm8, v26, v30;
	vm9 =	vgt.f32 v28, v29;
	v30 =	vmax.f32 v29, v28  }
0x55: {  	v28 =	vmin.f32 v29, v28;
	vm10 =	vgt.f32 v18, v15;
	vm14 =	vgt.f32 v6, v3  }
0x56: {  	v29 =	vsel vm9, v27, v22;
	v22 =	vsel vm9, v22, v27;
	v27 =	vmax.f32 v15, v18  }
0x57: {  	v15 =	vmin.f32 v15, v18;
	v18 =	vsel vm10, v25, v11;
	v11 =	vsel vm10, v11, v25  }
0x58: {  	vm11 =	vgt.f32 v30, v31;
	v25 =	vmax.f32 v31, v30;
	v30 =	vmin.f32 v31, v30  }
0x59: {  	v3 =	vsel vm14, v6, v3;
	v4 =	vsel vm14, v26, v4;
	vm9 =	vgt.f32 v19, v1  }
0x5a: {  	v31 =	vsel vm11, v29, v32;
	v29 =	vsel vm11, v32, v29;
	vm12 =	vgt.f32 v28, v27  }
0x5b: {  	v32 =	vmax.f32 v27, v28;
	v27 =	vmin.f32 v27, v28;
	vm13 =	vgt.f32 v21, v15  }
0x5c: {  	vm7 =	vgt.f32 v30, v23;
	vm8 =	vgt.f32 v25, v8;
	v1 =	vsel vm9, v19, v1  }
0x5d: {  	v2 =	vsel vm9, v33, v2;
	v28 =	vsel vm12, v22, v18;
	v18 =	vsel vm12, v18, v22  }
0x5e: {  	v22 =	vmax.f32 v15, v21;
	v15 =	vmin.f32 v15, v21;
	v21 =	vsel vm13, v13, v11  }
0x5f: {  	v11 =	vsel vm13, v11, v13;
	vm5 =	vgt.f32 v27, v16;
	vm6 =	vgt.f32 v32, v7  }
0x60: {  	v8 =	vsel vm8, v25, v8;
	v5 =	vsel vm8, v31, v5;
	vm15 =	vgt.f32 v15, v20  }
0x61: {  	vm4 =	vgt.f32 v22, v10;
	v13 =	vsel vm5, v27, v16;
	v7 =	vsel vm6, v32, v7  }
0x62: {  	v9 =	vsel vm6, v28, v9;
	v32 =	vsel vm7, v30, v23;
	v26 =	vsel vm15, v15, v20  }
0x63: {  	v11 =	vsel vm15, v11, v12;
	v10 =	vsel vm4, v22, v10;
	v12 =	vsel vm4, v21, v14  }
0x64: {  	v14 =	vsel vm5, v18, v17;
	v20 =	vsel vm7, v29, v24;
	vm10 =	vgt.f32 v7, v3  }
0x65: {  	v21 =	vmax.f32 v3, v7;
	v3 =	vmin.f32 v3, v7;
	vm13 =	vgt.f32 v1, v13  }
0x66: {  	v27 =	vmax.f32 v13, v1;
	v1 =	vmin.f32 v13, v1;
	v22 =	vsel vm10, v9, v4  }
0x67: {  	v4 =	vsel vm10, v4, v9;
	vm11 =	vgt.f32 v32, v26;
	v23 =	vmax.f32 v26, v32  }
0x68: {  	v6 =	vmin.f32 v26, v32;
	vm12 =	vgt.f32 v8, v10;
	v25 =	vmax.f32 v10, v8  }
0x69: {  	v8 =	vmin.f32 v10, v8;
	v28 =	vsel vm13, v2, v14;
	v2 =	vsel vm13, v14, v2  }
0x6a: {  	v24 =	vsel vm11, v20, v11;
	v11 =	vsel vm11, v11, v20;
	v26 =	vsel vm12, v5, v12  }
0x6b: {  	v5 =	vsel vm12, v12, v5;
	vm14 =	vgt.f32 v25, v21;
	v29 =	vmax.f32 v21, v25  }
0x6c: {  	v16 =	vmin.f32 v21, v25;
	vm15 =	vgt.f32 v27, v23;
	v30 =	vmax.f32 v23, v27  }
0x6d: {  	v9 =	vmin.f32 v23, v27;
	vm4 =	vgt.f32 v8, v3;
	vm5 =	vgt.f32 v1, v6  }
0x6e: {  	v25 =	vmax.f32 v6, v1;
	v17 =	vsel vm14, v26, v22;
	v7 =	vsel vm14, v22, v26  }
0x6f: {  	s4 =	sor.u32 $0x2000, s28;
	v31 =	vsel vm15, v28, v24;
	v13 =	vsel vm15, v24, v28;
	v24 =	vmax.f32 v3, v8  }
0x70: {  	s5 =	sor.u32 $0x2080, s28;
	[dreg:$0x9] =	wrdreg s1;
	s1 =	sor.u32 s14, s4;
	v8 =	vmin.f32 v3, v8;
	v32 =	vsel vm4, v5, v4;
	v33 =	vsel vm4, v4, v5  }
0x71: {  	s6 =	sor.u32 s14, s5;
	[dreg:$0xa] =	wrdreg s7;
	s7 =	sor.u32 $0x2100, s28;
	v26 =	vmin.f32 v6, v1;
	v27 =	vsel vm5, v2, v11;
	v11 =	vsel vm5, v11, v2;
	v28 =	vld [tilespmem:s1+$0x0]  }
0x72: {  	s8 =	sor.u32 s14, s7;
	s11 =	sor.u32 $0x2200, s28;
	vm6 =	vgt.f32 v30, v29;
	v2 =	vmax.f32 v29, v30;
	v1 =	vmin.f32 v29, v30;
	v29 =	vld [tilespmem:s6+$0x0]  }
0x73: {  	[dreg:$0xd] =	wrdreg s12;
	s12 =	sor.u32 s14, s11;
	s9 =	sor.u32 $0x2180, s28;
	vm7 =	vgt.f32 v9, v16;
	v5 =	vmax.f32 v16, v9;
	v30 =	vld [tilespmem:s8+$0x0];
	v6 =	vmin.f32 v16, v9  }
0x74: {  	[dreg:$0xc] =	wrdreg s10;
	s20 =	sor.u32 $0x2300, s28;
	s10 =	sor.u32 s14, s9;
	v16 =	vld [tilespmem:s12+$0x0];
	v3 =	vsel vm6, v31, v17;
	v4 =	vsel vm6, v17, v31;
	v9 =	vsel vm7, v13, v7  }
0x75: {  	[dreg:$0xf] =	wrdreg s21;
	s21 =	sor.u32 s14, s20;
	s13 =	sor.u32 $0x2280, s28;
	v7 =	vsel vm7, v7, v13;
	v31 =	vld [tilespmem:s10+$0x0];
	vm8 =	vgt.f32 v25, v24;
	v14 =	vmax.f32 v24, v25  }
0x76: {  	[dreg:$0xe] =	wrdreg s18;
	s22 =	sor.u32 $0x2380, s28;
	s18 =	sor.u32 s14, s13;
	v15 =	vmin.f32 v24, v25;
	vm9 =	vgt.f32 v26, v8;
	v22 =	vmax.f32 v8, v26;
	v24 =	vld [tilespmem:s21+$0x0]  }
0x77: {  	[dreg:$0x10] =	wrdreg s23;
	s23 =	sor.u32 s14, s22;
	v8 =	vmin.f32 v8, v26;
	v17 =	vsel vm8, v27, v32;
	v18 =	vsel vm8, v32, v27;
	v32 =	vld [tilespmem:s18+$0x0]  }
0x78: {  	v21 =	vsel vm9, v11, v33;
	v11 =	vsel vm9, v33, v11;
	v33 =	vld [tilespmem:s23+$0x0];
	vm10 =	vgt.f32 v29, v28  }
0x79: {  	v25 =	vmax.f32 v28, v29;
	v10 =	vmin.f32 v28, v29;
	v23 =	vsel vm10, $0x11, v61  }
0x7a: {  	v26 =	vsel vm10, $0x10, v62;
	vm11 =	vgt.f32 v31, v30;
	v27 =	vmax.f32 v30, v31  }
0x7b: {  	v12 =	vmin.f32 v30, v31;
	v13 =	vsel vm11, $0x13, v34;
	v28 =	vsel vm11, $0x12, v35  }
0x7c: {  	vm12 =	vgt.f32 v32, v16;
	v29 =	vmax.f32 v16, v32;
	v16 =	vmin.f32 v16, v32  }
0x7d: {  	vm13 =	vgt.f32 v33, v24;
	v31 =	vmax.f32 v24, v33;
	v19 =	vmin.f32 v24, v33  }
0x7e: {  	vm14 =	vgt.f32 v27, v25;
	v33 =	vmax.f32 v25, v27;
	v25 =	vmin.f32 v25, v27  }
0x7f: {  	vm15 =	vgt.f32 v12, v10;
	v20 =	vsel vm12, $0x15, v36;
	v30 =	vsel vm12, $0x14, v37  }
0x80: {  	v37 =	vsel vm13, $0x17, v38;
	v38 =	vsel vm13, $0x16, v39;
	v27 =	vsel vm14, v13, v23  }
0x81: {  	v13 =	vsel vm14, v23, v13;
	v39 =	vmax.f32 v10, v12;
	v10 =	vmin.f32 v10, v12  }
0x82: {  	v36 =	vsel vm15, v28, v26;
	v26 =	vsel vm15, v26, v28;
	vm4 =	vgt.f32 v31, v29  }
0x83: {  	v28 =	vmax.f32 v29, v31;
	v29 =	vmin.f32 v29, v31;
	vm5 =	vgt.f32 v19, v16  }
0x84: {  	v31 =	vsel vm4, v37, v20;
	v20 =	vsel vm4, v20, v37;
	v37 =	vmax.f32 v16, v19  }
0x85: {  	v16 =	vmin.f32 v16, v19;
	v19 =	vsel vm5, v38, v30;
	v30 =	vsel vm5, v30, v38  }
0x86: {  	vm6 =	vgt.f32 v25, v39;
	v38 =	vmax.f32 v39, v25;
	v23 =	vmin.f32 v39, v25  }
0x87: {  	vm8 =	vgt.f32 v28, v33;
	v39 =	vsel vm6, v13, v36;
	v12 =	vsel vm6, v36, v13  }
0x88: {  	vm7 =	vgt.f32 v29, v37;
	v36 =	vmax.f32 v37, v29;
	v24 =	vmin.f32 v37, v29  }
0x89: {  	vm11 =	vgt.f32 v16, v10;
	v34 =	vmax.f32 v10, v16;
	v10 =	vmin.f32 v10, v16  }
0x8a: {  	v37 =	vsel vm7, v20, v19;
	v19 =	vsel vm7, v19, v20;
	v20 =	vmax.f32 v33, v28  }
0x8b: {  	v28 =	vmin.f32 v33, v28;
	v33 =	vsel vm8, v31, v27;
	v27 =	vsel vm8, v27, v31  }
0x8c: {  	vm9 =	vgt.f32 v36, v38;
	v31 =	vmax.f32 v38, v36;
	v13 =	vmin.f32 v38, v36  }
0x8d: {  	vm10 =	vgt.f32 v24, v23;
	v38 =	vmax.f32 v23, v24;
	v23 =	vmin.f32 v23, v24  }
0x8e: {  	v35 =	vsel vm11, v30, v26;
	v26 =	vsel vm11, v26, v30;
	vm5 =	vgt.f32 v10, v2  }
0x8f: {  	v32 =	vsel vm9, v37, v39;
	v25 =	vsel vm9, v39, v37;
	v39 =	vsel vm10, v19, v12  }
0x90: {  	v12 =	vsel vm10, v12, v19;
	vm12 =	vgt.f32 v28, v38;
	v37 =	vmax.f32 v38, v28  }
0x91: {  	v28 =	vmin.f32 v38, v28;
	vm13 =	vgt.f32 v13, v34;
	v2 =	vsel vm5, v10, v2  }
0x92: {  	v3 =	vsel vm5, v26, v3;
	v38 =	vsel vm12, v27, v39;
	v24 =	vsel vm12, v39, v27  }
0x93: {  	v39 =	vmax.f32 v34, v13;
	v13 =	vmin.f32 v34, v13;
	v36 =	vsel vm13, v25, v35  }
0x94: {  	v16 =	vsel vm13, v35, v25;
	vm14 =	vgt.f32 v37, v31;
	v25 =	vmax.f32 v31, v37  }
0x95: {  	v30 =	vmin.f32 v31, v37;
	vm12 =	vgt.f32 v20, v8;
	v31 =	vsel vm14, v38, v32  }
0x96: {  	v29 =	vsel vm14, v32, v38;
	vm15 =	vgt.f32 v28, v39;
	v37 =	vmax.f32 v39, v28  }
0x97: {  	v27 =	vmin.f32 v39, v28;
	vm4 =	vgt.f32 v23, v13;
	v39 =	vmax.f32 v13, v23  }
0x98: {  	v13 =	vmin.f32 v13, v23;
	vm10 =	vgt.f32 v30, v15;
	vm11 =	vgt.f32 v25, v22  }
0x99: {  	v8 =	vsel vm12, v20, v8;
	v11 =	vsel vm12, v33, v11;
	v38 =	vsel vm15, v24, v36  }
0x9a: {  	v19 =	vsel vm15, v36, v24;
	v34 =	vsel vm4, v12, v16;
	v12 =	vsel vm4, v16, v12  }
0x9b: {  	vm6 =	vgt.f32 v13, v1;
	vm7 =	vgt.f32 v39, v5;
	vm8 =	vgt.f32 v27, v6  }
0x9c: {  	vm9 =	vgt.f32 v37, v14;
	v21 =	vsel vm11, v31, v21;
	v1 =	vsel vm6, v13, v1  }
0x9d: {  	v4 =	vsel vm6, v12, v4;
	v5 =	vsel vm7, v39, v5;
	v9 =	vsel vm7, v34, v9  }
0x9e: {  	v6 =	vsel vm8, v27, v6;
	v7 =	vsel vm8, v19, v7;
	v35 =	vsel vm9, v37, v14  }
0x9f: {  	v36 =	vsel vm9, v38, v17;
	v37 =	vsel vm10, v30, v15;
	v38 =	vsel vm10, v29, v18  }
0xa0: {  	v39 =	vsel vm11, v25, v22;
	vm13 =	vgt.f32 v35, v2;
	v22 =	vmax.f32 v2, v35  }
0xa1: {  	v2 =	vmin.f32 v2, v35;
	vm14 =	vgt.f32 v37, v1;
	v24 =	vmax.f32 v1, v37  }
0xa2: {  	v1 =	vmin.f32 v1, v37;
	vm15 =	vgt.f32 v39, v5;
	v26 =	vmax.f32 v5, v39  }
0xa3: {  	v5 =	vmin.f32 v5, v39;
	vm4 =	vgt.f32 v8, v6;
	v28 =	vmax.f32 v6, v8  }
0xa4: {  	v6 =	vmin.f32 v6, v8;
	v23 =	vsel vm13, v36, v3;
	v3 =	vsel vm13, v3, v36  }
0xa5: {  	v25 =	vsel vm14, v38, v4;
	v4 =	vsel vm14, v4, v38;
	v27 =	vsel vm15, v21, v9  }
0xa6: {  	v9 =	vsel vm15, v9, v21;
	v29 =	vsel vm4, v11, v7;
	v7 =	vsel vm4, v7, v11  }
0xa7: {  	vm5 =	vgt.f32 v26, v22;
	v30 =	vmax.f32 v22, v26;
	v14 =	vmin.f32 v22, v26  }
0xa8: {  	vm6 =	vgt.f32 v28, v24;
	v32 =	vmax.f32 v24, v28;
	v12 =	vmin.f32 v24, v28  }
0xa9: {  	[dreg:$0x11] =	wrdreg s25;
	s24 =	sor.u32 $0x3000, s28;
	vm7 =	vgt.f32 v5, v2;
	v34 =	vmax.f32 v2, v5;
	v35 =	vmin.f32 v2, v5  }
0xaa: {  	[dreg:$0x12] =	wrdreg s29;
	s25 =	sor.u32 $0x3080, s28;
	s1 =	sor.u32 s14, s24;
	vm8 =	vgt.f32 v6, v1;
	v37 =	vmax.f32 v1, v6;
	v38 =	vmin.f32 v1, v6  }
0xab: {  	[dreg:$0x14] =	wrdreg s5;
	s29 =	sor.u32 $0x3100, s28;
	s26 =	sor.u32 s14, s25;
	v28 =	vld [tilespmem:s1+$0x0];
	v31 =	vsel vm5, v27, v23;
	v10 =	vsel vm5, v23, v27;
	v33 =	vsel vm6, v29, v25  }
0xac: {  	s5 =	sor.u32 $0x3200, s28;
	[dreg:$0xb] =	wrdreg s2;
	s2 =	sor.u32 s14, s29;
	v8 =	vsel vm6, v25, v29;
	v36 =	vsel vm7, v9, v3;
	v9 =	vsel vm7, v3, v9;
	v29 =	vld [tilespmem:s26+$0x0]  }
0xad: {  	[dreg:$0x16] =	wrdreg s9;
	s9 =	sor.u32 $0x3300, s28;
	s6 =	sor.u32 s14, s5;
	vm9 =	vgt.f32 v32, v30;
	v1 =	vmax.f32 v30, v32;
	v2 =	vmin.f32 v30, v32;
	v30 =	vld [tilespmem:s2+$0x0]  }
0xae: {  	[dreg:$0x17] =	wrdreg s11;
	s11 =	sor.u32 $0x3380, s28;
	s10 =	sor.u32 s14, s9;
	v39 =	vsel vm8, v7, v4;
	v7 =	vsel vm8, v4, v7;
	vm10 =	vgt.f32 v12, v14;
	v32 =	vld [tilespmem:s6+$0x0]  }
0xaf: {  	[dreg:$0x13] =	wrdreg s4;
	s3 =	sor.u32 $0x3180, s28;
	s12 =	sor.u32 s14, s11;
	vm11 =	vgt.f32 v37, v34;
	v15 =	vmax.f32 v34, v37;
	v13 =	vmin.f32 v34, v37;
	v34 =	vld [tilespmem:s10+$0x0]  }
0xb0: {  	[dreg:$0x15] =	wrdreg s7;
	s7 =	sor.u32 $0x3280, s28;
	s4 =	sor.u32 s14, s3;
	vm12 =	vgt.f32 v38, v35;
	v20 =	vmax.f32 v35, v38;
	v18 =	vmin.f32 v35, v38;
	v35 =	vld [tilespmem:s12+$0x0]  }
0xb1: {  	s8 =	sor.u32 s14, s7;
	v6 =	vmax.f32 v14, v12;
	v5 =	vsel vm9, v33, v31;
	v3 =	vsel vm9, v31, v33;
	v31 =	vld [tilespmem:s4+$0x0]  }
0xb2: {  	v4 =	vmin.f32 v14, v12;
	v14 =	vsel vm10, v8, v10;
	v8 =	vsel vm10, v10, v8;
	v33 =	vld [tilespmem:s8+$0x0]  }
0xb3: {  	v16 =	vsel vm11, v39, v36;
	v19 =	vsel vm11, v36, v39;
	v21 =	vsel vm12, v7, v9  }
0xb4: {  	v7 =	vsel vm12, v9, v7;
	vm13 =	vgt.f32 v29, v28;
	v25 =	vmax.f32 v28, v29  }
0xb5: {  	v23 =	vmin.f32 v28, v29;
	vm4 =	vgt.f32 v35, v34;
	v9 =	vmin.f32 v34, v35  }
0xb6: {  	v36 =	vsel vm13, $0x19, v40;
	v26 =	vsel vm13, $0x18, v41;
	vm14 =	vgt.f32 v31, v30  }
0xb7: {  	v37 =	vmax.f32 v30, v31;
	v11 =	vmin.f32 v30, v31;
	vm15 =	vgt.f32 v33, v32  }
0xb8: {  	v40 =	vmax.f32 v32, v33;
	v10 =	vmin.f32 v32, v33;
	v38 =	vsel vm14, $0x1B, v42  }
0xb9: {  	v39 =	vsel vm14, $0x1A, v43;
	v41 =	vsel vm15, $0x1D, v44;
	v42 =	vsel vm15, $0x1C, v45  }
0xba: {  	v43 =	vmax.f32 v34, v35;
	v44 =	vsel vm4, $0x1F, v46;
	v45 =	vsel vm4, $0x1E, v63  }
0xbb: {  	vm5 =	vgt.f32 v37, v25;
	v46 =	vmax.f32 v25, v37;
	v25 =	vmin.f32 v25, v37  }
0xbc: {  	vm6 =	vgt.f32 v11, v23;
	vm8 =	vgt.f32 v9, v10;
	v63 =	vsel vm5, v38, v36  }
0xbd: {  	v12 =	vsel vm5, v36, v38;
	v36 =	vmax.f32 v23, v11;
	v11 =	vmin.f32 v23, v11  }
0xbe: {  	v37 =	vsel vm6, v39, v26;
	v26 =	vsel vm6, v26, v39;
	vm7 =	vgt.f32 v43, v40  }
0xbf: {  	v38 =	vmax.f32 v40, v43;
	v29 =	vmin.f32 v40, v43;
	v40 =	vmax.f32 v10, v9  }
0xc0: {  	v9 =	vmin.f32 v10, v9;
	v30 =	vsel vm8, v42, v45;
	v39 =	vsel vm7, v44, v41  }
0xc1: {  	v17 =	vsel vm7, v41, v44;
	v41 =	vsel vm8, v45, v42;
	vm9 =	vgt.f32 v25, v36  }
0xc2: {  	v42 =	vmax.f32 v36, v25;
	v24 =	vmin.f32 v36, v25;
	vm10 =	vgt.f32 v29, v40  }
0xc3: {  	v44 =	vmax.f32 v40, v29;
	v22 =	vmin.f32 v40, v29;
	vm11 =	vgt.f32 v38, v46  }
0xc4: {  	v28 =	vmin.f32 v46, v38;
	vm14 =	vgt.f32 v9, v11;
	v36 =	vmax.f32 v11, v9  }
0xc5: {  	v9 =	vmin.f32 v11, v9;
	v43 =	vsel vm9, v12, v37;
	v12 =	vsel vm9, v37, v12  }
0xc6: {  	v45 =	vsel vm10, v17, v41;
	v10 =	vsel vm10, v41, v17;
	v17 =	vmax.f32 v46, v38  }
0xc7: {  	v33 =	vsel vm11, v39, v63;
	v27 =	vsel vm11, v63, v39;
	vm12 =	vgt.f32 v44, v42  }
0xc8: {  	v46 =	vmax.f32 v42, v44;
	v23 =	vmin.f32 v42, v44;
	vm13 =	vgt.f32 v22, v24  }
0xc9: {  	v34 =	vmax.f32 v24, v22;
	v22 =	vmin.f32 v24, v22;
	v37 =	vsel vm14, v30, v26  }
0xca: {  	v26 =	vsel vm14, v26, v30;
	vm8 =	vgt.f32 v9, v1;
	v63 =	vsel vm12, v45, v43  }
0xcb: {  	v25 =	vsel vm12, v43, v45;
	v35 =	vsel vm13, v10, v12;
	v10 =	vsel vm13, v12, v10  }
0xcc: {  	vm15 =	vgt.f32 v28, v34;
	v38 =	vmax.f32 v34, v28;
	v28 =	vmin.f32 v34, v28  }
0xcd: {  	vm4 =	vgt.f32 v23, v36;
	v40 =	vmax.f32 v36, v23;
	v12 =	vmin.f32 v36, v23  }
0xce: {  	v1 =	vsel vm8, v9, v1;
	v5 =	vsel vm8, v26, v5;
	v39 =	vsel vm15, v27, v35  }
0xcf: {  	v24 =	vsel vm15, v35, v27;
	v41 =	vsel vm4, v25, v37;
	v11 =	vsel vm4, v37, v25  }
0xd0: {  	vm5 =	vgt.f32 v38, v46;
	v42 =	vmax.f32 v46, v38;
	v30 =	vmin.f32 v46, v38  }
0xd1: {  	vm6 =	vgt.f32 v28, v40;
	v44 =	vmax.f32 v40, v28;
	v27 =	vmin.f32 v40, v28  }
0xd2: {  	vm7 =	vgt.f32 v22, v12;
	v46 =	vmax.f32 v12, v22;
	v12 =	vmin.f32 v12, v22  }
0xd3: {  	vm15 =	vgt.f32 v17, v18;
	v43 =	vsel vm5, v39, v63;
	v29 =	vsel vm5, v63, v39  }
0xd4: {  	v45 =	vsel vm6, v24, v41;
	v23 =	vsel vm6, v41, v24;
	v63 =	vsel vm7, v10, v11  }
0xd5: {  	v10 =	vsel vm7, v11, v10;
	vm9 =	vgt.f32 v12, v2;
	vm10 =	vgt.f32 v46, v6  }
0xd6: {  	vm11 =	vgt.f32 v27, v4;
	vm12 =	vgt.f32 v44, v15;
	vm13 =	vgt.f32 v30, v13  }
0xd7: {  	vm14 =	vgt.f32 v42, v20;
	v36 =	vsel vm15, v17, v18;
	v7 =	vsel vm15, v33, v7  }
0xd8: {  	v2 =	vsel vm9, v12, v2;
	v3 =	vsel vm9, v10, v3;
	v6 =	vsel vm10, v46, v6  }
0xd9: {  	v26 =	vsel vm10, v63, v14;
	v4 =	vsel vm11, v27, v4;
	v8 =	vsel vm11, v23, v8  }
0xda: {  	v27 =	vsel vm12, v44, v15;
	v28 =	vsel vm12, v45, v16;
	v30 =	vsel vm13, v30, v13  }
0xdb: {  	v32 =	vsel vm13, v29, v19;
	v34 =	vsel vm14, v42, v20;
	v35 =	vsel vm14, v43, v21  }
0xdc: {  	vm4 =	vgt.f32 v27, v1;
	v37 =	vmax.f32 v1, v27;
	v1 =	vmin.f32 v1, v27  }
0xdd: {  	vm5 =	vgt.f32 v30, v2;
	v39 =	vmax.f32 v2, v30;
	v2 =	vmin.f32 v2, v30  }
0xde: {  	vm6 =	vgt.f32 v34, v6;
	v41 =	vmax.f32 v6, v34;
	v6 =	vmin.f32 v6, v34  }
0xdf: {  	vm7 =	vgt.f32 v36, v4;
	v43 =	vmax.f32 v4, v36;
	v4 =	vmin.f32 v4, v36  }
0xe0: {  	v38 =	vsel vm4, v28, v5;
	v5 =	vsel vm4, v5, v28;
	v40 =	vsel vm5, v32, v3  }
0xe1: {  	v3 =	vsel vm5, v3, v32;
	v42 =	vsel vm6, v35, v26;
	v9 =	vsel vm6, v26, v35  }
0xe2: {  	v44 =	vsel vm7, v7, v8;
	v7 =	vsel vm7, v8, v7;
	vm8 =	vgt.f32 v41, v37  }
0xe3: {  	v45 =	vmax.f32 v37, v41;
	v13 =	vmin.f32 v37, v41;
	vm9 =	vgt.f32 v43, v39  }
0xe4: {  	v63 =	vmax.f32 v39, v43;
	v11 =	vmin.f32 v39, v43;
	vm10 =	vgt.f32 v6, v1  }
0xe5: {  	v25 =	vmax.f32 v1, v6;
	v6 =	vmin.f32 v1, v6;
	vm11 =	vgt.f32 v4, v2  }
0xe6: {  	v27 =	vmax.f32 v2, v4;
	v29 =	vmin.f32 v2, v4;
	v39 =	vimm.s32 $0x20  }
0xe7: {  	[dreg:$0x1c] =	wrdreg s25;
	s18 =	sor.u32 $0x4080, s28;
	v43 =	vimm.s32 $0x23;
	v46 =	vsel vm8, v42, v38;
	v10 =	vsel vm8, v38, v42  }
0xe8: {  	[dreg:$0x19] =	wrdreg s20;
	s23 =	sor.u32 $0x4180, s28;
	s20 =	sor.u32 s14, s18;
	v24 =	vsel vm9, v44, v40;
	v12 =	vsel vm9, v40, v44;
	v26 =	vsel vm10, v9, v5  }
0xe9: {  	[dreg:$0x1b] =	wrdreg s24;
	s25 =	sor.u32 $0x4200, s28;
	s24 =	sor.u32 s14, s23;
	v31 =	vld [tilespmem:s20+$0x0];
	v9 =	vsel vm10, v5, v9;
	v30 =	vsel vm11, v7, v3;
	v7 =	vsel vm11, v3, v7  }
0xea: {  	[dreg:$0x1f] =	wrdreg s5;
	s26 =	sor.u32 s14, s25;
	s4 =	sor.u32 $0x4300, s28;
	v33 =	vld [tilespmem:s24+$0x0];
	vm12 =	vgt.f32 v63, v45;
	v2 =	vmax.f32 v45, v63;
	v1 =	vmin.f32 v45, v63  }
0xeb: {  	[dreg:$0x18] =	wrdreg s13;
	s13 =	sor.u32 $0x4000, s28;
	s5 =	sor.u32 s14, s4;
	v34 =	vld [tilespmem:s26+$0x0];
	vm13 =	vgt.f32 v11, v13;
	v15 =	vmax.f32 v13, v11;
	v5 =	vmin.f32 v13, v11  }
0xec: {  	[dreg:$0x1d] =	wrdreg s29;
	s21 =	sor.u32 $0x4100, s28;
	s1 =	sor.u32 s14, s13;
	v36 =	vld [tilespmem:s5+$0x0];
	vm14 =	vgt.f32 v27, v25;
	v16 =	vmin.f32 v25, v27;
	vm15 =	vgt.f32 v29, v6  }
0xed: {  	s29 =	sor.u32 $0x4280, s28;
	[dreg:$0x1a] =	wrdreg s22;
	s22 =	sor.u32 s14, s21;
	v28 =	vld [tilespmem:s1+$0x0];
	v40 =	vimm.s32 $0x21;
	v42 =	vimm.s32 $0x22;
	v45 =	vimm.s32 $0x24  }
0xee: {  	[dreg:$0x1e] =	wrdreg s3;
	s3 =	sor.u32 s14, s29;
	s6 =	sor.u32 $0x4380, s28;
	v32 =	vld [tilespmem:s22+$0x0];
	v4 =	vsel vm12, v24, v46;
	v3 =	vsel vm12, v46, v24;
	v11 =	vsel vm13, v12, v10  }
0xef: {  	[smem:$0x7F0] =	sst s7;
	s7 =	sor.u32 s14, s6;
	v35 =	vld [tilespmem:s3+$0x0];
	v10 =	vsel vm13, v10, v12;
	v12 =	vmax.f32 v25, v27;
	v19 =	vsel vm14, v30, v26  }
0xf0: {  	v37 =	vld [tilespmem:s7+$0x0];
	v18 =	vsel vm14, v26, v30;
	v24 =	vmax.f32 v6, v29;
	v6 =	vmin.f32 v6, v29  }
0xf1: {  	v25 =	vsel vm15, v7, v9;
	v7 =	vsel vm15, v9, v7;
	v46 =	vimm.s32 $0x25  }
0xf2: {  	vm4 =	vgt.f32 v31, v28;
	v38 =	vmax.f32 v28, v31;
	v20 =	vmin.f32 v28, v31  }
0xf3: {  	vm5 =	vgt.f32 v33, v32;
	v41 =	vmax.f32 v32, v33;
	v8 =	vmin.f32 v32, v33  }
0xf4: {  	vm6 =	vgt.f32 v35, v34;
	v44 =	vmax.f32 v34, v35;
	v13 =	vmin.f32 v34, v35  }
0xf5: {  	vm7 =	vgt.f32 v37, v36;
	v63 =	vmax.f32 v36, v37;
	v21 =	vmin.f32 v36, v37  }
0xf6: {  	v35 =	vimm.s32 $0x26;
	v36 =	vimm.s32 $0x27;
	v23 =	vsel vm4, $0x21, v39  }
0xf7: {  	v26 =	vsel vm4, $0x20, v40;
	v14 =	vsel vm5, $0x23, v42;
	v28 =	vsel vm5, $0x22, v43  }
0xf8: {  	v17 =	vsel vm6, $0x25, v45;
	v30 =	vsel vm6, $0x24, v46;
	v22 =	vsel vm7, $0x27, v35  }
0xf9: {  	v32 =	vsel vm7, $0x26, v36;
	vm8 =	vgt.f32 v41, v38;
	v37 =	vmax.f32 v38, v41  }
0xfa: {  	v9 =	vmin.f32 v38, v41;
	vm9 =	vgt.f32 v8, v20;
	v39 =	vmax.f32 v20, v8  }
0xfb: {  	v8 =	vmin.f32 v20, v8;
	vm10 =	vgt.f32 v63, v44;
	v41 =	vmax.f32 v44, v63  }
0xfc: {  	v29 =	vmin.f32 v44, v63;
	vm11 =	vgt.f32 v21, v13;
	v43 =	vmax.f32 v13, v21  }
0xfd: {  	v13 =	vmin.f32 v13, v21;
	v38 =	vsel vm8, v14, v23;
	v14 =	vsel vm8, v23, v14  }
0xfe: {  	v40 =	vsel vm9, v28, v26;
	v26 =	vsel vm9, v26, v28;
	v42 =	vsel vm10, v22, v17  }
0xff: {  	v17 =	vsel vm10, v17, v22;
	v44 =	vsel vm11, v32, v30;
	v30 =	vsel vm11, v30, v32  }
0x100: {  	vm12 =	vgt.f32 v9, v39;
	v45 =	vmax.f32 v39, v9;
	v9 =	vmin.f32 v39, v9  }
0x101: {  	vm13 =	vgt.f32 v29, v43;
	v63 =	vmax.f32 v43, v29;
	v22 =	vmin.f32 v43, v29  }
0x102: {  	vm14 =	vgt.f32 v41, v37;
	v21 =	vmax.f32 v37, v41;
	v28 =	vmin.f32 v37, v41  }
0x103: {  	vm5 =	vgt.f32 v13, v8;
	v41 =	vmax.f32 v8, v13;
	v8 =	vmin.f32 v8, v13  }
0x104: {  	v46 =	vsel vm12, v14, v40;
	v14 =	vsel vm12, v40, v14;
	v36 =	vsel vm13, v17, v44  }
0x105: {  	v17 =	vsel vm13, v44, v17;
	v33 =	vsel vm14, v42, v38;
	v27 =	vsel vm14, v38, v42  }
0x106: {  	vm15 =	vgt.f32 v63, v45;
	v37 =	vmax.f32 v45, v63;
	v20 =	vmin.f32 v45, v63  }
0x107: {  	vm4 =	vgt.f32 v22, v9;
	v39 =	vmax.f32 v9, v22;
	v9 =	vmin.f32 v9, v22  }
0x108: {  	v42 =	vsel vm5, v30, v26;
	v26 =	vsel vm5, v26, v30;
	vm11 =	vgt.f32 v8, v2  }
0x109: {  	v38 =	vsel vm15, v36, v46;
	v23 =	vsel vm15, v46, v36;
	v40 =	vsel vm4, v17, v14  }
0x10a: {  	v14 =	vsel vm4, v14, v17;
	vm6 =	vgt.f32 v28, v39;
	v43 =	vmax.f32 v39, v28  }
0x10b: {  	v28 =	vmin.f32 v39, v28;
	vm7 =	vgt.f32 v20, v41;
	v45 =	vmax.f32 v41, v20  }
0x10c: {  	v17 =	vmin.f32 v41, v20;
	v2 =	vsel vm11, v8, v2;
	v4 =	vsel vm11, v26, v4  }
0x10d: {  	v44 =	vsel vm6, v27, v40;
	v22 =	vsel vm6, v40, v27;
	v46 =	vsel vm7, v23, v42  }
0x10e: {  	v13 =	vsel vm7, v42, v23;
	vm8 =	vgt.f32 v43, v37;
	v63 =	vmax.f32 v37, v43  }
0x10f: {  	v30 =	vmin.f32 v37, v43;
	vm9 =	vgt.f32 v28, v45;
	v37 =	vmax.f32 v45, v28  }
0x110: {  	v27 =	vmin.f32 v45, v28;
	vm10 =	vgt.f32 v9, v17;
	v39 =	vmax.f32 v17, v9  }
0x111: {  	v9 =	vmin.f32 v17, v9;
	vm6 =	vgt.f32 v21, v6;
	v36 =	vsel vm8, v44, v38  }
0x112: {  	v29 =	vsel vm8, v38, v44;
	v38 =	vsel vm9, v22, v46;
	v20 =	vsel vm9, v46, v22  }
0x113: {  	v40 =	vsel vm10, v14, v13;
	v13 =	vsel vm10, v13, v14;
	vm12 =	vgt.f32 v9, v1  }
0x114: {  	vm13 =	vgt.f32 v39, v15;
	vm14 =	vgt.f32 v27, v5;
	vm15 =	vgt.f32 v37, v12  }
0x115: {  	vm4 =	vgt.f32 v30, v16;
	vm5 =	vgt.f32 v63, v24;
	v6 =	vsel vm6, v21, v6  }
0x116: {  	v7 =	vsel vm6, v33, v7;
	v1 =	vsel vm12, v9, v1;
	v3 =	vsel vm12, v13, v3  }
0x117: {  	v41 =	vsel vm13, v39, v15;
	v42 =	vsel vm13, v40, v11;
	v5 =	vsel vm14, v27, v5  }
0x118: {  	v10 =	vsel vm14, v20, v10;
	v43 =	vsel vm15, v37, v12;
	v44 =	vsel vm15, v38, v19  }
0x119: {  	v45 =	vsel vm4, v30, v16;
	v46 =	vsel vm4, v29, v18;
	v63 =	vsel vm5, v63, v24  }
0x11a: {  	v20 =	vsel vm5, v36, v25;
	vm7 =	vgt.f32 v43, v2;
	v21 =	vmax.f32 v2, v43  }
0x11b: {  	v2 =	vmin.f32 v2, v43;
	vm8 =	vgt.f32 v45, v1;
	v23 =	vmax.f32 v1, v45  }
0x11c: {  	v1 =	vmin.f32 v1, v45;
	vm9 =	vgt.f32 v63, v41;
	v25 =	vmax.f32 v41, v63  }
0x11d: {  	v8 =	vmin.f32 v41, v63;
	vm10 =	vgt.f32 v6, v5;
	v27 =	vmax.f32 v5, v6  }
0x11e: {  	v5 =	vmin.f32 v5, v6;
	v22 =	vsel vm7, v44, v4;
	v4 =	vsel vm7, v4, v44  }
0x11f: {  	v24 =	vsel vm8, v46, v3;
	v3 =	vsel vm8, v3, v46;
	v26 =	vsel vm9, v20, v42  }
0x120: {  	v9 =	vsel vm9, v42, v20;
	v28 =	vsel vm10, v7, v10;
	v7 =	vsel vm10, v10, v7  }
0x121: {  	vm11 =	vgt.f32 v25, v21;
	v29 =	vmax.f32 v21, v25;
	v14 =	vmin.f32 v21, v25  }
0x122: {  	vm12 =	vgt.f32 v27, v23;
	v31 =	vmax.f32 v23, v27;
	v12 =	vmin.f32 v23, v27  }
0x123: {  	vm13 =	vgt.f32 v8, v2;
	v33 =	vmax.f32 v2, v8;
	v8 =	vmin.f32 v2, v8  }
0x124: {  	vm14 =	vgt.f32 v5, v1;
	v35 =	vmax.f32 v1, v5;
	v36 =	vmin.f32 v1, v5  }
0x125: {  	v30 =	vsel vm11, v26, v22;
	v11 =	vsel vm11, v22, v26;
	v32 =	vsel vm12, v28, v24  }
0x126: {  	[smem:$0x7F8] =	sst s29;
	s8 =	sor.u32 $0x5000, s28;
	v13 =	vsel vm12, v24, v28;
	v34 =	vsel vm13, v9, v4;
	v9 =	vsel vm13, v4, v9  }
0x127: {  	[smem:$0x7F1] =	sst s9;
	s9 =	sor.u32 $0x5080, s28;
	s1 =	sor.u32 s14, s8;
	v38 =	vsel vm14, v7, v3;
	v39 =	vsel vm14, v3, v7;
	vm15 =	vgt.f32 v31, v29  }
0x128: {  	[smem:$0x7F2] =	sst s11;
	s11 =	sor.u32 $0x5100, s28;
	s10 =	sor.u32 s14, s9;
	v37 =	vld [tilespmem:s1+$0x0];
	v2 =	vmax.f32 v29, v31;
	v1 =	vmin.f32 v29, v31;
	vm4 =	vgt.f32 v12, v14  }
0x129: {  	[smem:$0x7F3] =	sst s13;
	s12 =	sor.u32 s14, s11;
	s26 =	sor.u32 $0x5200, s28;
	v40 =	vld [tilespmem:s10+$0x0];
	v5 =	vmax.f32 v14, v12;
	v6 =	vmin.f32 v14, v12;
	vm5 =	vgt.f32 v35, v33  }
0x12a: {  	s29 =	sor.u32 $0x5180, s28;
	[smem:$0x7F4] =	sst s18;
	s18 =	sor.u32 s14, s26;
	v41 =	vld [tilespmem:s12+$0x0];
	v14 =	vmin.f32 v33, v35;
	vm6 =	vgt.f32 v36, v8;
	v20 =	vmax.f32 v8, v36  }
0x12b: {  	[smem:$0x7F7] =	sst s25;
	s13 =	sor.u32 s14, s29;
	s25 =	sor.u32 $0x5280, s28;
	v43 =	vld [tilespmem:s18+$0x0];
	v8 =	vmin.f32 v8, v36;
	v36 =	vimm.s32 $0x29;
	v3 =	vsel vm15, v32, v30  }
0x12c: {  	[smem:$0x7F5] =	sst s21;
	s20 =	sor.u32 s14, s25;
	s24 =	sor.u32 $0x5300, s28;
	v42 =	vld [tilespmem:s13+$0x0];
	v4 =	vsel vm15, v30, v32;
	v12 =	vsel vm4, v13, v11;
	v7 =	vsel vm4, v11, v13  }
0x12d: {  	[smem:$0x7F6] =	sst s23;
	s23 =	sor.u32 $0x5380, s28;
	s21 =	sor.u32 s14, s24;
	v44 =	vld [tilespmem:s20+$0x0];
	v13 =	vmax.f32 v33, v35;
	v17 =	vsel vm5, v38, v34;
	v18 =	vsel vm5, v34, v38  }
0x12e: {  	s22 =	sor.u32 s14, s23;
	v45 =	vld [tilespmem:s21+$0x0];
	v21 =	vsel vm6, v39, v9;
	v9 =	vsel vm6, v9, v39;
	v35 =	vimm.s32 $0x28  }
0x12f: {  	v46 =	vld [tilespmem:s22+$0x0];
	v38 =	vimm.s32 $0x2A;
	v39 =	vimm.s32 $0x2B;
	vm7 =	vgt.f32 v40, v37  }
0x130: {  	v63 =	vmax.f32 v37, v40;
	v22 =	vmin.f32 v37, v40;
	v25 =	vsel vm7, $0x29, v35  }
0x131: {  	v26 =	vsel vm7, $0x28, v36;
	vm8 =	vgt.f32 v42, v41;
	v37 =	vmax.f32 v41, v42  }
0x132: {  	v10 =	vmin.f32 v41, v42;
	vm9 =	vgt.f32 v44, v43;
	v40 =	vmax.f32 v43, v44  }
0x133: {  	v11 =	vmin.f32 v43, v44;
	v41 =	vimm.s32 $0x2C;
	v42 =	vimm.s32 $0x2D  }
0x134: {  	vm10 =	vgt.f32 v46, v45;
	v43 =	vmax.f32 v45, v46;
	v19 =	vmin.f32 v45, v46  }
0x135: {  	v44 =	vimm.s32 $0x2E;
	v45 =	vimm.s32 $0x2F;
	v15 =	vsel vm8, $0x2B, v38  }
0x136: {  	v28 =	vsel vm8, $0x2A, v39;
	v16 =	vsel vm9, $0x2D, v41;
	v30 =	vsel vm9, $0x2C, v42  }
0x137: {  	v23 =	vsel vm10, $0x2F, v44;
	v32 =	vsel vm10, $0x2E, v45;
	vm11 =	vgt.f32 v37, v63  }
0x138: {  	v46 =	vmax.f32 v63, v37;
	v24 =	vmin.f32 v63, v37;
	vm12 =	vgt.f32 v10, v22  }
0x139: {  	v36 =	vmax.f32 v22, v10;
	v10 =	vmin.f32 v22, v10;
	vm13 =	vgt.f32 v43, v40  }
0x13a: {  	v38 =	vmax.f32 v40, v43;
	v29 =	vmin.f32 v40, v43;
	vm14 =	vgt.f32 v19, v11  }
0x13b: {  	v40 =	vmax.f32 v11, v19;
	v11 =	vmin.f32 v11, v19;
	v63 =	vsel vm11, v15, v25  }
0x13c: {  	v15 =	vsel vm11, v25, v15;
	v37 =	vsel vm12, v28, v26;
	v26 =	vsel vm12, v26, v28  }
0x13d: {  	v39 =	vsel vm13, v23, v16;
	v16 =	vsel vm13, v16, v23;
	v41 =	vsel vm14, v32, v30  }
0x13e: {  	v30 =	vsel vm14, v30, v32;
	vm15 =	vgt.f32 v24, v36;
	v42 =	vmax.f32 v36, v24  }
0x13f: {  	v24 =	vmin.f32 v36, v24;
	vm4 =	vgt.f32 v29, v40;
	v44 =	vmax.f32 v40, v29  }
0x140: {  	v23 =	vmin.f32 v40, v29;
	vm5 =	vgt.f32 v38, v46;
	v19 =	vmax.f32 v46, v38  }
0x141: {  	v28 =	vmin.f32 v46, v38;
	vm8 =	vgt.f32 v11, v10;
	v36 =	vmax.f32 v10, v11  }
0x142: {  	v10 =	vmin.f32 v10, v11;
	v43 =	vsel vm15, v15, v37;
	v15 =	vsel vm15, v37, v15  }
0x143: {  	v45 =	vsel vm4, v16, v41;
	v16 =	vsel vm4, v41, v16;
	v33 =	vsel vm5, v39, v63  }
0x144: {  	v27 =	vsel vm5, v63, v39;
	vm6 =	vgt.f32 v44, v42;
	v46 =	vmax.f32 v42, v44  }
0x145: {  	v22 =	vmin.f32 v42, v44;
	vm7 =	vgt.f32 v23, v24;
	v34 =	vmax.f32 v24, v23  }
0x146: {  	v23 =	vmin.f32 v24, v23;
	v37 =	vsel vm8, v30, v26;
	v26 =	vsel vm8, v26, v30  }
0x147: {  	vm14 =	vgt.f32 v10, v2;
	v63 =	vsel vm6, v45, v43;
	v25 =	vsel vm6, v43, v45  }
0x148: {  	v35 =	vsel vm7, v16, v15;
	v15 =	vsel vm7, v15, v16;
	vm9 =	vgt.f32 v28, v34  }
0x149: {  	v38 =	vmax.f32 v34, v28;
	v28 =	vmin.f32 v34, v28;
	vm10 =	vgt.f32 v22, v36  }
0x14a: {  	v40 =	vmax.f32 v36, v22;
	v16 =	vmin.f32 v36, v22;
	v2 =	vsel vm14, v10, v2  }
0x14b: {  	v3 =	vsel vm14, v26, v3;
	v39 =	vsel vm9, v27, v35;
	v24 =	vsel vm9, v35, v27  }
0x14c: {  	v41 =	vsel vm10, v25, v37;
	v11 =	vsel vm10, v37, v25;
	vm11 =	vgt.f32 v38, v46  }
0x14d: {  	v42 =	vmax.f32 v46, v38;
	v30 =	vmin.f32 v46, v38;
	vm12 =	vgt.f32 v28, v40  }
0x14e: {  	v44 =	vmax.f32 v40, v28;
	v27 =	vmin.f32 v40, v28;
	vm13 =	vgt.f32 v23, v16  }
0x14f: {  	v46 =	vmax.f32 v16, v23;
	v16 =	vmin.f32 v16, v23;
	vm9 =	vgt.f32 v19, v8  }
0x150: {  	v43 =	vsel vm11, v39, v63;
	v29 =	vsel vm11, v63, v39;
	v45 =	vsel vm12, v24, v41  }
0x151: {  	v22 =	vsel vm12, v41, v24;
	v63 =	vsel vm13, v15, v11;
	v11 =	vsel vm13, v11, v15  }
0x152: {  	vm15 =	vgt.f32 v16, v1;
	vm4 =	vgt.f32 v46, v5;
	vm5 =	vgt.f32 v27, v6  }
0x153: {  	vm6 =	vgt.f32 v44, v13;
	vm7 =	vgt.f32 v30, v14;
	vm8 =	vgt.f32 v42, v20  }
0x154: {  	v8 =	vsel vm9, v19, v8;
	v9 =	vsel vm9, v33, v9;
	v1 =	vsel vm15, v16, v1  }
0x155: {  	v4 =	vsel vm15, v11, v4;
	v5 =	vsel vm4, v46, v5;
	v23 =	vsel vm4, v63, v12  }
0x156: {  	v6 =	vsel vm5, v27, v6;
	v7 =	vsel vm5, v22, v7;
	v24 =	vsel vm6, v44, v13  }
0x157: {  	v26 =	vsel vm6, v45, v17;
	v27 =	vsel vm7, v30, v14;
	v28 =	vsel vm7, v29, v18  }
0x158: {  	v29 =	vsel vm8, v42, v20;
	v30 =	vsel vm8, v43, v21;
	vm10 =	vgt.f32 v24, v2  }
0x159: {  	v31 =	vmax.f32 v2, v24;
	v2 =	vmin.f32 v2, v24;
	vm11 =	vgt.f32 v27, v1  }
0x15a: {  	v33 =	vmax.f32 v1, v27;
	v1 =	vmin.f32 v1, v27;
	vm12 =	vgt.f32 v29, v5  }
0x15b: {  	v35 =	vmax.f32 v5, v29;
	v5 =	vmin.f32 v5, v29;
	vm13 =	vgt.f32 v8, v6  }
0x15c: {  	v37 =	vmax.f32 v6, v8;
	v6 =	vmin.f32 v6, v8;
	v32 =	vsel vm10, v26, v3  }
0x15d: {  	v3 =	vsel vm10, v3, v26;
	v34 =	vsel vm11, v28, v4;
	v4 =	vsel vm11, v4, v28  }
0x15e: {  	v36 =	vsel vm12, v30, v23;
	v10 =	vsel vm12, v23, v30;
	v38 =	vsel vm13, v9, v7  }
0x15f: {  	v7 =	vsel vm13, v7, v9;
	vm14 =	vgt.f32 v35, v31;
	v39 =	vmax.f32 v31, v35  }
0x160: {  	v14 =	vmin.f32 v31, v35;
	vm15 =	vgt.f32 v37, v33;
	v41 =	vmax.f32 v33, v37  }
0x161: {  	v12 =	vmin.f32 v33, v37;
	vm4 =	vgt.f32 v5, v2;
	v43 =	vmax.f32 v2, v5  }
0x162: {  	v44 =	vmin.f32 v2, v5;
	vm5 =	vgt.f32 v6, v1;
	v46 =	vmax.f32 v1, v6  }
0x163: {  	v63 =	vmin.f32 v1, v6;
	v37 =	vimm.s32 $0x30;
	v40 =	vsel vm14, v36, v32  }
0x164: {  	v11 =	vsel vm14, v32, v36;
	v42 =	vsel vm15, v38, v34;
	v8 =	vsel vm15, v34, v38  }
0x165: {  	s21 =	sor.u32 $0x6000, s28;
	v45 =	vsel vm4, v10, v3;
	v10 =	vsel vm4, v3, v10;
	v28 =	vsel vm5, v7, v4  }
0x166: {  	s2 =	sor.u32 s14, s21;
	s22 =	sor.u32 $0x6080, s28;
	v7 =	vsel vm5, v4, v7;
	vm6 =	vgt.f32 v41, v39;
	v1 =	vmax.f32 v39, v41  }
0x167: {  	s18 =	sor.u32 $0x6100, s28;
	s3 =	sor.u32 s14, s22;
	v29 =	vld [tilespmem:s2+$0x0];
	v2 =	vmin.f32 v39, v41;
	vm7 =	vgt.f32 v12, v14;
	v6 =	vmax.f32 v14, v12  }
0x168: {  	[smem:$0x7F9] =	sst s4;
	s12 =	sor.u32 $0x6200, s28;
	s4 =	sor.u32 s14, s18;
	v30 =	vld [tilespmem:s3+$0x0];
	v4 =	vmin.f32 v14, v12;
	vm8 =	vgt.f32 v46, v43;
	v15 =	vmax.f32 v43, v46  }
0x169: {  	[smem:$0x7FA] =	sst s6;
	s10 =	sor.u32 $0x6300, s28;
	s6 =	sor.u32 s14, s12;
	v31 =	vld [tilespmem:s4+$0x0];
	v13 =	vmin.f32 v43, v46;
	vm9 =	vgt.f32 v63, v44;
	v20 =	vmax.f32 v44, v63  }
0x16a: {  	[smem:$0x7FB] =	sst s8;
	s8 =	sor.u32 s14, s10;
	s13 =	sor.u32 $0x6180, s28;
	v33 =	vld [tilespmem:s6+$0x0];
	v18 =	vmin.f32 v44, v63;
	v38 =	vimm.s32 $0x31;
	v41 =	vimm.s32 $0x33  }
0x16b: {  	[smem:$0x7FD] =	sst s11;
	s11 =	sor.u32 $0x6280, s28;
	s5 =	sor.u32 s14, s13;
	v35 =	vld [tilespmem:s8+$0x0];
	v43 =	vimm.s32 $0x34;
	v44 =	vimm.s32 $0x35;
	v46 =	vimm.s32 $0x36  }
0x16c: {  	[smem:$0x7FC] =	sst s9;
	s9 =	sor.u32 $0x6380, s28;
	s7 =	sor.u32 s14, s11;
	v32 =	vld [tilespmem:s5+$0x0];
	v63 =	vimm.s32 $0x37;
	v5 =	vsel vm6, v42, v40;
	v3 =	vsel vm6, v40, v42  }
0x16d: {  	s20 =	sor.u32 s14, s9;
	v34 =	vld [tilespmem:s7+$0x0];
	v14 =	vsel vm7, v8, v11;
	v8 =	vsel vm7, v11, v8;
	v16 =	vsel vm8, v28, v45  }
0x16e: {  	v36 =	vld [tilespmem:s20+$0x0];
	v19 =	vsel vm8, v45, v28;
	v21 =	vsel vm9, v7, v10;
	v7 =	vsel vm9, v10, v7  }
0x16f: {  	v40 =	vimm.s32 $0x32;
	vm10 =	vgt.f32 v30, v29;
	v25 =	vmax.f32 v29, v30  }
0x170: {  	v23 =	vmin.f32 v29, v30;
	v24 =	vsel vm10, $0x31, v37;
	v26 =	vsel vm10, $0x30, v38  }
0x171: {  	vm11 =	vgt.f32 v32, v31;
	v39 =	vmax.f32 v31, v32;
	v9 =	vmin.f32 v31, v32  }
0x172: {  	vm12 =	vgt.f32 v34, v33;
	v42 =	vmax.f32 v33, v34;
	v11 =	vmin.f32 v33, v34  }
0x173: {  	vm13 =	vgt.f32 v36, v35;
	v45 =	vmax.f32 v35, v36;
	v10 =	vmin.f32 v35, v36  }
0x174: {  	v12 =	vsel vm11, $0x33, v40;
	v28 =	vsel vm11, $0x32, v41;
	v17 =	vsel vm12, $0x35, v43  }
0x175: {  	v30 =	vsel vm12, $0x34, v44;
	v22 =	vsel vm13, $0x37, v46;
	v32 =	vsel vm13, $0x36, v63  }
0x176: {  	vm14 =	vgt.f32 v39, v25;
	v36 =	vmax.f32 v25, v39;
	v25 =	vmin.f32 v25, v39  }
0x177: {  	vm15 =	vgt.f32 v9, v23;
	v38 =	vmax.f32 v23, v9;
	v9 =	vmin.f32 v23, v9  }
0x178: {  	vm4 =	vgt.f32 v45, v42;
	v40 =	vmax.f32 v42, v45;
	v29 =	vmin.f32 v42, v45  }
0x179: {  	vm5 =	vgt.f32 v10, v11;
	v42 =	vmax.f32 v11, v10;
	v10 =	vmin.f32 v11, v10  }
0x17a: {  	v37 =	vsel vm14, v12, v24;
	v12 =	vsel vm14, v24, v12;
	v39 =	vsel vm15, v28, v26  }
0x17b: {  	v26 =	vsel vm15, v26, v28;
	v41 =	vsel vm4, v22, v17;
	v17 =	vsel vm4, v17, v22  }
0x17c: {  	v43 =	vsel vm5, v32, v30;
	v30 =	vsel vm5, v30, v32;
	vm6 =	vgt.f32 v25, v38  }
0x17d: {  	v44 =	vmax.f32 v38, v25;
	v24 =	vmin.f32 v38, v25;
	vm7 =	vgt.f32 v29, v42  }
0x17e: {  	v46 =	vmax.f32 v42, v29;
	v22 =	vmin.f32 v42, v29;
	vm8 =	vgt.f32 v40, v36  }
0x17f: {  	v28 =	vmin.f32 v36, v40;
	vm11 =	vgt.f32 v10, v9;
	v45 =	vsel vm6, v12, v39  }
0x180: {  	v12 =	vsel vm6, v39, v12;
	v63 =	vsel vm7, v17, v43;
	v11 =	vsel vm7, v43, v17  }
0x181: {  	v17 =	vmax.f32 v36, v40;
	v33 =	vsel vm8, v41, v37;
	v27 =	vsel vm8, v37, v41  }
0x182: {  	vm9 =	vgt.f32 v46, v44;
	v36 =	vmax.f32 v44, v46;
	v23 =	vmin.f32 v44, v46  }
0x183: {  	vm10 =	vgt.f32 v22, v24;
	v38 =	vmax.f32 v24, v22;
	v22 =	vmin.f32 v24, v22  }
0x184: {  	v40 =	vmax.f32 v9, v10;
	v9 =	vmin.f32 v9, v10;
	v41 =	vsel vm11, v30, v26  }
0x185: {  	v26 =	vsel vm11, v26, v30;
	v37 =	vsel vm9, v63, v45;
	v25 =	vsel vm9, v45, v63  }
0x186: {  	v39 =	vsel vm10, v11, v12;
	v11 =	vsel vm10, v12, v11;
	vm12 =	vgt.f32 v28, v38  }
0x187: {  	v42 =	vmax.f32 v38, v28;
	v28 =	vmin.f32 v38, v28;
	vm13 =	vgt.f32 v23, v40  }
0x188: {  	v44 =	vmax.f32 v40, v23;
	v12 =	vmin.f32 v40, v23;
	vm5 =	vgt.f32 v9, v1  }
0x189: {  	v43 =	vsel vm12, v27, v39;
	v24 =	vsel vm12, v39, v27;
	v45 =	vsel vm13, v25, v41  }
0x18a: {  	v10 =	vsel vm13, v41, v25;
	vm14 =	vgt.f32 v42, v36;
	v46 =	vmax.f32 v36, v42  }
0x18b: {  	v30 =	vmin.f32 v36, v42;
	vm15 =	vgt.f32 v28, v44;
	v36 =	vmax.f32 v44, v28  }
0x18c: {  	v27 =	vmin.f32 v44, v28;
	vm4 =	vgt.f32 v22, v12;
	v38 =	vmax.f32 v12, v22  }
0x18d: {  	v12 =	vmin.f32 v12, v22;
	v1 =	vsel vm5, v9, v1;
	v5 =	vsel vm5, v26, v5  }
0x18e: {  	vm12 =	vgt.f32 v17, v18;
	v63 =	vsel vm14, v43, v37;
	v29 =	vsel vm14, v37, v43  }
0x18f: {  	v37 =	vsel vm15, v24, v45;
	v23 =	vsel vm15, v45, v24;
	v39 =	vsel vm4, v11, v10  }
0x190: {  	v10 =	vsel vm4, v10, v11;
	vm6 =	vgt.f32 v12, v2;
	vm7 =	vgt.f32 v38, v6  }
0x191: {  	vm8 =	vgt.f32 v27, v4;
	vm9 =	vgt.f32 v36, v15;
	vm10 =	vgt.f32 v30, v13  }
0x192: {  	vm11 =	vgt.f32 v46, v20;
	v7 =	vsel vm12, v33, v7;
	v2 =	vsel vm6, v12, v2  }
0x193: {  	v3 =	vsel vm6, v10, v3;
	v6 =	vsel vm7, v38, v6;
	v40 =	vsel vm7, v39, v14  }
0x194: {  	v4 =	vsel vm8, v27, v4;
	v8 =	vsel vm8, v23, v8;
	v41 =	vsel vm9, v36, v15  }
0x195: {  	v42 =	vsel vm9, v37, v16;
	v43 =	vsel vm10, v30, v13;
	v44 =	vsel vm10, v29, v19  }
0x196: {  	v45 =	vsel vm11, v46, v20;
	v46 =	vsel vm11, v63, v21;
	v63 =	vsel vm12, v17, v18  }
0x197: {  	vm13 =	vgt.f32 v41, v1;
	v20 =	vmax.f32 v1, v41;
	v1 =	vmin.f32 v1, v41  }
0x198: {  	vm14 =	vgt.f32 v43, v2;
	v22 =	vmax.f32 v2, v43;
	v2 =	vmin.f32 v2, v43  }
0x199: {  	vm15 =	vgt.f32 v45, v6;
	v24 =	vmax.f32 v6, v45;
	v6 =	vmin.f32 v6, v45  }
0x19a: {  	vm4 =	vgt.f32 v63, v4;
	v26 =	vmax.f32 v4, v63;
	v4 =	vmin.f32 v4, v63  }
0x19b: {  	v21 =	vsel vm13, v42, v5;
	v5 =	vsel vm13, v5, v42;
	v23 =	vsel vm14, v44, v3  }
0x19c: {  	v3 =	vsel vm14, v3, v44;
	v25 =	vsel vm15, v46, v40;
	v9 =	vsel vm15, v40, v46  }
0x19d: {  	v27 =	vsel vm4, v7, v8;
	v7 =	vsel vm4, v8, v7;
	vm5 =	vgt.f32 v24, v20  }
0x19e: {  	v28 =	vmax.f32 v20, v24;
	v13 =	vmin.f32 v20, v24;
	vm6 =	vgt.f32 v26, v22  }
0x19f: {  	v30 =	vmax.f32 v22, v26;
	v11 =	vmin.f32 v22, v26;
	vm7 =	vgt.f32 v6, v1  }
0x1a0: {  	v32 =	vmax.f32 v1, v6;
	v6 =	vmin.f32 v1, v6;
	vm8 =	vgt.f32 v4, v2  }
0x1a1: {  	v35 =	vmax.f32 v2, v4;
	v37 =	vmin.f32 v2, v4;
	v29 =	vsel vm5, v25, v21  }
0x1a2: {  	v14 =	vsel vm5, v21, v25;
	v31 =	vsel vm6, v27, v23;
	v12 =	vsel vm6, v23, v27  }
0x1a3: {  	s7 =	sor.u32 $0x7000, s28;
	v33 =	vsel vm7, v9, v5;
	v34 =	vsel vm7, v5, v9;
	v38 =	vsel vm8, v7, v3  }
0x1a4: {  	s6 =	sor.u32 $0x7100, s28;
	s2 =	sor.u32 s14, s7;
	v39 =	vsel vm8, v3, v7;
	vm9 =	vgt.f32 v30, v28;
	v9 =	vmax.f32 v28, v30  }
0x1a5: {  	s8 =	sor.u32 $0x7080, s28;
	s4 =	sor.u32 s14, s6;
	v36 =	vld [tilespmem:s2+$0x0];
	v8 =	vmin.f32 v28, v30;
	vm10 =	vgt.f32 v11, v13;
	v17 =	vmax.f32 v13, v11  }
0x1a6: {  	s3 =	sor.u32 s14, s8;
	s5 =	sor.u32 $0x7180, s28;
	v41 =	vld [tilespmem:s4+$0x0];
	v11 =	vmin.f32 v13, v11;
	vm11 =	vgt.f32 v35, v32;
	v16 =	vmin.f32 v32, v35  }
0x1a7: {  	s20 =	sor.u32 s14, s5;
	v40 =	vld [tilespmem:s3+$0x0];
	vm12 =	vgt.f32 v37, v6;
	v25 =	vmax.f32 v6, v37;
	v21 =	vmin.f32 v6, v37  }
0x1a8: {  	v42 =	vld [tilespmem:s20+$0x0];
	v10 =	vsel vm9, v31, v29;
	v1 =	vsel vm9, v29, v31;
	v2 =	vsel vm10, v12, v14  }
0x1a9: {  	v3 =	vsel vm10, v14, v12;
	v12 =	vmax.f32 v32, v35;
	v5 =	vsel vm11, v38, v33  }
0x1aa: {  	s4 =	sor.u32 $0x7200, s28;
	v4 =	vsel vm11, v33, v38;
	v7 =	vsel vm12, v39, v34;
	v6 =	vsel vm12, v34, v39  }
0x1ab: {  	s2 =	sor.u32 s14, s4;
	s3 =	sor.u32 $0x7280, s28;
	v35 =	vimm.s32 $0x38;
	v38 =	vimm.s32 $0x3A;
	v39 =	vimm.s32 $0x3B  }
0x1ac: {  	v43 =	vld [tilespmem:s2+$0x0];
	s20 =	sor.u32 s14, s3;
	vm13 =	vgt.f32 v40, v36;
	v63 =	vmax.f32 v36, v40;
	v20 =	vmin.f32 v36, v40  }
0x1ad: {  	s2 =	sor.u32 $0x7300, s28;
	v44 =	vld [tilespmem:s20+$0x0];
	v36 =	vimm.s32 $0x39;
	vm14 =	vgt.f32 v42, v41;
	v37 =	vmax.f32 v41, v42  }
0x1ae: {  	s1 =	sor.u32 $0x7380, s28;
	s20 =	sor.u32 s14, s2;
	v15 =	vmin.f32 v41, v42;
	v41 =	vimm.s32 $0x3C;
	v42 =	vimm.s32 $0x3D  }
0x1af: {  	v45 =	vld [tilespmem:s20+$0x0];
	s20 =	sor.u32 s14, s1;
	v22 =	vsel vm13, $0x39, v35;
	v23 =	vsel vm13, $0x38, v36;
	v24 =	vsel vm14, $0x3B, v38  }
0x1b0: {  	v46 =	vld [tilespmem:s20+$0x0];
	v28 =	vsel vm14, $0x3A, v39;
	vm5 =	vgt.f32 v37, v63;
	v19 =	vmin.f32 v63, v37  }
0x1b1: {  	vm6 =	vgt.f32 v15, v20;
	v36 =	vmax.f32 v20, v15;
	v15 =	vmin.f32 v20, v15  }
0x1b2: {  	vm15 =	vgt.f32 v44, v43;
	v40 =	vmax.f32 v43, v44;
	v13 =	vmin.f32 v43, v44  }
0x1b3: {  	v44 =	vimm.s32 $0x3E;
	vm9 =	vgt.f32 v19, v36;
	v14 =	vsel vm15, $0x3D, v41  }
0x1b4: {  	v30 =	vsel vm15, $0x3C, v42;
	v42 =	vmax.f32 v36, v19;
	v19 =	vmin.f32 v36, v19  }
0x1b5: {  	vm4 =	vgt.f32 v46, v45;
	v43 =	vmax.f32 v45, v46;
	v18 =	vmin.f32 v45, v46  }
0x1b6: {  	v45 =	vimm.s32 $0x3F;
	v46 =	vmax.f32 v63, v37;
	v63 =	vsel vm5, v24, v22  }
0x1b7: {  	v22 =	vsel vm5, v22, v24;
	v37 =	vsel vm6, v28, v23;
	v23 =	vsel vm6, v23, v28  }
0x1b8: {  	v26 =	vsel vm4, $0x3F, v44;
	v32 =	vsel vm4, $0x3E, v45;
	vm7 =	vgt.f32 v43, v40  }
0x1b9: {  	v38 =	vmax.f32 v40, v43;
	v29 =	vmin.f32 v40, v43;
	vm8 =	vgt.f32 v18, v13  }
0x1ba: {  	v40 =	vmax.f32 v13, v18;
	v13 =	vmin.f32 v13, v18;
	v43 =	vsel vm9, v22, v37  }
0x1bb: {  	v20 =	vsel vm9, v37, v22;
	v39 =	vsel vm7, v26, v14;
	v14 =	vsel vm7, v14, v26  }
0x1bc: {  	v41 =	vsel vm8, v32, v30;
	v30 =	vsel vm8, v30, v32;
	vm10 =	vgt.f32 v29, v40  }
0x1bd: {  	v44 =	vmax.f32 v40, v29;
	v26 =	vmin.f32 v40, v29;
	vm11 =	vgt.f32 v38, v46  }
0x1be: {  	v18 =	vmax.f32 v46, v38;
	v28 =	vmin.f32 v46, v38;
	vm14 =	vgt.f32 v13, v15  }
0x1bf: {  	v37 =	vmax.f32 v15, v13;
	v13 =	vmin.f32 v15, v13;
	v45 =	vsel vm10, v14, v41  }
0x1c0: {  	v14 =	vsel vm10, v41, v14;
	v33 =	vsel vm11, v39, v63;
	v27 =	vsel vm11, v63, v39  }
0x1c1: {  	vm12 =	vgt.f32 v44, v42;
	v46 =	vmax.f32 v42, v44;
	v22 =	vmin.f32 v42, v44  }
0x1c2: {  	vm13 =	vgt.f32 v26, v19;
	v35 =	vmax.f32 v19, v26;
	v19 =	vmin.f32 v19, v26  }
0x1c3: {  	v38 =	vsel vm14, v30, v23;
	v23 =	vsel vm14, v23, v30;
	vm8 =	vgt.f32 v13, v9  }
0x1c4: {  	vm3 =	vgt.f32 v18, v21;
	v63 =	vsel vm12, v45, v43;
	v24 =	vsel vm12, v43, v45  }
0x1c5: {  	v36 =	vsel vm13, v14, v20;
	v14 =	vsel vm13, v20, v14;
	vm15 =	vgt.f32 v28, v35  }
0x1c6: {  	v39 =	vmax.f32 v35, v28;
	v28 =	vmin.f32 v35, v28;
	vm4 =	vgt.f32 v22, v37  }
0x1c7: {  	v41 =	vmax.f32 v37, v22;
	v20 =	vmin.f32 v37, v22;
	v9 =	vsel vm8, v13, v9  }
0x1c8: {  	v10 =	vsel vm8, v23, v10;
	v40 =	vsel vm15, v27, v36;
	v26 =	vsel vm15, v36, v27  }
0x1c9: {  	v42 =	vsel vm4, v24, v38;
	v15 =	vsel vm4, v38, v24;
	vm5 =	vgt.f32 v39, v46  }
0x1ca: {  	v43 =	vmax.f32 v46, v39;
	v30 =	vmin.f32 v46, v39;
	vm6 =	vgt.f32 v28, v41  }
0x1cb: {  	v44 =	vmax.f32 v41, v28;
	v27 =	vmin.f32 v41, v28;
	vm7 =	vgt.f32 v19, v20  }
0x1cc: {  	v45 =	vmax.f32 v20, v19;
	v19 =	vmin.f32 v20, v19;
	v31 =	vsel vm5, v40, v63  }
0x1cd: {  	v29 =	vsel vm5, v63, v40;
	v28 =	vsel vm6, v26, v42;
	v22 =	vsel vm6, v42, v26  }
0x1ce: {  	v20 =	vsel vm7, v14, v15;
	v14 =	vsel vm7, v15, v14;
	vm2 =	vgt.f32 v19, v8  }
0x1cf: {  	vm4 =	vgt.f32 v45, v17;
	vm9 =	vgt.f32 v27, v11;
	vm10 =	vgt.f32 v44, v12  }
0x1d0: {  	vm5 =	vgt.f32 v30, v16;
	vm6 =	vgt.f32 v43, v25;
	v8 =	vsel vm2, v19, v8  }
0x1d1: {  	v13 =	vsel vm4, v45, v17;
	v11 =	vsel vm9, v27, v11;
	v12 =	vsel vm10, v44, v12  }
0x1d2: {  	v15 =	vsel vm5, v30, v16;
	v16 =	vsel vm6, v43, v25;
	v17 =	vsel vm3, v18, v21  }
0x1d3: {  	v1 =	vsel vm2, v14, v1;
	v2 =	vsel vm4, v20, v2;
	v3 =	vsel vm9, v22, v3  }
0x1d4: {  	v5 =	vsel vm10, v28, v5;
	v4 =	vsel vm5, v29, v4;
	v7 =	vsel vm6, v31, v7  }
0x1d5: {  	v22 =	vsel vm3, v33, v6;
	v18 =	vmax.f32 v9, v12;
	v19 =	vmin.f32 v9, v12  }
0x1d6: {  	v21 =	vmax.f32 v8, v15;
	v23 =	vmin.f32 v8, v15;
	v24 =	vmax.f32 v13, v16  }
0x1d7: {  	v25 =	vmin.f32 v13, v16;
	v26 =	vmax.f32 v11, v17;
	v27 =	vmin.f32 v11, v17  }
0x1d8: {  	vm11 =	vgt.f32 v12, v9;
	vm12 =	vgt.f32 v15, v8;
	vm13 =	vgt.f32 v16, v13  }
0x1d9: {  	vm14 =	vgt.f32 v17, v11;
	v30 =	vmax.f32 v18, v24;
	v32 =	vmin.f32 v18, v24  }
0x1da: {  	v34 =	vmax.f32 v21, v26;
	v35 =	vmin.f32 v21, v26;
	v36 =	vmax.f32 v19, v25  }
0x1db: {  	v37 =	vmin.f32 v19, v25;
	v38 =	vmax.f32 v23, v27;
	v39 =	vmin.f32 v23, v27  }
0x1dc: {  	v28 =	vsel vm11, v5, v10;
	v29 =	vsel vm12, v4, v1;
	v31 =	vsel vm12, v1, v4  }
0x1dd: {  	v1 =	vsel vm13, v7, v2;
	v2 =	vsel vm13, v2, v7;
	v33 =	vsel vm14, v22, v3  }
0x1de: {  	v11 =	vsel vm14, v3, v22;
	v63 =	vmax.f32 v30, v34;
	v46 =	vmin.f32 v30, v34  }
0x1df: {  	v41 =	vmax.f32 v32, v35;
	v42 =	vmin.f32 v32, v35;
	v40 =	vsub.f32 v46, v63  }
0x1e0: {  	v43 =	vmax.f32 v36, v38;
	v44 =	vmin.f32 v36, v38;
	v41 =	vsub.f32 v41, v63  }
0x1e1: {  	v45 =	vmax.f32 v37, v39;
	v42 =	vsub.f32 v42, v63;
	v40 =	vmul.f32 $1.442695020e+00, v40  }
0x1e2: {  	v46 =	vmin.f32 v37, v39;
	v43 =	vsub.f32 v43, v63;
	v41 =	vmul.f32 $1.442695020e+00, v41  }
0x1e3: {  	(erf) = vpow2.f32 v40;
	v40 =	vmul.f32 $1.442695020e+00, v42;
	v42 =	vsub.f32 v44, v63  }
0x1e4: {  	s20 =	sor.u32 $0x10, s14;
	(erf) = vpow2.f32 v41;
	v41 =	vmul.f32 $1.442695020e+00, v43;
	v43 =	vsub.f32 v45, v63  }
0x1e5: {  	s28 =	sor.u32 s28, s20;
	v45 =	vsub.f32 v46, v63;
	(erf) = vpow2.f32 v40;
	v40 =	vmul.f32 $1.442695020e+00, v42  }
0x1e6: {  	vm8 =	vgt.f32 v35, v32;
	v35 =	vld [tilespmem:s28+$0x180];
	(erf) = vpow2.f32 v41;
	v46 =	vmul.f32 $1.442695020e+00, v43  }
0x1e7: {  	vm9 =	vgt.f32 v38, v36;
	v36 =	vld [tilespmem:s28+$0x200];
	v63 =	vmul.f32 $1.442695020e+00, v45;
	(erf) = vpow2.f32 v40  }
0x1e8: {  	vm15 =	vgt.f32 v24, v18;
	vm4 =	vgt.f32 v26, v21;
	v38 =	vld [tilespmem:s28+$0x280];
	(erf) = vpow2.f32 v46  }
0x1e9: {  	v7 =	vsel vm4, v29, v33;
	v42 =	vsel vm4, v33, v29;
	v33 =	vld [tilespmem:s28+$0x100];
	(erf) = vpow2.f32 v63  }
0x1ea: {  	vm6 =	vgt.f32 v27, v23;
	v8 =	vsel vm15, v28, v1;
	v41 =	vsel vm15, v1, v28;
	v28 =	vld [tilespmem:s28+$0x0]  }
0x1eb: {  	v45 =	vsel vm6, v11, v31;
	v46 =	vsel vm6, v31, v11;
	v31 =	vld [tilespmem:s28+$0x80]  }
0x1ec: {  	v63 =	vpop (erf)  }
0x1ed: {  	s0 =	sadd.s32 $0x10, s0;
	v5 =	vsel vm11, v10, v5;
	vm5 =	vgt.f32 v25, v19;
	vm7 =	vgt.f32 v34, v30;
	v40 =	vpop (erf)  }
0x1ee: {  	s14 =	sor.u32 $0x300, s0;
	vm10 =	vgt.f32 v39, v37;
	v44 =	vsel vm5, v2, v5;
	v5 =	vsel vm5, v5, v2;
	v14 =	vpop (erf)  }
0x1ef: {  	s0 =	sor.u32 $0x380, s0;
	v39 =	vld [tilespmem:s14+$0x0];
	vm14 =	vgt.f32 v38, v36;
	v17 =	vmin.f32 v36, v38;
	vm13 =	vgt.f32 v35, v33;
	v43 =	vpop (erf)  }
0x1f0: {  	v26 =	vadd.f32 $1.000000000e+00, v63;
	vm11 =	vgt.f32 v31, v28;
	[tilespmem:$0x1FF20] =	vst v40;
	v27 =	vadd.f32 v14, v40;
	v40 =	vld [tilespmem:s0+$0x0];
	v3 =	vpop (erf)  }
0x1f1: {  	v15 =	vmin.f32 v33, v35;
	v19 =	vmin.f32 v28, v31;
	vm12 =	vmneg vm11;
	v1 =	vpop (erf)  }
0x1f2: {  	vm5 =	vgt.f32 v15, v19;
	[tilespmem:$0x1FF50] =	vst v43;
	v29 =	vadd.f32 v3, v43;
	v34 =	vadd.f32 v27, v26;
	v2 =	vpop (erf)  }
0x1f3: {  	v43 =	vsel vm12, $0x1, v0;
	[tilespmem:$0x1FFB0] =	vst v1;
	v30 =	vadd.f32 v2, v1;
	v1 =	vsel vm7, v42, v41  }
0x1f4: {  	[tilespmem:$0x1FF10] =	vst v1;
	v1 =	vsel vm7, v41, v42;
	v41 =	vmax.f32 v28, v31;
	v42 =	vsel vm11, $0x1, v0  }
0x1f5: {  	vm15 =	vgt.f32 v40, v39;
	v16 =	vmin.f32 v39, v40;
	v0 =	vimm.s32 $0x12  }
0x1f6: {  	[tilespmem:$0x1FF30] =	vst v1;
	v20 =	vadd.f32 v30, v29;
	v1 =	vsel vm8, v7, v8;
	v51 =	vsel vm15, $0x7, v51  }
0x1f7: {  	v4 =	vsel vm15, $0x6, v52;
	vm7 =	vgt.f32 v16, v17;
	v11 =	vmax.f32 v17, v16  }
0x1f8: {  	v16 =	vmin.f32 v17, v16;
	[tilespmem:$0x1FF40] =	vst v1;
	v1 =	vsel vm8, v8, v7;
	v7 =	vmax.f32 v19, v15  }
0x1f9: {  	v15 =	vmin.f32 v19, v15;
	[tilespmem:$0x1FF60] =	vst v1;
	v1 =	vsel vm9, v45, v44;
	v37 =	vadd.f32 v20, v34  }
0x1fa: {  	[tilespmem:$0x1FFA0] =	vst v1;
	v1 =	vsel vm9, v44, v45;
	v44 =	vmax.f32 v33, v35;
	v45 =	vsel vm13, $0x3, v47  }
0x1fb: {  	v47 =	vmax.f32 v36, v38;
	[tilespmem:$0x1FFD0] =	vst v1;
	v1 =	vsel vm10, v46, v5;
	(erf) = vrcp.f32 v37  }
0x1fc: {  	vm4 =	vgt.f32 v44, v41;
	v20 =	vmin.f32 v41, v44;
	[tilespmem:$0x1FFE0] =	vst v1;
	v1 =	vsel vm10, v5, v46  }
0x1fd: {  	v46 =	vsel vm13, $0x2, v48;
	v48 =	vsel vm14, $0x5, v49;
	v49 =	vsel vm14, $0x4, v50  }
0x1fe: {  	v50 =	vmax.f32 v39, v40;
	v5 =	vmax.f32 v41, v44;
	v6 =	vsel vm4, v45, v42  }
0x1ff: {  	v21 =	vsel vm4, v42, v45;
	vm8 =	vgt.f32 v20, v7;
	v13 =	vmax.f32 v7, v20  }
0x200: {  	v20 =	vmin.f32 v7, v20;
	vm13 =	vgt.f32 v16, v15;
	v44 =	vmax.f32 v15, v16  }
0x201: {  	v15 =	vmin.f32 v15, v16;
	v8 =	vsel vm5, v46, v43;
	v22 =	vsel vm5, v43, v46  }
0x202: {  	vm6 =	vgt.f32 v50, v47;
	v9 =	vmax.f32 v47, v50;
	v27 =	vmin.f32 v47, v50  }
0x203: {  	v12 =	vsel vm7, v4, v49;
	v28 =	vsel vm7, v49, v4;
	v10 =	vsel vm6, v51, v48  }
0x204: {  	v18 =	vsel vm6, v48, v51;
	v36 =	vsel vm8, v21, v8;
	v19 =	vsel vm8, v8, v21  }
0x205: {  	vm9 =	vgt.f32 v27, v11;
	v37 =	vmax.f32 v11, v27;
	v24 =	vmin.f32 v11, v27  }
0x206: {  	vm10 =	vgt.f32 v9, v5;
	v17 =	vmax.f32 v5, v9;
	v26 =	vmin.f32 v5, v9  }
0x207: {  	v45 =	vsel vm13, v28, v22;
	v16 =	vsel vm13, v22, v28;
	v38 =	vsel vm9, v18, v12  }
0x208: {  	v39 =	vsel vm9, v12, v18;
	v18 =	vsel vm10, v10, v6;
	v25 =	vsel vm10, v6, v10  }
0x209: {  	vm11 =	vgt.f32 v37, v13;
	v40 =	vmax.f32 v13, v37;
	v21 =	vmin.f32 v13, v37  }
0x20a: {  	s30 =	sor.u32 s20, s30;
	vm12 =	vgt.f32 v24, v20;
	v42 =	vmax.f32 v20, v24;
	v20 =	vmin.f32 v20, v24  }
0x20b: {  	v48 =	vld [tilespmem:s30+$0x0];
	s30 =	rddreg [dreg:$0xc];
	v41 =	vsel vm11, v38, v36;
	v23 =	vsel vm11, v36, v38;
	v43 =	vsel vm12, v39, v19  }
0x20c: {  	s30 =	sor.u32 s20, s30;
	v19 =	vsel vm12, v19, v39;
	vm14 =	vgt.f32 v26, v42;
	v46 =	vmax.f32 v42, v26  }
0x20d: {  	v26 =	vmin.f32 v42, v26;
	vm15 =	vgt.f32 v21, v44;
	v49 =	vmax.f32 v44, v21;
	v50 =	vld [tilespmem:s30+$0x0];
	s30 =	rddreg [dreg:$0xd]  }
0x20e: {  	v21 =	vmin.f32 v44, v21;
	v47 =	vsel vm14, v25, v43;
	v24 =	vsel vm14, v43, v25;
	s30 =	sor.u32 s20, s30  }
0x20f: {  	v51 =	vsel vm15, v23, v45;
	v23 =	vsel vm15, v45, v23;
	vm4 =	vgt.f32 v46, v40;
	v52 =	vld [tilespmem:s30+$0x0];
	s30 =	rddreg [dreg:$0xe]  }
0x210: {  	v34 =	vmax.f32 v40, v46;
	v22 =	vmin.f32 v40, v46;
	vm5 =	vgt.f32 v26, v49;
	s30 =	sor.u32 s20, s30  }
0x211: {  	v36 =	vmax.f32 v49, v26;
	v25 =	vmin.f32 v49, v26;
	vm6 =	vgt.f32 v20, v21;
	v4 =	vld [tilespmem:s30+$0x0];
	s30 =	rddreg [dreg:$0xf]  }
0x212: {  	v31 =	vmax.f32 v21, v20;
	v20 =	vmin.f32 v21, v20;
	v35 =	vsel vm4, v47, v41;
	s30 =	sor.u32 s20, s30  }
0x213: {  	v27 =	vsel vm4, v41, v47;
	v26 =	vsel vm5, v24, v51;
	v24 =	vsel vm5, v51, v24;
	v5 =	vld [tilespmem:s30+$0x0];
	s30 =	rddreg [dreg:$0x10]  }
0x214: {  	v21 =	vsel vm6, v19, v23;
	v19 =	vsel vm6, v23, v19;
	vm7 =	vgt.f32 v50, v48;
	s30 =	sor.u32 s20, s30  }
0x215: {  	v9 =	vmax.f32 v48, v50;
	v28 =	vmin.f32 v48, v50;
	v10 =	vsel vm7, $0x9, v53;
	v6 =	vld [tilespmem:s30+$0x0];
	s30 =	rddreg [dreg:$0x11]  }
0x216: {  	v11 =	vsel vm7, $0x8, v54;
	s30 =	sor.u32 s20, s30;
	vm8 =	vgt.f32 v4, v52;
	v12 =	vmax.f32 v52, v4  }
0x217: {  	v29 =	vmin.f32 v52, v4;
	v7 =	vld [tilespmem:s30+$0x0];
	s30 =	rddreg [dreg:$0x12];
	v13 =	vsel vm8, $0xB, v55;
	v48 =	vsel vm8, $0xA, v56  }
0x218: {  	vm11 =	vgt.f32 v12, v9;
	v55 =	vmax.f32 v9, v12;
	v39 =	vmin.f32 v9, v12;
	s30 =	sor.u32 s20, s30  }
0x219: {  	vm12 =	vgt.f32 v29, v28;
	v56 =	vsel vm11, v13, v10;
	v32 =	vsel vm11, v10, v13;
	v8 =	vld [tilespmem:s30+$0x0]  }
0x21a: {  	v40 =	vsel vm12, v11, v48;
	vm9 =	vgt.f32 v6, v5;
	v49 =	vmax.f32 v5, v6  }
0x21b: {  	v30 =	vmin.f32 v5, v6;
	v50 =	vsel vm9, $0xD, v57;
	v51 =	vsel vm9, $0xC, v58  }
0x21c: {  	v57 =	vmax.f32 v28, v29;
	v28 =	vmin.f32 v28, v29;
	v58 =	vsel vm12, v48, v11  }
0x21d: {  	vm15 =	vgt.f32 v39, v57;
	v6 =	vmax.f32 v57, v39;
	v33 =	vmin.f32 v57, v39  }
0x21e: {  	v29 =	vsel vm15, v58, v32;
	vm10 =	vgt.f32 v8, v7;
	v52 =	vmax.f32 v7, v8  }
0x21f: {  	v23 =	vmin.f32 v7, v8;
	v7 =	vsel vm15, v32, v58;
	v53 =	vsel vm10, $0xF, v59  }
0x220: {  	v54 =	vsel vm10, $0xE, v60;
	vm13 =	vgt.f32 v52, v49;
	v59 =	vmax.f32 v49, v52  }
0x221: {  	v43 =	vmin.f32 v49, v52;
	vm14 =	vgt.f32 v23, v30;
	v4 =	vmax.f32 v30, v23  }
0x222: {  	v23 =	vmin.f32 v30, v23;
	v60 =	vsel vm13, v53, v50;
	v37 =	vsel vm13, v50, v53  }
0x223: {  	v5 =	vsel vm14, v54, v51;
	v44 =	vsel vm14, v51, v54;
	vm4 =	vgt.f32 v43, v4  }
0x224: {  	v8 =	vmax.f32 v4, v43;
	v38 =	vmin.f32 v4, v43;
	vm5 =	vgt.f32 v59, v55  }
0x225: {  	v10 =	vmax.f32 v55, v59;
	v42 =	vmin.f32 v55, v59;
	vm8 =	vgt.f32 v23, v28  }
0x226: {  	v50 =	vmax.f32 v28, v23;
	v23 =	vmin.f32 v28, v23;
	v9 =	vsel vm4, v37, v5  }
0x227: {  	v30 =	vsel vm4, v5, v37;
	v11 =	vsel vm5, v60, v56;
	v41 =	vsel vm5, v56, v60  }
0x228: {  	vm6 =	vgt.f32 v8, v6;
	v12 =	vmax.f32 v6, v8;
	v32 =	vmin.f32 v6, v8  }
0x229: {  	vm7 =	vgt.f32 v38, v33;
	v48 =	vmax.f32 v33, v38;
	v33 =	vmin.f32 v33, v38  }
0x22a: {  	v51 =	vsel vm8, v44, v40;
	v40 =	vsel vm8, v40, v44;
	vm14 =	vgt.f32 v23, v17  }
0x22b: {  	v13 =	vsel vm6, v9, v7;
	v39 =	vsel vm6, v7, v9;
	v49 =	vsel vm7, v30, v29  }
0x22c: {  	v29 =	vsel vm7, v29, v30;
	vm9 =	vgt.f32 v42, v48;
	v52 =	vmax.f32 v48, v42  }
0x22d: {  	v42 =	vmin.f32 v48, v42;
	vm10 =	vgt.f32 v32, v50;
	v54 =	vmax.f32 v50, v32  }
0x22e: {  	v30 =	vmin.f32 v50, v32;
	v17 =	vsel vm14, v23, v17;
	v18 =	vsel vm14, v40, v18  }
0x22f: {  	v53 =	vsel vm9, v41, v49;
	v38 =	vsel vm9, v49, v41;
	v55 =	vsel vm10, v39, v51  }
0x230: {  	v28 =	vsel vm10, v51, v39;
	vm11 =	vgt.f32 v52, v12;
	v56 =	vmax.f32 v12, v52  }
0x231: {  	v44 =	vmin.f32 v12, v52;
	vm12 =	vgt.f32 v42, v54;
	v58 =	vmax.f32 v54, v42  }
0x232: {  	v41 =	vmin.f32 v54, v42;
	vm13 =	vgt.f32 v33, v30;
	v60 =	vmax.f32 v30, v33  }
0x233: {  	v30 =	vmin.f32 v30, v33;
	vm9 =	vgt.f32 v10, v15;
	v57 =	vsel vm11, v53, v13  }
0x234: {  	v43 =	vsel vm11, v13, v53;
	v59 =	vsel vm12, v38, v55;
	v32 =	vsel vm12, v55, v38  }
0x235: {  	v4 =	vsel vm13, v29, v28;
	v28 =	vsel vm13, v28, v29;
	vm15 =	vgt.f32 v30, v34  }
0x236: {  	vm4 =	vgt.f32 v60, v22;
	vm5 =	vgt.f32 v41, v36;
	vm6 =	vgt.f32 v58, v25  }
0x237: {  	vm7 =	vgt.f32 v44, v31;
	vm8 =	vgt.f32 v56, v20;
	v15 =	vsel vm9, v10, v15  }
0x238: {  	v16 =	vsel vm9, v11, v16;
	v5 =	vsel vm15, v30, v34;
	v28 =	vsel vm15, v28, v35  }
0x239: {  	v22 =	vsel vm4, v60, v22;
	v27 =	vsel vm4, v4, v27;
	v6 =	vsel vm5, v41, v36  }
0x23a: {  	v26 =	vsel vm5, v32, v26;
	v25 =	vsel vm6, v58, v25;
	v24 =	vsel vm6, v59, v24  }
0x23b: {  	v7 =	vsel vm7, v44, v31;
	v21 =	vsel vm7, v43, v21;
	v20 =	vsel vm8, v56, v20  }
0x23c: {  	v19 =	vsel vm8, v57, v19;
	vm10 =	vgt.f32 v25, v17;
	v8 =	vmax.f32 v17, v25  }
0x23d: {  	v17 =	vmin.f32 v17, v25;
	vm11 =	vgt.f32 v7, v5;
	v10 =	vmax.f32 v5, v7  }
0x23e: {  	v23 =	vmin.f32 v5, v7;
	vm12 =	vgt.f32 v20, v22;
	v33 =	vmax.f32 v22, v20  }
0x23f: {  	v20 =	vmin.f32 v22, v20;
	vm13 =	vgt.f32 v15, v6;
	v35 =	vmax.f32 v6, v15  }
0x240: {  	v15 =	vmin.f32 v6, v15;
	v9 =	vsel vm10, v24, v18;
	v18 =	vsel vm10, v18, v24  }
0x241: {  	v11 =	vsel vm11, v21, v28;
	v21 =	vsel vm11, v28, v21;
	v34 =	vsel vm12, v19, v27  }
0x242: {  	v19 =	vsel vm12, v27, v19;
	v36 =	vsel vm13, v16, v26;
	v16 =	vsel vm13, v26, v16  }
0x243: {  	vm14 =	vgt.f32 v33, v8;
	v37 =	vmax.f32 v8, v33;
	v28 =	vmin.f32 v8, v33  }
0x244: {  	vm15 =	vgt.f32 v35, v10;
	v39 =	vmax.f32 v10, v35;
	v24 =	vmin.f32 v10, v35  }
0x245: {  	s30 =	rddreg [dreg:$0x13];
	vm4 =	vgt.f32 v20, v17;
	v41 =	vmax.f32 v17, v20;
	v17 =	vmin.f32 v17, v20  }
0x246: {  	s30 =	sor.u32 s20, s30;
	vm5 =	vgt.f32 v15, v23;
	v43 =	vmax.f32 v23, v15;
	v23 =	vmin.f32 v23, v15  }
0x247: {  	v44 =	vld [tilespmem:s30+$0x0];
	s30 =	rddreg [dreg:$0x14];
	v38 =	vsel vm14, v34, v9;
	v22 =	vsel vm14, v9, v34;
	v40 =	vsel vm15, v36, v11  }
0x248: {  	s30 =	sor.u32 s20, s30;
	v29 =	vsel vm15, v11, v36;
	v42 =	vsel vm4, v19, v18;
	v18 =	vsel vm4, v18, v19  }
0x249: {  	v46 =	vld [tilespmem:s30+$0x0];
	s30 =	rddreg [dreg:$0x15];
	v45 =	vsel vm5, v16, v21;
	v16 =	vsel vm5, v21, v16;
	vm6 =	vgt.f32 v39, v37  }
0x24a: {  	v34 =	vmax.f32 v37, v39;
	v15 =	vmin.f32 v37, v39;
	s30 =	sor.u32 s20, s30;
	vm7 =	vgt.f32 v24, v28  }
0x24b: {  	v35 =	vmax.f32 v28, v24;
	v24 =	vmin.f32 v28, v24;
	vm8 =	vgt.f32 v43, v41;
	v47 =	vld [tilespmem:s30+$0x0];
	s30 =	rddreg [dreg:$0x16]  }
0x24c: {  	v19 =	vmin.f32 v41, v43;
	vm9 =	vgt.f32 v23, v17;
	v26 =	vsel vm6, v40, v38;
	s30 =	sor.u32 s20, s30  }
0x24d: {  	v27 =	vsel vm6, v38, v40;
	v28 =	vsel vm7, v29, v22;
	v22 =	vsel vm7, v22, v29;
	v48 =	vld [tilespmem:s30+$0x0]  }
0x24e: {  	v29 =	vmax.f32 v41, v43;
	v30 =	vsel vm8, v45, v42;
	v20 =	vsel vm8, v42, v45;
	s30 =	rddreg [dreg:$0x17]  }
0x24f: {  	v38 =	vmax.f32 v17, v23;
	v17 =	vmin.f32 v17, v23;
	v39 =	vsel vm9, v16, v18;
	s30 =	sor.u32 s20, s30  }
0x250: {  	v16 =	vsel vm9, v18, v16;
	vm10 =	vgt.f32 v46, v44;
	v53 =	vmax.f32 v44, v46;
	v49 =	vld [tilespmem:s30+$0x0];
	s30 =	rddreg [dreg:$0x18]  }
0x251: {  	v21 =	vmin.f32 v44, v46;
	v54 =	vsel vm10, $0x11, v61;
	v55 =	vsel vm10, $0x10, v62;
	s30 =	sor.u32 s20, s30  }
0x252: {  	v50 =	vld [tilespmem:s30+$0x0];
	s30 =	rddreg [dreg:$0x19];
	vm11 =	vgt.f32 v48, v47;
	v56 =	vmax.f32 v47, v48;
	v25 =	vmin.f32 v47, v48  }
0x253: {  	s30 =	sor.u32 s20, s30;
	v57 =	vsel vm11, $0x13, v0;
	v0 =	vimm.s32 $0x13;
	vm14 =	vgt.f32 v56, v53  }
0x254: {  	v51 =	vld [tilespmem:s30+$0x0];
	s30 =	rddreg [dreg:$0x1a];
	v6 =	vmax.f32 v53, v56;
	v18 =	vmin.f32 v53, v56;
	vm15 =	vgt.f32 v25, v21  }
0x255: {  	v8 =	vmax.f32 v21, v25;
	v21 =	vmin.f32 v21, v25;
	s30 =	sor.u32 s20, s30;
	v58 =	vsel vm11, $0x12, v0  }
0x256: {  	v0 =	vimm.s32 $0x14;
	v7 =	vsel vm14, v57, v54;
	v31 =	vsel vm14, v54, v57;
	v52 =	vld [tilespmem:s30+$0x0]  }
0x257: {  	vm6 =	vgt.f32 v18, v8;
	v48 =	vmax.f32 v8, v18;
	v18 =	vmin.f32 v8, v18  }
0x258: {  	v9 =	vsel vm15, v58, v55;
	v40 =	vsel vm15, v55, v58;
	vm12 =	vgt.f32 v50, v49  }
0x259: {  	v59 =	vmax.f32 v49, v50;
	v36 =	vmin.f32 v49, v50;
	v49 =	vsel vm6, v31, v9  }
0x25a: {  	v25 =	vsel vm6, v9, v31;
	v60 =	vsel vm12, $0x15, v0;
	v0 =	vimm.s32 $0x15  }
0x25b: {  	v61 =	vsel vm12, $0x14, v0;
	v0 =	vimm.s32 $0x16;
	vm13 =	vgt.f32 v52, v51  }
0x25c: {  	v62 =	vmax.f32 v51, v52;
	v23 =	vmin.f32 v51, v52;
	v4 =	vsel vm13, $0x17, v0  }
0x25d: {  	v0 =	vimm.s32 $0x17;
	vm4 =	vgt.f32 v62, v59;
	v10 =	vmax.f32 v59, v62  }
0x25e: {  	v43 =	vmin.f32 v59, v62;
	vm5 =	vgt.f32 v23, v36;
	v12 =	vmax.f32 v36, v23  }
0x25f: {  	v23 =	vmin.f32 v36, v23;
	v5 =	vsel vm13, $0x16, v0;
	v11 =	vsel vm4, v4, v60  }
0x260: {  	v33 =	vsel vm4, v60, v4;
	vm7 =	vgt.f32 v43, v12;
	v50 =	vmax.f32 v12, v43  }
0x261: {  	v37 =	vmin.f32 v12, v43;
	vm8 =	vgt.f32 v10, v6;
	v52 =	vmax.f32 v6, v10  }
0x262: {  	v42 =	vmin.f32 v6, v10;
	vm11 =	vgt.f32 v23, v21;
	v58 =	vmax.f32 v21, v23  }
0x263: {  	v21 =	vmin.f32 v21, v23;
	v0 =	vimm.s32 $0x18;
	v13 =	vsel vm5, v5, v61  }
0x264: {  	v44 =	vsel vm5, v61, v5;
	v53 =	vsel vm8, v11, v7;
	v41 =	vsel vm8, v7, v11  }
0x265: {  	vm9 =	vgt.f32 v50, v48;
	v54 =	vmax.f32 v48, v50;
	v31 =	vmin.f32 v48, v50  }
0x266: {  	vm10 =	vgt.f32 v37, v18;
	v56 =	vmax.f32 v18, v37;
	v18 =	vmin.f32 v18, v37  }
0x267: {  	vm5 =	vgt.f32 v21, v34;
	v51 =	vsel vm7, v33, v13;
	v33 =	vsel vm7, v13, v33  }
0x268: {  	v59 =	vsel vm11, v44, v40;
	v40 =	vsel vm11, v40, v44;
	vm12 =	vgt.f32 v42, v56  }
0x269: {  	v60 =	vmax.f32 v56, v42;
	v42 =	vmin.f32 v56, v42;
	vm13 =	vgt.f32 v31, v58  }
0x26a: {  	v62 =	vmax.f32 v58, v31;
	v31 =	vmin.f32 v58, v31;
	v21 =	vsel vm5, v21, v34  }
0x26b: {  	v55 =	vsel vm9, v51, v49;
	v32 =	vsel vm9, v49, v51;
	v57 =	vsel vm10, v33, v25  }
0x26c: {  	v25 =	vsel vm10, v25, v33;
	vm14 =	vgt.f32 v60, v54;
	v5 =	vmax.f32 v54, v60  }
0x26d: {  	v44 =	vmin.f32 v54, v60;
	vm15 =	vgt.f32 v42, v62;
	v7 =	vmax.f32 v62, v42  }
0x26e: {  	vm4 =	vgt.f32 v18, v31;
	v9 =	vmax.f32 v31, v18;
	v18 =	vmin.f32 v31, v18  }
0x26f: {  	v11 =	vsel vm5, v40, v26;
	v61 =	vsel vm12, v41, v57;
	v37 =	vsel vm12, v57, v41  }
0x270: {  	v4 =	vsel vm13, v32, v59;
	v23 =	vsel vm13, v59, v32;
	v41 =	vmin.f32 v62, v42  }
0x271: {  	vm6 =	vgt.f32 v18, v15;
	vm7 =	vgt.f32 v9, v35;
	vm9 =	vgt.f32 v7, v29  }
0x272: {  	vm10 =	vgt.f32 v44, v19;
	vm11 =	vgt.f32 v5, v38;
	vm12 =	vgt.f32 v52, v17  }
0x273: {  	v6 =	vsel vm14, v61, v55;
	v43 =	vsel vm14, v55, v61;
	v8 =	vsel vm15, v37, v4  }
0x274: {  	v33 =	vsel vm15, v4, v37;
	v10 =	vsel vm4, v25, v23;
	v23 =	vsel vm4, v23, v25  }
0x275: {  	v15 =	vsel vm6, v18, v15;
	vm8 =	vgt.f32 v41, v24;
	v37 =	vsel vm7, v9, v35  }
0x276: {  	v19 =	vsel vm10, v44, v19;
	v44 =	vsel vm11, v5, v38;
	v17 =	vsel vm12, v52, v17  }
0x277: {  	v16 =	vsel vm12, v53, v16;
	v34 =	vsel vm6, v23, v27;
	v40 =	vsel vm7, v10, v28  }
0x278: {  	v24 =	vsel vm8, v41, v24;
	v22 =	vsel vm8, v33, v22;
	v41 =	vsel vm9, v7, v29  }
0x279: {  	v42 =	vsel vm9, v8, v30;
	v20 =	vsel vm10, v43, v20;
	v45 =	vsel vm11, v6, v39  }
0x27a: {  	vm14 =	vgt.f32 v19, v15;
	v48 =	vmax.f32 v15, v19;
	v15 =	vmin.f32 v15, v19  }
0x27b: {  	vm15 =	vgt.f32 v44, v37;
	v50 =	vmax.f32 v37, v44;
	v23 =	vmin.f32 v37, v44  }
0x27c: {  	vm13 =	vgt.f32 v41, v21;
	v46 =	vmax.f32 v21, v41;
	v21 =	vmin.f32 v21, v41  }
0x27d: {  	v49 =	vsel vm14, v20, v34;
	v18 =	vsel vm14, v34, v20;
	v51 =	vsel vm15, v45, v40  }
0x27e: {  	v26 =	vsel vm15, v40, v45;
	vm4 =	vgt.f32 v17, v24;
	v52 =	vmax.f32 v24, v17  }
0x27f: {  	s30 =	rddreg [dreg:$0x1b];
	v17 =	vmin.f32 v24, v17;
	v47 =	vsel vm13, v42, v11;
	v25 =	vsel vm13, v11, v42  }
0x280: {  	s30 =	sor.u32 s20, s30;
	v53 =	vsel vm4, v16, v22;
	v16 =	vsel vm4, v22, v16;
	vm5 =	vgt.f32 v50, v46  }
0x281: {  	v61 =	vld [tilespmem:s30+$0x0];
	s30 =	rddreg [dreg:$0x1c];
	v54 =	vmax.f32 v46, v50;
	v20 =	vmin.f32 v46, v50;
	vm6 =	vgt.f32 v52, v48  }
0x282: {  	s30 =	sor.u32 s20, s30;
	v56 =	vmax.f32 v48, v52;
	v28 =	vmin.f32 v48, v52;
	vm7 =	vgt.f32 v23, v21  }
0x283: {  	v4 =	vld [tilespmem:s30+$0x0];
	s30 =	rddreg [dreg:$0x1d];
	v58 =	vmax.f32 v21, v23;
	v21 =	vmin.f32 v21, v23;
	vm8 =	vgt.f32 v17, v15  }
0x284: {  	v60 =	vmax.f32 v15, v17;
	v17 =	vmin.f32 v15, v17;
	s30 =	sor.u32 s20, s30;
	v55 =	vsel vm5, v51, v47  }
0x285: {  	v27 =	vsel vm5, v47, v51;
	v57 =	vsel vm6, v53, v49;
	v19 =	vsel vm6, v49, v53;
	v5 =	vld [tilespmem:s30+$0x0];
	s30 =	rddreg [dreg:$0x1e]  }
0x286: {  	v59 =	vsel vm7, v26, v25;
	v25 =	vsel vm7, v25, v26;
	v62 =	vsel vm8, v16, v18;
	s30 =	sor.u32 s20, s30  }
0x287: {  	v16 =	vsel vm8, v18, v16;
	vm9 =	vgt.f32 v56, v54;
	v34 =	vmax.f32 v54, v56;
	v6 =	vld [tilespmem:s30+$0x0];
	s30 =	rddreg [dreg:$0x1f]  }
0x288: {  	v15 =	vmin.f32 v54, v56;
	vm10 =	vgt.f32 v28, v20;
	v31 =	vmax.f32 v20, v28;
	s30 =	sor.u32 s20, s30  }
0x289: {  	v20 =	vmin.f32 v20, v28;
	vm11 =	vgt.f32 v60, v58;
	v36 =	vmax.f32 v58, v60;
	v7 =	vld [tilespmem:s30+$0x0];
	s30 =	sld [smem:$0x7F0]  }
0x28a: {  	v24 =	vmin.f32 v58, v60;
	vm12 =	vgt.f32 v17, v21;
	v38 =	vmax.f32 v21, v17  }
0x28b: {  	v17 =	vmin.f32 v21, v17;
	v22 =	vsel vm9, v57, v55;
	v30 =	vsel vm9, v55, v57  }
0x28c: {  	v28 =	vsel vm10, v19, v27;
	v19 =	vsel vm10, v27, v19;
	v37 =	vsel vm11, v62, v59;
	s30 =	sor.u32 s20, s30  }
0x28d: {  	v23 =	vsel vm11, v59, v62;
	v21 =	vsel vm12, v16, v25;
	vm13 =	vgt.f32 v4, v61;
	v8 =	vld [tilespmem:s30+$0x0];
	s30 =	sld [smem:$0x7F1]  }
0x28e: {  	v16 =	vsel vm12, v25, v16;
	v12 =	vsel vm13, $0x19, v0;
	v0 =	vimm.s32 $0x19  }
0x28f: {  	v11 =	vmax.f32 v61, v4;
	v18 =	vmin.f32 v61, v4;
	v13 =	vsel vm13, $0x18, v0  }
0x290: {  	v0 =	vimm.s32 $0x1A;
	vm14 =	vgt.f32 v6, v5;
	v48 =	vmax.f32 v5, v6;
	s30 =	sor.u32 s20, s30  }
0x291: {  	v29 =	vmin.f32 v5, v6;
	v49 =	vsel vm14, $0x1B, v0;
	v0 =	vimm.s32 $0x1B;
	v9 =	vld [tilespmem:s30+$0x0];
	s30 =	sld [smem:$0x7F2]  }
0x292: {  	vm5 =	vgt.f32 v48, v11;
	v57 =	vmax.f32 v11, v48;
	v25 =	vmin.f32 v11, v48  }
0x293: {  	vm6 =	vgt.f32 v29, v18;
	v59 =	vmax.f32 v18, v29;
	v18 =	vmin.f32 v18, v29  }
0x294: {  	v50 =	vsel vm14, $0x1A, v0;
	v0 =	vimm.s32 $0x1C;
	v58 =	vsel vm5, v49, v12;
	s30 =	sor.u32 s20, s30  }
0x295: {  	v32 =	vsel vm5, v12, v49;
	vm9 =	vgt.f32 v25, v59;
	v6 =	vmax.f32 v59, v25;
	v10 =	vld [tilespmem:s30+$0x0]  }
0x296: {  	v25 =	vmin.f32 v59, v25;
	v60 =	vsel vm6, v50, v13;
	v40 =	vsel vm6, v13, v50  }
0x297: {  	v29 =	vsel vm9, v60, v32;
	vm15 =	vgt.f32 v8, v7;
	v51 =	vmax.f32 v7, v8  }
0x298: {  	v26 =	vmin.f32 v7, v8;
	v52 =	vsel vm15, $0x1D, v0;
	v0 =	vimm.s32 $0x1D  }
0x299: {  	v7 =	vsel vm9, v32, v60;
	v53 =	vsel vm15, $0x1C, v0;
	v0 =	vimm.s32 $0x1E  }
0x29a: {  	vm4 =	vgt.f32 v10, v9;
	v54 =	vmax.f32 v9, v10;
	v33 =	vmin.f32 v9, v10  }
0x29b: {  	v55 =	vsel vm4, $0x1F, v0;
	v0 =	vimm.s32 $0x1F;
	vm7 =	vgt.f32 v54, v51  }
0x29c: {  	v61 =	vmax.f32 v51, v54;
	v43 =	vmin.f32 v51, v54;
	vm8 =	vgt.f32 v33, v26  }
0x29d: {  	v4 =	vmax.f32 v26, v33;
	v26 =	vmin.f32 v26, v33;
	v56 =	vsel vm4, $0x1E, v0  }
0x29e: {  	v62 =	vsel vm7, v55, v52;
	v27 =	vsel vm7, v52, v55;
	vm10 =	vgt.f32 v43, v4  }
0x29f: {  	v8 =	vmax.f32 v4, v43;
	v39 =	vmin.f32 v4, v43;
	vm11 =	vgt.f32 v61, v57  }
0x2a0: {  	v10 =	vmax.f32 v57, v61;
	v42 =	vmin.f32 v57, v61;
	vm14 =	vgt.f32 v26, v18  }
0x2a1: {  	v50 =	vmax.f32 v18, v26;
	v18 =	vmin.f32 v18, v26;
	v0 =	vimm.s32 $0x20  }
0x2a2: {  	v5 =	vsel vm8, v56, v53;
	v44 =	vsel vm8, v53, v56;
	v11 =	vsel vm11, v62, v58  }
0x2a3: {  	v41 =	vsel vm11, v58, v62;
	vm12 =	vgt.f32 v8, v6;
	v12 =	vmax.f32 v6, v8  }
0x2a4: {  	v32 =	vmin.f32 v6, v8;
	vm13 =	vgt.f32 v39, v25;
	v48 =	vmax.f32 v25, v39  }
0x2a5: {  	v25 =	vmin.f32 v25, v39;
	vm8 =	vgt.f32 v18, v34;
	v9 =	vsel vm10, v27, v5  }
0x2a6: {  	v27 =	vsel vm10, v5, v27;
	v51 =	vsel vm14, v44, v40;
	v40 =	vsel vm14, v40, v44  }
0x2a7: {  	vm15 =	vgt.f32 v42, v48;
	v52 =	vmax.f32 v48, v42;
	v42 =	vmin.f32 v48, v42  }
0x2a8: {  	vm4 =	vgt.f32 v32, v50;
	v54 =	vmax.f32 v50, v32;
	v18 =	vsel vm8, v18, v34  }
0x2a9: {  	v13 =	vsel vm12, v9, v7;
	v35 =	vsel vm12, v7, v9;
	v49 =	vsel vm13, v27, v29  }
0x2aa: {  	v27 =	vsel vm13, v29, v27;
	v29 =	vmin.f32 v50, v32;
	vm5 =	vgt.f32 v52, v12  }
0x2ab: {  	v56 =	vmax.f32 v12, v52;
	v44 =	vmin.f32 v12, v52;
	vm6 =	vgt.f32 v42, v54  }
0x2ac: {  	s30 =	sld [smem:$0x7F3];
	v58 =	vmax.f32 v54, v42;
	v22 =	vsel vm8, v40, v22;
	v53 =	vsel vm15, v41, v49  }
0x2ad: {  	v39 =	vsel vm15, v49, v41;
	v55 =	vsel vm4, v35, v51;
	v26 =	vsel vm4, v51, v35  }
0x2ae: {  	v41 =	vmin.f32 v54, v42;
	vm7 =	vgt.f32 v25, v29;
	v60 =	vmax.f32 v29, v25  }
0x2af: {  	s30 =	sor.u32 s20, s30;
	v25 =	vmin.f32 v29, v25;
	vm12 =	vgt.f32 v58, v36;
	vm13 =	vgt.f32 v44, v24  }
0x2b0: {  	v45 =	vld [tilespmem:s30+$0x0];
	s30 =	sld [smem:$0x7F4];
	vm14 =	vgt.f32 v56, v38;
	vm15 =	vgt.f32 v10, v17;
	v57 =	vsel vm5, v53, v13  }
0x2b1: {  	v43 =	vsel vm5, v13, v53;
	v59 =	vsel vm6, v39, v55;
	v32 =	vsel vm6, v55, v39  }
0x2b2: {  	v61 =	vsel vm7, v27, v26;
	v26 =	vsel vm7, v26, v27;
	vm9 =	vgt.f32 v25, v15  }
0x2b3: {  	s30 =	sor.u32 s20, s30;
	vm10 =	vgt.f32 v60, v31;
	vm11 =	vgt.f32 v41, v20;
	v6 =	vsel vm12, v58, v36  }
0x2b4: {  	v46 =	vld [tilespmem:s30+$0x0];
	v24 =	vsel vm13, v44, v24;
	v8 =	vsel vm14, v56, v38;
	v17 =	vsel vm15, v10, v17  }
0x2b5: {  	v16 =	vsel vm15, v11, v16;
	v15 =	vsel vm9, v25, v15;
	v62 =	vsel vm9, v26, v30  }
0x2b6: {  	v4 =	vsel vm10, v60, v31;
	v5 =	vsel vm10, v61, v28;
	v20 =	vsel vm11, v41, v20  }
0x2b7: {  	v19 =	vsel vm11, v32, v19;
	v7 =	vsel vm12, v59, v37;
	v23 =	vsel vm13, v43, v23  }
0x2b8: {  	v21 =	vsel vm14, v57, v21;
	vm4 =	vgt.f32 v6, v18;
	v9 =	vmax.f32 v18, v6  }
0x2b9: {  	v18 =	vmin.f32 v18, v6;
	v53 =	vmax.f32 v45, v46;
	v10 =	vsel vm4, v7, v22  }
0x2ba: {  	v22 =	vsel vm4, v22, v7;
	vm5 =	vgt.f32 v24, v15;
	v11 =	vmax.f32 v15, v24  }
0x2bb: {  	s30 =	sld [smem:$0x7F5];
	v15 =	vmin.f32 v15, v24;
	vm6 =	vgt.f32 v8, v4;
	v33 =	vmax.f32 v4, v8  }
0x2bc: {  	v26 =	vmin.f32 v4, v8;
	vm7 =	vgt.f32 v17, v20;
	v35 =	vmax.f32 v20, v17  }
0x2bd: {  	v17 =	vmin.f32 v20, v17;
	vm4 =	vgt.f32 v46, v45;
	v13 =	vsel vm5, v23, v62  }
0x2be: {  	s30 =	sor.u32 s20, s30;
	v23 =	vsel vm5, v62, v23;
	v34 =	vsel vm6, v21, v5;
	v21 =	vsel vm6, v5, v21  }
0x2bf: {  	v47 =	vld [tilespmem:s30+$0x0];
	s30 =	sld [smem:$0x7F6];
	v36 =	vsel vm7, v16, v19;
	v16 =	vsel vm7, v19, v16;
	vm8 =	vgt.f32 v33, v9  }
0x2c0: {  	v37 =	vmax.f32 v9, v33;
	v25 =	vmin.f32 v9, v33;
	vm9 =	vgt.f32 v35, v11  }
0x2c1: {  	v39 =	vmax.f32 v11, v35;
	v27 =	vmin.f32 v11, v35;
	vm10 =	vgt.f32 v26, v18  }
0x2c2: {  	v41 =	vmax.f32 v18, v26;
	v18 =	vmin.f32 v18, v26;
	vm11 =	vgt.f32 v17, v15;
	s30 =	sor.u32 s20, s30  }
0x2c3: {  	v43 =	vmax.f32 v15, v17;
	v17 =	vmin.f32 v15, v17;
	v33 =	vmin.f32 v45, v46;
	v48 =	vld [tilespmem:s30+$0x0];
	s30 =	sld [smem:$0x7F7]  }
0x2c4: {  	v54 =	vsel vm4, $0x21, v0;
	v0 =	vimm.s32 $0x21;
	v38 =	vsel vm8, v34, v10  }
0x2c5: {  	v28 =	vsel vm8, v10, v34;
	v40 =	vsel vm9, v36, v13;
	v20 =	vsel vm9, v13, v36  }
0x2c6: {  	v42 =	vsel vm10, v21, v22;
	v21 =	vsel vm10, v22, v21;
	v44 =	vsel vm11, v16, v23;
	s30 =	sor.u32 s20, s30  }
0x2c7: {  	v23 =	vsel vm11, v23, v16;
	vm12 =	vgt.f32 v39, v37;
	v15 =	vmax.f32 v37, v39;
	v49 =	vld [tilespmem:s30+$0x0];
	s30 =	sld [smem:$0x7F8]  }
0x2c8: {  	v16 =	vmin.f32 v37, v39;
	vm13 =	vgt.f32 v27, v25;
	v31 =	vmax.f32 v25, v27  }
0x2c9: {  	v25 =	vmin.f32 v25, v27;
	vm14 =	vgt.f32 v43, v41;
	v36 =	vmax.f32 v41, v43  }
0x2ca: {  	v22 =	vmin.f32 v41, v43;
	vm15 =	vgt.f32 v17, v18;
	v32 =	vmax.f32 v18, v17;
	s30 =	sor.u32 s20, s30  }
0x2cb: {  	v17 =	vmin.f32 v18, v17;
	v55 =	vsel vm4, $0x20, v0;
	v0 =	vimm.s32 $0x22;
	v50 =	vld [tilespmem:s30+$0x0];
	s30 =	sld [smem:$0x7F9]  }
0x2cc: {  	v19 =	vsel vm12, v40, v38;
	v29 =	vsel vm12, v38, v40;
	v35 =	vsel vm13, v20, v28  }
0x2cd: {  	v20 =	vsel vm13, v28, v20;
	v24 =	vsel vm14, v44, v42;
	v26 =	vsel vm14, v42, v44  }
0x2ce: {  	v18 =	vsel vm15, v23, v21;
	v21 =	vsel vm15, v21, v23;
	vm5 =	vgt.f32 v48, v47;
	s30 =	sor.u32 s20, s30  }
0x2cf: {  	v56 =	vmax.f32 v47, v48;
	v27 =	vmin.f32 v47, v48;
	v57 =	vsel vm5, $0x23, v0;
	v51 =	vld [tilespmem:s30+$0x0];
	s30 =	sld [smem:$0x7FA]  }
0x2d0: {  	v0 =	vimm.s32 $0x23;
	vm8 =	vgt.f32 v56, v53;
	v6 =	vmax.f32 v53, v56  }
0x2d1: {  	v39 =	vmin.f32 v53, v56;
	vm9 =	vgt.f32 v27, v33;
	v8 =	vmax.f32 v33, v27  }
0x2d2: {  	v27 =	vmin.f32 v33, v27;
	v58 =	vsel vm5, $0x22, v0;
	v0 =	vimm.s32 $0x24;
	s30 =	sor.u32 s20, s30  }
0x2d3: {  	v7 =	vsel vm8, v57, v54;
	v30 =	vsel vm8, v54, v57;
	vm12 =	vgt.f32 v39, v8;
	v52 =	vld [tilespmem:s30+$0x0]  }
0x2d4: {  	v48 =	vmax.f32 v8, v39;
	v34 =	vmin.f32 v8, v39;
	v9 =	vsel vm9, v58, v55  }
0x2d5: {  	v40 =	vsel vm9, v55, v58;
	vm6 =	vgt.f32 v50, v49;
	v59 =	vmax.f32 v49, v50  }
0x2d6: {  	v28 =	vmin.f32 v49, v50;
	v60 =	vsel vm6, $0x25, v0;
	v0 =	vimm.s32 $0x25  }
0x2d7: {  	v49 =	vsel vm12, v30, v9;
	v30 =	vsel vm12, v9, v30;
	v61 =	vsel vm6, $0x24, v0  }
0x2d8: {  	v0 =	vimm.s32 $0x26;
	vm7 =	vgt.f32 v52, v51;
	v62 =	vmax.f32 v51, v52  }
0x2d9: {  	v23 =	vmin.f32 v51, v52;
	v4 =	vsel vm7, $0x27, v0;
	v0 =	vimm.s32 $0x27  }
0x2da: {  	vm10 =	vgt.f32 v62, v59;
	v10 =	vmax.f32 v59, v62;
	v43 =	vmin.f32 v59, v62  }
0x2db: {  	vm11 =	vgt.f32 v23, v28;
	v12 =	vmax.f32 v28, v23;
	v23 =	vmin.f32 v28, v23  }
0x2dc: {  	v5 =	vsel vm7, $0x26, v0;
	v11 =	vsel vm10, v4, v60;
	v37 =	vsel vm10, v60, v4  }
0x2dd: {  	vm13 =	vgt.f32 v43, v12;
	v50 =	vmax.f32 v12, v43;
	v38 =	vmin.f32 v12, v43  }
0x2de: {  	vm14 =	vgt.f32 v10, v6;
	v52 =	vmax.f32 v6, v10;
	v42 =	vmin.f32 v6, v10  }
0x2df: {  	vm5 =	vgt.f32 v23, v27;
	v58 =	vmax.f32 v27, v23;
	v23 =	vmin.f32 v27, v23  }
0x2e0: {  	v0 =	vimm.s32 $0x28;
	v13 =	vsel vm11, v5, v61;
	v44 =	vsel vm11, v61, v5  }
0x2e1: {  	v53 =	vsel vm14, v11, v7;
	v41 =	vsel vm14, v7, v11;
	vm15 =	vgt.f32 v50, v48  }
0x2e2: {  	v54 =	vmax.f32 v48, v50;
	v33 =	vmin.f32 v48, v50;
	vm4 =	vgt.f32 v38, v34  }
0x2e3: {  	v56 =	vmax.f32 v34, v38;
	v34 =	vmin.f32 v34, v38;
	vm11 =	vgt.f32 v23, v15  }
0x2e4: {  	v51 =	vsel vm13, v37, v13;
	v28 =	vsel vm13, v13, v37;
	v59 =	vsel vm5, v44, v40  }
0x2e5: {  	v40 =	vsel vm5, v40, v44;
	vm6 =	vgt.f32 v42, v56;
	v60 =	vmax.f32 v56, v42  }
0x2e6: {  	v42 =	vmin.f32 v56, v42;
	vm7 =	vgt.f32 v33, v58;
	v62 =	vmax.f32 v58, v33  }
0x2e7: {  	v15 =	vsel vm11, v23, v15;
	v55 =	vsel vm15, v51, v49;
	v39 =	vsel vm15, v49, v51  }
0x2e8: {  	v57 =	vsel vm4, v28, v30;
	v28 =	vsel vm4, v30, v28;
	v30 =	vmin.f32 v58, v33  }
0x2e9: {  	vm8 =	vgt.f32 v60, v54;
	v5 =	vmax.f32 v54, v60;
	v44 =	vmin.f32 v54, v60  }
0x2ea: {  	vm9 =	vgt.f32 v42, v62;
	v7 =	vmax.f32 v62, v42;
	v19 =	vsel vm11, v40, v19  }
0x2eb: {  	v61 =	vsel vm6, v41, v57;
	v38 =	vsel vm6, v57, v41;
	v4 =	vsel vm7, v39, v59  }
0x2ec: {  	v27 =	vsel vm7, v59, v39;
	v41 =	vmin.f32 v62, v42;
	vm10 =	vgt.f32 v34, v30  }
0x2ed: {  	v9 =	vmax.f32 v30, v34;
	v30 =	vmin.f32 v30, v34;
	vm15 =	vgt.f32 v7, v36  }
0x2ee: {  	vm4 =	vgt.f32 v44, v22;
	vm5 =	vgt.f32 v5, v32;
	vm6 =	vgt.f32 v52, v17  }
0x2ef: {  	v6 =	vsel vm8, v61, v55;
	v43 =	vsel vm8, v55, v61;
	v8 =	vsel vm9, v38, v4  }
0x2f0: {  	v33 =	vsel vm9, v4, v38;
	v10 =	vsel vm10, v28, v27;
	v27 =	vsel vm10, v27, v28  }
0x2f1: {  	vm12 =	vgt.f32 v30, v16;
	vm13 =	vgt.f32 v9, v31;
	vm14 =	vgt.f32 v41, v25  }
0x2f2: {  	v22 =	vsel vm4, v44, v22;
	v44 =	vsel vm5, v5, v32;
	v17 =	vsel vm6, v52, v17  }
0x2f3: {  	v21 =	vsel vm6, v53, v21;
	v16 =	vsel vm12, v30, v16;
	v11 =	vsel vm12, v27, v29  }
0x2f4: {  	v38 =	vsel vm13, v9, v31;
	v40 =	vsel vm13, v10, v35;
	v25 =	vsel vm14, v41, v25  }
0x2f5: {  	v20 =	vsel vm14, v33, v20;
	v41 =	vsel vm15, v7, v36;
	v24 =	vsel vm15, v8, v24  }
0x2f6: {  	v26 =	vsel vm4, v43, v26;
	v18 =	vsel vm5, v6, v18;
	vm7 =	vgt.f32 v41, v15  }
0x2f7: {  	v46 =	vmax.f32 v15, v41;
	v15 =	vmin.f32 v15, v41;
	vm8 =	vgt.f32 v22, v16  }
0x2f8: {  	v48 =	vmax.f32 v16, v22;
	v16 =	vmin.f32 v16, v22;
	vm9 =	vgt.f32 v44, v38  }
0x2f9: {  	v50 =	vmax.f32 v38, v44;
	v27 =	vmin.f32 v38, v44;
	vm10 =	vgt.f32 v17, v25  }
0x2fa: {  	v52 =	vmax.f32 v25, v17;
	v17 =	vmin.f32 v25, v17;
	v47 =	vsel vm7, v24, v19  }
0x2fb: {  	v19 =	vsel vm7, v19, v24;
	v49 =	vsel vm8, v26, v11;
	v23 =	vsel vm8, v11, v26  }
0x2fc: {  	v51 =	vsel vm9, v18, v40;
	v18 =	vsel vm9, v40, v18;
	v53 =	vsel vm10, v21, v20  }
0x2fd: {  	v20 =	vsel vm10, v20, v21;
	vm11 =	vgt.f32 v50, v46;
	v54 =	vmax.f32 v46, v50  }
0x2fe: {  	s30 =	sld [smem:$0x7FB];
	v26 =	vmin.f32 v46, v50;
	vm12 =	vgt.f32 v52, v48;
	v56 =	vmax.f32 v48, v52  }
0x2ff: {  	v24 =	vmin.f32 v48, v52;
	vm13 =	vgt.f32 v27, v15;
	v58 =	vmax.f32 v15, v27  }
0x300: {  	v27 =	vmin.f32 v15, v27;
	vm14 =	vgt.f32 v17, v16;
	v60 =	vmax.f32 v16, v17  }
0x301: {  	s30 =	sor.u32 s20, s30;
	v16 =	vmin.f32 v16, v17;
	v55 =	vsel vm11, v51, v47;
	v29 =	vsel vm11, v47, v51  }
0x302: {  	s26 =	sor.u32 s20, s26;
	v61 =	vld [tilespmem:s30+$0x0];
	v57 =	vsel vm12, v53, v49;
	v22 =	vsel vm12, v49, v53;
	v59 =	vsel vm13, v18, v19  }
0x303: {  	s25 =	sor.u32 s20, s25;
	v7 =	vld [tilespmem:s26+$0x0];
	v18 =	vsel vm13, v19, v18;
	v62 =	vsel vm14, v20, v23;
	v20 =	vsel vm14, v23, v20  }
0x304: {  	s24 =	sor.u32 s20, s24;
	s30 =	sld [smem:$0x7FC];
	v8 =	vld [tilespmem:s25+$0x0];
	vm15 =	vgt.f32 v56, v54;
	v34 =	vmax.f32 v54, v56;
	v15 =	vmin.f32 v54, v56  }
0x305: {  	s23 =	sor.u32 s20, s23;
	v9 =	vld [tilespmem:s24+$0x0];
	vm4 =	vgt.f32 v24, v26;
	v35 =	vmax.f32 v26, v24;
	v24 =	vmin.f32 v26, v24  }
0x306: {  	v10 =	vld [tilespmem:s23+$0x0];
	vm5 =	vgt.f32 v60, v58;
	v19 =	vmin.f32 v58, v60;
	vm6 =	vgt.f32 v16, v27  }
0x307: {  	s30 =	sor.u32 s20, s30;
	v38 =	vmax.f32 v27, v16;
	v16 =	vmin.f32 v27, v16;
	v30 =	vsel vm15, v57, v55  }
0x308: {  	v4 =	vld [tilespmem:s30+$0x0];
	v28 =	vsel vm15, v55, v57;
	v26 =	vsel vm4, v22, v29;
	v22 =	vsel vm4, v29, v22  }
0x309: {  	s30 =	sld [smem:$0x7FD];
	v29 =	vmax.f32 v58, v60;
	v25 =	vsel vm5, v62, v59;
	v17 =	vsel vm5, v59, v62  }
0x30a: {  	v39 =	vsel vm6, v20, v18;
	v18 =	vsel vm6, v18, v20;
	vm9 =	vgt.f32 v8, v7  }
0x30b: {  	s29 =	sor.u32 s20, s29;
	v51 =	vmax.f32 v7, v8;
	v36 =	vmin.f32 v7, v8;
	v54 =	vmax.f32 v9, v10  }
0x30c: {  	v6 =	vld [tilespmem:s29+$0x0];
	vm10 =	vgt.f32 v10, v9;
	v27 =	vmin.f32 v9, v10;
	s30 =	sor.u32 s20, s30;
	vm13 =	vgt.f32 v54, v51  }
0x30d: {  	v43 =	vmin.f32 v51, v54;
	vm14 =	vgt.f32 v27, v36;
	v5 =	vld [tilespmem:s30+$0x0];
	vm7 =	vgt.f32 v4, v61  }
0x30e: {  	v11 =	vmax.f32 v61, v4;
	v23 =	vmin.f32 v61, v4;
	v61 =	vmax.f32 v51, v54  }
0x30f: {  	v4 =	vmax.f32 v36, v27;
	v27 =	vmin.f32 v36, v27;
	v12 =	vsel vm7, $0x29, v0  }
0x310: {  	v0 =	vimm.s32 $0x29;
	vm4 =	vgt.f32 v43, v4;
	v8 =	vmax.f32 v4, v43  }
0x311: {  	v37 =	vmin.f32 v4, v43;
	v13 =	vsel vm7, $0x28, v0;
	v0 =	vimm.s32 $0x2A  }
0x312: {  	vm8 =	vgt.f32 v6, v5;
	v48 =	vmax.f32 v5, v6;
	v21 =	vmin.f32 v5, v6  }
0x313: {  	v49 =	vsel vm8, $0x2B, v0;
	v0 =	vimm.s32 $0x2B;
	vm11 =	vgt.f32 v48, v11  }
0x314: {  	v57 =	vmax.f32 v11, v48;
	v20 =	vmin.f32 v11, v48;
	vm12 =	vgt.f32 v21, v23  }
0x315: {  	v59 =	vmax.f32 v23, v21;
	v21 =	vmin.f32 v23, v21;
	v50 =	vsel vm8, $0x2A, v0  }
0x316: {  	v0 =	vimm.s32 $0x2C;
	v58 =	vsel vm11, v49, v12;
	v31 =	vsel vm11, v12, v49  }
0x317: {  	vm15 =	vgt.f32 v20, v59;
	v6 =	vmax.f32 v59, v20;
	v20 =	vmin.f32 v59, v20  }
0x318: {  	vm5 =	vgt.f32 v61, v57;
	v10 =	vmax.f32 v57, v61;
	v42 =	vmin.f32 v57, v61  }
0x319: {  	vm8 =	vgt.f32 v27, v21;
	v52 =	vsel vm9, $0x2D, v0;
	v0 =	vimm.s32 $0x2D  }
0x31a: {  	v60 =	vsel vm12, v50, v13;
	v40 =	vsel vm12, v13, v50;
	vm6 =	vgt.f32 v8, v6  }
0x31b: {  	v12 =	vmax.f32 v6, v8;
	vm7 =	vgt.f32 v37, v20;
	v48 =	vmax.f32 v20, v37  }
0x31c: {  	v20 =	vmin.f32 v20, v37;
	v50 =	vmax.f32 v21, v27;
	v21 =	vmin.f32 v21, v27  }
0x31d: {  	v53 =	vsel vm9, $0x2C, v0;
	v0 =	vimm.s32 $0x2E;
	v7 =	vsel vm15, v31, v60  }
0x31e: {  	v23 =	vsel vm15, v60, v31;
	v31 =	vmin.f32 v6, v8;
	vm9 =	vgt.f32 v42, v48  }
0x31f: {  	v55 =	vsel vm10, $0x2F, v0;
	v0 =	vimm.s32 $0x2F;
	v54 =	vmax.f32 v50, v31  }
0x320: {  	v56 =	vsel vm10, $0x2E, v0;
	v62 =	vsel vm13, v55, v52;
	v32 =	vsel vm13, v52, v55  }
0x321: {  	v52 =	vmax.f32 v48, v42;
	v42 =	vmin.f32 v48, v42;
	vm10 =	vgt.f32 v31, v50  }
0x322: {  	v31 =	vmin.f32 v50, v31;
	v0 =	vimm.s32 $0x30;
	v5 =	vsel vm14, v56, v53  }
0x323: {  	v44 =	vsel vm14, v53, v56;
	v11 =	vsel vm5, v62, v58;
	v41 =	vsel vm5, v58, v62  }
0x324: {  	vm11 =	vgt.f32 v52, v12;
	v56 =	vmax.f32 v12, v52;
	vm12 =	vgt.f32 v42, v54  }
0x325: {  	v58 =	vmax.f32 v54, v42;
	vm13 =	vgt.f32 v20, v31;
	v60 =	vmax.f32 v31, v20  }
0x326: {  	v20 =	vmin.f32 v31, v20;
	vm14 =	vgt.f32 v21, v34;
	v9 =	vsel vm4, v32, v5  }
0x327: {  	v32 =	vsel vm4, v5, v32;
	v51 =	vsel vm8, v44, v40;
	v40 =	vsel vm8, v40, v44  }
0x328: {  	v44 =	vmin.f32 v12, v52;
	vm15 =	vgt.f32 v20, v15;
	v21 =	vsel vm14, v21, v34  }
0x329: {  	s21 =	sor.u32 s20, s21;
	vm4 =	vgt.f32 v60, v35;
	vm8 =	vgt.f32 v56, v38;
	v13 =	vsel vm6, v9, v7  }
0x32a: {  	v45 =	vld [tilespmem:s21+$0x0];
	s24 =	sor.u32 s20, s22;
	v33 =	vsel vm6, v7, v9;
	v49 =	vsel vm7, v32, v23;
	v23 =	vsel vm7, v23, v32  }
0x32b: {  	v47 =	vld [tilespmem:s24+$0x0];
	v62 =	vsel vm14, v40, v30;
	v15 =	vsel vm15, v20, v15;
	v5 =	vsel vm4, v60, v35  }
0x32c: {  	vm6 =	vgt.f32 v58, v29;
	vm7 =	vgt.f32 v44, v19;
	v7 =	vsel vm8, v56, v38  }
0x32d: {  	v53 =	vsel vm9, v41, v49;
	v37 =	vsel vm9, v49, v41;
	v55 =	vsel vm10, v33, v51  }
0x32e: {  	v27 =	vsel vm10, v51, v33;
	v41 =	vmin.f32 v54, v42;
	v6 =	vsel vm6, v58, v29  }
0x32f: {  	v19 =	vsel vm7, v44, v19;
	vm9 =	vgt.f32 v10, v16;
	v34 =	vmax.f32 v5, v7  }
0x330: {  	v54 =	vmax.f32 v45, v47;
	v57 =	vsel vm11, v53, v13;
	v43 =	vsel vm11, v13, v53  }
0x331: {  	v59 =	vsel vm12, v37, v55;
	v32 =	vsel vm12, v55, v37;
	v61 =	vsel vm13, v23, v27  }
0x332: {  	v23 =	vsel vm13, v27, v23;
	vm5 =	vgt.f32 v41, v24;
	v16 =	vsel vm9, v10, v16  }
0x333: {  	v18 =	vsel vm9, v11, v18;
	vm10 =	vgt.f32 v6, v21;
	v9 =	vmax.f32 v21, v6  }
0x334: {  	v21 =	vmin.f32 v21, v6;
	vm11 =	vgt.f32 v19, v15;
	v11 =	vmax.f32 v15, v19  }
0x335: {  	v15 =	vmin.f32 v15, v19;
	vm12 =	vgt.f32 v7, v5;
	v4 =	vsel vm15, v23, v28  }
0x336: {  	v26 =	vsel vm4, v61, v26;
	v24 =	vsel vm5, v41, v24;
	v22 =	vsel vm5, v32, v22  }
0x337: {  	v25 =	vsel vm6, v59, v25;
	v17 =	vsel vm7, v43, v17;
	v8 =	vsel vm8, v57, v39  }
0x338: {  	v23 =	vmin.f32 v5, v7;
	vm14 =	vgt.f32 v34, v9;
	v38 =	vmax.f32 v9, v34  }
0x339: {  	v20 =	vmin.f32 v9, v34;
	v10 =	vsel vm10, v25, v62;
	v25 =	vsel vm10, v62, v25  }
0x33a: {  	v33 =	vsel vm11, v17, v4;
	v17 =	vsel vm11, v4, v17;
	v35 =	vsel vm12, v8, v26  }
0x33b: {  	v26 =	vsel vm12, v26, v8;
	vm13 =	vgt.f32 v16, v24;
	v36 =	vmax.f32 v24, v16  }
0x33c: {  	v16 =	vmin.f32 v24, v16;
	vm4 =	vgt.f32 v23, v21;
	v42 =	vmax.f32 v21, v23  }
0x33d: {  	v21 =	vmin.f32 v21, v23;
	vm10 =	vgt.f32 v47, v45;
	v37 =	vsel vm13, v18, v22  }
0x33e: {  	v18 =	vsel vm13, v22, v18;
	v39 =	vsel vm14, v35, v10;
	v28 =	vsel vm14, v10, v35  }
0x33f: {  	vm15 =	vgt.f32 v36, v11;
	v40 =	vmax.f32 v11, v36;
	v27 =	vmin.f32 v11, v36  }
0x340: {  	s18 =	sor.u32 s20, s18;
	v43 =	vsel vm4, v26, v25;
	v25 =	vsel vm4, v25, v26;
	vm5 =	vgt.f32 v16, v15  }
0x341: {  	s12 =	sor.u32 s20, s12;
	v48 =	vld [tilespmem:s18+$0x0];
	v44 =	vmax.f32 v15, v16;
	v16 =	vmin.f32 v15, v16;
	v55 =	vsel vm10, $0x31, v0  }
0x342: {  	s13 =	sor.u32 s20, s13;
	v50 =	vld [tilespmem:s12+$0x0];
	v0 =	vimm.s32 $0x31;
	v41 =	vsel vm15, v37, v33;
	v19 =	vsel vm15, v33, v37  }
0x343: {  	s11 =	sor.u32 s20, s11;
	v49 =	vld [tilespmem:s13+$0x0];
	v46 =	vsel vm5, v18, v17;
	v17 =	vsel vm5, v17, v18;
	vm6 =	vgt.f32 v40, v38  }
0x344: {  	v51 =	vld [tilespmem:s11+$0x0];
	v34 =	vmax.f32 v38, v40;
	v15 =	vmin.f32 v38, v40;
	vm7 =	vgt.f32 v27, v20  }
0x345: {  	v31 =	vmax.f32 v20, v27;
	v20 =	vmin.f32 v20, v27;
	vm8 =	vgt.f32 v44, v42  }
0x346: {  	v36 =	vmax.f32 v42, v44;
	v24 =	vmin.f32 v42, v44;
	vm9 =	vgt.f32 v16, v21  }
0x347: {  	s10 =	sor.u32 s20, s10;
	v38 =	vmax.f32 v21, v16;
	v16 =	vmin.f32 v21, v16;
	v18 =	vmin.f32 v45, v47  }
0x348: {  	s9 =	sor.u32 s20, s9;
	v52 =	vld [tilespmem:s10+$0x0];
	v56 =	vsel vm10, $0x30, v0;
	vm11 =	vgt.f32 v49, v48;
	v57 =	vmax.f32 v48, v49  }
0x349: {  	v53 =	vld [tilespmem:s9+$0x0];
	v29 =	vmin.f32 v48, v49;
	v0 =	vimm.s32 $0x32;
	vm12 =	vgt.f32 v51, v50  }
0x34a: {  	v60 =	vmax.f32 v50, v51;
	v26 =	vmin.f32 v50, v51;
	v22 =	vsel vm6, v41, v39  }
0x34b: {  	v30 =	vsel vm6, v39, v41;
	v27 =	vsel vm7, v19, v28;
	v19 =	vsel vm7, v28, v19  }
0x34c: {  	v37 =	vsel vm8, v46, v43;
	v23 =	vsel vm8, v43, v46;
	v21 =	vsel vm9, v17, v25  }
0x34d: {  	v17 =	vsel vm9, v25, v17;
	v58 =	vsel vm11, $0x33, v0;
	v0 =	vimm.s32 $0x33  }
0x34e: {  	vm13 =	vgt.f32 v53, v52;
	v4 =	vmax.f32 v52, v53;
	v33 =	vmin.f32 v52, v53  }
0x34f: {  	vm14 =	vgt.f32 v57, v54;
	v7 =	vmax.f32 v54, v57;
	v25 =	vmin.f32 v54, v57  }
0x350: {  	vm15 =	vgt.f32 v29, v18;
	v9 =	vmax.f32 v18, v29;
	v18 =	vmin.f32 v18, v29  }
0x351: {  	v59 =	vsel vm11, $0x32, v0;
	v0 =	vimm.s32 $0x34;
	v8 =	vsel vm14, v58, v55  }
0x352: {  	v32 =	vsel vm14, v55, v58;
	vm4 =	vgt.f32 v4, v60;
	v11 =	vmax.f32 v60, v4  }
0x353: {  	v43 =	vmin.f32 v60, v4;
	vm5 =	vgt.f32 v33, v26;
	v13 =	vmax.f32 v26, v33  }
0x354: {  	v26 =	vmin.f32 v26, v33;
	vm6 =	vgt.f32 v25, v9;
	v49 =	vmax.f32 v9, v25  }
0x355: {  	v25 =	vmin.f32 v9, v25;
	v61 =	vsel vm12, $0x35, v0;
	v0 =	vimm.s32 $0x35  }
0x356: {  	v10 =	vsel vm15, v59, v56;
	v40 =	vsel vm15, v56, v59;
	vm7 =	vgt.f32 v43, v13  }
0x357: {  	v51 =	vmax.f32 v13, v43;
	v39 =	vmin.f32 v13, v43;
	vm8 =	vgt.f32 v11, v7  }
0x358: {  	v53 =	vmax.f32 v7, v11;
	v42 =	vmin.f32 v7, v11;
	vm11 =	vgt.f32 v26, v18  }
0x359: {  	v59 =	vmax.f32 v18, v26;
	v18 =	vmin.f32 v18, v26;
	v62 =	vsel vm12, $0x34, v0  }
0x35a: {  	v0 =	vimm.s32 $0x36;
	v50 =	vsel vm6, v32, v10;
	v29 =	vsel vm6, v10, v32  }
0x35b: {  	vm9 =	vgt.f32 v51, v49;
	v55 =	vmax.f32 v49, v51;
	v32 =	vmin.f32 v49, v51  }
0x35c: {  	vm10 =	vgt.f32 v39, v25;
	v57 =	vmax.f32 v25, v39;
	v25 =	vmin.f32 v25, v39  }
0x35d: {  	v5 =	vsel vm13, $0x37, v0;
	v0 =	vimm.s32 $0x37;
	vm12 =	vgt.f32 v42, v57  }
0x35e: {  	v4 =	vmax.f32 v59, v32;
	v6 =	vsel vm13, $0x36, v0;
	v12 =	vsel vm4, v5, v61  }
0x35f: {  	v28 =	vsel vm4, v61, v5;
	v61 =	vmax.f32 v57, v42;
	v42 =	vmin.f32 v57, v42  }
0x360: {  	vm13 =	vgt.f32 v32, v59;
	v0 =	vimm.s32 $0x38;
	v48 =	vsel vm5, v6, v62  }
0x361: {  	v44 =	vsel vm5, v62, v6;
	v54 =	vsel vm8, v12, v8;
	v41 =	vsel vm8, v8, v12  }
0x362: {  	vm14 =	vgt.f32 v61, v55;
	v6 =	vmax.f32 v55, v61;
	vm15 =	vgt.f32 v42, v4  }
0x363: {  	v8 =	vmax.f32 v4, v42;
	vm5 =	vgt.f32 v18, v34;
	v52 =	vsel vm7, v28, v48  }
0x364: {  	v28 =	vsel vm7, v48, v28;
	v60 =	vsel vm11, v44, v40;
	v40 =	vsel vm11, v40, v44  }
0x365: {  	v44 =	vmin.f32 v55, v61;
	v18 =	vsel vm5, v18, v34;
	vm11 =	vgt.f32 v6, v38  }
0x366: {  	v56 =	vsel vm9, v52, v50;
	v35 =	vsel vm9, v50, v52;
	v58 =	vsel vm10, v28, v29  }
0x367: {  	v28 =	vsel vm10, v29, v28;
	v29 =	vmin.f32 v59, v32;
	v22 =	vsel vm5, v40, v22  }
0x368: {  	vm9 =	vgt.f32 v8, v36;
	vm10 =	vgt.f32 v44, v24;
	v46 =	vsel vm11, v6, v38  }
0x369: {  	v62 =	vsel vm12, v41, v58;
	v39 =	vsel vm12, v58, v41;
	v5 =	vsel vm13, v35, v60  }
0x36a: {  	v26 =	vsel vm13, v60, v35;
	v41 =	vmin.f32 v4, v42;
	vm4 =	vgt.f32 v25, v29  }
0x36b: {  	v10 =	vmax.f32 v29, v25;
	v25 =	vmin.f32 v29, v25;
	v24 =	vsel vm10, v44, v24  }
0x36c: {  	vm12 =	vgt.f32 v53, v16;
	v7 =	vsel vm14, v62, v56;
	v43 =	vsel vm14, v56, v62  }
0x36d: {  	v9 =	vsel vm15, v39, v5;
	v32 =	vsel vm15, v5, v39;
	v11 =	vsel vm4, v28, v26  }
0x36e: {  	v26 =	vsel vm4, v26, v28;
	vm6 =	vgt.f32 v25, v15;
	vm7 =	vgt.f32 v10, v31  }
0x36f: {  	vm8 =	vgt.f32 v41, v20;
	v16 =	vsel vm12, v53, v16;
	v17 =	vsel vm12, v54, v17  }
0x370: {  	v15 =	vsel vm6, v25, v15;
	v34 =	vsel vm6, v26, v30;
	v40 =	vsel vm7, v10, v31  }
0x371: {  	v27 =	vsel vm7, v11, v27;
	v20 =	vsel vm8, v41, v20;
	v19 =	vsel vm8, v32, v19  }
0x372: {  	v41 =	vsel vm9, v8, v36;
	v42 =	vsel vm9, v9, v37;
	v23 =	vsel vm10, v43, v23  }
0x373: {  	v21 =	vsel vm11, v7, v21;
	vm13 =	vgt.f32 v41, v18;
	v48 =	vmax.f32 v18, v41  }
0x374: {  	v18 =	vmin.f32 v18, v41;
	vm14 =	vgt.f32 v24, v15;
	v50 =	vmax.f32 v15, v24  }
0x375: {  	v15 =	vmin.f32 v15, v24;
	vm15 =	vgt.f32 v46, v40;
	v52 =	vmax.f32 v40, v46  }
0x376: {  	v26 =	vmin.f32 v40, v46;
	vm4 =	vgt.f32 v16, v20;
	v54 =	vmax.f32 v20, v16  }
0x377: {  	v16 =	vmin.f32 v20, v16;
	v49 =	vsel vm13, v42, v22;
	v22 =	vsel vm13, v22, v42  }
0x378: {  	v51 =	vsel vm14, v23, v34;
	v23 =	vsel vm14, v34, v23;
	v53 =	vsel vm15, v21, v27  }
0x379: {  	v21 =	vsel vm15, v27, v21;
	v55 =	vsel vm4, v17, v19;
	v17 =	vsel vm4, v19, v17  }
0x37a: {  	vm5 =	vgt.f32 v52, v48;
	v56 =	vmax.f32 v48, v52;
	v25 =	vmin.f32 v48, v52  }
0x37b: {  	vm6 =	vgt.f32 v54, v50;
	v58 =	vmax.f32 v50, v54;
	v27 =	vmin.f32 v50, v54  }
0x37c: {  	vm7 =	vgt.f32 v26, v18;
	v60 =	vmax.f32 v18, v26;
	v26 =	vmin.f32 v18, v26  }
0x37d: {  	s7 =	sor.u32 s20, s7;
	vm8 =	vgt.f32 v16, v15;
	v5 =	vmax.f32 v15, v16;
	v6 =	vmin.f32 v15, v16  }
0x37e: {  	s25 =	sor.u32 s20, s8;
	v61 =	vld [tilespmem:s7+$0x0];
	v57 =	vsel vm5, v53, v49;
	v28 =	vsel vm5, v49, v53;
	v59 =	vsel vm6, v55, v51  }
0x37f: {  	v4 =	vld [tilespmem:s25+$0x0];
	v20 =	vsel vm6, v51, v55;
	v62 =	vsel vm7, v21, v22;
	v22 =	vsel vm7, v22, v21  }
0x380: {  	v7 =	vsel vm8, v17, v23;
	v23 =	vsel vm8, v23, v17;
	vm9 =	vgt.f32 v58, v56  }
0x381: {  	s6 =	sor.u32 s20, s6;
	v9 =	vmax.f32 v56, v58;
	v30 =	vmin.f32 v56, v58;
	vm10 =	vgt.f32 v27, v25  }
0x382: {  	s5 =	sor.u32 s20, s5;
	v8 =	vld [tilespmem:s6+$0x0];
	v12 =	vmax.f32 v25, v27;
	v25 =	vmin.f32 v25, v27;
	vm11 =	vgt.f32 v5, v60  }
0x383: {  	v10 =	vld [tilespmem:s5+$0x0];
	v40 =	vmax.f32 v60, v5;
	v24 =	vmin.f32 v60, v5;
	vm12 =	vgt.f32 v6, v26  }
0x384: {  	v33 =	vmax.f32 v26, v6;
	v26 =	vmin.f32 v26, v6;
	v60 =	vmax.f32 v61, v4  }
0x385: {  	s4 =	sor.u32 s20, s4;
	v32 =	vmin.f32 v61, v4;
	v16 =	vsel vm9, v59, v57;
	v15 =	vsel vm9, v57, v59  }
0x386: {  	s2 =	sor.u32 s20, s2;
	v11 =	vld [tilespmem:s4+$0x0];
	v17 =	vsel vm10, v20, v28;
	v18 =	vsel vm10, v28, v20;
	v19 =	vsel vm11, v7, v62  }
0x387: {  	s3 =	sor.u32 s20, s3;
	v58 =	vld [tilespmem:s2+$0x0];
	v20 =	vsel vm11, v62, v7;
	v21 =	vsel vm12, v23, v22;
	vm10 =	vgt.f32 v4, v61  }
0x388: {  	s1 =	sor.u32 s20, s1;
	v57 =	vld [tilespmem:s3+$0x0];
	v22 =	vsel vm12, v22, v23;
	v36 =	vsel vm10, $0x39, v0;
	vm11 =	vgt.f32 v10, v8  }
0x389: {  	v59 =	vld [tilespmem:s1+$0x0];
	v61 =	vmax.f32 v8, v10;
	v62 =	vmin.f32 v8, v10;
	v0 =	vimm.s32 $0x3A  }
0x38a: {  	v39 =	vsel vm11, $0x3B, v0;
	vm14 =	vgt.f32 v61, v60;
	v41 =	vmax.f32 v60, v61  }
0x38b: {  	v43 =	vmin.f32 v60, v61;
	vm12 =	vgt.f32 v62, v32;
	v44 =	vmax.f32 v32, v62  }
0x38c: {  	v45 =	vmin.f32 v32, v62;
	v0 =	vimm.s32 $0x0;
	v50 =	vmax.f32 v44, v43  }
0x38d: {  	v51 =	vmin.f32 v44, v43;
	vm9 =	vgt.f32 v57, v11;
	v42 =	vmax.f32 v11, v57  }
0x38e: {  	v27 =	vmin.f32 v11, v57;
	v29 =	vmax.f32 v58, v59;
	v28 =	vmin.f32 v58, v59  }
0x38f: {  	vm8 =	vgt.f32 v59, v58;
	v47 =	vmin.f32 v42, v29;
	v48 =	vmax.f32 v27, v28  }
0x390: {  	v46 =	vmax.f32 v42, v29;
	v49 =	vmin.f32 v27, v28;
	v52 =	vmax.f32 v48, v47  }
0x391: {  	v53 =	vmin.f32 v48, v47;
	v23 =	vmax.f32 v41, v46;
	v54 =	vmin.f32 v41, v46  }
0x392: {  	v59 =	vmax.f32 v45, v49;
	v32 =	vmin.f32 v45, v49;
	vm0 =	vgt.f32 v47, v48  }
0x393: {  	vm1 =	vgt.f32 v46, v41;
	v48 =	vimm.s32 $0x3E;
	v55 =	vmax.f32 v50, v52  }
0x394: {  	v56 =	vmin.f32 v50, v52;
	v57 =	vmax.f32 v51, v53;
	v58 =	vmin.f32 v51, v53  }
0x395: {  	vm13 =	vgt.f32 v32, v9;
	vm6 =	vgt.f32 v23, v26;
	v60 =	vmax.f32 v57, v54  }
0x396: {  	v61 =	vmin.f32 v57, v54;
	v62 =	vmax.f32 v59, v56;
	v7 =	vmin.f32 v59, v56  }
0x397: {  	v0 =	vsel vm13, $0xFFFFFFFF, v0;
	v9 =	vsel vm13, v32, v9;
	v8 =	vsel vm6, v23, v26  }
0x398: {  	vm13 =	vgt.f32 v28, v27;
	v34 =	vmax.f32 v55, v60;
	v4 =	vmax.f32 v7, v58  }
0x399: {  	[tilespmem:$0x1FF70] =	vst v0;
	v5 =	vmin.f32 v7, v58;
	v6 =	vmax.f32 v62, v61;
	v0 =	vimm.s32 $0x0  }
0x39a: {  	v13 =	vmin.f32 v62, v61;
	v37 =	vmin.f32 v55, v60;
	vm15 =	vgt.f32 v5, v30  }
0x39b: {  	vm2 =	vgt.f32 v4, v12;
	vm7 =	vgt.f32 v13, v25;
	vm3 =	vgt.f32 v6, v40  }
0x39c: {  	vm4 =	vgt.f32 v37, v24;
	vm5 =	vgt.f32 v34, v33;
	v0 =	vsel vm15, $0xFFFFFFFF, v0  }
0x39d: {  	v10 =	vsel vm15, v5, v30;
	v11 =	vsel vm2, v4, v12;
	v12 =	vsel vm7, v13, v25  }
0x39e: {  	v40 =	vsel vm3, v6, v40;
	v24 =	vsel vm4, v37, v24;
	v25 =	vsel vm5, v34, v33  }
0x39f: {  	vm15 =	vgt.f32 v29, v42;
	v6 =	vsel vm14, v39, v36;
	v5 =	vsel vm14, v36, v39  }
0x3a0: {  	v35 =	vmax.f32 v9, v40;
	v31 =	vmax.f32 v10, v24;
	v37 =	vmax.f32 v11, v25  }
0x3a1: {  	v34 =	vmax.f32 v12, v8;
	v36 =	vmin.f32 v9, v40;
	v30 =	vmax.f32 v35, v37  }
0x3a2: {  	v33 =	vmax.f32 v31, v34;
	v27 =	vmin.f32 v35, v37;
	v28 =	vmin.f32 v31, v34  }
0x3a3: {  	[tilespmem:$0x1FF90] =	vst v0;
	v0 =	vmax.f32 v30, v33;
	v38 =	vmin.f32 v30, v33;
	v42 =	vmax.f32 v27, v28  }
0x3a4: {  	v23 =	vsub.f32 v38, v0;
	v26 =	vsub.f32 v42, v0;
	v38 =	vmin.f32 v11, v25  }
0x3a5: {  	v29 =	vmin.f32 v10, v24;
	v32 =	vmin.f32 v12, v8;
	v42 =	vmax.f32 v36, v38  }
0x3a6: {  	v23 =	vmul.f32 $1.442695020e+00, v23;
	v4 =	vmul.f32 $1.442695020e+00, v26;
	v26 =	vmax.f32 v29, v32  }
0x3a7: {  	[tilespmem:$0x1FFF0] =	vst v1;
	v39 =	vmin.f32 v29, v32;
	v13 =	vmin.f32 v27, v28;
	v1 =	vmax.f32 v42, v26  }
0x3a8: {  	[tilespmem:$0x1FFC0] =	vst v2;
	(erf) = vpow2.f32 v23;
	v23 =	vsub.f32 v13, v0;
	v2 =	vsub.f32 v1, v0  }
0x3a9: {  	v13 =	vmin.f32 v36, v38;
	v1 =	vmin.f32 v42, v26;
	(erf) = vpow2.f32 v4  }
0x3aa: {  	[tilespmem:$0x1FF80] =	vst v3;
	v3 =	vsub.f32 v1, v0;
	v1 =	vmax.f32 v13, v39;
	v23 =	vmul.f32 $1.442695020e+00, v23  }
0x3ab: {  	v2 =	vmul.f32 $1.442695020e+00, v2;
	v4 =	vsub.f32 v1, v0;
	v1 =	vmin.f32 v13, v39  }
0x3ac: {  	v0 =	vsub.f32 v1, v0;
	v1 =	vmul.f32 $1.442695020e+00, v3;
	v3 =	vimm.s32 $0x3D  }
0x3ad: {  	vm14 =	vgt.f32 v43, v44;
	(erf) = vpow2.f32 v23;
	v3 =	vsel vm9, $0x3C, v3  }
0x3ae: {  	v23 =	vsel vm8, $0x3F, v48;
	(erf) = vpow2.f32 v2;
	v2 =	vmul.f32 $1.442695020e+00, v4  }
0x3af: {  	v0 =	vmul.f32 $1.442695020e+00, v0;
	(erf) = vpow2.f32 v1;
	v1 =	vimm.s32 $0x39  }
0x3b0: {  	v1 =	vsel vm10, $0x38, v1;
	(erf) = vpow2.f32 v2;
	v2 =	vimm.s32 $0x3B  }
0x3b1: {  	vm10 =	vgt.f32 v49, v45;
	v2 =	vsel vm11, $0x3A, v2;
	(erf) = vpow2.f32 v0  }
0x3b2: {  	vm11 =	vgt.f32 v54, v57;
	v0 =	vsel vm12, v2, v1;
	v1 =	vsel vm12, v1, v2  }
0x3b3: {  	v4 =	vpop (erf);
	vm12 =	vgt.f32 v52, v50;
	v2 =	vimm.s32 $0x3C;
	v50 =	vimm.s32 $0x3F  }
0x3b4: {  	v43 =	vpop (erf);
	v2 =	vsel vm9, $0x3D, v2;
	vm9 =	vgt.f32 v53, v51;
	v41 =	vsel vm8, $0x3E, v50  }
0x3b5: {  	v46 =	vsel vm14, v5, v0;
	v0 =	vsel vm14, v0, v5;
	v49 =	vadd.f32 $1.000000000e+00, v43  }
0x3b6: {  	vm8 =	vgt.f32 v40, v9;
	v44 =	vsel vm15, v23, v2;
	v2 =	vsel vm15, v2, v23  }
0x3b7: {  	v51 =	vsel vm13, v41, v3;
	v3 =	vsel vm13, v3, v41;
	vm13 =	vgt.f32 v56, v59  }
0x3b8: {  	v47 =	vsel vm0, v2, v51;
	v2 =	vsel vm0, v51, v2;
	vm0 =	vgt.f32 v61, v62  }
0x3b9: {  	v48 =	vsel vm1, v44, v6;
	v6 =	vsel vm1, v6, v44;
	v44 =	vsel vm12, v47, v46  }
0x3ba: {  	v46 =	vsel vm12, v46, v47;
	v9 =	vsel vm9, v2, v0;
	v0 =	vsel vm9, v0, v2  }
0x3bb: {  	v23 =	vpop (erf);
	vm9 =	vgt.f32 v24, v10;
	v10 =	vsel vm10, v3, v1;
	v1 =	vsel vm10, v1, v3  }
0x3bc: {  	v41 =	vpop (erf);
	v3 =	vsel vm11, v6, v9;
	v6 =	vsel vm11, v9, v6;
	vm11 =	vgt.f32 v8, v12;
	v12 =	vld [tilespmem:$0x1FF40]  }
0x3bd: {  	v24 =	vld [tilespmem:$0x1FF30];
	vm10 =	vgt.f32 v25, v11;
	v50 =	vadd.f32 v41, v23;
	v25 =	vsel vm13, v46, v10  }
0x3be: {  	v11 =	vsel vm0, v6, v25;
	v6 =	vsel vm0, v25, v6;
	v25 =	vld [tilespmem:$0x1FF70]  }
0x3bf: {  	v5 =	vpop (erf);
	v2 =	vadd.f32 v50, v49;
	v49 =	vld [tilespmem:$0x1FF20]  }
0x3c0: {  	v40 =	vld [tilespmem:$0x1FF10];
	v45 =	vpop (erf)  }
0x3c1: {  	v47 =	vpop (erf);
	[tilespmem:s19+$0x9100] =	vst v12;
	v12 =	vld [tilespmem:$0x1FF50]  }
0x3c2: {  	vm1 =	vgt.f32 v58, v7;
	v51 =	vmul.f32 v4, v63;
	v7 =	vpop (erf);
	[tilespmem:s19+$0x9080] =	vst v24;
	v24 =	vmul.f32 v4, v14;
	v14 =	vld [tilespmem:$0x1FF60]  }
0x3c3: {  	[tilespmem:s19+$0x8000] =	vst v4;
	v57 =	vimm.s32 $0xC;
	v52 =	vadd.f32 v45, v5;
	v53 =	vadd.f32 v7, v47  }
0x3c4: {  	[tilespmem:s19+$0x8080] =	vst v51;
	v6 =	vsel vm7, v6, v18;
	v18 =	vld [tilespmem:$0x1FFC0];
	vm12 =	vnez.u8 v25;
	v49 =	vmul.f32 v4, v49  }
0x3c5: {  	v54 =	vimm.s32 $0x9;
	[tilespmem:s19+$0x9000] =	vst v40;
	v40 =	vadd.f32 v53, v52;
	v1 =	vsel vm12, v1, v16;
	v16 =	vld [tilespmem:$0x1FFA0]  }
0x3c6: {  	s26 =	rddreg [dreg:$0xb];
	vm14 =	vgt.f32 v60, v55;
	v60 =	vimm.s32 $0xF;
	[tilespmem:s19+$0x8100] =	vst v49;
	v8 =	vmul.f32 v4, v12;
	v12 =	vld [tilespmem:$0x1FF80]  }
0x3c7: {  	v55 =	vimm.s32 $0xA;
	v10 =	vsel vm13, v10, v46;
	v2 =	vadd.f32 v40, v2;
	[tilespmem:s26+$0x9000] =	vst v14;
	v14 =	vld [tilespmem:$0x1FF90]  }
0x3c8: {  	[tilespmem:s26+$0x8000] =	vst v24;
	v24 =	vsel vm1, v0, v10;
	v0 =	vsel vm1, v10, v0;
	v10 =	vsel vm3, v11, v19;
	v19 =	vld [tilespmem:$0x1FFD0]  }
0x3c9: {  	v59 =	vimm.s32 $0xE;
	(erf) = vrcp.f32 v2;
	v9 =	vsel vm2, v24, v17;
	v17 =	vld [tilespmem:$0x1FFB0]  }
0x3ca: {  	v56 =	vimm.s32 $0xB;
	vm15 =	vgt.f32 v34, v31;
	v34 =	vimm.s32 $0x12;
	v24 =	vld [tilespmem:$0x1FFE0]  }
0x3cb: {  	v62 =	vimm.s32 $0x11;
	v61 =	vimm.s32 $0x10;
	v58 =	vimm.s32 $0xD;
	[tilespmem:s19+$0x8200] =	vst v8  }
0x3cc: {  	v63 =	vimm.s32 $0x1F;
	v51 =	vimm.s32 $0x6;
	[tilespmem:s19+$0x9200] =	vst v16;
	v8 =	vmul.f32 v4, v12  }
0x3cd: {  	v2 =	vsel vm14, v3, v44;
	v11 =	vsel vm6, v48, v22;
	vm6 =	vgt.f32 v33, v30;
	v33 =	vld [tilespmem:$0x1FFF0];
	[tilespmem:s19+$0x9280] =	vst v19  }
0x3ce: {  	s29 =	rddreg [dreg:$0xa];
	v3 =	vsel vm14, v44, v3;
	vm14 =	vgt.f32 v37, v35;
	[tilespmem:s19+$0x8280] =	vst v8;
	v8 =	vmul.f32 v4, v17  }
0x3cf: {  	v2 =	vsel vm5, v2, v21;
	vm13 =	vnez.u8 v14;
	v4 =	vmul.f32 v4, v18;
	[tilespmem:s29+$0x9000] =	vst v24  }
0x3d0: {  	s30 =	rddreg [dreg:$0x9];
	v3 =	vsel vm4, v3, v20;
	v14 =	vsel vm10, v2, v9;
	v0 =	vsel vm13, v0, v15;
	[tilespmem:s29+$0x8000] =	vst v8  }
0x3d1: {  	v15 =	vsel vm11, v11, v6;
	v12 =	vsel vm9, v3, v0;
	v8 =	vsel vm8, v10, v1;
	[tilespmem:s30+$0x8000] =	vst v4  }
0x3d2: {  	v46 =	vimm.s32 $0x1E;
	v31 =	vsel vm15, v15, v12;
	v17 =	vpop (erf);
	v25 =	vsel vm14, v14, v8;
	[tilespmem:s30+$0x9000] =	vst v33  }
0x3d3: {  	v50 =	vimm.s32 $0x5;
	v22 =	vmul.f32 v17, v43;
	[tilespmem:s28+$0x8000] =	vst v17;
	v21 =	vsel vm6, v31, v25  }
0x3d4: {  	vm7 =	vgt.f32 v38, v36;
	v38 =	vimm.s32 $0x16;
	v36 =	vimm.s32 $0x14;
	[tilespmem:s28+$0x9000] =	vst v21  }
0x3d5: {  	v53 =	vimm.s32 $0x8;
	v24 =	vmul.f32 v17, v23;
	v4 =	vsel vm6, v25, v31;
	[tilespmem:s28+$0x8080] =	vst v22  }
0x3d6: {  	vm12 =	vgt.f32 v28, v27;
	v12 =	vsel vm15, v12, v15;
	v8 =	vsel vm14, v8, v14;
	[tilespmem:s28+$0x9080] =	vst v4  }
0x3d7: {  	v2 =	vsel vm10, v9, v2;
	v27 =	vmul.f32 v17, v41;
	v25 =	vsel vm12, v12, v8;
	[tilespmem:s28+$0x8100] =	vst v24  }
0x3d8: {  	vm13 =	vgt.f32 v32, v29;
	v0 =	vsel vm9, v0, v3;
	v3 =	vsel vm11, v6, v11;
	[tilespmem:s28+$0x9100] =	vst v25  }
0x3d9: {  	v1 =	vsel vm8, v1, v10;
	v5 =	vmul.f32 v17, v5;
	v28 =	vsel vm12, v8, v12;
	[tilespmem:s28+$0x8180] =	vst v27  }
0x3da: {  	v30 =	vsel vm13, v3, v0;
	vm14 =	vgt.f32 v26, v42;
	v29 =	vsel vm7, v2, v1;
	[tilespmem:s28+$0x9180] =	vst v28  }
0x3db: {  	v52 =	vimm.s32 $0x7;
	v32 =	vmul.f32 v17, v45;
	v31 =	vsel vm14, v30, v29;
	[tilespmem:s28+$0x8200] =	vst v5  }
0x3dc: {  	s31 =	sadd.s32 $0x2, s31;
	v40 =	vimm.s32 $0x18;
	v49 =	vimm.s32 $0x4;
	v44 =	vimm.s32 $0x1C;
	[tilespmem:s28+$0x9200] =	vst v31  }
0x3dd: {  	p0 =	slt.u32 s31, $0x1E;
	v48 =	vimm.s32 $0x3;
	v33 =	vmul.f32 v17, v47;
	[tilespmem:s28+$0x8280] =	vst v32;
	v4 =	vsel vm14, v29, v30  }
.Ltmp0:
0x3de: {  	vm15 =	vgt.f32 v39, v13;
	v0 =	vsel vm13, v0, v3;
	v1 =	vsel vm7, v1, v2;
	[tilespmem:s28+$0x9280] =	vst v4;
	(pc) =	sbr.rel @p0 .LBB2_2-.Ltmp0, $4  }
0x3df: {  	v37 =	vimm.s32 $0x15;
	v2 =	vmul.f32 v17, v7;
	v3 =	vsel vm15, v0, v1;
	[tilespmem:s14+$0x8000] =	vst v33  }
0x3e0: {  	v35 =	vimm.s32 $0x13;
	v39 =	vimm.s32 $0x17;
	v43 =	vimm.s32 $0x1B;
	[tilespmem:s14+$0x9000] =	vst v3  }
0x3e1: {  	v41 =	vimm.s32 $0x19;
	v42 =	vimm.s32 $0x1A;
	v0 =	vsel vm15, v1, v0;
	[tilespmem:s0+$0x8000] =	vst v2  }
0x3e2: {  	s16 =	sadd.s32 $0x1, s16;
	s15 =	sadd.s32 $0x20, s15;
	s17 =	sadd.s32 $0x100, s17;
	v45 =	vimm.s32 $0x1D;
	v47 =	vimm.s32 $0x2;
	[tilespmem:s0+$0x9000] =	vst v0;
	v0 =	vimm.s32 $0x0  }
0x3e3: {  	s7 =	simm.s32 $0x0;
	s0 =	rddreg [dreg:$0x5];
	s1 =	simm.s32 $0x8000  }
0x3e4: {  	[hbm4b:s0+s7] =	stream.linear.scatter [tilespmem:s1], [sflag:$0x1], $0x1000, $0x38;
	[tilespmem:$0xA000] =	vst v63  }
0x3e5: {  	s28 =	rddreg [dreg:$0x6];
	s29 =	simm.s32 $0x9000;
	s30 =	simm.s32 $0x1  }
0x3e6: {  	[hbm4b:s28+s7] =	stream.linear.scatter [tilespmem:s29], [sflag:$0x1], $0x1000, $0x38;
	[tilespmem:$0xA000] =	vst v63  }
0x3e7: {  	_ =	swait.ge [sflag:s30], $0x1000  }
0x3e8: {  	[sflag:s30] =	ssyncset.done $0x0  }
0x3e9: {  	[sflag:s30] =	ssyncadd.s32 $0xFFFFF000  }
0x3ea: {  	_ =	swait.ge [sflag:s30], $0x1000  }
0x3eb: {  	s2 =	rddreg [dreg:$0x8]  }
0x3ec: {  	s31 =	rddreg [dreg:$0x7];
	s2 =	sadd.s32 $0x1, s2  }
0x3ed: {  	p0 =	sne.s32 s2, s31  }
.Ltmp1:
0x3ee: {  	_ = 	snop;
	(pc) =	sbr.rel @p0 .LBB2_1-.Ltmp1, $3  }
0x3ef: {  	_ =	sdelay $0x1  }
0x3f0: {  	[sflag:s30] =	ssyncset.done $0x0  }
0x3f1: {  	[sflag:s30] =	ssyncadd.s32 $0xFFFFF000  }
0x3f2: {  	_ =	sfence.sel $0x180000  }
0x3f3: {  	[bflag:$0x0] =	sbarrier.arrive $0xFFFF  }
0x3f4: {  	_ =	strace $0x90000047  }
0x3f5: {  	s0 =	stileid.u32;
	[bflag:$0x2] =	sbarrier.arrive $0xFFFF  }
0x3f6: {  	p0 =	sne.s32 s0, $0x0;
	s0 =	rddreg [dreg:$0x3]  }
0x3f7: {  	s0 =	sadd.s32 @!p0 $0x100000, s0  }
0x3f8: {  	[sflag:s0] =	ssyncadd.tile.s32 @!p0 $0x1;
	_ =	shalt  }
.Lfunc_end2:
_tile_overlayer_lowered:
.L_overlay_start_2:
0x3f9: {  	(tag) =	ssettag $0x2  }
0x3fa: {  	s0 =	rddreg [dreg:$0x0];
	s2 =	stileid.u32  }
0x3fb: {  	s1 =	rddreg [dreg:$0x1];
	p0 =	sne.s32 s2, $0x0  }
0x3fc: {  	s3 =	rddreg [dreg:$0x2];
	[bflag:$0x3] =	sbarrier.arrive $0xFFFF;
	s2 =	simm.s32 @!p0 $0x1C02  }
0x3fd: {  	[timem:s3], [sflag:s2] =	dma.local @!p0 [hbm:s0], s1  }
0x3fe: {  	s0 =	simm.s32 @!p0 $0x2  }
0x3ff: {  	_ =	swait.ge @!p0 [sflag:s0], s1  }
0x400: {  	s1 =	ssub.s32 @!p0 $0x0, s1;
	[sflag:s0] =	ssyncset.done @!p0 $0x0  }
0x401: {  	[sflag:s0] =	ssyncadd.s32 @!p0 s1  }
0x402: {  	[bflag:$0x3] =	sbarrier.arrive $0xFFFF  }
0x403: {  	_ =	shalt  }

</sc_bundles>
